<compile_context>
chip_gen: v7x
topology: tpu7x:2x2x1
jax: 0.10.2.dev20260603
libtpu: 0.0.44.dev20260713+nightly
codegen_flags: <defaults>
</compile_context>

<pallas_src>
import functools

import jax
import jax.numpy as jnp
from jax import lax
from jax.experimental import pallas as pl
from jax.experimental.pallas import tpu as pltpu
from jax.experimental.pallas import tpu_sc as plsc

N = 10000
D = 128
E = 320000

NC = 2
NS = 16
NW = NC * NS
NPAD = 10240
ROWS_PER_TILE = NPAD // NS
EW = 10240
EPAD = NW * EW
K = 80
CHUNKS = EW // K
NBUF = 4
PADCH = NBUF
DEGW = 128

_BLK = 1000
_GRID = N // _BLK

_sc_mesh = plsc.VectorSubcoreMesh(
    core_axis_name="c", subcore_axis_name="s", num_cores=NC, num_subcores=NS
)



@functools.partial(
    pl.kernel,
    out_type=jax.ShapeDtypeStruct((NC, NPAD, DEGW), jnp.float32),
    mesh=_sc_mesh,
    scratch_types=[
        pltpu.VMEM_SHARED((NPAD, DEGW), jnp.float32),
        pltpu.VMEM((K,), jnp.int32),
        pltpu.VMEM((K, DEGW), jnp.float32),
    ],
)
def _deg_kernel(dst_hbm, ones_hbm, zeros_hbm, out_hbm, deg_sh, idx_v, ones_v):
    c = lax.axis_index("c")
    s = lax.axis_index("s")
    base = (s * NC + c) * EW
    soff = s * ROWS_PER_TILE
    pltpu.sync_copy(zeros_hbm, deg_sh.at[pl.ds(soff, ROWS_PER_TILE)])
    pltpu.sync_copy(ones_hbm, ones_v)
    plsc.subcore_barrier()

    def body(j, carry):
        pltpu.sync_copy(dst_hbm.at[pl.ds(base + j * K, K)], idx_v)
        pltpu.sync_copy(ones_v, deg_sh.at[idx_v], add=True)
        return carry

    lax.fori_loop(0, CHUNKS, body, 0)
    plsc.subcore_barrier()
    pltpu.sync_copy(
        deg_sh.at[pl.ds(soff, ROWS_PER_TILE)],
        out_hbm.at[c, pl.ds(soff, ROWS_PER_TILE)],
    )


@functools.partial(
    pl.kernel,
    out_type=jax.ShapeDtypeStruct((NC, NPAD, D), jnp.float32),
    mesh=_sc_mesh,
    scratch_types=[
        pltpu.VMEM_SHARED((NPAD, D), jnp.float32),
        [pltpu.VMEM((2, K), jnp.int32) for _ in range(NBUF)],
        [pltpu.VMEM((K, D), jnp.float32) for _ in range(NBUF)],
        [pltpu.SemaphoreType.DMA for _ in range(NBUF)],
        [pltpu.SemaphoreType.DMA for _ in range(NBUF)],
    ],
)
def _agg_kernel(hp_hbm, idx_hbm, zeros_hbm, out_hbm,
                acc_sh, idxb, rowsb, isem, gsem):
    c = lax.axis_index("c")
    s = lax.axis_index("s")
    wid = s * NC + c
    soff = s * ROWS_PER_TILE
    pltpu.sync_copy(zeros_hbm, acc_sh.at[pl.ds(soff, ROWS_PER_TILE)])

    for b in range(NBUF):
        pltpu.async_copy(idx_hbm.at[wid, b], idxb[b], isem[b])
    for b in range(2):
        pltpu.make_async_copy(idx_hbm.at[wid, b], idxb[b], isem[b]).wait()
        pltpu.async_copy(hp_hbm.at[idxb[b].at[0]], rowsb[b], gsem[b])
    plsc.subcore_barrier()

    def quad(p, carry):
        j0 = p * NBUF
        for i in range(NBUF):
            j = j0 + i
            cur = i
            nx2 = (i + 2) % NBUF
            pltpu.make_async_copy(idx_hbm.at[wid, j + 2], idxb[nx2],
                                  isem[nx2]).wait()
            pltpu.async_copy(hp_hbm.at[idxb[nx2].at[0]], rowsb[nx2],
                             gsem[nx2])
            pltpu.make_async_copy(hp_hbm.at[idxb[cur].at[0]], rowsb[cur],
                                  gsem[cur]).wait()
            pltpu.sync_copy(rowsb[cur], acc_sh.at[idxb[cur].at[1]], add=True)
            pltpu.async_copy(idx_hbm.at[wid, j + NBUF], idxb[cur], isem[cur])
        return carry

    lax.fori_loop(0, CHUNKS // NBUF, quad, 0)

    for b in range(2):
        pltpu.make_async_copy(hp_hbm.at[idxb[b].at[0]], rowsb[b],
                              gsem[b]).wait()
    for b in range(2, NBUF):
        pltpu.make_async_copy(idx_hbm.at[wid, b], idxb[b], isem[b]).wait()

    plsc.subcore_barrier()
    pltpu.sync_copy(
        acc_sh.at[pl.ds(soff, ROWS_PER_TILE)],
        out_hbm.at[c, pl.ds(soff, ROWS_PER_TILE)],
    )



def _dot(a, b):
    return lax.dot_general(
        a, b, (((1,), (0,)), ((), ())),
        precision=lax.Precision.HIGHEST,
        preferred_element_type=jnp.float32,
    )


def _tc_mm0_body(x_ref, w_ref, h_ref):
    h_ref[...] = _dot(x_ref[...], w_ref[...])


def _tc_scale_body(degp_ref, h0_ref, h_ref, dinv_ref):
    dp = degp_ref[...]
    deg = dp[0, :, 0:1] + dp[1, :, 0:1] + 1.0
    dinv = lax.rsqrt(deg)
    dinv_ref[...] = dinv
    h_ref[...] = h0_ref[...] * dinv


def _tc_mid_body(agg_ref, hp_ref, dinv_ref, b_ref, w_ref, out_ref):
    a = agg_ref[...]
    dinv = dinv_ref[...]
    o = (a[0] + a[1] + hp_ref[...]) * dinv + b_ref[...]
    out_ref[...] = _dot(jnp.maximum(o, 0.0) * dinv, w_ref[...])


def _tc_last_body(agg_ref, hp_ref, dinv_ref, b_ref, out_ref):
    a = agg_ref[...]
    out_ref[...] = (a[0] + a[1] + hp_ref[...]) * dinv_ref[...] + b_ref[...]


_spec_agg = pl.BlockSpec((2, _BLK, D), lambda i: (0, i, 0))
_spec_deg = pl.BlockSpec((2, _BLK, DEGW), lambda i: (0, i, 0))
_spec_row = pl.BlockSpec((_BLK, D), lambda i: (i, 0))
_spec_col = pl.BlockSpec((_BLK, 1), lambda i: (i, 0))
_spec_b = pl.BlockSpec((1, D), lambda i: (0, 0))
_spec_w = pl.BlockSpec((D, D), lambda i: (0, 0))

_tc_mm0 = pl.pallas_call(
    _tc_mm0_body,
    grid=(_GRID,),
    in_specs=[_spec_row, _spec_w],
    out_specs=_spec_row,
    out_shape=jax.ShapeDtypeStruct((N, D), jnp.float32),
)

_tc_scale = pl.pallas_call(
    _tc_scale_body,
    grid=(_GRID,),
    in_specs=[_spec_deg, _spec_row],
    out_specs=[_spec_row, _spec_col],
    out_shape=[
        jax.ShapeDtypeStruct((N, D), jnp.float32),
        jax.ShapeDtypeStruct((N, 1), jnp.float32),
    ],
)

_tc_mid = pl.pallas_call(
    _tc_mid_body,
    grid=(_GRID,),
    in_specs=[_spec_agg, _spec_row, _spec_col, _spec_b, _spec_w],
    out_specs=_spec_row,
    out_shape=jax.ShapeDtypeStruct((N, D), jnp.float32),
)

_tc_last = pl.pallas_call(
    _tc_last_body,
    grid=(_GRID,),
    in_specs=[_spec_agg, _spec_row, _spec_col, _spec_b],
    out_specs=_spec_row,
    out_shape=jax.ShapeDtypeStruct((N, D), jnp.float32),
)



def kernel(x, edge_index, W0, b0, W1, b1, W2, b2, W3, b3, W4, b4):
    src = edge_index[0]
    dst = edge_index[1]
    pad = EPAD - E
    spare = NPAD - N
    pad_dst = N + (jnp.arange(pad, dtype=jnp.int32) % spare)
    pad_src = jnp.arange(pad, dtype=jnp.int32) % N
    srcp = jnp.concatenate([src, pad_src])
    dstp = jnp.concatenate([dst, pad_dst])
    idx = jnp.stack(
        [srcp.reshape(NW, CHUNKS, K), dstp.reshape(NW, CHUNKS, K)], axis=2
    )
    pad_dst2 = N + (jnp.arange(NW * PADCH * K, dtype=jnp.int32) % spare)
    pad_src2 = jnp.arange(NW * PADCH * K, dtype=jnp.int32) % N
    padi = jnp.stack(
        [pad_src2.reshape(NW, PADCH, K),
         pad_dst2.reshape(NW, PADCH, K)], axis=2
    )
    idxall = jnp.concatenate([idx, padi], axis=1)

    zeros_deg = jnp.zeros((ROWS_PER_TILE, DEGW), jnp.float32)
    ones_deg = jnp.ones((K, DEGW), jnp.float32)
    zeros_acc = jnp.zeros((ROWS_PER_TILE, D), jnp.float32)

    degp = _deg_kernel(dstp, ones_deg, zeros_deg)
    h0 = _tc_mm0(x, W0)
    h, dinv = _tc_scale(degp, h0)

    bs = [b0, b1, b2, b3]
    Ws = [W1, W2, W3, W4]
    for i in range(4):
        agg = _agg_kernel(h, idxall, zeros_acc)
        h = _tc_mid(agg, h, dinv, bs[i].reshape(1, D), Ws[i])
    agg = _agg_kernel(h, idxall, zeros_acc)
    return _tc_last(agg, h, dinv, b4.reshape(1, D))

# --- scband reference (transcript-rebuilt; emitter-appended) ---
"""Pipeline reference for scband-gcn-64647847740121 (READ-ONLY COPY).

The authoritative reference and input builder live on the scoring server;
editing this copy changes nothing except your own understanding.
"""

import jax, jax.numpy as jnp
import numpy as np

N = 10000
E = 320000
D = 128
NUM_LAYERS = 5


def setup_inputs(seed: int = 0) -> dict:
    key = jax.random.key(seed)
    ks = jax.random.split(key, 2 + 2 * NUM_LAYERS)
    x = jax.random.normal(ks[0], (N, D), dtype=jnp.float32)
    edge_index = jax.random.randint(ks[1], (2, E), 0, N, dtype=jnp.int32)
    inp = {"x": x, "edge_index": edge_index}
    scale = 1.0 / np.sqrt(D)
    for i in range(NUM_LAYERS):
        inp[f"W{i}"] = jax.random.normal(ks[2 + 2 * i], (D, D), dtype=jnp.float32) * scale
        inp[f"b{i}"] = jax.random.normal(ks[3 + 2 * i], (D,), dtype=jnp.float32) * 0.01
    return inp


def _gcn_conv(x, src_f, dst_f, norm, W, b):
    # GCNConv: x' = D^{-1/2} (A + I) D^{-1/2} X W + b
    h = x @ W
    msg = h[src_f] * norm[:, None]
    out = jax.ops.segment_sum(msg, dst_f, num_segments=N)
    return out + b


def reference(x, edge_index, W0, b0, W1, b1, W2, b2, W3, b3, W4, b4):
    src = edge_index[0]
    dst = edge_index[1]
    loop = jnp.arange(N, dtype=edge_index.dtype)
    src_f = jnp.concatenate([src, loop])
    dst_f = jnp.concatenate([dst, loop])
    deg = jax.ops.segment_sum(jnp.ones(src_f.shape[0], dtype=x.dtype), dst_f, num_segments=N)
    dinv = jnp.where(deg > 0, jax.lax.rsqrt(deg), 0.0)
    norm = dinv[src_f] * dinv[dst_f]
    params = [(W0, b0), (W1, b1), (W2, b2), (W3, b3), (W4, b4)]
    h = x
    for i, (W, b) in enumerate(params):
        h = _gcn_conv(h, src_f, dst_f, norm, W, b)
        if i != NUM_LAYERS - 1:
            h = jax.nn.relu(h)
            # dropout is identity in eval mode (training=False)
    return h

if __name__ == "__main__":
    import jax
    _d = setup_inputs()
    print(jax.jit(kernel)(*tuple(_d.values())))

</pallas_src>

<mosaic_0001>
#map = affine_map<(d0, d1) -> (0, 0)>
#map1 = affine_map<(d0, d1) -> (0, 0, 0, 0)>
#map2 = affine_map<(d0, d1) -> (0, 0, 0)>
module attributes {stable_mosaic.version = 14 : i64} {
  func.func @_agg_kernel(%arg0: i32, %arg1: i32, %arg2: memref<10000x128xf32, #tpu.memory_space<hbm>>, %arg3: memref<32x132x2x80xi32, #tpu.memory_space<hbm>>, %arg4: memref<640x128xf32, #tpu.memory_space<hbm>>, %arg5: memref<2x10240x128xf32, #tpu.memory_space<hbm>>, %arg6: memref<10240x128xf32, #tpu.memory_space<vmem_shared>>, %arg7: memref<2x80xi32, #tpu.memory_space<vmem>>, %arg8: memref<2x80xi32, #tpu.memory_space<vmem>>, %arg9: memref<2x80xi32, #tpu.memory_space<vmem>>, %arg10: memref<2x80xi32, #tpu.memory_space<vmem>>, %arg11: memref<80x128xf32, #tpu.memory_space<vmem>>, %arg12: memref<80x128xf32, #tpu.memory_space<vmem>>, %arg13: memref<80x128xf32, #tpu.memory_space<vmem>>, %arg14: memref<80x128xf32, #tpu.memory_space<vmem>>, %arg15: memref<!tpu.dma_semaphore, #tpu.memory_space<semaphore_mem>>, %arg16: memref<!tpu.dma_semaphore, #tpu.memory_space<semaphore_mem>>, %arg17: memref<!tpu.dma_semaphore, #tpu.memory_space<semaphore_mem>>, %arg18: memref<!tpu.dma_semaphore, #tpu.memory_space<semaphore_mem>>, %arg19: memref<!tpu.dma_semaphore, #tpu.memory_space<semaphore_mem>>, %arg20: memref<!tpu.dma_semaphore, #tpu.memory_space<semaphore_mem>>, %arg21: memref<!tpu.dma_semaphore, #tpu.memory_space<semaphore_mem>>, %arg22: memref<!tpu.dma_semaphore, #tpu.memory_space<semaphore_mem>>) attributes {dimension_semantics = [#tpu.dimension_semantics<core_parallel>, #tpu.dimension_semantics<subcore_parallel>], iteration_bounds = array<i64: 2, 16>, scalar_prefetch = 0 : i64, scratch_operands = 17 : i64, tpu.core_type = #tpu.core_type<sc_vector_subcore>, window_params = [{transform_indices = #map}, {transform_indices = #map1}, {transform_indices = #map}, {transform_indices = #map2}]} {
    %mul3A = arith.constant 2 : i32
    %mul3A_0 = arith.muli %arg1, %mul3A : i32
    %add3A = arith.addi %mul3A_0, %arg0 : i32
    %mul3A_1 = arith.constant 640 : i32
    %mul3A_2 = arith.muli %arg1, %mul3A_1 : i32
    "tpu.region"() ({
      %run_scoped3A = tpu.sem_alloc : memref<!tpu.dma_semaphore, #tpu.memory_space<semaphore_mem>>
      %dma_start3A_107 = arith.constant 0 : i32
      %dma_start3A_108 = tpu.memref_slice %arg6[%mul3A_2, %dma_start3A_107] : memref<10240x128xf32, #tpu.memory_space<vmem_shared>> -> memref<640x128xf32, #tpu.memory_space<vmem_shared>>
      tpu.enqueue_dma source(%arg4 : memref<640x128xf32, #tpu.memory_space<hbm>>) target(%dma_start3A_108 : memref<640x128xf32, #tpu.memory_space<vmem_shared>>) target_semaphore(%run_scoped3A : memref<!tpu.dma_semaphore, #tpu.memory_space<semaphore_mem>>)
      %dma_wait3A_109 = arith.constant 0 : i32
      %dma_wait3A_110 = tpu.memref_slice %arg6[%mul3A_2, %dma_wait3A_109] : memref<10240x128xf32, #tpu.memory_space<vmem_shared>> -> memref<640x128xf32, #tpu.memory_space<vmem_shared>>
      tpu.wait_dma2 semaphore(%run_scoped3A : memref<!tpu.dma_semaphore, #tpu.memory_space<semaphore_mem>>) src(%arg4 : memref<640x128xf32, #tpu.memory_space<hbm>>) dst(%dma_wait3A_110 : memref<640x128xf32, #tpu.memory_space<vmem_shared>>)
      tpu.yield
    }) : () -> ()
    %dma_start3A = arith.constant 0 : i32
    %dma_start3A_3 = arith.constant 0 : i32
    %dma_start3A_4 = arith.constant 0 : i32
    %dma_start3A_5 = tpu.memref_slice %arg3[%add3A, %dma_start3A, %dma_start3A_3, %dma_start3A_4] : memref<32x132x2x80xi32, #tpu.memory_space<hbm>> -> memref<1x1x2x80xi32, #tpu.memory_space<hbm>>
    %dma_start3A_6 = tpu.memref_squeeze %dma_start3A_5 : memref<1x1x2x80xi32, #tpu.memory_space<hbm>> -> memref<2x80xi32, #tpu.memory_space<hbm>>
    %dma_start3A_7 = arith.constant 0 : i32
    %dma_start3A_8 = arith.constant 0 : i32
    %dma_start3A_9 = tpu.memref_slice %arg3[%add3A, %dma_start3A, %dma_start3A_7, %dma_start3A_8] : memref<32x132x2x80xi32, #tpu.memory_space<hbm>> -> memref<1x1x2x80xi32, #tpu.memory_space<hbm>>
    %dma_start3A_10 = tpu.memref_squeeze %dma_start3A_9 : memref<1x1x2x80xi32, #tpu.memory_space<hbm>> -> memref<2x80xi32, #tpu.memory_space<hbm>>
    tpu.enqueue_dma source(%dma_start3A_10 : memref<2x80xi32, #tpu.memory_space<hbm>>) target(%arg7 : memref<2x80xi32, #tpu.memory_space<vmem>>) target_semaphore(%arg15 : memref<!tpu.dma_semaphore, #tpu.memory_space<semaphore_mem>>)
    %dma_start3A_11 = arith.constant 1 : i32
    %dma_start3A_12 = arith.constant 0 : i32
    %dma_start3A_13 = arith.constant 0 : i32
    %dma_start3A_14 = tpu.memref_slice %arg3[%add3A, %dma_start3A_11, %dma_start3A_12, %dma_start3A_13] : memref<32x132x2x80xi32, #tpu.memory_space<hbm>> -> memref<1x1x2x80xi32, #tpu.memory_space<hbm>>
    %dma_start3A_15 = tpu.memref_squeeze %dma_start3A_14 : memref<1x1x2x80xi32, #tpu.memory_space<hbm>> -> memref<2x80xi32, #tpu.memory_space<hbm>>
    %dma_start3A_16 = arith.constant 0 : i32
    %dma_start3A_17 = arith.constant 0 : i32
    %dma_start3A_18 = tpu.memref_slice %arg3[%add3A, %dma_start3A_11, %dma_start3A_16, %dma_start3A_17] : memref<32x132x2x80xi32, #tpu.memory_space<hbm>> -> memref<1x1x2x80xi32, #tpu.memory_space<hbm>>
    %dma_start3A_19 = tpu.memref_squeeze %dma_start3A_18 : memref<1x1x2x80xi32, #tpu.memory_space<hbm>> -> memref<2x80xi32, #tpu.memory_space<hbm>>
    tpu.enqueue_dma source(%dma_start3A_19 : memref<2x80xi32, #tpu.memory_space<hbm>>) target(%arg8 : memref<2x80xi32, #tpu.memory_space<vmem>>) target_semaphore(%arg16 : memref<!tpu.dma_semaphore, #tpu.memory_space<semaphore_mem>>)
    %dma_start3A_20 = arith.constant 2 : i32
    %dma_start3A_21 = arith.constant 0 : i32
    %dma_start3A_22 = arith.constant 0 : i32
    %dma_start3A_23 = tpu.memref_slice %arg3[%add3A, %dma_start3A_20, %dma_start3A_21, %dma_start3A_22] : memref<32x132x2x80xi32, #tpu.memory_space<hbm>> -> memref<1x1x2x80xi32, #tpu.memory_space<hbm>>
    %dma_start3A_24 = tpu.memref_squeeze %dma_start3A_23 : memref<1x1x2x80xi32, #tpu.memory_space<hbm>> -> memref<2x80xi32, #tpu.memory_space<hbm>>
    %dma_start3A_25 = arith.constant 0 : i32
    %dma_start3A_26 = arith.constant 0 : i32
    %dma_start3A_27 = tpu.memref_slice %arg3[%add3A, %dma_start3A_20, %dma_start3A_25, %dma_start3A_26] : memref<32x132x2x80xi32, #tpu.memory_space<hbm>> -> memref<1x1x2x80xi32, #tpu.memory_space<hbm>>
    %dma_start3A_28 = tpu.memref_squeeze %dma_start3A_27 : memref<1x1x2x80xi32, #tpu.memory_space<hbm>> -> memref<2x80xi32, #tpu.memory_space<hbm>>
    tpu.enqueue_dma source(%dma_start3A_28 : memref<2x80xi32, #tpu.memory_space<hbm>>) target(%arg9 : memref<2x80xi32, #tpu.memory_space<vmem>>) target_semaphore(%arg17 : memref<!tpu.dma_semaphore, #tpu.memory_space<semaphore_mem>>)
    %dma_start3A_29 = arith.constant 3 : i32
    %dma_start3A_30 = arith.constant 0 : i32
    %dma_start3A_31 = arith.constant 0 : i32
    %dma_start3A_32 = tpu.memref_slice %arg3[%add3A, %dma_start3A_29, %dma_start3A_30, %dma_start3A_31] : memref<32x132x2x80xi32, #tpu.memory_space<hbm>> -> memref<1x1x2x80xi32, #tpu.memory_space<hbm>>
    %dma_start3A_33 = tpu.memref_squeeze %dma_start3A_32 : memref<1x1x2x80xi32, #tpu.memory_space<hbm>> -> memref<2x80xi32, #tpu.memory_space<hbm>>
    %dma_start3A_34 = arith.constant 0 : i32
    %dma_start3A_35 = arith.constant 0 : i32
    %dma_start3A_36 = tpu.memref_slice %arg3[%add3A, %dma_start3A_29, %dma_start3A_34, %dma_start3A_35] : memref<32x132x2x80xi32, #tpu.memory_space<hbm>> -> memref<1x1x2x80xi32, #tpu.memory_space<hbm>>
    %dma_start3A_37 = tpu.memref_squeeze %dma_start3A_36 : memref<1x1x2x80xi32, #tpu.memory_space<hbm>> -> memref<2x80xi32, #tpu.memory_space<hbm>>
    tpu.enqueue_dma source(%dma_start3A_37 : memref<2x80xi32, #tpu.memory_space<hbm>>) target(%arg10 : memref<2x80xi32, #tpu.memory_space<vmem>>) target_semaphore(%arg18 : memref<!tpu.dma_semaphore, #tpu.memory_space<semaphore_mem>>)
    %dma_wait3A = arith.constant 0 : i32
    %dma_wait3A_38 = arith.constant 0 : i32
    %dma_wait3A_39 = arith.constant 0 : i32
    %dma_wait3A_40 = tpu.memref_slice %arg3[%add3A, %dma_wait3A, %dma_wait3A_38, %dma_wait3A_39] : memref<32x132x2x80xi32, #tpu.memory_space<hbm>> -> memref<1x1x2x80xi32, #tpu.memory_space<hbm>>
    %dma_wait3A_41 = tpu.memref_squeeze %dma_wait3A_40 : memref<1x1x2x80xi32, #tpu.memory_space<hbm>> -> memref<2x80xi32, #tpu.memory_space<hbm>>
    %dma_wait3A_42 = arith.constant 0 : i32
    %dma_wait3A_43 = arith.constant 0 : i32
    %dma_wait3A_44 = tpu.memref_slice %arg3[%add3A, %dma_wait3A, %dma_wait3A_42, %dma_wait3A_43] : memref<32x132x2x80xi32, #tpu.memory_space<hbm>> -> memref<1x1x2x80xi32, #tpu.memory_space<hbm>>
    %dma_wait3A_45 = tpu.memref_squeeze %dma_wait3A_44 : memref<1x1x2x80xi32, #tpu.memory_space<hbm>> -> memref<2x80xi32, #tpu.memory_space<hbm>>
    tpu.wait_dma2 semaphore(%arg15 : memref<!tpu.dma_semaphore, #tpu.memory_space<semaphore_mem>>) src(%dma_wait3A_45 : memref<2x80xi32, #tpu.memory_space<hbm>>) dst(%arg7 : memref<2x80xi32, #tpu.memory_space<vmem>>)
    %dma_start3A_46 = arith.constant 0 : i32
    %dma_start3A_47 = arith.constant 0 : i32
    %dma_start3A_48 = tpu.memref_slice %arg7[%dma_start3A_46, %dma_start3A_47] : memref<2x80xi32, #tpu.memory_space<vmem>> -> memref<1x80xi32, #tpu.memory_space<vmem>>
    %dma_start3A_49 = tpu.memref_squeeze %dma_start3A_48 : memref<1x80xi32, #tpu.memory_space<vmem>> -> memref<80xi32, #tpu.memory_space<vmem>>
    %dma_start3A_50 = arith.constant 0 : i32
    %dma_start3A_51 = arith.constant 0 : i32
    %dma_start3A_52 = tpu.memref_slice %arg2[%dma_start3A_50, %dma_start3A_51] : memref<10000x128xf32, #tpu.memory_space<hbm>> -> memref<10000x128xf32, #tpu.memory_space<hbm>>
    tpu.enqueue_indirect_dma source(%dma_start3A_52 : memref<10000x128xf32, #tpu.memory_space<hbm>>) target(%arg11 : memref<80x128xf32, #tpu.memory_space<vmem>>) offsets(%dma_start3A_49 : memref<80xi32, #tpu.memory_space<vmem>>) semaphore(%arg19 : memref<!tpu.dma_semaphore, #tpu.memory_space<semaphore_mem>>)
    %dma_wait3A_53 = arith.constant 1 : i32
    %dma_wait3A_54 = arith.constant 0 : i32
    %dma_wait3A_55 = arith.constant 0 : i32
    %dma_wait3A_56 = tpu.memref_slice %arg3[%add3A, %dma_wait3A_53, %dma_wait3A_54, %dma_wait3A_55] : memref<32x132x2x80xi32, #tpu.memory_space<hbm>> -> memref<1x1x2x80xi32, #tpu.memory_space<hbm>>
    %dma_wait3A_57 = tpu.memref_squeeze %dma_wait3A_56 : memref<1x1x2x80xi32, #tpu.memory_space<hbm>> -> memref<2x80xi32, #tpu.memory_space<hbm>>
    %dma_wait3A_58 = arith.constant 0 : i32
    %dma_wait3A_59 = arith.constant 0 : i32
    %dma_wait3A_60 = tpu.memref_slice %arg3[%add3A, %dma_wait3A_53, %dma_wait3A_58, %dma_wait3A_59] : memref<32x132x2x80xi32, #tpu.memory_space<hbm>> -> memref<1x1x2x80xi32, #tpu.memory_space<hbm>>
    %dma_wait3A_61 = tpu.memref_squeeze %dma_wait3A_60 : memref<1x1x2x80xi32, #tpu.memory_space<hbm>> -> memref<2x80xi32, #tpu.memory_space<hbm>>
    tpu.wait_dma2 semaphore(%arg16 : memref<!tpu.dma_semaphore, #tpu.memory_space<semaphore_mem>>) src(%dma_wait3A_61 : memref<2x80xi32, #tpu.memory_space<hbm>>) dst(%arg8 : memref<2x80xi32, #tpu.memory_space<vmem>>)
    %dma_start3A_62 = arith.constant 0 : i32
    %dma_start3A_63 = arith.constant 0 : i32
    %dma_start3A_64 = tpu.memref_slice %arg8[%dma_start3A_62, %dma_start3A_63] : memref<2x80xi32, #tpu.memory_space<vmem>> -> memref<1x80xi32, #tpu.memory_space<vmem>>
    %dma_start3A_65 = tpu.memref_squeeze %dma_start3A_64 : memref<1x80xi32, #tpu.memory_space<vmem>> -> memref<80xi32, #tpu.memory_space<vmem>>
    %dma_start3A_66 = arith.constant 0 : i32
    %dma_start3A_67 = arith.constant 0 : i32
    %dma_start3A_68 = tpu.memref_slice %arg2[%dma_start3A_66, %dma_start3A_67] : memref<10000x128xf32, #tpu.memory_space<hbm>> -> memref<10000x128xf32, #tpu.memory_space<hbm>>
    tpu.enqueue_indirect_dma source(%dma_start3A_68 : memref<10000x128xf32, #tpu.memory_space<hbm>>) target(%arg12 : memref<80x128xf32, #tpu.memory_space<vmem>>) offsets(%dma_start3A_65 : memref<80xi32, #tpu.memory_space<vmem>>) semaphore(%arg20 : memref<!tpu.dma_semaphore, #tpu.memory_space<semaphore_mem>>)
    %barrier3A = arith.constant 0 : index
    tpu.barrier barrier_id(%barrier3A)
    %scan3A = arith.constant 0 : i32
    %scan3A_69 = arith.constant 0 : i32
    %scan3A_70 = arith.constant 32 : i32
    %scan3A_71 = arith.addi %scan3A_69, %scan3A_70 : i32
    %scan3A_72 = arith.constant 1 : i32
    scf.for %scan3A_107 = %scan3A_69 to %scan3A_71 step %scan3A_72  : i32 {
      %mul3A_108 = arith.constant 4 : i32
      %mul3A_109 = arith.muli %scan3A_107, %mul3A_108 : i32
      %add3A_110 = arith.constant 0 : i32
      %add3A_111 = arith.addi %mul3A_109, %add3A_110 : i32
      %add3A_112 = arith.constant 2 : i32
      %add3A_113 = arith.addi %add3A_111, %add3A_112 : i32
      %dma_wait3A_114 = arith.constant 0 : i32
      %dma_wait3A_115 = arith.constant 0 : i32
      %dma_wait3A_116 = tpu.memref_slice %arg3[%add3A, %add3A_113, %dma_wait3A_114, %dma_wait3A_115] : memref<32x132x2x80xi32, #tpu.memory_space<hbm>> -> memref<1x1x2x80xi32, #tpu.memory_space<hbm>>
      %dma_wait3A_117 = tpu.memref_squeeze %dma_wait3A_116 : memref<1x1x2x80xi32, #tpu.memory_space<hbm>> -> memref<2x80xi32, #tpu.memory_space<hbm>>
      %dma_wait3A_118 = arith.constant 0 : i32
      %dma_wait3A_119 = arith.constant 0 : i32
      %dma_wait3A_120 = tpu.memref_slice %arg3[%add3A, %add3A_113, %dma_wait3A_118, %dma_wait3A_119] : memref<32x132x2x80xi32, #tpu.memory_space<hbm>> -> memref<1x1x2x80xi32, #tpu.memory_space<hbm>>
      %dma_wait3A_121 = tpu.memref_squeeze %dma_wait3A_120 : memref<1x1x2x80xi32, #tpu.memory_space<hbm>> -> memref<2x80xi32, #tpu.memory_space<hbm>>
      tpu.wait_dma2 semaphore(%arg17 : memref<!tpu.dma_semaphore, #tpu.memory_space<semaphore_mem>>) src(%dma_wait3A_121 : memref<2x80xi32, #tpu.memory_space<hbm>>) dst(%arg9 : memref<2x80xi32, #tpu.memory_space<vmem>>)
      %dma_start3A_122 = arith.constant 0 : i32
      %dma_start3A_123 = arith.constant 0 : i32
      %dma_start3A_124 = tpu.memref_slice %arg9[%dma_start3A_122, %dma_start3A_123] : memref<2x80xi32, #tpu.memory_space<vmem>> -> memref<1x80xi32, #tpu.memory_space<vmem>>
      %dma_start3A_125 = tpu.memref_squeeze %dma_start3A_124 : memref<1x80xi32, #tpu.memory_space<vmem>> -> memref<80xi32, #tpu.memory_space<vmem>>
      %dma_start3A_126 = arith.constant 0 : i32
      %dma_start3A_127 = arith.constant 0 : i32
      %dma_start3A_128 = tpu.memref_slice %arg2[%dma_start3A_126, %dma_start3A_127] : memref<10000x128xf32, #tpu.memory_space<hbm>> -> memref<10000x128xf32, #tpu.memory_space<hbm>>
      tpu.enqueue_indirect_dma source(%dma_start3A_128 : memref<10000x128xf32, #tpu.memory_space<hbm>>) target(%arg13 : memref<80x128xf32, #tpu.memory_space<vmem>>) offsets(%dma_start3A_125 : memref<80xi32, #tpu.memory_space<vmem>>) semaphore(%arg21 : memref<!tpu.dma_semaphore, #tpu.memory_space<semaphore_mem>>)
      %dma_wait3A_129 = arith.constant 0 : i32
      %dma_wait3A_130 = arith.constant 0 : i32
      %dma_wait3A_131 = tpu.memref_slice %arg7[%dma_wait3A_129, %dma_wait3A_130] : memref<2x80xi32, #tpu.memory_space<vmem>> -> memref<1x80xi32, #tpu.memory_space<vmem>>
      %dma_wait3A_132 = tpu.memref_squeeze %dma_wait3A_131 : memref<1x80xi32, #tpu.memory_space<vmem>> -> memref<80xi32, #tpu.memory_space<vmem>>
      %dma_wait3A_133 = arith.constant 0 : i32
      %dma_wait3A_134 = arith.constant 0 : i32
      %dma_wait3A_135 = tpu.memref_slice %arg2[%dma_wait3A_133, %dma_wait3A_134] : memref<10000x128xf32, #tpu.memory_space<hbm>> -> memref<10000x128xf32, #tpu.memory_space<hbm>>
      tpu.wait_indirect_dma semaphore(%arg19 : memref<!tpu.dma_semaphore, #tpu.memory_space<semaphore_mem>>) src(%dma_wait3A_135 : memref<10000x128xf32, #tpu.memory_space<hbm>>) dst(%arg11 : memref<80x128xf32, #tpu.memory_space<vmem>>)
      %run_scoped3A = arith.constant 1 : i32
      "tpu.region"() ({
        %run_scoped3A_257 = tpu.sem_alloc : memref<!tpu.dma_semaphore, #tpu.memory_space<semaphore_mem>>
        %dma_start3A_258 = arith.constant 0 : i32
        %dma_start3A_259 = tpu.memref_slice %arg7[%run_scoped3A, %dma_start3A_258] : memref<2x80xi32, #tpu.memory_space<vmem>> -> memref<1x80xi32, #tpu.memory_space<vmem>>
        %dma_start3A_260 = tpu.memref_squeeze %dma_start3A_259 : memref<1x80xi32, #tpu.memory_space<vmem>> -> memref<80xi32, #tpu.memory_space<vmem>>
        %dma_start3A_261 = arith.constant 0 : i32
        %dma_start3A_262 = arith.constant 0 : i32
        %dma_start3A_263 = tpu.memref_slice %arg6[%dma_start3A_261, %dma_start3A_262] : memref<10240x128xf32, #tpu.memory_space<vmem_shared>> -> memref<10240x128xf32, #tpu.memory_space<vmem_shared>>
        tpu.enqueue_indirect_dma source(%arg11 : memref<80x128xf32, #tpu.memory_space<vmem>>) target(%dma_start3A_263 : memref<10240x128xf32, #tpu.memory_space<vmem_shared>>) offsets(%dma_start3A_260 : memref<80xi32, #tpu.memory_space<vmem>>) semaphore(%run_scoped3A_257 : memref<!tpu.dma_semaphore, #tpu.memory_space<semaphore_mem>>) {add = true}
        %dma_wait3A_264 = arith.constant 0 : i32
        %dma_wait3A_265 = tpu.memref_slice %arg7[%run_scoped3A, %dma_wait3A_264] : memref<2x80xi32, #tpu.memory_space<vmem>> -> memref<1x80xi32, #tpu.memory_space<vmem>>
        %dma_wait3A_266 = tpu.memref_squeeze %dma_wait3A_265 : memref<1x80xi32, #tpu.memory_space<vmem>> -> memref<80xi32, #tpu.memory_space<vmem>>
        %dma_wait3A_267 = arith.constant 0 : i32
        %dma_wait3A_268 = arith.constant 0 : i32
        %dma_wait3A_269 = tpu.memref_slice %arg6[%dma_wait3A_267, %dma_wait3A_268] : memref<10240x128xf32, #tpu.memory_space<vmem_shared>> -> memref<10240x128xf32, #tpu.memory_space<vmem_shared>>
        tpu.wait_indirect_dma semaphore(%run_scoped3A_257 : memref<!tpu.dma_semaphore, #tpu.memory_space<semaphore_mem>>) src(%arg11 : memref<80x128xf32, #tpu.memory_space<vmem>>) dst(%dma_wait3A_269 : memref<10240x128xf32, #tpu.memory_space<vmem_shared>>)
        tpu.yield
      }) : () -> ()
      %add3A_136 = arith.constant 4 : i32
      %add3A_137 = arith.addi %add3A_111, %add3A_136 : i32
      %dma_start3A_138 = arith.constant 0 : i32
      %dma_start3A_139 = arith.constant 0 : i32
      %dma_start3A_140 = tpu.memref_slice %arg3[%add3A, %add3A_137, %dma_start3A_138, %dma_start3A_139] : memref<32x132x2x80xi32, #tpu.memory_space<hbm>> -> memref<1x1x2x80xi32, #tpu.memory_space<hbm>>
      %dma_start3A_141 = tpu.memref_squeeze %dma_start3A_140 : memref<1x1x2x80xi32, #tpu.memory_space<hbm>> -> memref<2x80xi32, #tpu.memory_space<hbm>>
      %dma_start3A_142 = arith.constant 0 : i32
      %dma_start3A_143 = arith.constant 0 : i32
      %dma_start3A_144 = tpu.memref_slice %arg3[%add3A, %add3A_137, %dma_start3A_142, %dma_start3A_143] : memref<32x132x2x80xi32, #tpu.memory_space<hbm>> -> memref<1x1x2x80xi32, #tpu.memory_space<hbm>>
      %dma_start3A_145 = tpu.memref_squeeze %dma_start3A_144 : memref<1x1x2x80xi32, #tpu.memory_space<hbm>> -> memref<2x80xi32, #tpu.memory_space<hbm>>
      tpu.enqueue_dma source(%dma_start3A_145 : memref<2x80xi32, #tpu.memory_space<hbm>>) target(%arg7 : memref<2x80xi32, #tpu.memory_space<vmem>>) target_semaphore(%arg15 : memref<!tpu.dma_semaphore, #tpu.memory_space<semaphore_mem>>)
      %add3A_146 = arith.constant 1 : i32
      %add3A_147 = arith.addi %mul3A_109, %add3A_146 : i32
      %add3A_148 = arith.constant 2 : i32
      %add3A_149 = arith.addi %add3A_147, %add3A_148 : i32
      %dma_wait3A_150 = arith.constant 0 : i32
      %dma_wait3A_151 = arith.constant 0 : i32
      %dma_wait3A_152 = tpu.memref_slice %arg3[%add3A, %add3A_149, %dma_wait3A_150, %dma_wait3A_151] : memref<32x132x2x80xi32, #tpu.memory_space<hbm>> -> memref<1x1x2x80xi32, #tpu.memory_space<hbm>>
      %dma_wait3A_153 = tpu.memref_squeeze %dma_wait3A_152 : memref<1x1x2x80xi32, #tpu.memory_space<hbm>> -> memref<2x80xi32, #tpu.memory_space<hbm>>
      %dma_wait3A_154 = arith.constant 0 : i32
      %dma_wait3A_155 = arith.constant 0 : i32
      %dma_wait3A_156 = tpu.memref_slice %arg3[%add3A, %add3A_149, %dma_wait3A_154, %dma_wait3A_155] : memref<32x132x2x80xi32, #tpu.memory_space<hbm>> -> memref<1x1x2x80xi32, #tpu.memory_space<hbm>>
      %dma_wait3A_157 = tpu.memref_squeeze %dma_wait3A_156 : memref<1x1x2x80xi32, #tpu.memory_space<hbm>> -> memref<2x80xi32, #tpu.memory_space<hbm>>
      tpu.wait_dma2 semaphore(%arg18 : memref<!tpu.dma_semaphore, #tpu.memory_space<semaphore_mem>>) src(%dma_wait3A_157 : memref<2x80xi32, #tpu.memory_space<hbm>>) dst(%arg10 : memref<2x80xi32, #tpu.memory_space<vmem>>)
      %dma_start3A_158 = arith.constant 0 : i32
      %dma_start3A_159 = arith.constant 0 : i32
      %dma_start3A_160 = tpu.memref_slice %arg10[%dma_start3A_158, %dma_start3A_159] : memref<2x80xi32, #tpu.memory_space<vmem>> -> memref<1x80xi32, #tpu.memory_space<vmem>>
      %dma_start3A_161 = tpu.memref_squeeze %dma_start3A_160 : memref<1x80xi32, #tpu.memory_space<vmem>> -> memref<80xi32, #tpu.memory_space<vmem>>
      %dma_start3A_162 = arith.constant 0 : i32
      %dma_start3A_163 = arith.constant 0 : i32
      %dma_start3A_164 = tpu.memref_slice %arg2[%dma_start3A_162, %dma_start3A_163] : memref<10000x128xf32, #tpu.memory_space<hbm>> -> memref<10000x128xf32, #tpu.memory_space<hbm>>
      tpu.enqueue_indirect_dma source(%dma_start3A_164 : memref<10000x128xf32, #tpu.memory_space<hbm>>) target(%arg14 : memref<80x128xf32, #tpu.memory_space<vmem>>) offsets(%dma_start3A_161 : memref<80xi32, #tpu.memory_space<vmem>>) semaphore(%arg22 : memref<!tpu.dma_semaphore, #tpu.memory_space<semaphore_mem>>)
      %dma_wait3A_165 = arith.constant 0 : i32
      %dma_wait3A_166 = arith.constant 0 : i32
      %dma_wait3A_167 = tpu.memref_slice %arg8[%dma_wait3A_165, %dma_wait3A_166] : memref<2x80xi32, #tpu.memory_space<vmem>> -> memref<1x80xi32, #tpu.memory_space<vmem>>
      %dma_wait3A_168 = tpu.memref_squeeze %dma_wait3A_167 : memref<1x80xi32, #tpu.memory_space<vmem>> -> memref<80xi32, #tpu.memory_space<vmem>>
      %dma_wait3A_169 = arith.constant 0 : i32
      %dma_wait3A_170 = arith.constant 0 : i32
      %dma_wait3A_171 = tpu.memref_slice %arg2[%dma_wait3A_169, %dma_wait3A_170] : memref<10000x128xf32, #tpu.memory_space<hbm>> -> memref<10000x128xf32, #tpu.memory_space<hbm>>
      tpu.wait_indirect_dma semaphore(%arg20 : memref<!tpu.dma_semaphore, #tpu.memory_space<semaphore_mem>>) src(%dma_wait3A_171 : memref<10000x128xf32, #tpu.memory_space<hbm>>) dst(%arg12 : memref<80x128xf32, #tpu.memory_space<vmem>>)
      %run_scoped3A_172 = arith.constant 1 : i32
      "tpu.region"() ({
        %run_scoped3A_257 = tpu.sem_alloc : memref<!tpu.dma_semaphore, #tpu.memory_space<semaphore_mem>>
        %dma_start3A_258 = arith.constant 0 : i32
        %dma_start3A_259 = tpu.memref_slice %arg8[%run_scoped3A_172, %dma_start3A_258] : memref<2x80xi32, #tpu.memory_space<vmem>> -> memref<1x80xi32, #tpu.memory_space<vmem>>
        %dma_start3A_260 = tpu.memref_squeeze %dma_start3A_259 : memref<1x80xi32, #tpu.memory_space<vmem>> -> memref<80xi32, #tpu.memory_space<vmem>>
        %dma_start3A_261 = arith.constant 0 : i32
        %dma_start3A_262 = arith.constant 0 : i32
        %dma_start3A_263 = tpu.memref_slice %arg6[%dma_start3A_261, %dma_start3A_262] : memref<10240x128xf32, #tpu.memory_space<vmem_shared>> -> memref<10240x128xf32, #tpu.memory_space<vmem_shared>>
        tpu.enqueue_indirect_dma source(%arg12 : memref<80x128xf32, #tpu.memory_space<vmem>>) target(%dma_start3A_263 : memref<10240x128xf32, #tpu.memory_space<vmem_shared>>) offsets(%dma_start3A_260 : memref<80xi32, #tpu.memory_space<vmem>>) semaphore(%run_scoped3A_257 : memref<!tpu.dma_semaphore, #tpu.memory_space<semaphore_mem>>) {add = true}
        %dma_wait3A_264 = arith.constant 0 : i32
        %dma_wait3A_265 = tpu.memref_slice %arg8[%run_scoped3A_172, %dma_wait3A_264] : memref<2x80xi32, #tpu.memory_space<vmem>> -> memref<1x80xi32, #tpu.memory_space<vmem>>
        %dma_wait3A_266 = tpu.memref_squeeze %dma_wait3A_265 : memref<1x80xi32, #tpu.memory_space<vmem>> -> memref<80xi32, #tpu.memory_space<vmem>>
        %dma_wait3A_267 = arith.constant 0 : i32
        %dma_wait3A_268 = arith.constant 0 : i32
        %dma_wait3A_269 = tpu.memref_slice %arg6[%dma_wait3A_267, %dma_wait3A_268] : memref<10240x128xf32, #tpu.memory_space<vmem_shared>> -> memref<10240x128xf32, #tpu.memory_space<vmem_shared>>
        tpu.wait_indirect_dma semaphore(%run_scoped3A_257 : memref<!tpu.dma_semaphore, #tpu.memory_space<semaphore_mem>>) src(%arg12 : memref<80x128xf32, #tpu.memory_space<vmem>>) dst(%dma_wait3A_269 : memref<10240x128xf32, #tpu.memory_space<vmem_shared>>)
        tpu.yield
      }) : () -> ()
      %add3A_173 = arith.constant 4 : i32
      %add3A_174 = arith.addi %add3A_147, %add3A_173 : i32
      %dma_start3A_175 = arith.constant 0 : i32
      %dma_start3A_176 = arith.constant 0 : i32
      %dma_start3A_177 = tpu.memref_slice %arg3[%add3A, %add3A_174, %dma_start3A_175, %dma_start3A_176] : memref<32x132x2x80xi32, #tpu.memory_space<hbm>> -> memref<1x1x2x80xi32, #tpu.memory_space<hbm>>
      %dma_start3A_178 = tpu.memref_squeeze %dma_start3A_177 : memref<1x1x2x80xi32, #tpu.memory_space<hbm>> -> memref<2x80xi32, #tpu.memory_space<hbm>>
      %dma_start3A_179 = arith.constant 0 : i32
      %dma_start3A_180 = arith.constant 0 : i32
      %dma_start3A_181 = tpu.memref_slice %arg3[%add3A, %add3A_174, %dma_start3A_179, %dma_start3A_180] : memref<32x132x2x80xi32, #tpu.memory_space<hbm>> -> memref<1x1x2x80xi32, #tpu.memory_space<hbm>>
      %dma_start3A_182 = tpu.memref_squeeze %dma_start3A_181 : memref<1x1x2x80xi32, #tpu.memory_space<hbm>> -> memref<2x80xi32, #tpu.memory_space<hbm>>
      tpu.enqueue_dma source(%dma_start3A_182 : memref<2x80xi32, #tpu.memory_space<hbm>>) target(%arg8 : memref<2x80xi32, #tpu.memory_space<vmem>>) target_semaphore(%arg16 : memref<!tpu.dma_semaphore, #tpu.memory_space<semaphore_mem>>)
      %add3A_183 = arith.constant 2 : i32
      %add3A_184 = arith.addi %mul3A_109, %add3A_183 : i32
      %add3A_185 = arith.constant 2 : i32
      %add3A_186 = arith.addi %add3A_184, %add3A_185 : i32
      %dma_wait3A_187 = arith.constant 0 : i32
      %dma_wait3A_188 = arith.constant 0 : i32
      %dma_wait3A_189 = tpu.memref_slice %arg3[%add3A, %add3A_186, %dma_wait3A_187, %dma_wait3A_188] : memref<32x132x2x80xi32, #tpu.memory_space<hbm>> -> memref<1x1x2x80xi32, #tpu.memory_space<hbm>>
      %dma_wait3A_190 = tpu.memref_squeeze %dma_wait3A_189 : memref<1x1x2x80xi32, #tpu.memory_space<hbm>> -> memref<2x80xi32, #tpu.memory_space<hbm>>
      %dma_wait3A_191 = arith.constant 0 : i32
      %dma_wait3A_192 = arith.constant 0 : i32
      %dma_wait3A_193 = tpu.memref_slice %arg3[%add3A, %add3A_186, %dma_wait3A_191, %dma_wait3A_192] : memref<32x132x2x80xi32, #tpu.memory_space<hbm>> -> memref<1x1x2x80xi32, #tpu.memory_space<hbm>>
      %dma_wait3A_194 = tpu.memref_squeeze %dma_wait3A_193 : memref<1x1x2x80xi32, #tpu.memory_space<hbm>> -> memref<2x80xi32, #tpu.memory_space<hbm>>
      tpu.wait_dma2 semaphore(%arg15 : memref<!tpu.dma_semaphore, #tpu.memory_space<semaphore_mem>>) src(%dma_wait3A_194 : memref<2x80xi32, #tpu.memory_space<hbm>>) dst(%arg7 : memref<2x80xi32, #tpu.memory_space<vmem>>)
      %dma_start3A_195 = arith.constant 0 : i32
      %dma_start3A_196 = arith.constant 0 : i32
      %dma_start3A_197 = tpu.memref_slice %arg7[%dma_start3A_195, %dma_start3A_196] : memref<2x80xi32, #tpu.memory_space<vmem>> -> memref<1x80xi32, #tpu.memory_space<vmem>>
      %dma_start3A_198 = tpu.memref_squeeze %dma_start3A_197 : memref<1x80xi32, #tpu.memory_space<vmem>> -> memref<80xi32, #tpu.memory_space<vmem>>
      %dma_start3A_199 = arith.constant 0 : i32
      %dma_start3A_200 = arith.constant 0 : i32
      %dma_start3A_201 = tpu.memref_slice %arg2[%dma_start3A_199, %dma_start3A_200] : memref<10000x128xf32, #tpu.memory_space<hbm>> -> memref<10000x128xf32, #tpu.memory_space<hbm>>
      tpu.enqueue_indirect_dma source(%dma_start3A_201 : memref<10000x128xf32, #tpu.memory_space<hbm>>) target(%arg11 : memref<80x128xf32, #tpu.memory_space<vmem>>) offsets(%dma_start3A_198 : memref<80xi32, #tpu.memory_space<vmem>>) semaphore(%arg19 : memref<!tpu.dma_semaphore, #tpu.memory_space<semaphore_mem>>)
      %dma_wait3A_202 = arith.constant 0 : i32
      %dma_wait3A_203 = arith.constant 0 : i32
      %dma_wait3A_204 = tpu.memref_slice %arg9[%dma_wait3A_202, %dma_wait3A_203] : memref<2x80xi32, #tpu.memory_space<vmem>> -> memref<1x80xi32, #tpu.memory_space<vmem>>
      %dma_wait3A_205 = tpu.memref_squeeze %dma_wait3A_204 : memref<1x80xi32, #tpu.memory_space<vmem>> -> memref<80xi32, #tpu.memory_space<vmem>>
      %dma_wait3A_206 = arith.constant 0 : i32
      %dma_wait3A_207 = arith.constant 0 : i32
      %dma_wait3A_208 = tpu.memref_slice %arg2[%dma_wait3A_206, %dma_wait3A_207] : memref<10000x128xf32, #tpu.memory_space<hbm>> -> memref<10000x128xf32, #tpu.memory_space<hbm>>
      tpu.wait_indirect_dma semaphore(%arg21 : memref<!tpu.dma_semaphore, #tpu.memory_space<semaphore_mem>>) src(%dma_wait3A_208 : memref<10000x128xf32, #tpu.memory_space<hbm>>) dst(%arg13 : memref<80x128xf32, #tpu.memory_space<vmem>>)
      %run_scoped3A_209 = arith.constant 1 : i32
      "tpu.region"() ({
        %run_scoped3A_257 = tpu.sem_alloc : memref<!tpu.dma_semaphore, #tpu.memory_space<semaphore_mem>>
        %dma_start3A_258 = arith.constant 0 : i32
        %dma_start3A_259 = tpu.memref_slice %arg9[%run_scoped3A_209, %dma_start3A_258] : memref<2x80xi32, #tpu.memory_space<vmem>> -> memref<1x80xi32, #tpu.memory_space<vmem>>
        %dma_start3A_260 = tpu.memref_squeeze %dma_start3A_259 : memref<1x80xi32, #tpu.memory_space<vmem>> -> memref<80xi32, #tpu.memory_space<vmem>>
        %dma_start3A_261 = arith.constant 0 : i32
        %dma_start3A_262 = arith.constant 0 : i32
        %dma_start3A_263 = tpu.memref_slice %arg6[%dma_start3A_261, %dma_start3A_262] : memref<10240x128xf32, #tpu.memory_space<vmem_shared>> -> memref<10240x128xf32, #tpu.memory_space<vmem_shared>>
        tpu.enqueue_indirect_dma source(%arg13 : memref<80x128xf32, #tpu.memory_space<vmem>>) target(%dma_start3A_263 : memref<10240x128xf32, #tpu.memory_space<vmem_shared>>) offsets(%dma_start3A_260 : memref<80xi32, #tpu.memory_space<vmem>>) semaphore(%run_scoped3A_257 : memref<!tpu.dma_semaphore, #tpu.memory_space<semaphore_mem>>) {add = true}
        %dma_wait3A_264 = arith.constant 0 : i32
        %dma_wait3A_265 = tpu.memref_slice %arg9[%run_scoped3A_209, %dma_wait3A_264] : memref<2x80xi32, #tpu.memory_space<vmem>> -> memref<1x80xi32, #tpu.memory_space<vmem>>
        %dma_wait3A_266 = tpu.memref_squeeze %dma_wait3A_265 : memref<1x80xi32, #tpu.memory_space<vmem>> -> memref<80xi32, #tpu.memory_space<vmem>>
        %dma_wait3A_267 = arith.constant 0 : i32
        %dma_wait3A_268 = arith.constant 0 : i32
        %dma_wait3A_269 = tpu.memref_slice %arg6[%dma_wait3A_267, %dma_wait3A_268] : memref<10240x128xf32, #tpu.memory_space<vmem_shared>> -> memref<10240x128xf32, #tpu.memory_space<vmem_shared>>
        tpu.wait_indirect_dma semaphore(%run_scoped3A_257 : memref<!tpu.dma_semaphore, #tpu.memory_space<semaphore_mem>>) src(%arg13 : memref<80x128xf32, #tpu.memory_space<vmem>>) dst(%dma_wait3A_269 : memref<10240x128xf32, #tpu.memory_space<vmem_shared>>)
        tpu.yield
      }) : () -> ()
      %add3A_210 = arith.constant 4 : i32
      %add3A_211 = arith.addi %add3A_184, %add3A_210 : i32
      %dma_start3A_212 = arith.constant 0 : i32
      %dma_start3A_213 = arith.constant 0 : i32
      %dma_start3A_214 = tpu.memref_slice %arg3[%add3A, %add3A_211, %dma_start3A_212, %dma_start3A_213] : memref<32x132x2x80xi32, #tpu.memory_space<hbm>> -> memref<1x1x2x80xi32, #tpu.memory_space<hbm>>
      %dma_start3A_215 = tpu.memref_squeeze %dma_start3A_214 : memref<1x1x2x80xi32, #tpu.memory_space<hbm>> -> memref<2x80xi32, #tpu.memory_space<hbm>>
      %dma_start3A_216 = arith.constant 0 : i32
      %dma_start3A_217 = arith.constant 0 : i32
      %dma_start3A_218 = tpu.memref_slice %arg3[%add3A, %add3A_211, %dma_start3A_216, %dma_start3A_217] : memref<32x132x2x80xi32, #tpu.memory_space<hbm>> -> memref<1x1x2x80xi32, #tpu.memory_space<hbm>>
      %dma_start3A_219 = tpu.memref_squeeze %dma_start3A_218 : memref<1x1x2x80xi32, #tpu.memory_space<hbm>> -> memref<2x80xi32, #tpu.memory_space<hbm>>
      tpu.enqueue_dma source(%dma_start3A_219 : memref<2x80xi32, #tpu.memory_space<hbm>>) target(%arg9 : memref<2x80xi32, #tpu.memory_space<vmem>>) target_semaphore(%arg17 : memref<!tpu.dma_semaphore, #tpu.memory_space<semaphore_mem>>)
      %add3A_220 = arith.constant 3 : i32
      %add3A_221 = arith.addi %mul3A_109, %add3A_220 : i32
      %add3A_222 = arith.constant 2 : i32
      %add3A_223 = arith.addi %add3A_221, %add3A_222 : i32
      %dma_wait3A_224 = arith.constant 0 : i32
      %dma_wait3A_225 = arith.constant 0 : i32
      %dma_wait3A_226 = tpu.memref_slice %arg3[%add3A, %add3A_223, %dma_wait3A_224, %dma_wait3A_225] : memref<32x132x2x80xi32, #tpu.memory_space<hbm>> -> memref<1x1x2x80xi32, #tpu.memory_space<hbm>>
      %dma_wait3A_227 = tpu.memref_squeeze %dma_wait3A_226 : memref<1x1x2x80xi32, #tpu.memory_space<hbm>> -> memref<2x80xi32, #tpu.memory_space<hbm>>
      %dma_wait3A_228 = arith.constant 0 : i32
      %dma_wait3A_229 = arith.constant 0 : i32
      %dma_wait3A_230 = tpu.memref_slice %arg3[%add3A, %add3A_223, %dma_wait3A_228, %dma_wait3A_229] : memref<32x132x2x80xi32, #tpu.memory_space<hbm>> -> memref<1x1x2x80xi32, #tpu.memory_space<hbm>>
      %dma_wait3A_231 = tpu.memref_squeeze %dma_wait3A_230 : memref<1x1x2x80xi32, #tpu.memory_space<hbm>> -> memref<2x80xi32, #tpu.memory_space<hbm>>
      tpu.wait_dma2 semaphore(%arg16 : memref<!tpu.dma_semaphore, #tpu.memory_space<semaphore_mem>>) src(%dma_wait3A_231 : memref<2x80xi32, #tpu.memory_space<hbm>>) dst(%arg8 : memref<2x80xi32, #tpu.memory_space<vmem>>)
      %dma_start3A_232 = arith.constant 0 : i32
      %dma_start3A_233 = arith.constant 0 : i32
      %dma_start3A_234 = tpu.memref_slice %arg8[%dma_start3A_232, %dma_start3A_233] : memref<2x80xi32, #tpu.memory_space<vmem>> -> memref<1x80xi32, #tpu.memory_space<vmem>>
      %dma_start3A_235 = tpu.memref_squeeze %dma_start3A_234 : memref<1x80xi32, #tpu.memory_space<vmem>> -> memref<80xi32, #tpu.memory_space<vmem>>
      %dma_start3A_236 = arith.constant 0 : i32
      %dma_start3A_237 = arith.constant 0 : i32
      %dma_start3A_238 = tpu.memref_slice %arg2[%dma_start3A_236, %dma_start3A_237] : memref<10000x128xf32, #tpu.memory_space<hbm>> -> memref<10000x128xf32, #tpu.memory_space<hbm>>
      tpu.enqueue_indirect_dma source(%dma_start3A_238 : memref<10000x128xf32, #tpu.memory_space<hbm>>) target(%arg12 : memref<80x128xf32, #tpu.memory_space<vmem>>) offsets(%dma_start3A_235 : memref<80xi32, #tpu.memory_space<vmem>>) semaphore(%arg20 : memref<!tpu.dma_semaphore, #tpu.memory_space<semaphore_mem>>)
      %dma_wait3A_239 = arith.constant 0 : i32
      %dma_wait3A_240 = arith.constant 0 : i32
      %dma_wait3A_241 = tpu.memref_slice %arg10[%dma_wait3A_239, %dma_wait3A_240] : memref<2x80xi32, #tpu.memory_space<vmem>> -> memref<1x80xi32, #tpu.memory_space<vmem>>
      %dma_wait3A_242 = tpu.memref_squeeze %dma_wait3A_241 : memref<1x80xi32, #tpu.memory_space<vmem>> -> memref<80xi32, #tpu.memory_space<vmem>>
      %dma_wait3A_243 = arith.constant 0 : i32
      %dma_wait3A_244 = arith.constant 0 : i32
      %dma_wait3A_245 = tpu.memref_slice %arg2[%dma_wait3A_243, %dma_wait3A_244] : memref<10000x128xf32, #tpu.memory_space<hbm>> -> memref<10000x128xf32, #tpu.memory_space<hbm>>
      tpu.wait_indirect_dma semaphore(%arg22 : memref<!tpu.dma_semaphore, #tpu.memory_space<semaphore_mem>>) src(%dma_wait3A_245 : memref<10000x128xf32, #tpu.memory_space<hbm>>) dst(%arg14 : memref<80x128xf32, #tpu.memory_space<vmem>>)
      %run_scoped3A_246 = arith.constant 1 : i32
      "tpu.region"() ({
        %run_scoped3A_257 = tpu.sem_alloc : memref<!tpu.dma_semaphore, #tpu.memory_space<semaphore_mem>>
        %dma_start3A_258 = arith.constant 0 : i32
        %dma_start3A_259 = tpu.memref_slice %arg10[%run_scoped3A_246, %dma_start3A_258] : memref<2x80xi32, #tpu.memory_space<vmem>> -> memref<1x80xi32, #tpu.memory_space<vmem>>
        %dma_start3A_260 = tpu.memref_squeeze %dma_start3A_259 : memref<1x80xi32, #tpu.memory_space<vmem>> -> memref<80xi32, #tpu.memory_space<vmem>>
        %dma_start3A_261 = arith.constant 0 : i32
        %dma_start3A_262 = arith.constant 0 : i32
        %dma_start3A_263 = tpu.memref_slice %arg6[%dma_start3A_261, %dma_start3A_262] : memref<10240x128xf32, #tpu.memory_space<vmem_shared>> -> memref<10240x128xf32, #tpu.memory_space<vmem_shared>>
        tpu.enqueue_indirect_dma source(%arg14 : memref<80x128xf32, #tpu.memory_space<vmem>>) target(%dma_start3A_263 : memref<10240x128xf32, #tpu.memory_space<vmem_shared>>) offsets(%dma_start3A_260 : memref<80xi32, #tpu.memory_space<vmem>>) semaphore(%run_scoped3A_257 : memref<!tpu.dma_semaphore, #tpu.memory_space<semaphore_mem>>) {add = true}
        %dma_wait3A_264 = arith.constant 0 : i32
        %dma_wait3A_265 = tpu.memref_slice %arg10[%run_scoped3A_246, %dma_wait3A_264] : memref<2x80xi32, #tpu.memory_space<vmem>> -> memref<1x80xi32, #tpu.memory_space<vmem>>
        %dma_wait3A_266 = tpu.memref_squeeze %dma_wait3A_265 : memref<1x80xi32, #tpu.memory_space<vmem>> -> memref<80xi32, #tpu.memory_space<vmem>>
        %dma_wait3A_267 = arith.constant 0 : i32
        %dma_wait3A_268 = arith.constant 0 : i32
        %dma_wait3A_269 = tpu.memref_slice %arg6[%dma_wait3A_267, %dma_wait3A_268] : memref<10240x128xf32, #tpu.memory_space<vmem_shared>> -> memref<10240x128xf32, #tpu.memory_space<vmem_shared>>
        tpu.wait_indirect_dma semaphore(%run_scoped3A_257 : memref<!tpu.dma_semaphore, #tpu.memory_space<semaphore_mem>>) src(%arg14 : memref<80x128xf32, #tpu.memory_space<vmem>>) dst(%dma_wait3A_269 : memref<10240x128xf32, #tpu.memory_space<vmem_shared>>)
        tpu.yield
      }) : () -> ()
      %add3A_247 = arith.constant 4 : i32
      %add3A_248 = arith.addi %add3A_221, %add3A_247 : i32
      %dma_start3A_249 = arith.constant 0 : i32
      %dma_start3A_250 = arith.constant 0 : i32
      %dma_start3A_251 = tpu.memref_slice %arg3[%add3A, %add3A_248, %dma_start3A_249, %dma_start3A_250] : memref<32x132x2x80xi32, #tpu.memory_space<hbm>> -> memref<1x1x2x80xi32, #tpu.memory_space<hbm>>
      %dma_start3A_252 = tpu.memref_squeeze %dma_start3A_251 : memref<1x1x2x80xi32, #tpu.memory_space<hbm>> -> memref<2x80xi32, #tpu.memory_space<hbm>>
      %dma_start3A_253 = arith.constant 0 : i32
      %dma_start3A_254 = arith.constant 0 : i32
      %dma_start3A_255 = tpu.memref_slice %arg3[%add3A, %add3A_248, %dma_start3A_253, %dma_start3A_254] : memref<32x132x2x80xi32, #tpu.memory_space<hbm>> -> memref<1x1x2x80xi32, #tpu.memory_space<hbm>>
      %dma_start3A_256 = tpu.memref_squeeze %dma_start3A_255 : memref<1x1x2x80xi32, #tpu.memory_space<hbm>> -> memref<2x80xi32, #tpu.memory_space<hbm>>
      tpu.enqueue_dma source(%dma_start3A_256 : memref<2x80xi32, #tpu.memory_space<hbm>>) target(%arg10 : memref<2x80xi32, #tpu.memory_space<vmem>>) target_semaphore(%arg18 : memref<!tpu.dma_semaphore, #tpu.memory_space<semaphore_mem>>)
    }
    %scan3A_73 = arith.constant 32 : i32
    %dma_wait3A_74 = arith.constant 0 : i32
    %dma_wait3A_75 = arith.constant 0 : i32
    %dma_wait3A_76 = tpu.memref_slice %arg7[%dma_wait3A_74, %dma_wait3A_75] : memref<2x80xi32, #tpu.memory_space<vmem>> -> memref<1x80xi32, #tpu.memory_space<vmem>>
    %dma_wait3A_77 = tpu.memref_squeeze %dma_wait3A_76 : memref<1x80xi32, #tpu.memory_space<vmem>> -> memref<80xi32, #tpu.memory_space<vmem>>
    %dma_wait3A_78 = arith.constant 0 : i32
    %dma_wait3A_79 = arith.constant 0 : i32
    %dma_wait3A_80 = tpu.memref_slice %arg2[%dma_wait3A_78, %dma_wait3A_79] : memref<10000x128xf32, #tpu.memory_space<hbm>> -> memref<10000x128xf32, #tpu.memory_space<hbm>>
    tpu.wait_indirect_dma semaphore(%arg19 : memref<!tpu.dma_semaphore, #tpu.memory_space<semaphore_mem>>) src(%dma_wait3A_80 : memref<10000x128xf32, #tpu.memory_space<hbm>>) dst(%arg11 : memref<80x128xf32, #tpu.memory_space<vmem>>)
    %dma_wait3A_81 = arith.constant 0 : i32
    %dma_wait3A_82 = arith.constant 0 : i32
    %dma_wait3A_83 = tpu.memref_slice %arg8[%dma_wait3A_81, %dma_wait3A_82] : memref<2x80xi32, #tpu.memory_space<vmem>> -> memref<1x80xi32, #tpu.memory_space<vmem>>
    %dma_wait3A_84 = tpu.memref_squeeze %dma_wait3A_83 : memref<1x80xi32, #tpu.memory_space<vmem>> -> memref<80xi32, #tpu.memory_space<vmem>>
    %dma_wait3A_85 = arith.constant 0 : i32
    %dma_wait3A_86 = arith.constant 0 : i32
    %dma_wait3A_87 = tpu.memref_slice %arg2[%dma_wait3A_85, %dma_wait3A_86] : memref<10000x128xf32, #tpu.memory_space<hbm>> -> memref<10000x128xf32, #tpu.memory_space<hbm>>
    tpu.wait_indirect_dma semaphore(%arg20 : memref<!tpu.dma_semaphore, #tpu.memory_space<semaphore_mem>>) src(%dma_wait3A_87 : memref<10000x128xf32, #tpu.memory_space<hbm>>) dst(%arg12 : memref<80x128xf32, #tpu.memory_space<vmem>>)
    %dma_wait3A_88 = arith.constant 2 : i32
    %dma_wait3A_89 = arith.constant 0 : i32
    %dma_wait3A_90 = arith.constant 0 : i32
    %dma_wait3A_91 = tpu.memref_slice %arg3[%add3A, %dma_wait3A_88, %dma_wait3A_89, %dma_wait3A_90] : memref<32x132x2x80xi32, #tpu.memory_space<hbm>> -> memref<1x1x2x80xi32, #tpu.memory_space<hbm>>
    %dma_wait3A_92 = tpu.memref_squeeze %dma_wait3A_91 : memref<1x1x2x80xi32, #tpu.memory_space<hbm>> -> memref<2x80xi32, #tpu.memory_space<hbm>>
    %dma_wait3A_93 = arith.constant 0 : i32
    %dma_wait3A_94 = arith.constant 0 : i32
    %dma_wait3A_95 = tpu.memref_slice %arg3[%add3A, %dma_wait3A_88, %dma_wait3A_93, %dma_wait3A_94] : memref<32x132x2x80xi32, #tpu.memory_space<hbm>> -> memref<1x1x2x80xi32, #tpu.memory_space<hbm>>
    %dma_wait3A_96 = tpu.memref_squeeze %dma_wait3A_95 : memref<1x1x2x80xi32, #tpu.memory_space<hbm>> -> memref<2x80xi32, #tpu.memory_space<hbm>>
    tpu.wait_dma2 semaphore(%arg17 : memref<!tpu.dma_semaphore, #tpu.memory_space<semaphore_mem>>) src(%dma_wait3A_96 : memref<2x80xi32, #tpu.memory_space<hbm>>) dst(%arg9 : memref<2x80xi32, #tpu.memory_space<vmem>>)
    %dma_wait3A_97 = arith.constant 3 : i32
    %dma_wait3A_98 = arith.constant 0 : i32
    %dma_wait3A_99 = arith.constant 0 : i32
    %dma_wait3A_100 = tpu.memref_slice %arg3[%add3A, %dma_wait3A_97, %dma_wait3A_98, %dma_wait3A_99] : memref<32x132x2x80xi32, #tpu.memory_space<hbm>> -> memref<1x1x2x80xi32, #tpu.memory_space<hbm>>
    %dma_wait3A_101 = tpu.memref_squeeze %dma_wait3A_100 : memref<1x1x2x80xi32, #tpu.memory_space<hbm>> -> memref<2x80xi32, #tpu.memory_space<hbm>>
    %dma_wait3A_102 = arith.constant 0 : i32
    %dma_wait3A_103 = arith.constant 0 : i32
    %dma_wait3A_104 = tpu.memref_slice %arg3[%add3A, %dma_wait3A_97, %dma_wait3A_102, %dma_wait3A_103] : memref<32x132x2x80xi32, #tpu.memory_space<hbm>> -> memref<1x1x2x80xi32, #tpu.memory_space<hbm>>
    %dma_wait3A_105 = tpu.memref_squeeze %dma_wait3A_104 : memref<1x1x2x80xi32, #tpu.memory_space<hbm>> -> memref<2x80xi32, #tpu.memory_space<hbm>>
    tpu.wait_dma2 semaphore(%arg18 : memref<!tpu.dma_semaphore, #tpu.memory_space<semaphore_mem>>) src(%dma_wait3A_105 : memref<2x80xi32, #tpu.memory_space<hbm>>) dst(%arg10 : memref<2x80xi32, #tpu.memory_space<vmem>>)
    %barrier3A_106 = arith.constant 0 : index
    tpu.barrier barrier_id(%barrier3A_106)
    "tpu.region"() ({
      %run_scoped3A = tpu.sem_alloc : memref<!tpu.dma_semaphore, #tpu.memory_space<semaphore_mem>>
      %dma_start3A_107 = arith.constant 0 : i32
      %dma_start3A_108 = tpu.memref_slice %arg5[%arg0, %mul3A_2, %dma_start3A_107] : memref<2x10240x128xf32, #tpu.memory_space<hbm>> -> memref<1x640x128xf32, #tpu.memory_space<hbm>>
      %dma_start3A_109 = tpu.memref_squeeze %dma_start3A_108 : memref<1x640x128xf32, #tpu.memory_space<hbm>> -> memref<640x128xf32, #tpu.memory_space<hbm>>
      %dma_start3A_110 = arith.constant 0 : i32
      %dma_start3A_111 = tpu.memref_slice %arg6[%mul3A_2, %dma_start3A_110] : memref<10240x128xf32, #tpu.memory_space<vmem_shared>> -> memref<640x128xf32, #tpu.memory_space<vmem_shared>>
      tpu.enqueue_dma source(%dma_start3A_111 : memref<640x128xf32, #tpu.memory_space<vmem_shared>>) target(%dma_start3A_109 : memref<640x128xf32, #tpu.memory_space<hbm>>) target_semaphore(%run_scoped3A : memref<!tpu.dma_semaphore, #tpu.memory_space<semaphore_mem>>)
      %dma_wait3A_112 = arith.constant 0 : i32
      %dma_wait3A_113 = tpu.memref_slice %arg5[%arg0, %mul3A_2, %dma_wait3A_112] : memref<2x10240x128xf32, #tpu.memory_space<hbm>> -> memref<1x640x128xf32, #tpu.memory_space<hbm>>
      %dma_wait3A_114 = tpu.memref_squeeze %dma_wait3A_113 : memref<1x640x128xf32, #tpu.memory_space<hbm>> -> memref<640x128xf32, #tpu.memory_space<hbm>>
      %dma_wait3A_115 = arith.constant 0 : i32
      %dma_wait3A_116 = tpu.memref_slice %arg6[%mul3A_2, %dma_wait3A_115] : memref<10240x128xf32, #tpu.memory_space<vmem_shared>> -> memref<640x128xf32, #tpu.memory_space<vmem_shared>>
      tpu.wait_dma2 semaphore(%run_scoped3A : memref<!tpu.dma_semaphore, #tpu.memory_space<semaphore_mem>>) src(%dma_wait3A_116 : memref<640x128xf32, #tpu.memory_space<vmem_shared>>) dst(%dma_wait3A_114 : memref<640x128xf32, #tpu.memory_space<hbm>>)
      tpu.yield
    }) : () -> ()
    return
  }
}

#map = affine_map<(d0, d1) -> (0)>
#map1 = affine_map<(d0, d1) -> (0, 0)>
#map2 = affine_map<(d0, d1) -> (0, 0, 0)>
module attributes {stable_mosaic.version = 14 : i64} {
  func.func @_deg_kernel(%arg0: i32, %arg1: i32, %arg2: memref<327680xi32, #tpu.memory_space<hbm>>, %arg3: memref<80x128xf32, #tpu.memory_space<hbm>>, %arg4: memref<640x128xf32, #tpu.memory_space<hbm>>, %arg5: memref<2x10240x128xf32, #tpu.memory_space<hbm>>, %arg6: memref<10240x128xf32, #tpu.memory_space<vmem_shared>>, %arg7: memref<80xi32, #tpu.memory_space<vmem>>, %arg8: memref<80x128xf32, #tpu.memory_space<vmem>>) attributes {dimension_semantics = [#tpu.dimension_semantics<core_parallel>, #tpu.dimension_semantics<subcore_parallel>], iteration_bounds = array<i64: 2, 16>, scalar_prefetch = 0 : i64, scratch_operands = 3 : i64, tpu.core_type = #tpu.core_type<sc_vector_subcore>, window_params = [{transform_indices = #map}, {transform_indices = #map1}, {transform_indices = #map1}, {transform_indices = #map2}]} {
    %mul3A = arith.constant 2 : i32
    %mul3A_0 = arith.muli %arg1, %mul3A : i32
    %add3A = arith.addi %mul3A_0, %arg0 : i32
    %mul3A_1 = arith.constant 10240 : i32
    %mul3A_2 = arith.muli %add3A, %mul3A_1 : i32
    %mul3A_3 = arith.constant 640 : i32
    %mul3A_4 = arith.muli %arg1, %mul3A_3 : i32
    "tpu.region"() ({
      %run_scoped3A = tpu.sem_alloc : memref<!tpu.dma_semaphore, #tpu.memory_space<semaphore_mem>>
      %dma_start3A = arith.constant 0 : i32
      %dma_start3A_11 = tpu.memref_slice %arg6[%mul3A_4, %dma_start3A] : memref<10240x128xf32, #tpu.memory_space<vmem_shared>> -> memref<640x128xf32, #tpu.memory_space<vmem_shared>>
      tpu.enqueue_dma source(%arg4 : memref<640x128xf32, #tpu.memory_space<hbm>>) target(%dma_start3A_11 : memref<640x128xf32, #tpu.memory_space<vmem_shared>>) target_semaphore(%run_scoped3A : memref<!tpu.dma_semaphore, #tpu.memory_space<semaphore_mem>>)
      %dma_wait3A = arith.constant 0 : i32
      %dma_wait3A_12 = tpu.memref_slice %arg6[%mul3A_4, %dma_wait3A] : memref<10240x128xf32, #tpu.memory_space<vmem_shared>> -> memref<640x128xf32, #tpu.memory_space<vmem_shared>>
      tpu.wait_dma2 semaphore(%run_scoped3A : memref<!tpu.dma_semaphore, #tpu.memory_space<semaphore_mem>>) src(%arg4 : memref<640x128xf32, #tpu.memory_space<hbm>>) dst(%dma_wait3A_12 : memref<640x128xf32, #tpu.memory_space<vmem_shared>>)
      tpu.yield
    }) : () -> ()
    "tpu.region"() ({
      %run_scoped3A = tpu.sem_alloc : memref<!tpu.dma_semaphore, #tpu.memory_space<semaphore_mem>>
      tpu.enqueue_dma source(%arg3 : memref<80x128xf32, #tpu.memory_space<hbm>>) target(%arg8 : memref<80x128xf32, #tpu.memory_space<vmem>>) target_semaphore(%run_scoped3A : memref<!tpu.dma_semaphore, #tpu.memory_space<semaphore_mem>>)
      tpu.wait_dma2 semaphore(%run_scoped3A : memref<!tpu.dma_semaphore, #tpu.memory_space<semaphore_mem>>) src(%arg3 : memref<80x128xf32, #tpu.memory_space<hbm>>) dst(%arg8 : memref<80x128xf32, #tpu.memory_space<vmem>>)
      tpu.yield
    }) : () -> ()
    %barrier3A = arith.constant 0 : index
    tpu.barrier barrier_id(%barrier3A)
    %scan3A = arith.constant 0 : i32
    %scan3A_5 = arith.constant 0 : i32
    %scan3A_6 = arith.constant 128 : i32
    %scan3A_7 = arith.addi %scan3A_5, %scan3A_6 : i32
    %scan3A_8 = arith.constant 1 : i32
    scf.for %scan3A_11 = %scan3A_5 to %scan3A_7 step %scan3A_8  : i32 {
      %mul3A_12 = arith.constant 80 : i32
      %mul3A_13 = arith.muli %scan3A_11, %mul3A_12 : i32
      %add3A_14 = arith.addi %mul3A_2, %mul3A_13 : i32
      "tpu.region"() ({
        %run_scoped3A = tpu.sem_alloc : memref<!tpu.dma_semaphore, #tpu.memory_space<semaphore_mem>>
        %dma_start3A = tpu.memref_slice %arg2[%add3A_14] : memref<327680xi32, #tpu.memory_space<hbm>> -> memref<80xi32, #tpu.memory_space<hbm>>
        %dma_start3A_15 = tpu.memref_slice %arg2[%add3A_14] : memref<327680xi32, #tpu.memory_space<hbm>> -> memref<80xi32, #tpu.memory_space<hbm>>
        tpu.enqueue_dma source(%dma_start3A_15 : memref<80xi32, #tpu.memory_space<hbm>>) target(%arg7 : memref<80xi32, #tpu.memory_space<vmem>>) target_semaphore(%run_scoped3A : memref<!tpu.dma_semaphore, #tpu.memory_space<semaphore_mem>>)
        %dma_wait3A = tpu.memref_slice %arg2[%add3A_14] : memref<327680xi32, #tpu.memory_space<hbm>> -> memref<80xi32, #tpu.memory_space<hbm>>
        %dma_wait3A_16 = tpu.memref_slice %arg2[%add3A_14] : memref<327680xi32, #tpu.memory_space<hbm>> -> memref<80xi32, #tpu.memory_space<hbm>>
        tpu.wait_dma2 semaphore(%run_scoped3A : memref<!tpu.dma_semaphore, #tpu.memory_space<semaphore_mem>>) src(%dma_wait3A_16 : memref<80xi32, #tpu.memory_space<hbm>>) dst(%arg7 : memref<80xi32, #tpu.memory_space<vmem>>)
        tpu.yield
      }) : () -> ()
      "tpu.region"() ({
        %run_scoped3A = tpu.sem_alloc : memref<!tpu.dma_semaphore, #tpu.memory_space<semaphore_mem>>
        %dma_start3A = arith.constant 0 : i32
        %dma_start3A_15 = arith.constant 0 : i32
        %dma_start3A_16 = tpu.memref_slice %arg6[%dma_start3A, %dma_start3A_15] : memref<10240x128xf32, #tpu.memory_space<vmem_shared>> -> memref<10240x128xf32, #tpu.memory_space<vmem_shared>>
        tpu.enqueue_indirect_dma source(%arg8 : memref<80x128xf32, #tpu.memory_space<vmem>>) target(%dma_start3A_16 : memref<10240x128xf32, #tpu.memory_space<vmem_shared>>) offsets(%arg7 : memref<80xi32, #tpu.memory_space<vmem>>) semaphore(%run_scoped3A : memref<!tpu.dma_semaphore, #tpu.memory_space<semaphore_mem>>) {add = true}
        %dma_wait3A = arith.constant 0 : i32
        %dma_wait3A_17 = arith.constant 0 : i32
        %dma_wait3A_18 = tpu.memref_slice %arg6[%dma_wait3A, %dma_wait3A_17] : memref<10240x128xf32, #tpu.memory_space<vmem_shared>> -> memref<10240x128xf32, #tpu.memory_space<vmem_shared>>
        tpu.wait_indirect_dma semaphore(%run_scoped3A : memref<!tpu.dma_semaphore, #tpu.memory_space<semaphore_mem>>) src(%arg8 : memref<80x128xf32, #tpu.memory_space<vmem>>) dst(%dma_wait3A_18 : memref<10240x128xf32, #tpu.memory_space<vmem_shared>>)
        tpu.yield
      }) : () -> ()
    }
    %scan3A_9 = arith.constant 128 : i32
    %barrier3A_10 = arith.constant 0 : index
    tpu.barrier barrier_id(%barrier3A_10)
    "tpu.region"() ({
      %run_scoped3A = tpu.sem_alloc : memref<!tpu.dma_semaphore, #tpu.memory_space<semaphore_mem>>
      %dma_start3A = arith.constant 0 : i32
      %dma_start3A_11 = tpu.memref_slice %arg5[%arg0, %mul3A_4, %dma_start3A] : memref<2x10240x128xf32, #tpu.memory_space<hbm>> -> memref<1x640x128xf32, #tpu.memory_space<hbm>>
      %dma_start3A_12 = tpu.memref_squeeze %dma_start3A_11 : memref<1x640x128xf32, #tpu.memory_space<hbm>> -> memref<640x128xf32, #tpu.memory_space<hbm>>
      %dma_start3A_13 = arith.constant 0 : i32
      %dma_start3A_14 = tpu.memref_slice %arg6[%mul3A_4, %dma_start3A_13] : memref<10240x128xf32, #tpu.memory_space<vmem_shared>> -> memref<640x128xf32, #tpu.memory_space<vmem_shared>>
      tpu.enqueue_dma source(%dma_start3A_14 : memref<640x128xf32, #tpu.memory_space<vmem_shared>>) target(%dma_start3A_12 : memref<640x128xf32, #tpu.memory_space<hbm>>) target_semaphore(%run_scoped3A : memref<!tpu.dma_semaphore, #tpu.memory_space<semaphore_mem>>)
      %dma_wait3A = arith.constant 0 : i32
      %dma_wait3A_15 = tpu.memref_slice %arg5[%arg0, %mul3A_4, %dma_wait3A] : memref<2x10240x128xf32, #tpu.memory_space<hbm>> -> memref<1x640x128xf32, #tpu.memory_space<hbm>>
      %dma_wait3A_16 = tpu.memref_squeeze %dma_wait3A_15 : memref<1x640x128xf32, #tpu.memory_space<hbm>> -> memref<640x128xf32, #tpu.memory_space<hbm>>
      %dma_wait3A_17 = arith.constant 0 : i32
      %dma_wait3A_18 = tpu.memref_slice %arg6[%mul3A_4, %dma_wait3A_17] : memref<10240x128xf32, #tpu.memory_space<vmem_shared>> -> memref<640x128xf32, #tpu.memory_space<vmem_shared>>
      tpu.wait_dma2 semaphore(%run_scoped3A : memref<!tpu.dma_semaphore, #tpu.memory_space<semaphore_mem>>) src(%dma_wait3A_18 : memref<640x128xf32, #tpu.memory_space<vmem_shared>>) dst(%dma_wait3A_16 : memref<640x128xf32, #tpu.memory_space<hbm>>)
      tpu.yield
    }) : () -> ()
    return
  }
}

#map = affine_map<(d0, d1) -> (0, 0)>
#map1 = affine_map<(d0, d1) -> (0, 0, 0, 0)>
#map2 = affine_map<(d0, d1) -> (0, 0, 0)>
module attributes {stable_mosaic.version = 14 : i64} {
  func.func @_agg_kernel(%arg0: i32, %arg1: i32, %arg2: memref<10000x128xf32, #tpu.memory_space<hbm>>, %arg3: memref<32x132x2x80xi32, #tpu.memory_space<hbm>>, %arg4: memref<640x128xf32, #tpu.memory_space<hbm>>, %arg5: memref<2x10240x128xf32, #tpu.memory_space<hbm>>, %arg6: memref<10240x128xf32, #tpu.memory_space<vmem_shared>>, %arg7: memref<2x80xi32, #tpu.memory_space<vmem>>, %arg8: memref<2x80xi32, #tpu.memory_space<vmem>>, %arg9: memref<2x80xi32, #tpu.memory_space<vmem>>, %arg10: memref<2x80xi32, #tpu.memory_space<vmem>>, %arg11: memref<80x128xf32, #tpu.memory_space<vmem>>, %arg12: memref<80x128xf32, #tpu.memory_space<vmem>>, %arg13: memref<80x128xf32, #tpu.memory_space<vmem>>, %arg14: memref<80x128xf32, #tpu.memory_space<vmem>>, %arg15: memref<!tpu.dma_semaphore, #tpu.memory_space<semaphore_mem>>, %arg16: memref<!tpu.dma_semaphore, #tpu.memory_space<semaphore_mem>>, %arg17: memref<!tpu.dma_semaphore, #tpu.memory_space<semaphore_mem>>, %arg18: memref<!tpu.dma_semaphore, #tpu.memory_space<semaphore_mem>>, %arg19: memref<!tpu.dma_semaphore, #tpu.memory_space<semaphore_mem>>, %arg20: memref<!tpu.dma_semaphore, #tpu.memory_space<semaphore_mem>>, %arg21: memref<!tpu.dma_semaphore, #tpu.memory_space<semaphore_mem>>, %arg22: memref<!tpu.dma_semaphore, #tpu.memory_space<semaphore_mem>>) attributes {dimension_semantics = [#tpu.dimension_semantics<core_parallel>, #tpu.dimension_semantics<subcore_parallel>], iteration_bounds = array<i64: 2, 16>, scalar_prefetch = 0 : i64, scratch_operands = 17 : i64, tpu.core_type = #tpu.core_type<sc_vector_subcore>, window_params = [{transform_indices = #map}, {transform_indices = #map1}, {transform_indices = #map}, {transform_indices = #map2}]} {
    %mul3A = arith.constant 2 : i32
    %mul3A_0 = arith.muli %arg1, %mul3A : i32
    %add3A = arith.addi %mul3A_0, %arg0 : i32
    %mul3A_1 = arith.constant 640 : i32
    %mul3A_2 = arith.muli %arg1, %mul3A_1 : i32
    "tpu.region"() ({
      %run_scoped3A = tpu.sem_alloc : memref<!tpu.dma_semaphore, #tpu.memory_space<semaphore_mem>>
      %dma_start3A_107 = arith.constant 0 : i32
      %dma_start3A_108 = tpu.memref_slice %arg6[%mul3A_2, %dma_start3A_107] : memref<10240x128xf32, #tpu.memory_space<vmem_shared>> -> memref<640x128xf32, #tpu.memory_space<vmem_shared>>
      tpu.enqueue_dma source(%arg4 : memref<640x128xf32, #tpu.memory_space<hbm>>) target(%dma_start3A_108 : memref<640x128xf32, #tpu.memory_space<vmem_shared>>) target_semaphore(%run_scoped3A : memref<!tpu.dma_semaphore, #tpu.memory_space<semaphore_mem>>)
      %dma_wait3A_109 = arith.constant 0 : i32
      %dma_wait3A_110 = tpu.memref_slice %arg6[%mul3A_2, %dma_wait3A_109] : memref<10240x128xf32, #tpu.memory_space<vmem_shared>> -> memref<640x128xf32, #tpu.memory_space<vmem_shared>>
      tpu.wait_dma2 semaphore(%run_scoped3A : memref<!tpu.dma_semaphore, #tpu.memory_space<semaphore_mem>>) src(%arg4 : memref<640x128xf32, #tpu.memory_space<hbm>>) dst(%dma_wait3A_110 : memref<640x128xf32, #tpu.memory_space<vmem_shared>>)
      tpu.yield
    }) : () -> ()
    %dma_start3A = arith.constant 0 : i32
    %dma_start3A_3 = arith.constant 0 : i32
    %dma_start3A_4 = arith.constant 0 : i32
    %dma_start3A_5 = tpu.memref_slice %arg3[%add3A, %dma_start3A, %dma_start3A_3, %dma_start3A_4] : memref<32x132x2x80xi32, #tpu.memory_space<hbm>> -> memref<1x1x2x80xi32, #tpu.memory_space<hbm>>
    %dma_start3A_6 = tpu.memref_squeeze %dma_start3A_5 : memref<1x1x2x80xi32, #tpu.memory_space<hbm>> -> memref<2x80xi32, #tpu.memory_space<hbm>>
    %dma_start3A_7 = arith.constant 0 : i32
    %dma_start3A_8 = arith.constant 0 : i32
    %dma_start3A_9 = tpu.memref_slice %arg3[%add3A, %dma_start3A, %dma_start3A_7, %dma_start3A_8] : memref<32x132x2x80xi32, #tpu.memory_space<hbm>> -> memref<1x1x2x80xi32, #tpu.memory_space<hbm>>
    %dma_start3A_10 = tpu.memref_squeeze %dma_start3A_9 : memref<1x1x2x80xi32, #tpu.memory_space<hbm>> -> memref<2x80xi32, #tpu.memory_space<hbm>>
    tpu.enqueue_dma source(%dma_start3A_10 : memref<2x80xi32, #tpu.memory_space<hbm>>) target(%arg7 : memref<2x80xi32, #tpu.memory_space<vmem>>) target_semaphore(%arg15 : memref<!tpu.dma_semaphore, #tpu.memory_space<semaphore_mem>>)
    %dma_start3A_11 = arith.constant 1 : i32
    %dma_start3A_12 = arith.constant 0 : i32
    %dma_start3A_13 = arith.constant 0 : i32
    %dma_start3A_14 = tpu.memref_slice %arg3[%add3A, %dma_start3A_11, %dma_start3A_12, %dma_start3A_13] : memref<32x132x2x80xi32, #tpu.memory_space<hbm>> -> memref<1x1x2x80xi32, #tpu.memory_space<hbm>>
    %dma_start3A_15 = tpu.memref_squeeze %dma_start3A_14 : memref<1x1x2x80xi32, #tpu.memory_space<hbm>> -> memref<2x80xi32, #tpu.memory_space<hbm>>
    %dma_start3A_16 = arith.constant 0 : i32
    %dma_start3A_17 = arith.constant 0 : i32
    %dma_start3A_18 = tpu.memref_slice %arg3[%add3A, %dma_start3A_11, %dma_start3A_16, %dma_start3A_17] : memref<32x132x2x80xi32, #tpu.memory_space<hbm>> -> memref<1x1x2x80xi32, #tpu.memory_space<hbm>>
    %dma_start3A_19 = tpu.memref_squeeze %dma_start3A_18 : memref<1x1x2x80xi32, #tpu.memory_space<hbm>> -> memref<2x80xi32, #tpu.memory_space<hbm>>
    tpu.enqueue_dma source(%dma_start3A_19 : memref<2x80xi32, #tpu.memory_space<hbm>>) target(%arg8 : memref<2x80xi32, #tpu.memory_space<vmem>>) target_semaphore(%arg16 : memref<!tpu.dma_semaphore, #tpu.memory_space<semaphore_mem>>)
    %dma_start3A_20 = arith.constant 2 : i32
    %dma_start3A_21 = arith.constant 0 : i32
    %dma_start3A_22 = arith.constant 0 : i32
    %dma_start3A_23 = tpu.memref_slice %arg3[%add3A, %dma_start3A_20, %dma_start3A_21, %dma_start3A_22] : memref<32x132x2x80xi32, #tpu.memory_space<hbm>> -> memref<1x1x2x80xi32, #tpu.memory_space<hbm>>
    %dma_start3A_24 = tpu.memref_squeeze %dma_start3A_23 : memref<1x1x2x80xi32, #tpu.memory_space<hbm>> -> memref<2x80xi32, #tpu.memory_space<hbm>>
    %dma_start3A_25 = arith.constant 0 : i32
    %dma_start3A_26 = arith.constant 0 : i32
    %dma_start3A_27 = tpu.memref_slice %arg3[%add3A, %dma_start3A_20, %dma_start3A_25, %dma_start3A_26] : memref<32x132x2x80xi32, #tpu.memory_space<hbm>> -> memref<1x1x2x80xi32, #tpu.memory_space<hbm>>
    %dma_start3A_28 = tpu.memref_squeeze %dma_start3A_27 : memref<1x1x2x80xi32, #tpu.memory_space<hbm>> -> memref<2x80xi32, #tpu.memory_space<hbm>>
    tpu.enqueue_dma source(%dma_start3A_28 : memref<2x80xi32, #tpu.memory_space<hbm>>) target(%arg9 : memref<2x80xi32, #tpu.memory_space<vmem>>) target_semaphore(%arg17 : memref<!tpu.dma_semaphore, #tpu.memory_space<semaphore_mem>>)
    %dma_start3A_29 = arith.constant 3 : i32
    %dma_start3A_30 = arith.constant 0 : i32
    %dma_start3A_31 = arith.constant 0 : i32
    %dma_start3A_32 = tpu.memref_slice %arg3[%add3A, %dma_start3A_29, %dma_start3A_30, %dma_start3A_31] : memref<32x132x2x80xi32, #tpu.memory_space<hbm>> -> memref<1x1x2x80xi32, #tpu.memory_space<hbm>>
    %dma_start3A_33 = tpu.memref_squeeze %dma_start3A_32 : memref<1x1x2x80xi32, #tpu.memory_space<hbm>> -> memref<2x80xi32, #tpu.memory_space<hbm>>
    %dma_start3A_34 = arith.constant 0 : i32
    %dma_start3A_35 = arith.constant 0 : i32
    %dma_start3A_36 = tpu.memref_slice %arg3[%add3A, %dma_start3A_29, %dma_start3A_34, %dma_start3A_35] : memref<32x132x2x80xi32, #tpu.memory_space<hbm>> -> memref<1x1x2x80xi32, #tpu.memory_space<hbm>>
    %dma_start3A_37 = tpu.memref_squeeze %dma_start3A_36 : memref<1x1x2x80xi32, #tpu.memory_space<hbm>> -> memref<2x80xi32, #tpu.memory_space<hbm>>
    tpu.enqueue_dma source(%dma_start3A_37 : memref<2x80xi32, #tpu.memory_space<hbm>>) target(%arg10 : memref<2x80xi32, #tpu.memory_space<vmem>>) target_semaphore(%arg18 : memref<!tpu.dma_semaphore, #tpu.memory_space<semaphore_mem>>)
    %dma_wait3A = arith.constant 0 : i32
    %dma_wait3A_38 = arith.constant 0 : i32
    %dma_wait3A_39 = arith.constant 0 : i32
    %dma_wait3A_40 = tpu.memref_slice %arg3[%add3A, %dma_wait3A, %dma_wait3A_38, %dma_wait3A_39] : memref<32x132x2x80xi32, #tpu.memory_space<hbm>> -> memref<1x1x2x80xi32, #tpu.memory_space<hbm>>
    %dma_wait3A_41 = tpu.memref_squeeze %dma_wait3A_40 : memref<1x1x2x80xi32, #tpu.memory_space<hbm>> -> memref<2x80xi32, #tpu.memory_space<hbm>>
    %dma_wait3A_42 = arith.constant 0 : i32
    %dma_wait3A_43 = arith.constant 0 : i32
    %dma_wait3A_44 = tpu.memref_slice %arg3[%add3A, %dma_wait3A, %dma_wait3A_42, %dma_wait3A_43] : memref<32x132x2x80xi32, #tpu.memory_space<hbm>> -> memref<1x1x2x80xi32, #tpu.memory_space<hbm>>
    %dma_wait3A_45 = tpu.memref_squeeze %dma_wait3A_44 : memref<1x1x2x80xi32, #tpu.memory_space<hbm>> -> memref<2x80xi32, #tpu.memory_space<hbm>>
    tpu.wait_dma2 semaphore(%arg15 : memref<!tpu.dma_semaphore, #tpu.memory_space<semaphore_mem>>) src(%dma_wait3A_45 : memref<2x80xi32, #tpu.memory_space<hbm>>) dst(%arg7 : memref<2x80xi32, #tpu.memory_space<vmem>>)
    %dma_start3A_46 = arith.constant 0 : i32
    %dma_start3A_47 = arith.constant 0 : i32
    %dma_start3A_48 = tpu.memref_slice %arg7[%dma_start3A_46, %dma_start3A_47] : memref<2x80xi32, #tpu.memory_space<vmem>> -> memref<1x80xi32, #tpu.memory_space<vmem>>
    %dma_start3A_49 = tpu.memref_squeeze %dma_start3A_48 : memref<1x80xi32, #tpu.memory_space<vmem>> -> memref<80xi32, #tpu.memory_space<vmem>>
    %dma_start3A_50 = arith.constant 0 : i32
    %dma_start3A_51 = arith.constant 0 : i32
    %dma_start3A_52 = tpu.memref_slice %arg2[%dma_start3A_50, %dma_start3A_51] : memref<10000x128xf32, #tpu.memory_space<hbm>> -> memref<10000x128xf32, #tpu.memory_space<hbm>>
    tpu.enqueue_indirect_dma source(%dma_start3A_52 : memref<10000x128xf32, #tpu.memory_space<hbm>>) target(%arg11 : memref<80x128xf32, #tpu.memory_space<vmem>>) offsets(%dma_start3A_49 : memref<80xi32, #tpu.memory_space<vmem>>) semaphore(%arg19 : memref<!tpu.dma_semaphore, #tpu.memory_space<semaphore_mem>>)
    %dma_wait3A_53 = arith.constant 1 : i32
    %dma_wait3A_54 = arith.constant 0 : i32
    %dma_wait3A_55 = arith.constant 0 : i32
    %dma_wait3A_56 = tpu.memref_slice %arg3[%add3A, %dma_wait3A_53, %dma_wait3A_54, %dma_wait3A_55] : memref<32x132x2x80xi32, #tpu.memory_space<hbm>> -> memref<1x1x2x80xi32, #tpu.memory_space<hbm>>
    %dma_wait3A_57 = tpu.memref_squeeze %dma_wait3A_56 : memref<1x1x2x80xi32, #tpu.memory_space<hbm>> -> memref<2x80xi32, #tpu.memory_space<hbm>>
    %dma_wait3A_58 = arith.constant 0 : i32
    %dma_wait3A_59 = arith.constant 0 : i32
    %dma_wait3A_60 = tpu.memref_slice %arg3[%add3A, %dma_wait3A_53, %dma_wait3A_58, %dma_wait3A_59] : memref<32x132x2x80xi32, #tpu.memory_space<hbm>> -> memref<1x1x2x80xi32, #tpu.memory_space<hbm>>
    %dma_wait3A_61 = tpu.memref_squeeze %dma_wait3A_60 : memref<1x1x2x80xi32, #tpu.memory_space<hbm>> -> memref<2x80xi32, #tpu.memory_space<hbm>>
    tpu.wait_dma2 semaphore(%arg16 : memref<!tpu.dma_semaphore, #tpu.memory_space<semaphore_mem>>) src(%dma_wait3A_61 : memref<2x80xi32, #tpu.memory_space<hbm>>) dst(%arg8 : memref<2x80xi32, #tpu.memory_space<vmem>>)
    %dma_start3A_62 = arith.constant 0 : i32
    %dma_start3A_63 = arith.constant 0 : i32
    %dma_start3A_64 = tpu.memref_slice %arg8[%dma_start3A_62, %dma_start3A_63] : memref<2x80xi32, #tpu.memory_space<vmem>> -> memref<1x80xi32, #tpu.memory_space<vmem>>
    %dma_start3A_65 = tpu.memref_squeeze %dma_start3A_64 : memref<1x80xi32, #tpu.memory_space<vmem>> -> memref<80xi32, #tpu.memory_space<vmem>>
    %dma_start3A_66 = arith.constant 0 : i32
    %dma_start3A_67 = arith.constant 0 : i32
    %dma_start3A_68 = tpu.memref_slice %arg2[%dma_start3A_66, %dma_start3A_67] : memref<10000x128xf32, #tpu.memory_space<hbm>> -> memref<10000x128xf32, #tpu.memory_space<hbm>>
    tpu.enqueue_indirect_dma source(%dma_start3A_68 : memref<10000x128xf32, #tpu.memory_space<hbm>>) target(%arg12 : memref<80x128xf32, #tpu.memory_space<vmem>>) offsets(%dma_start3A_65 : memref<80xi32, #tpu.memory_space<vmem>>) semaphore(%arg20 : memref<!tpu.dma_semaphore, #tpu.memory_space<semaphore_mem>>)
    %barrier3A = arith.constant 0 : index
    tpu.barrier barrier_id(%barrier3A)
    %scan3A = arith.constant 0 : i32
    %scan3A_69 = arith.constant 0 : i32
    %scan3A_70 = arith.constant 32 : i32
    %scan3A_71 = arith.addi %scan3A_69, %scan3A_70 : i32
    %scan3A_72 = arith.constant 1 : i32
    scf.for %scan3A_107 = %scan3A_69 to %scan3A_71 step %scan3A_72  : i32 {
      %mul3A_108 = arith.constant 4 : i32
      %mul3A_109 = arith.muli %scan3A_107, %mul3A_108 : i32
      %add3A_110 = arith.constant 0 : i32
      %add3A_111 = arith.addi %mul3A_109, %add3A_110 : i32
      %add3A_112 = arith.constant 2 : i32
      %add3A_113 = arith.addi %add3A_111, %add3A_112 : i32
      %dma_wait3A_114 = arith.constant 0 : i32
      %dma_wait3A_115 = arith.constant 0 : i32
      %dma_wait3A_116 = tpu.memref_slice %arg3[%add3A, %add3A_113, %dma_wait3A_114, %dma_wait3A_115] : memref<32x132x2x80xi32, #tpu.memory_space<hbm>> -> memref<1x1x2x80xi32, #tpu.memory_space<hbm>>
      %dma_wait3A_117 = tpu.memref_squeeze %dma_wait3A_116 : memref<1x1x2x80xi32, #tpu.memory_space<hbm>> -> memref<2x80xi32, #tpu.memory_space<hbm>>
      %dma_wait3A_118 = arith.constant 0 : i32
      %dma_wait3A_119 = arith.constant 0 : i32
      %dma_wait3A_120 = tpu.memref_slice %arg3[%add3A, %add3A_113, %dma_wait3A_118, %dma_wait3A_119] : memref<32x132x2x80xi32, #tpu.memory_space<hbm>> -> memref<1x1x2x80xi32, #tpu.memory_space<hbm>>
      %dma_wait3A_121 = tpu.memref_squeeze %dma_wait3A_120 : memref<1x1x2x80xi32, #tpu.memory_space<hbm>> -> memref<2x80xi32, #tpu.memory_space<hbm>>
      tpu.wait_dma2 semaphore(%arg17 : memref<!tpu.dma_semaphore, #tpu.memory_space<semaphore_mem>>) src(%dma_wait3A_121 : memref<2x80xi32, #tpu.memory_space<hbm>>) dst(%arg9 : memref<2x80xi32, #tpu.memory_space<vmem>>)
      %dma_start3A_122 = arith.constant 0 : i32
      %dma_start3A_123 = arith.constant 0 : i32
      %dma_start3A_124 = tpu.memref_slice %arg9[%dma_start3A_122, %dma_start3A_123] : memref<2x80xi32, #tpu.memory_space<vmem>> -> memref<1x80xi32, #tpu.memory_space<vmem>>
      %dma_start3A_125 = tpu.memref_squeeze %dma_start3A_124 : memref<1x80xi32, #tpu.memory_space<vmem>> -> memref<80xi32, #tpu.memory_space<vmem>>
      %dma_start3A_126 = arith.constant 0 : i32
      %dma_start3A_127 = arith.constant 0 : i32
      %dma_start3A_128 = tpu.memref_slice %arg2[%dma_start3A_126, %dma_start3A_127] : memref<10000x128xf32, #tpu.memory_space<hbm>> -> memref<10000x128xf32, #tpu.memory_space<hbm>>
      tpu.enqueue_indirect_dma source(%dma_start3A_128 : memref<10000x128xf32, #tpu.memory_space<hbm>>) target(%arg13 : memref<80x128xf32, #tpu.memory_space<vmem>>) offsets(%dma_start3A_125 : memref<80xi32, #tpu.memory_space<vmem>>) semaphore(%arg21 : memref<!tpu.dma_semaphore, #tpu.memory_space<semaphore_mem>>)
      %dma_wait3A_129 = arith.constant 0 : i32
      %dma_wait3A_130 = arith.constant 0 : i32
      %dma_wait3A_131 = tpu.memref_slice %arg7[%dma_wait3A_129, %dma_wait3A_130] : memref<2x80xi32, #tpu.memory_space<vmem>> -> memref<1x80xi32, #tpu.memory_space<vmem>>
      %dma_wait3A_132 = tpu.memref_squeeze %dma_wait3A_131 : memref<1x80xi32, #tpu.memory_space<vmem>> -> memref<80xi32, #tpu.memory_space<vmem>>
      %dma_wait3A_133 = arith.constant 0 : i32
      %dma_wait3A_134 = arith.constant 0 : i32
      %dma_wait3A_135 = tpu.memref_slice %arg2[%dma_wait3A_133, %dma_wait3A_134] : memref<10000x128xf32, #tpu.memory_space<hbm>> -> memref<10000x128xf32, #tpu.memory_space<hbm>>
      tpu.wait_indirect_dma semaphore(%arg19 : memref<!tpu.dma_semaphore, #tpu.memory_space<semaphore_mem>>) src(%dma_wait3A_135 : memref<10000x128xf32, #tpu.memory_space<hbm>>) dst(%arg11 : memref<80x128xf32, #tpu.memory_space<vmem>>)
      %run_scoped3A = arith.constant 1 : i32
      "tpu.region"() ({
        %run_scoped3A_257 = tpu.sem_alloc : memref<!tpu.dma_semaphore, #tpu.memory_space<semaphore_mem>>
        %dma_start3A_258 = arith.constant 0 : i32
        %dma_start3A_259 = tpu.memref_slice %arg7[%run_scoped3A, %dma_start3A_258] : memref<2x80xi32, #tpu.memory_space<vmem>> -> memref<1x80xi32, #tpu.memory_space<vmem>>
        %dma_start3A_260 = tpu.memref_squeeze %dma_start3A_259 : memref<1x80xi32, #tpu.memory_space<vmem>> -> memref<80xi32, #tpu.memory_space<vmem>>
        %dma_start3A_261 = arith.constant 0 : i32
        %dma_start3A_262 = arith.constant 0 : i32
        %dma_start3A_263 = tpu.memref_slice %arg6[%dma_start3A_261, %dma_start3A_262] : memref<10240x128xf32, #tpu.memory_space<vmem_shared>> -> memref<10240x128xf32, #tpu.memory_space<vmem_shared>>
        tpu.enqueue_indirect_dma source(%arg11 : memref<80x128xf32, #tpu.memory_space<vmem>>) target(%dma_start3A_263 : memref<10240x128xf32, #tpu.memory_space<vmem_shared>>) offsets(%dma_start3A_260 : memref<80xi32, #tpu.memory_space<vmem>>) semaphore(%run_scoped3A_257 : memref<!tpu.dma_semaphore, #tpu.memory_space<semaphore_mem>>) {add = true}
        %dma_wait3A_264 = arith.constant 0 : i32
        %dma_wait3A_265 = tpu.memref_slice %arg7[%run_scoped3A, %dma_wait3A_264] : memref<2x80xi32, #tpu.memory_space<vmem>> -> memref<1x80xi32, #tpu.memory_space<vmem>>
        %dma_wait3A_266 = tpu.memref_squeeze %dma_wait3A_265 : memref<1x80xi32, #tpu.memory_space<vmem>> -> memref<80xi32, #tpu.memory_space<vmem>>
        %dma_wait3A_267 = arith.constant 0 : i32
        %dma_wait3A_268 = arith.constant 0 : i32
        %dma_wait3A_269 = tpu.memref_slice %arg6[%dma_wait3A_267, %dma_wait3A_268] : memref<10240x128xf32, #tpu.memory_space<vmem_shared>> -> memref<10240x128xf32, #tpu.memory_space<vmem_shared>>
        tpu.wait_indirect_dma semaphore(%run_scoped3A_257 : memref<!tpu.dma_semaphore, #tpu.memory_space<semaphore_mem>>) src(%arg11 : memref<80x128xf32, #tpu.memory_space<vmem>>) dst(%dma_wait3A_269 : memref<10240x128xf32, #tpu.memory_space<vmem_shared>>)
        tpu.yield
      }) : () -> ()
      %add3A_136 = arith.constant 4 : i32
      %add3A_137 = arith.addi %add3A_111, %add3A_136 : i32
      %dma_start3A_138 = arith.constant 0 : i32
      %dma_start3A_139 = arith.constant 0 : i32
      %dma_start3A_140 = tpu.memref_slice %arg3[%add3A, %add3A_137, %dma_start3A_138, %dma_start3A_139] : memref<32x132x2x80xi32, #tpu.memory_space<hbm>> -> memref<1x1x2x80xi32, #tpu.memory_space<hbm>>
      %dma_start3A_141 = tpu.memref_squeeze %dma_start3A_140 : memref<1x1x2x80xi32, #tpu.memory_space<hbm>> -> memref<2x80xi32, #tpu.memory_space<hbm>>
      %dma_start3A_142 = arith.constant 0 : i32
      %dma_start3A_143 = arith.constant 0 : i32
      %dma_start3A_144 = tpu.memref_slice %arg3[%add3A, %add3A_137, %dma_start3A_142, %dma_start3A_143] : memref<32x132x2x80xi32, #tpu.memory_space<hbm>> -> memref<1x1x2x80xi32, #tpu.memory_space<hbm>>
      %dma_start3A_145 = tpu.memref_squeeze %dma_start3A_144 : memref<1x1x2x80xi32, #tpu.memory_space<hbm>> -> memref<2x80xi32, #tpu.memory_space<hbm>>
      tpu.enqueue_dma source(%dma_start3A_145 : memref<2x80xi32, #tpu.memory_space<hbm>>) target(%arg7 : memref<2x80xi32, #tpu.memory_space<vmem>>) target_semaphore(%arg15 : memref<!tpu.dma_semaphore, #tpu.memory_space<semaphore_mem>>)
      %add3A_146 = arith.constant 1 : i32
      %add3A_147 = arith.addi %mul3A_109, %add3A_146 : i32
      %add3A_148 = arith.constant 2 : i32
      %add3A_149 = arith.addi %add3A_147, %add3A_148 : i32
      %dma_wait3A_150 = arith.constant 0 : i32
      %dma_wait3A_151 = arith.constant 0 : i32
      %dma_wait3A_152 = tpu.memref_slice %arg3[%add3A, %add3A_149, %dma_wait3A_150, %dma_wait3A_151] : memref<32x132x2x80xi32, #tpu.memory_space<hbm>> -> memref<1x1x2x80xi32, #tpu.memory_space<hbm>>
      %dma_wait3A_153 = tpu.memref_squeeze %dma_wait3A_152 : memref<1x1x2x80xi32, #tpu.memory_space<hbm>> -> memref<2x80xi32, #tpu.memory_space<hbm>>
      %dma_wait3A_154 = arith.constant 0 : i32
      %dma_wait3A_155 = arith.constant 0 : i32
      %dma_wait3A_156 = tpu.memref_slice %arg3[%add3A, %add3A_149, %dma_wait3A_154, %dma_wait3A_155] : memref<32x132x2x80xi32, #tpu.memory_space<hbm>> -> memref<1x1x2x80xi32, #tpu.memory_space<hbm>>
      %dma_wait3A_157 = tpu.memref_squeeze %dma_wait3A_156 : memref<1x1x2x80xi32, #tpu.memory_space<hbm>> -> memref<2x80xi32, #tpu.memory_space<hbm>>
      tpu.wait_dma2 semaphore(%arg18 : memref<!tpu.dma_semaphore, #tpu.memory_space<semaphore_mem>>) src(%dma_wait3A_157 : memref<2x80xi32, #tpu.memory_space<hbm>>) dst(%arg10 : memref<2x80xi32, #tpu.memory_space<vmem>>)
      %dma_start3A_158 = arith.constant 0 : i32
      %dma_start3A_159 = arith.constant 0 : i32
      %dma_start3A_160 = tpu.memref_slice %arg10[%dma_start3A_158, %dma_start3A_159] : memref<2x80xi32, #tpu.memory_space<vmem>> -> memref<1x80xi32, #tpu.memory_space<vmem>>
      %dma_start3A_161 = tpu.memref_squeeze %dma_start3A_160 : memref<1x80xi32, #tpu.memory_space<vmem>> -> memref<80xi32, #tpu.memory_space<vmem>>
      %dma_start3A_162 = arith.constant 0 : i32
      %dma_start3A_163 = arith.constant 0 : i32
      %dma_start3A_164 = tpu.memref_slice %arg2[%dma_start3A_162, %dma_start3A_163] : memref<10000x128xf32, #tpu.memory_space<hbm>> -> memref<10000x128xf32, #tpu.memory_space<hbm>>
      tpu.enqueue_indirect_dma source(%dma_start3A_164 : memref<10000x128xf32, #tpu.memory_space<hbm>>) target(%arg14 : memref<80x128xf32, #tpu.memory_space<vmem>>) offsets(%dma_start3A_161 : memref<80xi32, #tpu.memory_space<vmem>>) semaphore(%arg22 : memref<!tpu.dma_semaphore, #tpu.memory_space<semaphore_mem>>)
      %dma_wait3A_165 = arith.constant 0 : i32
      %dma_wait3A_166 = arith.constant 0 : i32
      %dma_wait3A_167 = tpu.memref_slice %arg8[%dma_wait3A_165, %dma_wait3A_166] : memref<2x80xi32, #tpu.memory_space<vmem>> -> memref<1x80xi32, #tpu.memory_space<vmem>>
      %dma_wait3A_168 = tpu.memref_squeeze %dma_wait3A_167 : memref<1x80xi32, #tpu.memory_space<vmem>> -> memref<80xi32, #tpu.memory_space<vmem>>
      %dma_wait3A_169 = arith.constant 0 : i32
      %dma_wait3A_170 = arith.constant 0 : i32
      %dma_wait3A_171 = tpu.memref_slice %arg2[%dma_wait3A_169, %dma_wait3A_170] : memref<10000x128xf32, #tpu.memory_space<hbm>> -> memref<10000x128xf32, #tpu.memory_space<hbm>>
      tpu.wait_indirect_dma semaphore(%arg20 : memref<!tpu.dma_semaphore, #tpu.memory_space<semaphore_mem>>) src(%dma_wait3A_171 : memref<10000x128xf32, #tpu.memory_space<hbm>>) dst(%arg12 : memref<80x128xf32, #tpu.memory_space<vmem>>)
      %run_scoped3A_172 = arith.constant 1 : i32
      "tpu.region"() ({
        %run_scoped3A_257 = tpu.sem_alloc : memref<!tpu.dma_semaphore, #tpu.memory_space<semaphore_mem>>
        %dma_start3A_258 = arith.constant 0 : i32
        %dma_start3A_259 = tpu.memref_slice %arg8[%run_scoped3A_172, %dma_start3A_258] : memref<2x80xi32, #tpu.memory_space<vmem>> -> memref<1x80xi32, #tpu.memory_space<vmem>>
        %dma_start3A_260 = tpu.memref_squeeze %dma_start3A_259 : memref<1x80xi32, #tpu.memory_space<vmem>> -> memref<80xi32, #tpu.memory_space<vmem>>
        %dma_start3A_261 = arith.constant 0 : i32
        %dma_start3A_262 = arith.constant 0 : i32
        %dma_start3A_263 = tpu.memref_slice %arg6[%dma_start3A_261, %dma_start3A_262] : memref<10240x128xf32, #tpu.memory_space<vmem_shared>> -> memref<10240x128xf32, #tpu.memory_space<vmem_shared>>
        tpu.enqueue_indirect_dma source(%arg12 : memref<80x128xf32, #tpu.memory_space<vmem>>) target(%dma_start3A_263 : memref<10240x128xf32, #tpu.memory_space<vmem_shared>>) offsets(%dma_start3A_260 : memref<80xi32, #tpu.memory_space<vmem>>) semaphore(%run_scoped3A_257 : memref<!tpu.dma_semaphore, #tpu.memory_space<semaphore_mem>>) {add = true}
        %dma_wait3A_264 = arith.constant 0 : i32
        %dma_wait3A_265 = tpu.memref_slice %arg8[%run_scoped3A_172, %dma_wait3A_264] : memref<2x80xi32, #tpu.memory_space<vmem>> -> memref<1x80xi32, #tpu.memory_space<vmem>>
        %dma_wait3A_266 = tpu.memref_squeeze %dma_wait3A_265 : memref<1x80xi32, #tpu.memory_space<vmem>> -> memref<80xi32, #tpu.memory_space<vmem>>
        %dma_wait3A_267 = arith.constant 0 : i32
        %dma_wait3A_268 = arith.constant 0 : i32
        %dma_wait3A_269 = tpu.memref_slice %arg6[%dma_wait3A_267, %dma_wait3A_268] : memref<10240x128xf32, #tpu.memory_space<vmem_shared>> -> memref<10240x128xf32, #tpu.memory_space<vmem_shared>>
        tpu.wait_indirect_dma semaphore(%run_scoped3A_257 : memref<!tpu.dma_semaphore, #tpu.memory_space<semaphore_mem>>) src(%arg12 : memref<80x128xf32, #tpu.memory_space<vmem>>) dst(%dma_wait3A_269 : memref<10240x128xf32, #tpu.memory_space<vmem_shared>>)
        tpu.yield
      }) : () -> ()
      %add3A_173 = arith.constant 4 : i32
      %add3A_174 = arith.addi %add3A_147, %add3A_173 : i32
      %dma_start3A_175 = arith.constant 0 : i32
      %dma_start3A_176 = arith.constant 0 : i32
      %dma_start3A_177 = tpu.memref_slice %arg3[%add3A, %add3A_174, %dma_start3A_175, %dma_start3A_176] : memref<32x132x2x80xi32, #tpu.memory_space<hbm>> -> memref<1x1x2x80xi32, #tpu.memory_space<hbm>>
      %dma_start3A_178 = tpu.memref_squeeze %dma_start3A_177 : memref<1x1x2x80xi32, #tpu.memory_space<hbm>> -> memref<2x80xi32, #tpu.memory_space<hbm>>
      %dma_start3A_179 = arith.constant 0 : i32
      %dma_start3A_180 = arith.constant 0 : i32
      %dma_start3A_181 = tpu.memref_slice %arg3[%add3A, %add3A_174, %dma_start3A_179, %dma_start3A_180] : memref<32x132x2x80xi32, #tpu.memory_space<hbm>> -> memref<1x1x2x80xi32, #tpu.memory_space<hbm>>
      %dma_start3A_182 = tpu.memref_squeeze %dma_start3A_181 : memref<1x1x2x80xi32, #tpu.memory_space<hbm>> -> memref<2x80xi32, #tpu.memory_space<hbm>>
      tpu.enqueue_dma source(%dma_start3A_182 : memref<2x80xi32, #tpu.memory_space<hbm>>) target(%arg8 : memref<2x80xi32, #tpu.memory_space<vmem>>) target_semaphore(%arg16 : memref<!tpu.dma_semaphore, #tpu.memory_space<semaphore_mem>>)
      %add3A_183 = arith.constant 2 : i32
      %add3A_184 = arith.addi %mul3A_109, %add3A_183 : i32
      %add3A_185 = arith.constant 2 : i32
      %add3A_186 = arith.addi %add3A_184, %add3A_185 : i32
      %dma_wait3A_187 = arith.constant 0 : i32
      %dma_wait3A_188 = arith.constant 0 : i32
      %dma_wait3A_189 = tpu.memref_slice %arg3[%add3A, %add3A_186, %dma_wait3A_187, %dma_wait3A_188] : memref<32x132x2x80xi32, #tpu.memory_space<hbm>> -> memref<1x1x2x80xi32, #tpu.memory_space<hbm>>
      %dma_wait3A_190 = tpu.memref_squeeze %dma_wait3A_189 : memref<1x1x2x80xi32, #tpu.memory_space<hbm>> -> memref<2x80xi32, #tpu.memory_space<hbm>>
      %dma_wait3A_191 = arith.constant 0 : i32
      %dma_wait3A_192 = arith.constant 0 : i32
      %dma_wait3A_193 = tpu.memref_slice %arg3[%add3A, %add3A_186, %dma_wait3A_191, %dma_wait3A_192] : memref<32x132x2x80xi32, #tpu.memory_space<hbm>> -> memref<1x1x2x80xi32, #tpu.memory_space<hbm>>
      %dma_wait3A_194 = tpu.memref_squeeze %dma_wait3A_193 : memref<1x1x2x80xi32, #tpu.memory_space<hbm>> -> memref<2x80xi32, #tpu.memory_space<hbm>>
      tpu.wait_dma2 semaphore(%arg15 : memref<!tpu.dma_semaphore, #tpu.memory_space<semaphore_mem>>) src(%dma_wait3A_194 : memref<2x80xi32, #tpu.memory_space<hbm>>) dst(%arg7 : memref<2x80xi32, #tpu.memory_space<vmem>>)
      %dma_start3A_195 = arith.constant 0 : i32
      %dma_start3A_196 = arith.constant 0 : i32
      %dma_start3A_197 = tpu.memref_slice %arg7[%dma_start3A_195, %dma_start3A_196] : memref<2x80xi32, #tpu.memory_space<vmem>> -> memref<1x80xi32, #tpu.memory_space<vmem>>
      %dma_start3A_198 = tpu.memref_squeeze %dma_start3A_197 : memref<1x80xi32, #tpu.memory_space<vmem>> -> memref<80xi32, #tpu.memory_space<vmem>>
      %dma_start3A_199 = arith.constant 0 : i32
      %dma_start3A_200 = arith.constant 0 : i32
      %dma_start3A_201 = tpu.memref_slice %arg2[%dma_start3A_199, %dma_start3A_200] : memref<10000x128xf32, #tpu.memory_space<hbm>> -> memref<10000x128xf32, #tpu.memory_space<hbm>>
      tpu.enqueue_indirect_dma source(%dma_start3A_201 : memref<10000x128xf32, #tpu.memory_space<hbm>>) target(%arg11 : memref<80x128xf32, #tpu.memory_space<vmem>>) offsets(%dma_start3A_198 : memref<80xi32, #tpu.memory_space<vmem>>) semaphore(%arg19 : memref<!tpu.dma_semaphore, #tpu.memory_space<semaphore_mem>>)
      %dma_wait3A_202 = arith.constant 0 : i32
      %dma_wait3A_203 = arith.constant 0 : i32
      %dma_wait3A_204 = tpu.memref_slice %arg9[%dma_wait3A_202, %dma_wait3A_203] : memref<2x80xi32, #tpu.memory_space<vmem>> -> memref<1x80xi32, #tpu.memory_space<vmem>>
      %dma_wait3A_205 = tpu.memref_squeeze %dma_wait3A_204 : memref<1x80xi32, #tpu.memory_space<vmem>> -> memref<80xi32, #tpu.memory_space<vmem>>
      %dma_wait3A_206 = arith.constant 0 : i32
      %dma_wait3A_207 = arith.constant 0 : i32
      %dma_wait3A_208 = tpu.memref_slice %arg2[%dma_wait3A_206, %dma_wait3A_207] : memref<10000x128xf32, #tpu.memory_space<hbm>> -> memref<10000x128xf32, #tpu.memory_space<hbm>>
      tpu.wait_indirect_dma semaphore(%arg21 : memref<!tpu.dma_semaphore, #tpu.memory_space<semaphore_mem>>) src(%dma_wait3A_208 : memref<10000x128xf32, #tpu.memory_space<hbm>>) dst(%arg13 : memref<80x128xf32, #tpu.memory_space<vmem>>)
      %run_scoped3A_209 = arith.constant 1 : i32
      "tpu.region"() ({
        %run_scoped3A_257 = tpu.sem_alloc : memref<!tpu.dma_semaphore, #tpu.memory_space<semaphore_mem>>
        %dma_start3A_258 = arith.constant 0 : i32
        %dma_start3A_259 = tpu.memref_slice %arg9[%run_scoped3A_209, %dma_start3A_258] : memref<2x80xi32, #tpu.memory_space<vmem>> -> memref<1x80xi32, #tpu.memory_space<vmem>>
        %dma_start3A_260 = tpu.memref_squeeze %dma_start3A_259 : memref<1x80xi32, #tpu.memory_space<vmem>> -> memref<80xi32, #tpu.memory_space<vmem>>
        %dma_start3A_261 = arith.constant 0 : i32
        %dma_start3A_262 = arith.constant 0 : i32
        %dma_start3A_263 = tpu.memref_slice %arg6[%dma_start3A_261, %dma_start3A_262] : memref<10240x128xf32, #tpu.memory_space<vmem_shared>> -> memref<10240x128xf32, #tpu.memory_space<vmem_shared>>
        tpu.enqueue_indirect_dma source(%arg13 : memref<80x128xf32, #tpu.memory_space<vmem>>) target(%dma_start3A_263 : memref<10240x128xf32, #tpu.memory_space<vmem_shared>>) offsets(%dma_start3A_260 : memref<80xi32, #tpu.memory_space<vmem>>) semaphore(%run_scoped3A_257 : memref<!tpu.dma_semaphore, #tpu.memory_space<semaphore_mem>>) {add = true}
        %dma_wait3A_264 = arith.constant 0 : i32
        %dma_wait3A_265 = tpu.memref_slice %arg9[%run_scoped3A_209, %dma_wait3A_264] : memref<2x80xi32, #tpu.memory_space<vmem>> -> memref<1x80xi32, #tpu.memory_space<vmem>>
        %dma_wait3A_266 = tpu.memref_squeeze %dma_wait3A_265 : memref<1x80xi32, #tpu.memory_space<vmem>> -> memref<80xi32, #tpu.memory_space<vmem>>
        %dma_wait3A_267 = arith.constant 0 : i32
        %dma_wait3A_268 = arith.constant 0 : i32
        %dma_wait3A_269 = tpu.memref_slice %arg6[%dma_wait3A_267, %dma_wait3A_268] : memref<10240x128xf32, #tpu.memory_space<vmem_shared>> -> memref<10240x128xf32, #tpu.memory_space<vmem_shared>>
        tpu.wait_indirect_dma semaphore(%run_scoped3A_257 : memref<!tpu.dma_semaphore, #tpu.memory_space<semaphore_mem>>) src(%arg13 : memref<80x128xf32, #tpu.memory_space<vmem>>) dst(%dma_wait3A_269 : memref<10240x128xf32, #tpu.memory_space<vmem_shared>>)
        tpu.yield
      }) : () -> ()
      %add3A_210 = arith.constant 4 : i32
      %add3A_211 = arith.addi %add3A_184, %add3A_210 : i32
      %dma_start3A_212 = arith.constant 0 : i32
      %dma_start3A_213 = arith.constant 0 : i32
      %dma_start3A_214 = tpu.memref_slice %arg3[%add3A, %add3A_211, %dma_start3A_212, %dma_start3A_213] : memref<32x132x2x80xi32, #tpu.memory_space<hbm>> -> memref<1x1x2x80xi32, #tpu.memory_space<hbm>>
      %dma_start3A_215 = tpu.memref_squeeze %dma_start3A_214 : memref<1x1x2x80xi32, #tpu.memory_space<hbm>> -> memref<2x80xi32, #tpu.memory_space<hbm>>
      %dma_start3A_216 = arith.constant 0 : i32
      %dma_start3A_217 = arith.constant 0 : i32
      %dma_start3A_218 = tpu.memref_slice %arg3[%add3A, %add3A_211, %dma_start3A_216, %dma_start3A_217] : memref<32x132x2x80xi32, #tpu.memory_space<hbm>> -> memref<1x1x2x80xi32, #tpu.memory_space<hbm>>
      %dma_start3A_219 = tpu.memref_squeeze %dma_start3A_218 : memref<1x1x2x80xi32, #tpu.memory_space<hbm>> -> memref<2x80xi32, #tpu.memory_space<hbm>>
      tpu.enqueue_dma source(%dma_start3A_219 : memref<2x80xi32, #tpu.memory_space<hbm>>) target(%arg9 : memref<2x80xi32, #tpu.memory_space<vmem>>) target_semaphore(%arg17 : memref<!tpu.dma_semaphore, #tpu.memory_space<semaphore_mem>>)
      %add3A_220 = arith.constant 3 : i32
      %add3A_221 = arith.addi %mul3A_109, %add3A_220 : i32
      %add3A_222 = arith.constant 2 : i32
      %add3A_223 = arith.addi %add3A_221, %add3A_222 : i32
      %dma_wait3A_224 = arith.constant 0 : i32
      %dma_wait3A_225 = arith.constant 0 : i32
      %dma_wait3A_226 = tpu.memref_slice %arg3[%add3A, %add3A_223, %dma_wait3A_224, %dma_wait3A_225] : memref<32x132x2x80xi32, #tpu.memory_space<hbm>> -> memref<1x1x2x80xi32, #tpu.memory_space<hbm>>
      %dma_wait3A_227 = tpu.memref_squeeze %dma_wait3A_226 : memref<1x1x2x80xi32, #tpu.memory_space<hbm>> -> memref<2x80xi32, #tpu.memory_space<hbm>>
      %dma_wait3A_228 = arith.constant 0 : i32
      %dma_wait3A_229 = arith.constant 0 : i32
      %dma_wait3A_230 = tpu.memref_slice %arg3[%add3A, %add3A_223, %dma_wait3A_228, %dma_wait3A_229] : memref<32x132x2x80xi32, #tpu.memory_space<hbm>> -> memref<1x1x2x80xi32, #tpu.memory_space<hbm>>
      %dma_wait3A_231 = tpu.memref_squeeze %dma_wait3A_230 : memref<1x1x2x80xi32, #tpu.memory_space<hbm>> -> memref<2x80xi32, #tpu.memory_space<hbm>>
      tpu.wait_dma2 semaphore(%arg16 : memref<!tpu.dma_semaphore, #tpu.memory_space<semaphore_mem>>) src(%dma_wait3A_231 : memref<2x80xi32, #tpu.memory_space<hbm>>) dst(%arg8 : memref<2x80xi32, #tpu.memory_space<vmem>>)
      %dma_start3A_232 = arith.constant 0 : i32
      %dma_start3A_233 = arith.constant 0 : i32
      %dma_start3A_234 = tpu.memref_slice %arg8[%dma_start3A_232, %dma_start3A_233] : memref<2x80xi32, #tpu.memory_space<vmem>> -> memref<1x80xi32, #tpu.memory_space<vmem>>
      %dma_start3A_235 = tpu.memref_squeeze %dma_start3A_234 : memref<1x80xi32, #tpu.memory_space<vmem>> -> memref<80xi32, #tpu.memory_space<vmem>>
      %dma_start3A_236 = arith.constant 0 : i32
      %dma_start3A_237 = arith.constant 0 : i32
      %dma_start3A_238 = tpu.memref_slice %arg2[%dma_start3A_236, %dma_start3A_237] : memref<10000x128xf32, #tpu.memory_space<hbm>> -> memref<10000x128xf32, #tpu.memory_space<hbm>>
      tpu.enqueue_indirect_dma source(%dma_start3A_238 : memref<10000x128xf32, #tpu.memory_space<hbm>>) target(%arg12 : memref<80x128xf32, #tpu.memory_space<vmem>>) offsets(%dma_start3A_235 : memref<80xi32, #tpu.memory_space<vmem>>) semaphore(%arg20 : memref<!tpu.dma_semaphore, #tpu.memory_space<semaphore_mem>>)
      %dma_wait3A_239 = arith.constant 0 : i32
      %dma_wait3A_240 = arith.constant 0 : i32
      %dma_wait3A_241 = tpu.memref_slice %arg10[%dma_wait3A_239, %dma_wait3A_240] : memref<2x80xi32, #tpu.memory_space<vmem>> -> memref<1x80xi32, #tpu.memory_space<vmem>>
      %dma_wait3A_242 = tpu.memref_squeeze %dma_wait3A_241 : memref<1x80xi32, #tpu.memory_space<vmem>> -> memref<80xi32, #tpu.memory_space<vmem>>
      %dma_wait3A_243 = arith.constant 0 : i32
      %dma_wait3A_244 = arith.constant 0 : i32
      %dma_wait3A_245 = tpu.memref_slice %arg2[%dma_wait3A_243, %dma_wait3A_244] : memref<10000x128xf32, #tpu.memory_space<hbm>> -> memref<10000x128xf32, #tpu.memory_space<hbm>>
      tpu.wait_indirect_dma semaphore(%arg22 : memref<!tpu.dma_semaphore, #tpu.memory_space<semaphore_mem>>) src(%dma_wait3A_245 : memref<10000x128xf32, #tpu.memory_space<hbm>>) dst(%arg14 : memref<80x128xf32, #tpu.memory_space<vmem>>)
      %run_scoped3A_246 = arith.constant 1 : i32
      "tpu.region"() ({
        %run_scoped3A_257 = tpu.sem_alloc : memref<!tpu.dma_semaphore, #tpu.memory_space<semaphore_mem>>
        %dma_start3A_258 = arith.constant 0 : i32
        %dma_start3A_259 = tpu.memref_slice %arg10[%run_scoped3A_246, %dma_start3A_258] : memref<2x80xi32, #tpu.memory_space<vmem>> -> memref<1x80xi32, #tpu.memory_space<vmem>>
        %dma_start3A_260 = tpu.memref_squeeze %dma_start3A_259 : memref<1x80xi32, #tpu.memory_space<vmem>> -> memref<80xi32, #tpu.memory_space<vmem>>
        %dma_start3A_261 = arith.constant 0 : i32
        %dma_start3A_262 = arith.constant 0 : i32
        %dma_start3A_263 = tpu.memref_slice %arg6[%dma_start3A_261, %dma_start3A_262] : memref<10240x128xf32, #tpu.memory_space<vmem_shared>> -> memref<10240x128xf32, #tpu.memory_space<vmem_shared>>
        tpu.enqueue_indirect_dma source(%arg14 : memref<80x128xf32, #tpu.memory_space<vmem>>) target(%dma_start3A_263 : memref<10240x128xf32, #tpu.memory_space<vmem_shared>>) offsets(%dma_start3A_260 : memref<80xi32, #tpu.memory_space<vmem>>) semaphore(%run_scoped3A_257 : memref<!tpu.dma_semaphore, #tpu.memory_space<semaphore_mem>>) {add = true}
        %dma_wait3A_264 = arith.constant 0 : i32
        %dma_wait3A_265 = tpu.memref_slice %arg10[%run_scoped3A_246, %dma_wait3A_264] : memref<2x80xi32, #tpu.memory_space<vmem>> -> memref<1x80xi32, #tpu.memory_space<vmem>>
        %dma_wait3A_266 = tpu.memref_squeeze %dma_wait3A_265 : memref<1x80xi32, #tpu.memory_space<vmem>> -> memref<80xi32, #tpu.memory_space<vmem>>
        %dma_wait3A_267 = arith.constant 0 : i32
        %dma_wait3A_268 = arith.constant 0 : i32
        %dma_wait3A_269 = tpu.memref_slice %arg6[%dma_wait3A_267, %dma_wait3A_268] : memref<10240x128xf32, #tpu.memory_space<vmem_shared>> -> memref<10240x128xf32, #tpu.memory_space<vmem_shared>>
        tpu.wait_indirect_dma semaphore(%run_scoped3A_257 : memref<!tpu.dma_semaphore, #tpu.memory_space<semaphore_mem>>) src(%arg14 : memref<80x128xf32, #tpu.memory_space<vmem>>) dst(%dma_wait3A_269 : memref<10240x128xf32, #tpu.memory_space<vmem_shared>>)
        tpu.yield
      }) : () -> ()
      %add3A_247 = arith.constant 4 : i32
      %add3A_248 = arith.addi %add3A_221, %add3A_247 : i32
      %dma_start3A_249 = arith.constant 0 : i32
      %dma_start3A_250 = arith.constant 0 : i32
      %dma_start3A_251 = tpu.memref_slice %arg3[%add3A, %add3A_248, %dma_start3A_249, %dma_start3A_250] : memref<32x132x2x80xi32, #tpu.memory_space<hbm>> -> memref<1x1x2x80xi32, #tpu.memory_space<hbm>>
      %dma_start3A_252 = tpu.memref_squeeze %dma_start3A_251 : memref<1x1x2x80xi32, #tpu.memory_space<hbm>> -> memref<2x80xi32, #tpu.memory_space<hbm>>
      %dma_start3A_253 = arith.constant 0 : i32
      %dma_start3A_254 = arith.constant 0 : i32
      %dma_start3A_255 = tpu.memref_slice %arg3[%add3A, %add3A_248, %dma_start3A_253, %dma_start3A_254] : memref<32x132x2x80xi32, #tpu.memory_space<hbm>> -> memref<1x1x2x80xi32, #tpu.memory_space<hbm>>
      %dma_start3A_256 = tpu.memref_squeeze %dma_start3A_255 : memref<1x1x2x80xi32, #tpu.memory_space<hbm>> -> memref<2x80xi32, #tpu.memory_space<hbm>>
      tpu.enqueue_dma source(%dma_start3A_256 : memref<2x80xi32, #tpu.memory_space<hbm>>) target(%arg10 : memref<2x80xi32, #tpu.memory_space<vmem>>) target_semaphore(%arg18 : memref<!tpu.dma_semaphore, #tpu.memory_space<semaphore_mem>>)
    }
    %scan3A_73 = arith.constant 32 : i32
    %dma_wait3A_74 = arith.constant 0 : i32
    %dma_wait3A_75 = arith.constant 0 : i32
    %dma_wait3A_76 = tpu.memref_slice %arg7[%dma_wait3A_74, %dma_wait3A_75] : memref<2x80xi32, #tpu.memory_space<vmem>> -> memref<1x80xi32, #tpu.memory_space<vmem>>
    %dma_wait3A_77 = tpu.memref_squeeze %dma_wait3A_76 : memref<1x80xi32, #tpu.memory_space<vmem>> -> memref<80xi32, #tpu.memory_space<vmem>>
    %dma_wait3A_78 = arith.constant 0 : i32
    %dma_wait3A_79 = arith.constant 0 : i32
    %dma_wait3A_80 = tpu.memref_slice %arg2[%dma_wait3A_78, %dma_wait3A_79] : memref<10000x128xf32, #tpu.memory_space<hbm>> -> memref<10000x128xf32, #tpu.memory_space<hbm>>
    tpu.wait_indirect_dma semaphore(%arg19 : memref<!tpu.dma_semaphore, #tpu.memory_space<semaphore_mem>>) src(%dma_wait3A_80 : memref<10000x128xf32, #tpu.memory_space<hbm>>) dst(%arg11 : memref<80x128xf32, #tpu.memory_space<vmem>>)
    %dma_wait3A_81 = arith.constant 0 : i32
    %dma_wait3A_82 = arith.constant 0 : i32
    %dma_wait3A_83 = tpu.memref_slice %arg8[%dma_wait3A_81, %dma_wait3A_82] : memref<2x80xi32, #tpu.memory_space<vmem>> -> memref<1x80xi32, #tpu.memory_space<vmem>>
    %dma_wait3A_84 = tpu.memref_squeeze %dma_wait3A_83 : memref<1x80xi32, #tpu.memory_space<vmem>> -> memref<80xi32, #tpu.memory_space<vmem>>
    %dma_wait3A_85 = arith.constant 0 : i32
    %dma_wait3A_86 = arith.constant 0 : i32
    %dma_wait3A_87 = tpu.memref_slice %arg2[%dma_wait3A_85, %dma_wait3A_86] : memref<10000x128xf32, #tpu.memory_space<hbm>> -> memref<10000x128xf32, #tpu.memory_space<hbm>>
    tpu.wait_indirect_dma semaphore(%arg20 : memref<!tpu.dma_semaphore, #tpu.memory_space<semaphore_mem>>) src(%dma_wait3A_87 : memref<10000x128xf32, #tpu.memory_space<hbm>>) dst(%arg12 : memref<80x128xf32, #tpu.memory_space<vmem>>)
    %dma_wait3A_88 = arith.constant 2 : i32
    %dma_wait3A_89 = arith.constant 0 : i32
    %dma_wait3A_90 = arith.constant 0 : i32
    %dma_wait3A_91 = tpu.memref_slice %arg3[%add3A, %dma_wait3A_88, %dma_wait3A_89, %dma_wait3A_90] : memref<32x132x2x80xi32, #tpu.memory_space<hbm>> -> memref<1x1x2x80xi32, #tpu.memory_space<hbm>>
    %dma_wait3A_92 = tpu.memref_squeeze %dma_wait3A_91 : memref<1x1x2x80xi32, #tpu.memory_space<hbm>> -> memref<2x80xi32, #tpu.memory_space<hbm>>
    %dma_wait3A_93 = arith.constant 0 : i32
    %dma_wait3A_94 = arith.constant 0 : i32
    %dma_wait3A_95 = tpu.memref_slice %arg3[%add3A, %dma_wait3A_88, %dma_wait3A_93, %dma_wait3A_94] : memref<32x132x2x80xi32, #tpu.memory_space<hbm>> -> memref<1x1x2x80xi32, #tpu.memory_space<hbm>>
    %dma_wait3A_96 = tpu.memref_squeeze %dma_wait3A_95 : memref<1x1x2x80xi32, #tpu.memory_space<hbm>> -> memref<2x80xi32, #tpu.memory_space<hbm>>
    tpu.wait_dma2 semaphore(%arg17 : memref<!tpu.dma_semaphore, #tpu.memory_space<semaphore_mem>>) src(%dma_wait3A_96 : memref<2x80xi32, #tpu.memory_space<hbm>>) dst(%arg9 : memref<2x80xi32, #tpu.memory_space<vmem>>)
    %dma_wait3A_97 = arith.constant 3 : i32
    %dma_wait3A_98 = arith.constant 0 : i32
    %dma_wait3A_99 = arith.constant 0 : i32
    %dma_wait3A_100 = tpu.memref_slice %arg3[%add3A, %dma_wait3A_97, %dma_wait3A_98, %dma_wait3A_99] : memref<32x132x2x80xi32, #tpu.memory_space<hbm>> -> memref<1x1x2x80xi32, #tpu.memory_space<hbm>>
    %dma_wait3A_101 = tpu.memref_squeeze %dma_wait3A_100 : memref<1x1x2x80xi32, #tpu.memory_space<hbm>> -> memref<2x80xi32, #tpu.memory_space<hbm>>
    %dma_wait3A_102 = arith.constant 0 : i32
    %dma_wait3A_103 = arith.constant 0 : i32
    %dma_wait3A_104 = tpu.memref_slice %arg3[%add3A, %dma_wait3A_97, %dma_wait3A_102, %dma_wait3A_103] : memref<32x132x2x80xi32, #tpu.memory_space<hbm>> -> memref<1x1x2x80xi32, #tpu.memory_space<hbm>>
    %dma_wait3A_105 = tpu.memref_squeeze %dma_wait3A_104 : memref<1x1x2x80xi32, #tpu.memory_space<hbm>> -> memref<2x80xi32, #tpu.memory_space<hbm>>
    tpu.wait_dma2 semaphore(%arg18 : memref<!tpu.dma_semaphore, #tpu.memory_space<semaphore_mem>>) src(%dma_wait3A_105 : memref<2x80xi32, #tpu.memory_space<hbm>>) dst(%arg10 : memref<2x80xi32, #tpu.memory_space<vmem>>)
    %barrier3A_106 = arith.constant 0 : index
    tpu.barrier barrier_id(%barrier3A_106)
    "tpu.region"() ({
      %run_scoped3A = tpu.sem_alloc : memref<!tpu.dma_semaphore, #tpu.memory_space<semaphore_mem>>
      %dma_start3A_107 = arith.constant 0 : i32
      %dma_start3A_108 = tpu.memref_slice %arg5[%arg0, %mul3A_2, %dma_start3A_107] : memref<2x10240x128xf32, #tpu.memory_space<hbm>> -> memref<1x640x128xf32, #tpu.memory_space<hbm>>
      %dma_start3A_109 = tpu.memref_squeeze %dma_start3A_108 : memref<1x640x128xf32, #tpu.memory_space<hbm>> -> memref<640x128xf32, #tpu.memory_space<hbm>>
      %dma_start3A_110 = arith.constant 0 : i32
      %dma_start3A_111 = tpu.memref_slice %arg6[%mul3A_2, %dma_start3A_110] : memref<10240x128xf32, #tpu.memory_space<vmem_shared>> -> memref<640x128xf32, #tpu.memory_space<vmem_shared>>
      tpu.enqueue_dma source(%dma_start3A_111 : memref<640x128xf32, #tpu.memory_space<vmem_shared>>) target(%dma_start3A_109 : memref<640x128xf32, #tpu.memory_space<hbm>>) target_semaphore(%run_scoped3A : memref<!tpu.dma_semaphore, #tpu.memory_space<semaphore_mem>>)
      %dma_wait3A_112 = arith.constant 0 : i32
      %dma_wait3A_113 = tpu.memref_slice %arg5[%arg0, %mul3A_2, %dma_wait3A_112] : memref<2x10240x128xf32, #tpu.memory_space<hbm>> -> memref<1x640x128xf32, #tpu.memory_space<hbm>>
      %dma_wait3A_114 = tpu.memref_squeeze %dma_wait3A_113 : memref<1x640x128xf32, #tpu.memory_space<hbm>> -> memref<640x128xf32, #tpu.memory_space<hbm>>
      %dma_wait3A_115 = arith.constant 0 : i32
      %dma_wait3A_116 = tpu.memref_slice %arg6[%mul3A_2, %dma_wait3A_115] : memref<10240x128xf32, #tpu.memory_space<vmem_shared>> -> memref<640x128xf32, #tpu.memory_space<vmem_shared>>
      tpu.wait_dma2 semaphore(%run_scoped3A : memref<!tpu.dma_semaphore, #tpu.memory_space<semaphore_mem>>) src(%dma_wait3A_116 : memref<640x128xf32, #tpu.memory_space<vmem_shared>>) dst(%dma_wait3A_114 : memref<640x128xf32, #tpu.memory_space<hbm>>)
      tpu.yield
    }) : () -> ()
    return
  }
}

#map = affine_map<(d0, d1) -> (0, 0)>
#map1 = affine_map<(d0, d1) -> (0, 0, 0, 0)>
#map2 = affine_map<(d0, d1) -> (0, 0, 0)>
module attributes {stable_mosaic.version = 14 : i64} {
  func.func @_agg_kernel(%arg0: i32, %arg1: i32, %arg2: memref<10000x128xf32, #tpu.memory_space<hbm>>, %arg3: memref<32x132x2x80xi32, #tpu.memory_space<hbm>>, %arg4: memref<640x128xf32, #tpu.memory_space<hbm>>, %arg5: memref<2x10240x128xf32, #tpu.memory_space<hbm>>, %arg6: memref<10240x128xf32, #tpu.memory_space<vmem_shared>>, %arg7: memref<2x80xi32, #tpu.memory_space<vmem>>, %arg8: memref<2x80xi32, #tpu.memory_space<vmem>>, %arg9: memref<2x80xi32, #tpu.memory_space<vmem>>, %arg10: memref<2x80xi32, #tpu.memory_space<vmem>>, %arg11: memref<80x128xf32, #tpu.memory_space<vmem>>, %arg12: memref<80x128xf32, #tpu.memory_space<vmem>>, %arg13: memref<80x128xf32, #tpu.memory_space<vmem>>, %arg14: memref<80x128xf32, #tpu.memory_space<vmem>>, %arg15: memref<!tpu.dma_semaphore, #tpu.memory_space<semaphore_mem>>, %arg16: memref<!tpu.dma_semaphore, #tpu.memory_space<semaphore_mem>>, %arg17: memref<!tpu.dma_semaphore, #tpu.memory_space<semaphore_mem>>, %arg18: memref<!tpu.dma_semaphore, #tpu.memory_space<semaphore_mem>>, %arg19: memref<!tpu.dma_semaphore, #tpu.memory_space<semaphore_mem>>, %arg20: memref<!tpu.dma_semaphore, #tpu.memory_space<semaphore_mem>>, %arg21: memref<!tpu.dma_semaphore, #tpu.memory_space<semaphore_mem>>, %arg22: memref<!tpu.dma_semaphore, #tpu.memory_space<semaphore_mem>>) attributes {dimension_semantics = [#tpu.dimension_semantics<core_parallel>, #tpu.dimension_semantics<subcore_parallel>], iteration_bounds = array<i64: 2, 16>, scalar_prefetch = 0 : i64, scratch_operands = 17 : i64, tpu.core_type = #tpu.core_type<sc_vector_subcore>, window_params = [{transform_indices = #map}, {transform_indices = #map1}, {transform_indices = #map}, {transform_indices = #map2}]} {
    %mul3A = arith.constant 2 : i32
    %mul3A_0 = arith.muli %arg1, %mul3A : i32
    %add3A = arith.addi %mul3A_0, %arg0 : i32
    %mul3A_1 = arith.constant 640 : i32
    %mul3A_2 = arith.muli %arg1, %mul3A_1 : i32
    "tpu.region"() ({
      %run_scoped3A = tpu.sem_alloc : memref<!tpu.dma_semaphore, #tpu.memory_space<semaphore_mem>>
      %dma_start3A_107 = arith.constant 0 : i32
      %dma_start3A_108 = tpu.memref_slice %arg6[%mul3A_2, %dma_start3A_107] : memref<10240x128xf32, #tpu.memory_space<vmem_shared>> -> memref<640x128xf32, #tpu.memory_space<vmem_shared>>
      tpu.enqueue_dma source(%arg4 : memref<640x128xf32, #tpu.memory_space<hbm>>) target(%dma_start3A_108 : memref<640x128xf32, #tpu.memory_space<vmem_shared>>) target_semaphore(%run_scoped3A : memref<!tpu.dma_semaphore, #tpu.memory_space<semaphore_mem>>)
      %dma_wait3A_109 = arith.constant 0 : i32
      %dma_wait3A_110 = tpu.memref_slice %arg6[%mul3A_2, %dma_wait3A_109] : memref<10240x128xf32, #tpu.memory_space<vmem_shared>> -> memref<640x128xf32, #tpu.memory_space<vmem_shared>>
      tpu.wait_dma2 semaphore(%run_scoped3A : memref<!tpu.dma_semaphore, #tpu.memory_space<semaphore_mem>>) src(%arg4 : memref<640x128xf32, #tpu.memory_space<hbm>>) dst(%dma_wait3A_110 : memref<640x128xf32, #tpu.memory_space<vmem_shared>>)
      tpu.yield
    }) : () -> ()
    %dma_start3A = arith.constant 0 : i32
    %dma_start3A_3 = arith.constant 0 : i32
    %dma_start3A_4 = arith.constant 0 : i32
    %dma_start3A_5 = tpu.memref_slice %arg3[%add3A, %dma_start3A, %dma_start3A_3, %dma_start3A_4] : memref<32x132x2x80xi32, #tpu.memory_space<hbm>> -> memref<1x1x2x80xi32, #tpu.memory_space<hbm>>
    %dma_start3A_6 = tpu.memref_squeeze %dma_start3A_5 : memref<1x1x2x80xi32, #tpu.memory_space<hbm>> -> memref<2x80xi32, #tpu.memory_space<hbm>>
    %dma_start3A_7 = arith.constant 0 : i32
    %dma_start3A_8 = arith.constant 0 : i32
    %dma_start3A_9 = tpu.memref_slice %arg3[%add3A, %dma_start3A, %dma_start3A_7, %dma_start3A_8] : memref<32x132x2x80xi32, #tpu.memory_space<hbm>> -> memref<1x1x2x80xi32, #tpu.memory_space<hbm>>
    %dma_start3A_10 = tpu.memref_squeeze %dma_start3A_9 : memref<1x1x2x80xi32, #tpu.memory_space<hbm>> -> memref<2x80xi32, #tpu.memory_space<hbm>>
    tpu.enqueue_dma source(%dma_start3A_10 : memref<2x80xi32, #tpu.memory_space<hbm>>) target(%arg7 : memref<2x80xi32, #tpu.memory_space<vmem>>) target_semaphore(%arg15 : memref<!tpu.dma_semaphore, #tpu.memory_space<semaphore_mem>>)
    %dma_start3A_11 = arith.constant 1 : i32
    %dma_start3A_12 = arith.constant 0 : i32
    %dma_start3A_13 = arith.constant 0 : i32
    %dma_start3A_14 = tpu.memref_slice %arg3[%add3A, %dma_start3A_11, %dma_start3A_12, %dma_start3A_13] : memref<32x132x2x80xi32, #tpu.memory_space<hbm>> -> memref<1x1x2x80xi32, #tpu.memory_space<hbm>>
    %dma_start3A_15 = tpu.memref_squeeze %dma_start3A_14 : memref<1x1x2x80xi32, #tpu.memory_space<hbm>> -> memref<2x80xi32, #tpu.memory_space<hbm>>
    %dma_start3A_16 = arith.constant 0 : i32
    %dma_start3A_17 = arith.constant 0 : i32
    %dma_start3A_18 = tpu.memref_slice %arg3[%add3A, %dma_start3A_11, %dma_start3A_16, %dma_start3A_17] : memref<32x132x2x80xi32, #tpu.memory_space<hbm>> -> memref<1x1x2x80xi32, #tpu.memory_space<hbm>>
    %dma_start3A_19 = tpu.memref_squeeze %dma_start3A_18 : memref<1x1x2x80xi32, #tpu.memory_space<hbm>> -> memref<2x80xi32, #tpu.memory_space<hbm>>
    tpu.enqueue_dma source(%dma_start3A_19 : memref<2x80xi32, #tpu.memory_space<hbm>>) target(%arg8 : memref<2x80xi32, #tpu.memory_space<vmem>>) target_semaphore(%arg16 : memref<!tpu.dma_semaphore, #tpu.memory_space<semaphore_mem>>)
    %dma_start3A_20 = arith.constant 2 : i32
    %dma_start3A_21 = arith.constant 0 : i32
    %dma_start3A_22 = arith.constant 0 : i32
    %dma_start3A_23 = tpu.memref_slice %arg3[%add3A, %dma_start3A_20, %dma_start3A_21, %dma_start3A_22] : memref<32x132x2x80xi32, #tpu.memory_space<hbm>> -> memref<1x1x2x80xi32, #tpu.memory_space<hbm>>
    %dma_start3A_24 = tpu.memref_squeeze %dma_start3A_23 : memref<1x1x2x80xi32, #tpu.memory_space<hbm>> -> memref<2x80xi32, #tpu.memory_space<hbm>>
    %dma_start3A_25 = arith.constant 0 : i32
    %dma_start3A_26 = arith.constant 0 : i32
    %dma_start3A_27 = tpu.memref_slice %arg3[%add3A, %dma_start3A_20, %dma_start3A_25, %dma_start3A_26] : memref<32x132x2x80xi32, #tpu.memory_space<hbm>> -> memref<1x1x2x80xi32, #tpu.memory_space<hbm>>
    %dma_start3A_28 = tpu.memref_squeeze %dma_start3A_27 : memref<1x1x2x80xi32, #tpu.memory_space<hbm>> -> memref<2x80xi32, #tpu.memory_space<hbm>>
    tpu.enqueue_dma source(%dma_start3A_28 : memref<2x80xi32, #tpu.memory_space<hbm>>) target(%arg9 : memref<2x80xi32, #tpu.memory_space<vmem>>) target_semaphore(%arg17 : memref<!tpu.dma_semaphore, #tpu.memory_space<semaphore_mem>>)
    %dma_start3A_29 = arith.constant 3 : i32
    %dma_start3A_30 = arith.constant 0 : i32
    %dma_start3A_31 = arith.constant 0 : i32
    %dma_start3A_32 = tpu.memref_slice %arg3[%add3A, %dma_start3A_29, %dma_start3A_30, %dma_start3A_31] : memref<32x132x2x80xi32, #tpu.memory_space<hbm>> -> memref<1x1x2x80xi32, #tpu.memory_space<hbm>>
    %dma_start3A_33 = tpu.memref_squeeze %dma_start3A_32 : memref<1x1x2x80xi32, #tpu.memory_space<hbm>> -> memref<2x80xi32, #tpu.memory_space<hbm>>
    %dma_start3A_34 = arith.constant 0 : i32
    %dma_start3A_35 = arith.constant 0 : i32
    %dma_start3A_36 = tpu.memref_slice %arg3[%add3A, %dma_start3A_29, %dma_start3A_34, %dma_start3A_35] : memref<32x132x2x80xi32, #tpu.memory_space<hbm>> -> memref<1x1x2x80xi32, #tpu.memory_space<hbm>>
    %dma_start3A_37 = tpu.memref_squeeze %dma_start3A_36 : memref<1x1x2x80xi32, #tpu.memory_space<hbm>> -> memref<2x80xi32, #tpu.memory_space<hbm>>
    tpu.enqueue_dma source(%dma_start3A_37 : memref<2x80xi32, #tpu.memory_space<hbm>>) target(%arg10 : memref<2x80xi32, #tpu.memory_space<vmem>>) target_semaphore(%arg18 : memref<!tpu.dma_semaphore, #tpu.memory_space<semaphore_mem>>)
    %dma_wait3A = arith.constant 0 : i32
    %dma_wait3A_38 = arith.constant 0 : i32
    %dma_wait3A_39 = arith.constant 0 : i32
    %dma_wait3A_40 = tpu.memref_slice %arg3[%add3A, %dma_wait3A, %dma_wait3A_38, %dma_wait3A_39] : memref<32x132x2x80xi32, #tpu.memory_space<hbm>> -> memref<1x1x2x80xi32, #tpu.memory_space<hbm>>
    %dma_wait3A_41 = tpu.memref_squeeze %dma_wait3A_40 : memref<1x1x2x80xi32, #tpu.memory_space<hbm>> -> memref<2x80xi32, #tpu.memory_space<hbm>>
    %dma_wait3A_42 = arith.constant 0 : i32
    %dma_wait3A_43 = arith.constant 0 : i32
    %dma_wait3A_44 = tpu.memref_slice %arg3[%add3A, %dma_wait3A, %dma_wait3A_42, %dma_wait3A_43] : memref<32x132x2x80xi32, #tpu.memory_space<hbm>> -> memref<1x1x2x80xi32, #tpu.memory_space<hbm>>
    %dma_wait3A_45 = tpu.memref_squeeze %dma_wait3A_44 : memref<1x1x2x80xi32, #tpu.memory_space<hbm>> -> memref<2x80xi32, #tpu.memory_space<hbm>>
    tpu.wait_dma2 semaphore(%arg15 : memref<!tpu.dma_semaphore, #tpu.memory_space<semaphore_mem>>) src(%dma_wait3A_45 : memref<2x80xi32, #tpu.memory_space<hbm>>) dst(%arg7 : memref<2x80xi32, #tpu.memory_space<vmem>>)
    %dma_start3A_46 = arith.constant 0 : i32
    %dma_start3A_47 = arith.constant 0 : i32
    %dma_start3A_48 = tpu.memref_slice %arg7[%dma_start3A_46, %dma_start3A_47] : memref<2x80xi32, #tpu.memory_space<vmem>> -> memref<1x80xi32, #tpu.memory_space<vmem>>
    %dma_start3A_49 = tpu.memref_squeeze %dma_start3A_48 : memref<1x80xi32, #tpu.memory_space<vmem>> -> memref<80xi32, #tpu.memory_space<vmem>>
    %dma_start3A_50 = arith.constant 0 : i32
    %dma_start3A_51 = arith.constant 0 : i32
    %dma_start3A_52 = tpu.memref_slice %arg2[%dma_start3A_50, %dma_start3A_51] : memref<10000x128xf32, #tpu.memory_space<hbm>> -> memref<10000x128xf32, #tpu.memory_space<hbm>>
    tpu.enqueue_indirect_dma source(%dma_start3A_52 : memref<10000x128xf32, #tpu.memory_space<hbm>>) target(%arg11 : memref<80x128xf32, #tpu.memory_space<vmem>>) offsets(%dma_start3A_49 : memref<80xi32, #tpu.memory_space<vmem>>) semaphore(%arg19 : memref<!tpu.dma_semaphore, #tpu.memory_space<semaphore_mem>>)
    %dma_wait3A_53 = arith.constant 1 : i32
    %dma_wait3A_54 = arith.constant 0 : i32
    %dma_wait3A_55 = arith.constant 0 : i32
    %dma_wait3A_56 = tpu.memref_slice %arg3[%add3A, %dma_wait3A_53, %dma_wait3A_54, %dma_wait3A_55] : memref<32x132x2x80xi32, #tpu.memory_space<hbm>> -> memref<1x1x2x80xi32, #tpu.memory_space<hbm>>
    %dma_wait3A_57 = tpu.memref_squeeze %dma_wait3A_56 : memref<1x1x2x80xi32, #tpu.memory_space<hbm>> -> memref<2x80xi32, #tpu.memory_space<hbm>>
    %dma_wait3A_58 = arith.constant 0 : i32
    %dma_wait3A_59 = arith.constant 0 : i32
    %dma_wait3A_60 = tpu.memref_slice %arg3[%add3A, %dma_wait3A_53, %dma_wait3A_58, %dma_wait3A_59] : memref<32x132x2x80xi32, #tpu.memory_space<hbm>> -> memref<1x1x2x80xi32, #tpu.memory_space<hbm>>
    %dma_wait3A_61 = tpu.memref_squeeze %dma_wait3A_60 : memref<1x1x2x80xi32, #tpu.memory_space<hbm>> -> memref<2x80xi32, #tpu.memory_space<hbm>>
    tpu.wait_dma2 semaphore(%arg16 : memref<!tpu.dma_semaphore, #tpu.memory_space<semaphore_mem>>) src(%dma_wait3A_61 : memref<2x80xi32, #tpu.memory_space<hbm>>) dst(%arg8 : memref<2x80xi32, #tpu.memory_space<vmem>>)
    %dma_start3A_62 = arith.constant 0 : i32
    %dma_start3A_63 = arith.constant 0 : i32
    %dma_start3A_64 = tpu.memref_slice %arg8[%dma_start3A_62, %dma_start3A_63] : memref<2x80xi32, #tpu.memory_space<vmem>> -> memref<1x80xi32, #tpu.memory_space<vmem>>
    %dma_start3A_65 = tpu.memref_squeeze %dma_start3A_64 : memref<1x80xi32, #tpu.memory_space<vmem>> -> memref<80xi32, #tpu.memory_space<vmem>>
    %dma_start3A_66 = arith.constant 0 : i32
    %dma_start3A_67 = arith.constant 0 : i32
    %dma_start3A_68 = tpu.memref_slice %arg2[%dma_start3A_66, %dma_start3A_67] : memref<10000x128xf32, #tpu.memory_space<hbm>> -> memref<10000x128xf32, #tpu.memory_space<hbm>>
    tpu.enqueue_indirect_dma source(%dma_start3A_68 : memref<10000x128xf32, #tpu.memory_space<hbm>>) target(%arg12 : memref<80x128xf32, #tpu.memory_space<vmem>>) offsets(%dma_start3A_65 : memref<80xi32, #tpu.memory_space<vmem>>) semaphore(%arg20 : memref<!tpu.dma_semaphore, #tpu.memory_space<semaphore_mem>>)
    %barrier3A = arith.constant 0 : index
    tpu.barrier barrier_id(%barrier3A)
    %scan3A = arith.constant 0 : i32
    %scan3A_69 = arith.constant 0 : i32
    %scan3A_70 = arith.constant 32 : i32
    %scan3A_71 = arith.addi %scan3A_69, %scan3A_70 : i32
    %scan3A_72 = arith.constant 1 : i32
    scf.for %scan3A_107 = %scan3A_69 to %scan3A_71 step %scan3A_72  : i32 {
      %mul3A_108 = arith.constant 4 : i32
      %mul3A_109 = arith.muli %scan3A_107, %mul3A_108 : i32
      %add3A_110 = arith.constant 0 : i32
      %add3A_111 = arith.addi %mul3A_109, %add3A_110 : i32
      %add3A_112 = arith.constant 2 : i32
      %add3A_113 = arith.addi %add3A_111, %add3A_112 : i32
      %dma_wait3A_114 = arith.constant 0 : i32
      %dma_wait3A_115 = arith.constant 0 : i32
      %dma_wait3A_116 = tpu.memref_slice %arg3[%add3A, %add3A_113, %dma_wait3A_114, %dma_wait3A_115] : memref<32x132x2x80xi32, #tpu.memory_space<hbm>> -> memref<1x1x2x80xi32, #tpu.memory_space<hbm>>
      %dma_wait3A_117 = tpu.memref_squeeze %dma_wait3A_116 : memref<1x1x2x80xi32, #tpu.memory_space<hbm>> -> memref<2x80xi32, #tpu.memory_space<hbm>>
      %dma_wait3A_118 = arith.constant 0 : i32
      %dma_wait3A_119 = arith.constant 0 : i32
      %dma_wait3A_120 = tpu.memref_slice %arg3[%add3A, %add3A_113, %dma_wait3A_118, %dma_wait3A_119] : memref<32x132x2x80xi32, #tpu.memory_space<hbm>> -> memref<1x1x2x80xi32, #tpu.memory_space<hbm>>
      %dma_wait3A_121 = tpu.memref_squeeze %dma_wait3A_120 : memref<1x1x2x80xi32, #tpu.memory_space<hbm>> -> memref<2x80xi32, #tpu.memory_space<hbm>>
      tpu.wait_dma2 semaphore(%arg17 : memref<!tpu.dma_semaphore, #tpu.memory_space<semaphore_mem>>) src(%dma_wait3A_121 : memref<2x80xi32, #tpu.memory_space<hbm>>) dst(%arg9 : memref<2x80xi32, #tpu.memory_space<vmem>>)
      %dma_start3A_122 = arith.constant 0 : i32
      %dma_start3A_123 = arith.constant 0 : i32
      %dma_start3A_124 = tpu.memref_slice %arg9[%dma_start3A_122, %dma_start3A_123] : memref<2x80xi32, #tpu.memory_space<vmem>> -> memref<1x80xi32, #tpu.memory_space<vmem>>
      %dma_start3A_125 = tpu.memref_squeeze %dma_start3A_124 : memref<1x80xi32, #tpu.memory_space<vmem>> -> memref<80xi32, #tpu.memory_space<vmem>>
      %dma_start3A_126 = arith.constant 0 : i32
      %dma_start3A_127 = arith.constant 0 : i32
      %dma_start3A_128 = tpu.memref_slice %arg2[%dma_start3A_126, %dma_start3A_127] : memref<10000x128xf32, #tpu.memory_space<hbm>> -> memref<10000x128xf32, #tpu.memory_space<hbm>>
      tpu.enqueue_indirect_dma source(%dma_start3A_128 : memref<10000x128xf32, #tpu.memory_space<hbm>>) target(%arg13 : memref<80x128xf32, #tpu.memory_space<vmem>>) offsets(%dma_start3A_125 : memref<80xi32, #tpu.memory_space<vmem>>) semaphore(%arg21 : memref<!tpu.dma_semaphore, #tpu.memory_space<semaphore_mem>>)
      %dma_wait3A_129 = arith.constant 0 : i32
      %dma_wait3A_130 = arith.constant 0 : i32
      %dma_wait3A_131 = tpu.memref_slice %arg7[%dma_wait3A_129, %dma_wait3A_130] : memref<2x80xi32, #tpu.memory_space<vmem>> -> memref<1x80xi32, #tpu.memory_space<vmem>>
      %dma_wait3A_132 = tpu.memref_squeeze %dma_wait3A_131 : memref<1x80xi32, #tpu.memory_space<vmem>> -> memref<80xi32, #tpu.memory_space<vmem>>
      %dma_wait3A_133 = arith.constant 0 : i32
      %dma_wait3A_134 = arith.constant 0 : i32
      %dma_wait3A_135 = tpu.memref_slice %arg2[%dma_wait3A_133, %dma_wait3A_134] : memref<10000x128xf32, #tpu.memory_space<hbm>> -> memref<10000x128xf32, #tpu.memory_space<hbm>>
      tpu.wait_indirect_dma semaphore(%arg19 : memref<!tpu.dma_semaphore, #tpu.memory_space<semaphore_mem>>) src(%dma_wait3A_135 : memref<10000x128xf32, #tpu.memory_space<hbm>>) dst(%arg11 : memref<80x128xf32, #tpu.memory_space<vmem>>)
      %run_scoped3A = arith.constant 1 : i32
      "tpu.region"() ({
        %run_scoped3A_257 = tpu.sem_alloc : memref<!tpu.dma_semaphore, #tpu.memory_space<semaphore_mem>>
        %dma_start3A_258 = arith.constant 0 : i32
        %dma_start3A_259 = tpu.memref_slice %arg7[%run_scoped3A, %dma_start3A_258] : memref<2x80xi32, #tpu.memory_space<vmem>> -> memref<1x80xi32, #tpu.memory_space<vmem>>
        %dma_start3A_260 = tpu.memref_squeeze %dma_start3A_259 : memref<1x80xi32, #tpu.memory_space<vmem>> -> memref<80xi32, #tpu.memory_space<vmem>>
        %dma_start3A_261 = arith.constant 0 : i32
        %dma_start3A_262 = arith.constant 0 : i32
        %dma_start3A_263 = tpu.memref_slice %arg6[%dma_start3A_261, %dma_start3A_262] : memref<10240x128xf32, #tpu.memory_space<vmem_shared>> -> memref<10240x128xf32, #tpu.memory_space<vmem_shared>>
        tpu.enqueue_indirect_dma source(%arg11 : memref<80x128xf32, #tpu.memory_space<vmem>>) target(%dma_start3A_263 : memref<10240x128xf32, #tpu.memory_space<vmem_shared>>) offsets(%dma_start3A_260 : memref<80xi32, #tpu.memory_space<vmem>>) semaphore(%run_scoped3A_257 : memref<!tpu.dma_semaphore, #tpu.memory_space<semaphore_mem>>) {add = true}
        %dma_wait3A_264 = arith.constant 0 : i32
        %dma_wait3A_265 = tpu.memref_slice %arg7[%run_scoped3A, %dma_wait3A_264] : memref<2x80xi32, #tpu.memory_space<vmem>> -> memref<1x80xi32, #tpu.memory_space<vmem>>
        %dma_wait3A_266 = tpu.memref_squeeze %dma_wait3A_265 : memref<1x80xi32, #tpu.memory_space<vmem>> -> memref<80xi32, #tpu.memory_space<vmem>>
        %dma_wait3A_267 = arith.constant 0 : i32
        %dma_wait3A_268 = arith.constant 0 : i32
        %dma_wait3A_269 = tpu.memref_slice %arg6[%dma_wait3A_267, %dma_wait3A_268] : memref<10240x128xf32, #tpu.memory_space<vmem_shared>> -> memref<10240x128xf32, #tpu.memory_space<vmem_shared>>
        tpu.wait_indirect_dma semaphore(%run_scoped3A_257 : memref<!tpu.dma_semaphore, #tpu.memory_space<semaphore_mem>>) src(%arg11 : memref<80x128xf32, #tpu.memory_space<vmem>>) dst(%dma_wait3A_269 : memref<10240x128xf32, #tpu.memory_space<vmem_shared>>)
        tpu.yield
      }) : () -> ()
      %add3A_136 = arith.constant 4 : i32
      %add3A_137 = arith.addi %add3A_111, %add3A_136 : i32
      %dma_start3A_138 = arith.constant 0 : i32
      %dma_start3A_139 = arith.constant 0 : i32
      %dma_start3A_140 = tpu.memref_slice %arg3[%add3A, %add3A_137, %dma_start3A_138, %dma_start3A_139] : memref<32x132x2x80xi32, #tpu.memory_space<hbm>> -> memref<1x1x2x80xi32, #tpu.memory_space<hbm>>
      %dma_start3A_141 = tpu.memref_squeeze %dma_start3A_140 : memref<1x1x2x80xi32, #tpu.memory_space<hbm>> -> memref<2x80xi32, #tpu.memory_space<hbm>>
      %dma_start3A_142 = arith.constant 0 : i32
      %dma_start3A_143 = arith.constant 0 : i32
      %dma_start3A_144 = tpu.memref_slice %arg3[%add3A, %add3A_137, %dma_start3A_142, %dma_start3A_143] : memref<32x132x2x80xi32, #tpu.memory_space<hbm>> -> memref<1x1x2x80xi32, #tpu.memory_space<hbm>>
      %dma_start3A_145 = tpu.memref_squeeze %dma_start3A_144 : memref<1x1x2x80xi32, #tpu.memory_space<hbm>> -> memref<2x80xi32, #tpu.memory_space<hbm>>
      tpu.enqueue_dma source(%dma_start3A_145 : memref<2x80xi32, #tpu.memory_space<hbm>>) target(%arg7 : memref<2x80xi32, #tpu.memory_space<vmem>>) target_semaphore(%arg15 : memref<!tpu.dma_semaphore, #tpu.memory_space<semaphore_mem>>)
      %add3A_146 = arith.constant 1 : i32
      %add3A_147 = arith.addi %mul3A_109, %add3A_146 : i32
      %add3A_148 = arith.constant 2 : i32
      %add3A_149 = arith.addi %add3A_147, %add3A_148 : i32
      %dma_wait3A_150 = arith.constant 0 : i32
      %dma_wait3A_151 = arith.constant 0 : i32
      %dma_wait3A_152 = tpu.memref_slice %arg3[%add3A, %add3A_149, %dma_wait3A_150, %dma_wait3A_151] : memref<32x132x2x80xi32, #tpu.memory_space<hbm>> -> memref<1x1x2x80xi32, #tpu.memory_space<hbm>>
      %dma_wait3A_153 = tpu.memref_squeeze %dma_wait3A_152 : memref<1x1x2x80xi32, #tpu.memory_space<hbm>> -> memref<2x80xi32, #tpu.memory_space<hbm>>
      %dma_wait3A_154 = arith.constant 0 : i32
      %dma_wait3A_155 = arith.constant 0 : i32
      %dma_wait3A_156 = tpu.memref_slice %arg3[%add3A, %add3A_149, %dma_wait3A_154, %dma_wait3A_155] : memref<32x132x2x80xi32, #tpu.memory_space<hbm>> -> memref<1x1x2x80xi32, #tpu.memory_space<hbm>>
      %dma_wait3A_157 = tpu.memref_squeeze %dma_wait3A_156 : memref<1x1x2x80xi32, #tpu.memory_space<hbm>> -> memref<2x80xi32, #tpu.memory_space<hbm>>
      tpu.wait_dma2 semaphore(%arg18 : memref<!tpu.dma_semaphore, #tpu.memory_space<semaphore_mem>>) src(%dma_wait3A_157 : memref<2x80xi32, #tpu.memory_space<hbm>>) dst(%arg10 : memref<2x80xi32, #tpu.memory_space<vmem>>)
      %dma_start3A_158 = arith.constant 0 : i32
      %dma_start3A_159 = arith.constant 0 : i32
      %dma_start3A_160 = tpu.memref_slice %arg10[%dma_start3A_158, %dma_start3A_159] : memref<2x80xi32, #tpu.memory_space<vmem>> -> memref<1x80xi32, #tpu.memory_space<vmem>>
      %dma_start3A_161 = tpu.memref_squeeze %dma_start3A_160 : memref<1x80xi32, #tpu.memory_space<vmem>> -> memref<80xi32, #tpu.memory_space<vmem>>
      %dma_start3A_162 = arith.constant 0 : i32
      %dma_start3A_163 = arith.constant 0 : i32
      %dma_start3A_164 = tpu.memref_slice %arg2[%dma_start3A_162, %dma_start3A_163] : memref<10000x128xf32, #tpu.memory_space<hbm>> -> memref<10000x128xf32, #tpu.memory_space<hbm>>
      tpu.enqueue_indirect_dma source(%dma_start3A_164 : memref<10000x128xf32, #tpu.memory_space<hbm>>) target(%arg14 : memref<80x128xf32, #tpu.memory_space<vmem>>) offsets(%dma_start3A_161 : memref<80xi32, #tpu.memory_space<vmem>>) semaphore(%arg22 : memref<!tpu.dma_semaphore, #tpu.memory_space<semaphore_mem>>)
      %dma_wait3A_165 = arith.constant 0 : i32
      %dma_wait3A_166 = arith.constant 0 : i32
      %dma_wait3A_167 = tpu.memref_slice %arg8[%dma_wait3A_165, %dma_wait3A_166] : memref<2x80xi32, #tpu.memory_space<vmem>> -> memref<1x80xi32, #tpu.memory_space<vmem>>
      %dma_wait3A_168 = tpu.memref_squeeze %dma_wait3A_167 : memref<1x80xi32, #tpu.memory_space<vmem>> -> memref<80xi32, #tpu.memory_space<vmem>>
      %dma_wait3A_169 = arith.constant 0 : i32
      %dma_wait3A_170 = arith.constant 0 : i32
      %dma_wait3A_171 = tpu.memref_slice %arg2[%dma_wait3A_169, %dma_wait3A_170] : memref<10000x128xf32, #tpu.memory_space<hbm>> -> memref<10000x128xf32, #tpu.memory_space<hbm>>
      tpu.wait_indirect_dma semaphore(%arg20 : memref<!tpu.dma_semaphore, #tpu.memory_space<semaphore_mem>>) src(%dma_wait3A_171 : memref<10000x128xf32, #tpu.memory_space<hbm>>) dst(%arg12 : memref<80x128xf32, #tpu.memory_space<vmem>>)
      %run_scoped3A_172 = arith.constant 1 : i32
      "tpu.region"() ({
        %run_scoped3A_257 = tpu.sem_alloc : memref<!tpu.dma_semaphore, #tpu.memory_space<semaphore_mem>>
        %dma_start3A_258 = arith.constant 0 : i32
        %dma_start3A_259 = tpu.memref_slice %arg8[%run_scoped3A_172, %dma_start3A_258] : memref<2x80xi32, #tpu.memory_space<vmem>> -> memref<1x80xi32, #tpu.memory_space<vmem>>
        %dma_start3A_260 = tpu.memref_squeeze %dma_start3A_259 : memref<1x80xi32, #tpu.memory_space<vmem>> -> memref<80xi32, #tpu.memory_space<vmem>>
        %dma_start3A_261 = arith.constant 0 : i32
        %dma_start3A_262 = arith.constant 0 : i32
        %dma_start3A_263 = tpu.memref_slice %arg6[%dma_start3A_261, %dma_start3A_262] : memref<10240x128xf32, #tpu.memory_space<vmem_shared>> -> memref<10240x128xf32, #tpu.memory_space<vmem_shared>>
        tpu.enqueue_indirect_dma source(%arg12 : memref<80x128xf32, #tpu.memory_space<vmem>>) target(%dma_start3A_263 : memref<10240x128xf32, #tpu.memory_space<vmem_shared>>) offsets(%dma_start3A_260 : memref<80xi32, #tpu.memory_space<vmem>>) semaphore(%run_scoped3A_257 : memref<!tpu.dma_semaphore, #tpu.memory_space<semaphore_mem>>) {add = true}
        %dma_wait3A_264 = arith.constant 0 : i32
        %dma_wait3A_265 = tpu.memref_slice %arg8[%run_scoped3A_172, %dma_wait3A_264] : memref<2x80xi32, #tpu.memory_space<vmem>> -> memref<1x80xi32, #tpu.memory_space<vmem>>
        %dma_wait3A_266 = tpu.memref_squeeze %dma_wait3A_265 : memref<1x80xi32, #tpu.memory_space<vmem>> -> memref<80xi32, #tpu.memory_space<vmem>>
        %dma_wait3A_267 = arith.constant 0 : i32
        %dma_wait3A_268 = arith.constant 0 : i32
        %dma_wait3A_269 = tpu.memref_slice %arg6[%dma_wait3A_267, %dma_wait3A_268] : memref<10240x128xf32, #tpu.memory_space<vmem_shared>> -> memref<10240x128xf32, #tpu.memory_space<vmem_shared>>
        tpu.wait_indirect_dma semaphore(%run_scoped3A_257 : memref<!tpu.dma_semaphore, #tpu.memory_space<semaphore_mem>>) src(%arg12 : memref<80x128xf32, #tpu.memory_space<vmem>>) dst(%dma_wait3A_269 : memref<10240x128xf32, #tpu.memory_space<vmem_shared>>)
        tpu.yield
      }) : () -> ()
      %add3A_173 = arith.constant 4 : i32
      %add3A_174 = arith.addi %add3A_147, %add3A_173 : i32
      %dma_start3A_175 = arith.constant 0 : i32
      %dma_start3A_176 = arith.constant 0 : i32
      %dma_start3A_177 = tpu.memref_slice %arg3[%add3A, %add3A_174, %dma_start3A_175, %dma_start3A_176] : memref<32x132x2x80xi32, #tpu.memory_space<hbm>> -> memref<1x1x2x80xi32, #tpu.memory_space<hbm>>
      %dma_start3A_178 = tpu.memref_squeeze %dma_start3A_177 : memref<1x1x2x80xi32, #tpu.memory_space<hbm>> -> memref<2x80xi32, #tpu.memory_space<hbm>>
      %dma_start3A_179 = arith.constant 0 : i32
      %dma_start3A_180 = arith.constant 0 : i32
      %dma_start3A_181 = tpu.memref_slice %arg3[%add3A, %add3A_174, %dma_start3A_179, %dma_start3A_180] : memref<32x132x2x80xi32, #tpu.memory_space<hbm>> -> memref<1x1x2x80xi32, #tpu.memory_space<hbm>>
      %dma_start3A_182 = tpu.memref_squeeze %dma_start3A_181 : memref<1x1x2x80xi32, #tpu.memory_space<hbm>> -> memref<2x80xi32, #tpu.memory_space<hbm>>
      tpu.enqueue_dma source(%dma_start3A_182 : memref<2x80xi32, #tpu.memory_space<hbm>>) target(%arg8 : memref<2x80xi32, #tpu.memory_space<vmem>>) target_semaphore(%arg16 : memref<!tpu.dma_semaphore, #tpu.memory_space<semaphore_mem>>)
      %add3A_183 = arith.constant 2 : i32
      %add3A_184 = arith.addi %mul3A_109, %add3A_183 : i32
      %add3A_185 = arith.constant 2 : i32
      %add3A_186 = arith.addi %add3A_184, %add3A_185 : i32
      %dma_wait3A_187 = arith.constant 0 : i32
      %dma_wait3A_188 = arith.constant 0 : i32
      %dma_wait3A_189 = tpu.memref_slice %arg3[%add3A, %add3A_186, %dma_wait3A_187, %dma_wait3A_188] : memref<32x132x2x80xi32, #tpu.memory_space<hbm>> -> memref<1x1x2x80xi32, #tpu.memory_space<hbm>>
      %dma_wait3A_190 = tpu.memref_squeeze %dma_wait3A_189 : memref<1x1x2x80xi32, #tpu.memory_space<hbm>> -> memref<2x80xi32, #tpu.memory_space<hbm>>
      %dma_wait3A_191 = arith.constant 0 : i32
      %dma_wait3A_192 = arith.constant 0 : i32
      %dma_wait3A_193 = tpu.memref_slice %arg3[%add3A, %add3A_186, %dma_wait3A_191, %dma_wait3A_192] : memref<32x132x2x80xi32, #tpu.memory_space<hbm>> -> memref<1x1x2x80xi32, #tpu.memory_space<hbm>>
      %dma_wait3A_194 = tpu.memref_squeeze %dma_wait3A_193 : memref<1x1x2x80xi32, #tpu.memory_space<hbm>> -> memref<2x80xi32, #tpu.memory_space<hbm>>
      tpu.wait_dma2 semaphore(%arg15 : memref<!tpu.dma_semaphore, #tpu.memory_space<semaphore_mem>>) src(%dma_wait3A_194 : memref<2x80xi32, #tpu.memory_space<hbm>>) dst(%arg7 : memref<2x80xi32, #tpu.memory_space<vmem>>)
      %dma_start3A_195 = arith.constant 0 : i32
      %dma_start3A_196 = arith.constant 0 : i32
      %dma_start3A_197 = tpu.memref_slice %arg7[%dma_start3A_195, %dma_start3A_196] : memref<2x80xi32, #tpu.memory_space<vmem>> -> memref<1x80xi32, #tpu.memory_space<vmem>>
      %dma_start3A_198 = tpu.memref_squeeze %dma_start3A_197 : memref<1x80xi32, #tpu.memory_space<vmem>> -> memref<80xi32, #tpu.memory_space<vmem>>
      %dma_start3A_199 = arith.constant 0 : i32
      %dma_start3A_200 = arith.constant 0 : i32
      %dma_start3A_201 = tpu.memref_slice %arg2[%dma_start3A_199, %dma_start3A_200] : memref<10000x128xf32, #tpu.memory_space<hbm>> -> memref<10000x128xf32, #tpu.memory_space<hbm>>
      tpu.enqueue_indirect_dma source(%dma_start3A_201 : memref<10000x128xf32, #tpu.memory_space<hbm>>) target(%arg11 : memref<80x128xf32, #tpu.memory_space<vmem>>) offsets(%dma_start3A_198 : memref<80xi32, #tpu.memory_space<vmem>>) semaphore(%arg19 : memref<!tpu.dma_semaphore, #tpu.memory_space<semaphore_mem>>)
      %dma_wait3A_202 = arith.constant 0 : i32
      %dma_wait3A_203 = arith.constant 0 : i32
      %dma_wait3A_204 = tpu.memref_slice %arg9[%dma_wait3A_202, %dma_wait3A_203] : memref<2x80xi32, #tpu.memory_space<vmem>> -> memref<1x80xi32, #tpu.memory_space<vmem>>
      %dma_wait3A_205 = tpu.memref_squeeze %dma_wait3A_204 : memref<1x80xi32, #tpu.memory_space<vmem>> -> memref<80xi32, #tpu.memory_space<vmem>>
      %dma_wait3A_206 = arith.constant 0 : i32
      %dma_wait3A_207 = arith.constant 0 : i32
      %dma_wait3A_208 = tpu.memref_slice %arg2[%dma_wait3A_206, %dma_wait3A_207] : memref<10000x128xf32, #tpu.memory_space<hbm>> -> memref<10000x128xf32, #tpu.memory_space<hbm>>
      tpu.wait_indirect_dma semaphore(%arg21 : memref<!tpu.dma_semaphore, #tpu.memory_space<semaphore_mem>>) src(%dma_wait3A_208 : memref<10000x128xf32, #tpu.memory_space<hbm>>) dst(%arg13 : memref<80x128xf32, #tpu.memory_space<vmem>>)
      %run_scoped3A_209 = arith.constant 1 : i32
      "tpu.region"() ({
        %run_scoped3A_257 = tpu.sem_alloc : memref<!tpu.dma_semaphore, #tpu.memory_space<semaphore_mem>>
        %dma_start3A_258 = arith.constant 0 : i32
        %dma_start3A_259 = tpu.memref_slice %arg9[%run_scoped3A_209, %dma_start3A_258] : memref<2x80xi32, #tpu.memory_space<vmem>> -> memref<1x80xi32, #tpu.memory_space<vmem>>
        %dma_start3A_260 = tpu.memref_squeeze %dma_start3A_259 : memref<1x80xi32, #tpu.memory_space<vmem>> -> memref<80xi32, #tpu.memory_space<vmem>>
        %dma_start3A_261 = arith.constant 0 : i32
        %dma_start3A_262 = arith.constant 0 : i32
        %dma_start3A_263 = tpu.memref_slice %arg6[%dma_start3A_261, %dma_start3A_262] : memref<10240x128xf32, #tpu.memory_space<vmem_shared>> -> memref<10240x128xf32, #tpu.memory_space<vmem_shared>>
        tpu.enqueue_indirect_dma source(%arg13 : memref<80x128xf32, #tpu.memory_space<vmem>>) target(%dma_start3A_263 : memref<10240x128xf32, #tpu.memory_space<vmem_shared>>) offsets(%dma_start3A_260 : memref<80xi32, #tpu.memory_space<vmem>>) semaphore(%run_scoped3A_257 : memref<!tpu.dma_semaphore, #tpu.memory_space<semaphore_mem>>) {add = true}
        %dma_wait3A_264 = arith.constant 0 : i32
        %dma_wait3A_265 = tpu.memref_slice %arg9[%run_scoped3A_209, %dma_wait3A_264] : memref<2x80xi32, #tpu.memory_space<vmem>> -> memref<1x80xi32, #tpu.memory_space<vmem>>
        %dma_wait3A_266 = tpu.memref_squeeze %dma_wait3A_265 : memref<1x80xi32, #tpu.memory_space<vmem>> -> memref<80xi32, #tpu.memory_space<vmem>>
        %dma_wait3A_267 = arith.constant 0 : i32
        %dma_wait3A_268 = arith.constant 0 : i32
        %dma_wait3A_269 = tpu.memref_slice %arg6[%dma_wait3A_267, %dma_wait3A_268] : memref<10240x128xf32, #tpu.memory_space<vmem_shared>> -> memref<10240x128xf32, #tpu.memory_space<vmem_shared>>
        tpu.wait_indirect_dma semaphore(%run_scoped3A_257 : memref<!tpu.dma_semaphore, #tpu.memory_space<semaphore_mem>>) src(%arg13 : memref<80x128xf32, #tpu.memory_space<vmem>>) dst(%dma_wait3A_269 : memref<10240x128xf32, #tpu.memory_space<vmem_shared>>)
        tpu.yield
      }) : () -> ()
      %add3A_210 = arith.constant 4 : i32
      %add3A_211 = arith.addi %add3A_184, %add3A_210 : i32
      %dma_start3A_212 = arith.constant 0 : i32
      %dma_start3A_213 = arith.constant 0 : i32
      %dma_start3A_214 = tpu.memref_slice %arg3[%add3A, %add3A_211, %dma_start3A_212, %dma_start3A_213] : memref<32x132x2x80xi32, #tpu.memory_space<hbm>> -> memref<1x1x2x80xi32, #tpu.memory_space<hbm>>
      %dma_start3A_215 = tpu.memref_squeeze %dma_start3A_214 : memref<1x1x2x80xi32, #tpu.memory_space<hbm>> -> memref<2x80xi32, #tpu.memory_space<hbm>>
      %dma_start3A_216 = arith.constant 0 : i32
      %dma_start3A_217 = arith.constant 0 : i32
      %dma_start3A_218 = tpu.memref_slice %arg3[%add3A, %add3A_211, %dma_start3A_216, %dma_start3A_217] : memref<32x132x2x80xi32, #tpu.memory_space<hbm>> -> memref<1x1x2x80xi32, #tpu.memory_space<hbm>>
      %dma_start3A_219 = tpu.memref_squeeze %dma_start3A_218 : memref<1x1x2x80xi32, #tpu.memory_space<hbm>> -> memref<2x80xi32, #tpu.memory_space<hbm>>
      tpu.enqueue_dma source(%dma_start3A_219 : memref<2x80xi32, #tpu.memory_space<hbm>>) target(%arg9 : memref<2x80xi32, #tpu.memory_space<vmem>>) target_semaphore(%arg17 : memref<!tpu.dma_semaphore, #tpu.memory_space<semaphore_mem>>)
      %add3A_220 = arith.constant 3 : i32
      %add3A_221 = arith.addi %mul3A_109, %add3A_220 : i32
      %add3A_222 = arith.constant 2 : i32
      %add3A_223 = arith.addi %add3A_221, %add3A_222 : i32
      %dma_wait3A_224 = arith.constant 0 : i32
      %dma_wait3A_225 = arith.constant 0 : i32
      %dma_wait3A_226 = tpu.memref_slice %arg3[%add3A, %add3A_223, %dma_wait3A_224, %dma_wait3A_225] : memref<32x132x2x80xi32, #tpu.memory_space<hbm>> -> memref<1x1x2x80xi32, #tpu.memory_space<hbm>>
      %dma_wait3A_227 = tpu.memref_squeeze %dma_wait3A_226 : memref<1x1x2x80xi32, #tpu.memory_space<hbm>> -> memref<2x80xi32, #tpu.memory_space<hbm>>
      %dma_wait3A_228 = arith.constant 0 : i32
      %dma_wait3A_229 = arith.constant 0 : i32
      %dma_wait3A_230 = tpu.memref_slice %arg3[%add3A, %add3A_223, %dma_wait3A_228, %dma_wait3A_229] : memref<32x132x2x80xi32, #tpu.memory_space<hbm>> -> memref<1x1x2x80xi32, #tpu.memory_space<hbm>>
      %dma_wait3A_231 = tpu.memref_squeeze %dma_wait3A_230 : memref<1x1x2x80xi32, #tpu.memory_space<hbm>> -> memref<2x80xi32, #tpu.memory_space<hbm>>
      tpu.wait_dma2 semaphore(%arg16 : memref<!tpu.dma_semaphore, #tpu.memory_space<semaphore_mem>>) src(%dma_wait3A_231 : memref<2x80xi32, #tpu.memory_space<hbm>>) dst(%arg8 : memref<2x80xi32, #tpu.memory_space<vmem>>)
      %dma_start3A_232 = arith.constant 0 : i32
      %dma_start3A_233 = arith.constant 0 : i32
      %dma_start3A_234 = tpu.memref_slice %arg8[%dma_start3A_232, %dma_start3A_233] : memref<2x80xi32, #tpu.memory_space<vmem>> -> memref<1x80xi32, #tpu.memory_space<vmem>>
      %dma_start3A_235 = tpu.memref_squeeze %dma_start3A_234 : memref<1x80xi32, #tpu.memory_space<vmem>> -> memref<80xi32, #tpu.memory_space<vmem>>
      %dma_start3A_236 = arith.constant 0 : i32
      %dma_start3A_237 = arith.constant 0 : i32
      %dma_start3A_238 = tpu.memref_slice %arg2[%dma_start3A_236, %dma_start3A_237] : memref<10000x128xf32, #tpu.memory_space<hbm>> -> memref<10000x128xf32, #tpu.memory_space<hbm>>
      tpu.enqueue_indirect_dma source(%dma_start3A_238 : memref<10000x128xf32, #tpu.memory_space<hbm>>) target(%arg12 : memref<80x128xf32, #tpu.memory_space<vmem>>) offsets(%dma_start3A_235 : memref<80xi32, #tpu.memory_space<vmem>>) semaphore(%arg20 : memref<!tpu.dma_semaphore, #tpu.memory_space<semaphore_mem>>)
      %dma_wait3A_239 = arith.constant 0 : i32
      %dma_wait3A_240 = arith.constant 0 : i32
      %dma_wait3A_241 = tpu.memref_slice %arg10[%dma_wait3A_239, %dma_wait3A_240] : memref<2x80xi32, #tpu.memory_space<vmem>> -> memref<1x80xi32, #tpu.memory_space<vmem>>
      %dma_wait3A_242 = tpu.memref_squeeze %dma_wait3A_241 : memref<1x80xi32, #tpu.memory_space<vmem>> -> memref<80xi32, #tpu.memory_space<vmem>>
      %dma_wait3A_243 = arith.constant 0 : i32
      %dma_wait3A_244 = arith.constant 0 : i32
      %dma_wait3A_245 = tpu.memref_slice %arg2[%dma_wait3A_243, %dma_wait3A_244] : memref<10000x128xf32, #tpu.memory_space<hbm>> -> memref<10000x128xf32, #tpu.memory_space<hbm>>
      tpu.wait_indirect_dma semaphore(%arg22 : memref<!tpu.dma_semaphore, #tpu.memory_space<semaphore_mem>>) src(%dma_wait3A_245 : memref<10000x128xf32, #tpu.memory_space<hbm>>) dst(%arg14 : memref<80x128xf32, #tpu.memory_space<vmem>>)
      %run_scoped3A_246 = arith.constant 1 : i32
      "tpu.region"() ({
        %run_scoped3A_257 = tpu.sem_alloc : memref<!tpu.dma_semaphore, #tpu.memory_space<semaphore_mem>>
        %dma_start3A_258 = arith.constant 0 : i32
        %dma_start3A_259 = tpu.memref_slice %arg10[%run_scoped3A_246, %dma_start3A_258] : memref<2x80xi32, #tpu.memory_space<vmem>> -> memref<1x80xi32, #tpu.memory_space<vmem>>
        %dma_start3A_260 = tpu.memref_squeeze %dma_start3A_259 : memref<1x80xi32, #tpu.memory_space<vmem>> -> memref<80xi32, #tpu.memory_space<vmem>>
        %dma_start3A_261 = arith.constant 0 : i32
        %dma_start3A_262 = arith.constant 0 : i32
        %dma_start3A_263 = tpu.memref_slice %arg6[%dma_start3A_261, %dma_start3A_262] : memref<10240x128xf32, #tpu.memory_space<vmem_shared>> -> memref<10240x128xf32, #tpu.memory_space<vmem_shared>>
        tpu.enqueue_indirect_dma source(%arg14 : memref<80x128xf32, #tpu.memory_space<vmem>>) target(%dma_start3A_263 : memref<10240x128xf32, #tpu.memory_space<vmem_shared>>) offsets(%dma_start3A_260 : memref<80xi32, #tpu.memory_space<vmem>>) semaphore(%run_scoped3A_257 : memref<!tpu.dma_semaphore, #tpu.memory_space<semaphore_mem>>) {add = true}
        %dma_wait3A_264 = arith.constant 0 : i32
        %dma_wait3A_265 = tpu.memref_slice %arg10[%run_scoped3A_246, %dma_wait3A_264] : memref<2x80xi32, #tpu.memory_space<vmem>> -> memref<1x80xi32, #tpu.memory_space<vmem>>
        %dma_wait3A_266 = tpu.memref_squeeze %dma_wait3A_265 : memref<1x80xi32, #tpu.memory_space<vmem>> -> memref<80xi32, #tpu.memory_space<vmem>>
        %dma_wait3A_267 = arith.constant 0 : i32
        %dma_wait3A_268 = arith.constant 0 : i32
        %dma_wait3A_269 = tpu.memref_slice %arg6[%dma_wait3A_267, %dma_wait3A_268] : memref<10240x128xf32, #tpu.memory_space<vmem_shared>> -> memref<10240x128xf32, #tpu.memory_space<vmem_shared>>
        tpu.wait_indirect_dma semaphore(%run_scoped3A_257 : memref<!tpu.dma_semaphore, #tpu.memory_space<semaphore_mem>>) src(%arg14 : memref<80x128xf32, #tpu.memory_space<vmem>>) dst(%dma_wait3A_269 : memref<10240x128xf32, #tpu.memory_space<vmem_shared>>)
        tpu.yield
      }) : () -> ()
      %add3A_247 = arith.constant 4 : i32
      %add3A_248 = arith.addi %add3A_221, %add3A_247 : i32
      %dma_start3A_249 = arith.constant 0 : i32
      %dma_start3A_250 = arith.constant 0 : i32
      %dma_start3A_251 = tpu.memref_slice %arg3[%add3A, %add3A_248, %dma_start3A_249, %dma_start3A_250] : memref<32x132x2x80xi32, #tpu.memory_space<hbm>> -> memref<1x1x2x80xi32, #tpu.memory_space<hbm>>
      %dma_start3A_252 = tpu.memref_squeeze %dma_start3A_251 : memref<1x1x2x80xi32, #tpu.memory_space<hbm>> -> memref<2x80xi32, #tpu.memory_space<hbm>>
      %dma_start3A_253 = arith.constant 0 : i32
      %dma_start3A_254 = arith.constant 0 : i32
      %dma_start3A_255 = tpu.memref_slice %arg3[%add3A, %add3A_248, %dma_start3A_253, %dma_start3A_254] : memref<32x132x2x80xi32, #tpu.memory_space<hbm>> -> memref<1x1x2x80xi32, #tpu.memory_space<hbm>>
      %dma_start3A_256 = tpu.memref_squeeze %dma_start3A_255 : memref<1x1x2x80xi32, #tpu.memory_space<hbm>> -> memref<2x80xi32, #tpu.memory_space<hbm>>
      tpu.enqueue_dma source(%dma_start3A_256 : memref<2x80xi32, #tpu.memory_space<hbm>>) target(%arg10 : memref<2x80xi32, #tpu.memory_space<vmem>>) target_semaphore(%arg18 : memref<!tpu.dma_semaphore, #tpu.memory_space<semaphore_mem>>)
    }
    %scan3A_73 = arith.constant 32 : i32
    %dma_wait3A_74 = arith.constant 0 : i32
    %dma_wait3A_75 = arith.constant 0 : i32
    %dma_wait3A_76 = tpu.memref_slice %arg7[%dma_wait3A_74, %dma_wait3A_75] : memref<2x80xi32, #tpu.memory_space<vmem>> -> memref<1x80xi32, #tpu.memory_space<vmem>>
    %dma_wait3A_77 = tpu.memref_squeeze %dma_wait3A_76 : memref<1x80xi32, #tpu.memory_space<vmem>> -> memref<80xi32, #tpu.memory_space<vmem>>
    %dma_wait3A_78 = arith.constant 0 : i32
    %dma_wait3A_79 = arith.constant 0 : i32
    %dma_wait3A_80 = tpu.memref_slice %arg2[%dma_wait3A_78, %dma_wait3A_79] : memref<10000x128xf32, #tpu.memory_space<hbm>> -> memref<10000x128xf32, #tpu.memory_space<hbm>>
    tpu.wait_indirect_dma semaphore(%arg19 : memref<!tpu.dma_semaphore, #tpu.memory_space<semaphore_mem>>) src(%dma_wait3A_80 : memref<10000x128xf32, #tpu.memory_space<hbm>>) dst(%arg11 : memref<80x128xf32, #tpu.memory_space<vmem>>)
    %dma_wait3A_81 = arith.constant 0 : i32
    %dma_wait3A_82 = arith.constant 0 : i32
    %dma_wait3A_83 = tpu.memref_slice %arg8[%dma_wait3A_81, %dma_wait3A_82] : memref<2x80xi32, #tpu.memory_space<vmem>> -> memref<1x80xi32, #tpu.memory_space<vmem>>
    %dma_wait3A_84 = tpu.memref_squeeze %dma_wait3A_83 : memref<1x80xi32, #tpu.memory_space<vmem>> -> memref<80xi32, #tpu.memory_space<vmem>>
    %dma_wait3A_85 = arith.constant 0 : i32
    %dma_wait3A_86 = arith.constant 0 : i32
    %dma_wait3A_87 = tpu.memref_slice %arg2[%dma_wait3A_85, %dma_wait3A_86] : memref<10000x128xf32, #tpu.memory_space<hbm>> -> memref<10000x128xf32, #tpu.memory_space<hbm>>
    tpu.wait_indirect_dma semaphore(%arg20 : memref<!tpu.dma_semaphore, #tpu.memory_space<semaphore_mem>>) src(%dma_wait3A_87 : memref<10000x128xf32, #tpu.memory_space<hbm>>) dst(%arg12 : memref<80x128xf32, #tpu.memory_space<vmem>>)
    %dma_wait3A_88 = arith.constant 2 : i32
    %dma_wait3A_89 = arith.constant 0 : i32
    %dma_wait3A_90 = arith.constant 0 : i32
    %dma_wait3A_91 = tpu.memref_slice %arg3[%add3A, %dma_wait3A_88, %dma_wait3A_89, %dma_wait3A_90] : memref<32x132x2x80xi32, #tpu.memory_space<hbm>> -> memref<1x1x2x80xi32, #tpu.memory_space<hbm>>
    %dma_wait3A_92 = tpu.memref_squeeze %dma_wait3A_91 : memref<1x1x2x80xi32, #tpu.memory_space<hbm>> -> memref<2x80xi32, #tpu.memory_space<hbm>>
    %dma_wait3A_93 = arith.constant 0 : i32
    %dma_wait3A_94 = arith.constant 0 : i32
    %dma_wait3A_95 = tpu.memref_slice %arg3[%add3A, %dma_wait3A_88, %dma_wait3A_93, %dma_wait3A_94] : memref<32x132x2x80xi32, #tpu.memory_space<hbm>> -> memref<1x1x2x80xi32, #tpu.memory_space<hbm>>
    %dma_wait3A_96 = tpu.memref_squeeze %dma_wait3A_95 : memref<1x1x2x80xi32, #tpu.memory_space<hbm>> -> memref<2x80xi32, #tpu.memory_space<hbm>>
    tpu.wait_dma2 semaphore(%arg17 : memref<!tpu.dma_semaphore, #tpu.memory_space<semaphore_mem>>) src(%dma_wait3A_96 : memref<2x80xi32, #tpu.memory_space<hbm>>) dst(%arg9 : memref<2x80xi32, #tpu.memory_space<vmem>>)
    %dma_wait3A_97 = arith.constant 3 : i32
    %dma_wait3A_98 = arith.constant 0 : i32
    %dma_wait3A_99 = arith.constant 0 : i32
    %dma_wait3A_100 = tpu.memref_slice %arg3[%add3A, %dma_wait3A_97, %dma_wait3A_98, %dma_wait3A_99] : memref<32x132x2x80xi32, #tpu.memory_space<hbm>> -> memref<1x1x2x80xi32, #tpu.memory_space<hbm>>
    %dma_wait3A_101 = tpu.memref_squeeze %dma_wait3A_100 : memref<1x1x2x80xi32, #tpu.memory_space<hbm>> -> memref<2x80xi32, #tpu.memory_space<hbm>>
    %dma_wait3A_102 = arith.constant 0 : i32
    %dma_wait3A_103 = arith.constant 0 : i32
    %dma_wait3A_104 = tpu.memref_slice %arg3[%add3A, %dma_wait3A_97, %dma_wait3A_102, %dma_wait3A_103] : memref<32x132x2x80xi32, #tpu.memory_space<hbm>> -> memref<1x1x2x80xi32, #tpu.memory_space<hbm>>
    %dma_wait3A_105 = tpu.memref_squeeze %dma_wait3A_104 : memref<1x1x2x80xi32, #tpu.memory_space<hbm>> -> memref<2x80xi32, #tpu.memory_space<hbm>>
    tpu.wait_dma2 semaphore(%arg18 : memref<!tpu.dma_semaphore, #tpu.memory_space<semaphore_mem>>) src(%dma_wait3A_105 : memref<2x80xi32, #tpu.memory_space<hbm>>) dst(%arg10 : memref<2x80xi32, #tpu.memory_space<vmem>>)
    %barrier3A_106 = arith.constant 0 : index
    tpu.barrier barrier_id(%barrier3A_106)
    "tpu.region"() ({
      %run_scoped3A = tpu.sem_alloc : memref<!tpu.dma_semaphore, #tpu.memory_space<semaphore_mem>>
      %dma_start3A_107 = arith.constant 0 : i32
      %dma_start3A_108 = tpu.memref_slice %arg5[%arg0, %mul3A_2, %dma_start3A_107] : memref<2x10240x128xf32, #tpu.memory_space<hbm>> -> memref<1x640x128xf32, #tpu.memory_space<hbm>>
      %dma_start3A_109 = tpu.memref_squeeze %dma_start3A_108 : memref<1x640x128xf32, #tpu.memory_space<hbm>> -> memref<640x128xf32, #tpu.memory_space<hbm>>
      %dma_start3A_110 = arith.constant 0 : i32
      %dma_start3A_111 = tpu.memref_slice %arg6[%mul3A_2, %dma_start3A_110] : memref<10240x128xf32, #tpu.memory_space<vmem_shared>> -> memref<640x128xf32, #tpu.memory_space<vmem_shared>>
      tpu.enqueue_dma source(%dma_start3A_111 : memref<640x128xf32, #tpu.memory_space<vmem_shared>>) target(%dma_start3A_109 : memref<640x128xf32, #tpu.memory_space<hbm>>) target_semaphore(%run_scoped3A : memref<!tpu.dma_semaphore, #tpu.memory_space<semaphore_mem>>)
      %dma_wait3A_112 = arith.constant 0 : i32
      %dma_wait3A_113 = tpu.memref_slice %arg5[%arg0, %mul3A_2, %dma_wait3A_112] : memref<2x10240x128xf32, #tpu.memory_space<hbm>> -> memref<1x640x128xf32, #tpu.memory_space<hbm>>
      %dma_wait3A_114 = tpu.memref_squeeze %dma_wait3A_113 : memref<1x640x128xf32, #tpu.memory_space<hbm>> -> memref<640x128xf32, #tpu.memory_space<hbm>>
      %dma_wait3A_115 = arith.constant 0 : i32
      %dma_wait3A_116 = tpu.memref_slice %arg6[%mul3A_2, %dma_wait3A_115] : memref<10240x128xf32, #tpu.memory_space<vmem_shared>> -> memref<640x128xf32, #tpu.memory_space<vmem_shared>>
      tpu.wait_dma2 semaphore(%run_scoped3A : memref<!tpu.dma_semaphore, #tpu.memory_space<semaphore_mem>>) src(%dma_wait3A_116 : memref<640x128xf32, #tpu.memory_space<vmem_shared>>) dst(%dma_wait3A_114 : memref<640x128xf32, #tpu.memory_space<hbm>>)
      tpu.yield
    }) : () -> ()
    return
  }
}

#map = affine_map<(d0, d1) -> (0, 0)>
#map1 = affine_map<(d0, d1) -> (0, 0, 0, 0)>
#map2 = affine_map<(d0, d1) -> (0, 0, 0)>
module attributes {stable_mosaic.version = 14 : i64} {
  func.func @_agg_kernel(%arg0: i32, %arg1: i32, %arg2: memref<10000x128xf32, #tpu.memory_space<hbm>>, %arg3: memref<32x132x2x80xi32, #tpu.memory_space<hbm>>, %arg4: memref<640x128xf32, #tpu.memory_space<hbm>>, %arg5: memref<2x10240x128xf32, #tpu.memory_space<hbm>>, %arg6: memref<10240x128xf32, #tpu.memory_space<vmem_shared>>, %arg7: memref<2x80xi32, #tpu.memory_space<vmem>>, %arg8: memref<2x80xi32, #tpu.memory_space<vmem>>, %arg9: memref<2x80xi32, #tpu.memory_space<vmem>>, %arg10: memref<2x80xi32, #tpu.memory_space<vmem>>, %arg11: memref<80x128xf32, #tpu.memory_space<vmem>>, %arg12: memref<80x128xf32, #tpu.memory_space<vmem>>, %arg13: memref<80x128xf32, #tpu.memory_space<vmem>>, %arg14: memref<80x128xf32, #tpu.memory_space<vmem>>, %arg15: memref<!tpu.dma_semaphore, #tpu.memory_space<semaphore_mem>>, %arg16: memref<!tpu.dma_semaphore, #tpu.memory_space<semaphore_mem>>, %arg17: memref<!tpu.dma_semaphore, #tpu.memory_space<semaphore_mem>>, %arg18: memref<!tpu.dma_semaphore, #tpu.memory_space<semaphore_mem>>, %arg19: memref<!tpu.dma_semaphore, #tpu.memory_space<semaphore_mem>>, %arg20: memref<!tpu.dma_semaphore, #tpu.memory_space<semaphore_mem>>, %arg21: memref<!tpu.dma_semaphore, #tpu.memory_space<semaphore_mem>>, %arg22: memref<!tpu.dma_semaphore, #tpu.memory_space<semaphore_mem>>) attributes {dimension_semantics = [#tpu.dimension_semantics<core_parallel>, #tpu.dimension_semantics<subcore_parallel>], iteration_bounds = array<i64: 2, 16>, scalar_prefetch = 0 : i64, scratch_operands = 17 : i64, tpu.core_type = #tpu.core_type<sc_vector_subcore>, window_params = [{transform_indices = #map}, {transform_indices = #map1}, {transform_indices = #map}, {transform_indices = #map2}]} {
    %mul3A = arith.constant 2 : i32
    %mul3A_0 = arith.muli %arg1, %mul3A : i32
    %add3A = arith.addi %mul3A_0, %arg0 : i32
    %mul3A_1 = arith.constant 640 : i32
    %mul3A_2 = arith.muli %arg1, %mul3A_1 : i32
    "tpu.region"() ({
      %run_scoped3A = tpu.sem_alloc : memref<!tpu.dma_semaphore, #tpu.memory_space<semaphore_mem>>
      %dma_start3A_107 = arith.constant 0 : i32
      %dma_start3A_108 = tpu.memref_slice %arg6[%mul3A_2, %dma_start3A_107] : memref<10240x128xf32, #tpu.memory_space<vmem_shared>> -> memref<640x128xf32, #tpu.memory_space<vmem_shared>>
      tpu.enqueue_dma source(%arg4 : memref<640x128xf32, #tpu.memory_space<hbm>>) target(%dma_start3A_108 : memref<640x128xf32, #tpu.memory_space<vmem_shared>>) target_semaphore(%run_scoped3A : memref<!tpu.dma_semaphore, #tpu.memory_space<semaphore_mem>>)
      %dma_wait3A_109 = arith.constant 0 : i32
      %dma_wait3A_110 = tpu.memref_slice %arg6[%mul3A_2, %dma_wait3A_109] : memref<10240x128xf32, #tpu.memory_space<vmem_shared>> -> memref<640x128xf32, #tpu.memory_space<vmem_shared>>
      tpu.wait_dma2 semaphore(%run_scoped3A : memref<!tpu.dma_semaphore, #tpu.memory_space<semaphore_mem>>) src(%arg4 : memref<640x128xf32, #tpu.memory_space<hbm>>) dst(%dma_wait3A_110 : memref<640x128xf32, #tpu.memory_space<vmem_shared>>)
      tpu.yield
    }) : () -> ()
    %dma_start3A = arith.constant 0 : i32
    %dma_start3A_3 = arith.constant 0 : i32
    %dma_start3A_4 = arith.constant 0 : i32
    %dma_start3A_5 = tpu.memref_slice %arg3[%add3A, %dma_start3A, %dma_start3A_3, %dma_start3A_4] : memref<32x132x2x80xi32, #tpu.memory_space<hbm>> -> memref<1x1x2x80xi32, #tpu.memory_space<hbm>>
    %dma_start3A_6 = tpu.memref_squeeze %dma_start3A_5 : memref<1x1x2x80xi32, #tpu.memory_space<hbm>> -> memref<2x80xi32, #tpu.memory_space<hbm>>
    %dma_start3A_7 = arith.constant 0 : i32
    %dma_start3A_8 = arith.constant 0 : i32
    %dma_start3A_9 = tpu.memref_slice %arg3[%add3A, %dma_start3A, %dma_start3A_7, %dma_start3A_8] : memref<32x132x2x80xi32, #tpu.memory_space<hbm>> -> memref<1x1x2x80xi32, #tpu.memory_space<hbm>>
    %dma_start3A_10 = tpu.memref_squeeze %dma_start3A_9 : memref<1x1x2x80xi32, #tpu.memory_space<hbm>> -> memref<2x80xi32, #tpu.memory_space<hbm>>
    tpu.enqueue_dma source(%dma_start3A_10 : memref<2x80xi32, #tpu.memory_space<hbm>>) target(%arg7 : memref<2x80xi32, #tpu.memory_space<vmem>>) target_semaphore(%arg15 : memref<!tpu.dma_semaphore, #tpu.memory_space<semaphore_mem>>)
    %dma_start3A_11 = arith.constant 1 : i32
    %dma_start3A_12 = arith.constant 0 : i32
    %dma_start3A_13 = arith.constant 0 : i32
    %dma_start3A_14 = tpu.memref_slice %arg3[%add3A, %dma_start3A_11, %dma_start3A_12, %dma_start3A_13] : memref<32x132x2x80xi32, #tpu.memory_space<hbm>> -> memref<1x1x2x80xi32, #tpu.memory_space<hbm>>
    %dma_start3A_15 = tpu.memref_squeeze %dma_start3A_14 : memref<1x1x2x80xi32, #tpu.memory_space<hbm>> -> memref<2x80xi32, #tpu.memory_space<hbm>>
    %dma_start3A_16 = arith.constant 0 : i32
    %dma_start3A_17 = arith.constant 0 : i32
    %dma_start3A_18 = tpu.memref_slice %arg3[%add3A, %dma_start3A_11, %dma_start3A_16, %dma_start3A_17] : memref<32x132x2x80xi32, #tpu.memory_space<hbm>> -> memref<1x1x2x80xi32, #tpu.memory_space<hbm>>
    %dma_start3A_19 = tpu.memref_squeeze %dma_start3A_18 : memref<1x1x2x80xi32, #tpu.memory_space<hbm>> -> memref<2x80xi32, #tpu.memory_space<hbm>>
    tpu.enqueue_dma source(%dma_start3A_19 : memref<2x80xi32, #tpu.memory_space<hbm>>) target(%arg8 : memref<2x80xi32, #tpu.memory_space<vmem>>) target_semaphore(%arg16 : memref<!tpu.dma_semaphore, #tpu.memory_space<semaphore_mem>>)
    %dma_start3A_20 = arith.constant 2 : i32
    %dma_start3A_21 = arith.constant 0 : i32
    %dma_start3A_22 = arith.constant 0 : i32
    %dma_start3A_23 = tpu.memref_slice %arg3[%add3A, %dma_start3A_20, %dma_start3A_21, %dma_start3A_22] : memref<32x132x2x80xi32, #tpu.memory_space<hbm>> -> memref<1x1x2x80xi32, #tpu.memory_space<hbm>>
    %dma_start3A_24 = tpu.memref_squeeze %dma_start3A_23 : memref<1x1x2x80xi32, #tpu.memory_space<hbm>> -> memref<2x80xi32, #tpu.memory_space<hbm>>
    %dma_start3A_25 = arith.constant 0 : i32
    %dma_start3A_26 = arith.constant 0 : i32
    %dma_start3A_27 = tpu.memref_slice %arg3[%add3A, %dma_start3A_20, %dma_start3A_25, %dma_start3A_26] : memref<32x132x2x80xi32, #tpu.memory_space<hbm>> -> memref<1x1x2x80xi32, #tpu.memory_space<hbm>>
    %dma_start3A_28 = tpu.memref_squeeze %dma_start3A_27 : memref<1x1x2x80xi32, #tpu.memory_space<hbm>> -> memref<2x80xi32, #tpu.memory_space<hbm>>
    tpu.enqueue_dma source(%dma_start3A_28 : memref<2x80xi32, #tpu.memory_space<hbm>>) target(%arg9 : memref<2x80xi32, #tpu.memory_space<vmem>>) target_semaphore(%arg17 : memref<!tpu.dma_semaphore, #tpu.memory_space<semaphore_mem>>)
    %dma_start3A_29 = arith.constant 3 : i32
    %dma_start3A_30 = arith.constant 0 : i32
    %dma_start3A_31 = arith.constant 0 : i32
    %dma_start3A_32 = tpu.memref_slice %arg3[%add3A, %dma_start3A_29, %dma_start3A_30, %dma_start3A_31] : memref<32x132x2x80xi32, #tpu.memory_space<hbm>> -> memref<1x1x2x80xi32, #tpu.memory_space<hbm>>
    %dma_start3A_33 = tpu.memref_squeeze %dma_start3A_32 : memref<1x1x2x80xi32, #tpu.memory_space<hbm>> -> memref<2x80xi32, #tpu.memory_space<hbm>>
    %dma_start3A_34 = arith.constant 0 : i32
    %dma_start3A_35 = arith.constant 0 : i32
    %dma_start3A_36 = tpu.memref_slice %arg3[%add3A, %dma_start3A_29, %dma_start3A_34, %dma_start3A_35] : memref<32x132x2x80xi32, #tpu.memory_space<hbm>> -> memref<1x1x2x80xi32, #tpu.memory_space<hbm>>
    %dma_start3A_37 = tpu.memref_squeeze %dma_start3A_36 : memref<1x1x2x80xi32, #tpu.memory_space<hbm>> -> memref<2x80xi32, #tpu.memory_space<hbm>>
    tpu.enqueue_dma source(%dma_start3A_37 : memref<2x80xi32, #tpu.memory_space<hbm>>) target(%arg10 : memref<2x80xi32, #tpu.memory_space<vmem>>) target_semaphore(%arg18 : memref<!tpu.dma_semaphore, #tpu.memory_space<semaphore_mem>>)
    %dma_wait3A = arith.constant 0 : i32
    %dma_wait3A_38 = arith.constant 0 : i32
    %dma_wait3A_39 = arith.constant 0 : i32
    %dma_wait3A_40 = tpu.memref_slice %arg3[%add3A, %dma_wait3A, %dma_wait3A_38, %dma_wait3A_39] : memref<32x132x2x80xi32, #tpu.memory_space<hbm>> -> memref<1x1x2x80xi32, #tpu.memory_space<hbm>>
    %dma_wait3A_41 = tpu.memref_squeeze %dma_wait3A_40 : memref<1x1x2x80xi32, #tpu.memory_space<hbm>> -> memref<2x80xi32, #tpu.memory_space<hbm>>
    %dma_wait3A_42 = arith.constant 0 : i32
    %dma_wait3A_43 = arith.constant 0 : i32
    %dma_wait3A_44 = tpu.memref_slice %arg3[%add3A, %dma_wait3A, %dma_wait3A_42, %dma_wait3A_43] : memref<32x132x2x80xi32, #tpu.memory_space<hbm>> -> memref<1x1x2x80xi32, #tpu.memory_space<hbm>>
    %dma_wait3A_45 = tpu.memref_squeeze %dma_wait3A_44 : memref<1x1x2x80xi32, #tpu.memory_space<hbm>> -> memref<2x80xi32, #tpu.memory_space<hbm>>
    tpu.wait_dma2 semaphore(%arg15 : memref<!tpu.dma_semaphore, #tpu.memory_space<semaphore_mem>>) src(%dma_wait3A_45 : memref<2x80xi32, #tpu.memory_space<hbm>>) dst(%arg7 : memref<2x80xi32, #tpu.memory_space<vmem>>)
    %dma_start3A_46 = arith.constant 0 : i32
    %dma_start3A_47 = arith.constant 0 : i32
    %dma_start3A_48 = tpu.memref_slice %arg7[%dma_start3A_46, %dma_start3A_47] : memref<2x80xi32, #tpu.memory_space<vmem>> -> memref<1x80xi32, #tpu.memory_space<vmem>>
    %dma_start3A_49 = tpu.memref_squeeze %dma_start3A_48 : memref<1x80xi32, #tpu.memory_space<vmem>> -> memref<80xi32, #tpu.memory_space<vmem>>
    %dma_start3A_50 = arith.constant 0 : i32
    %dma_start3A_51 = arith.constant 0 : i32
    %dma_start3A_52 = tpu.memref_slice %arg2[%dma_start3A_50, %dma_start3A_51] : memref<10000x128xf32, #tpu.memory_space<hbm>> -> memref<10000x128xf32, #tpu.memory_space<hbm>>
    tpu.enqueue_indirect_dma source(%dma_start3A_52 : memref<10000x128xf32, #tpu.memory_space<hbm>>) target(%arg11 : memref<80x128xf32, #tpu.memory_space<vmem>>) offsets(%dma_start3A_49 : memref<80xi32, #tpu.memory_space<vmem>>) semaphore(%arg19 : memref<!tpu.dma_semaphore, #tpu.memory_space<semaphore_mem>>)
    %dma_wait3A_53 = arith.constant 1 : i32
    %dma_wait3A_54 = arith.constant 0 : i32
    %dma_wait3A_55 = arith.constant 0 : i32
    %dma_wait3A_56 = tpu.memref_slice %arg3[%add3A, %dma_wait3A_53, %dma_wait3A_54, %dma_wait3A_55] : memref<32x132x2x80xi32, #tpu.memory_space<hbm>> -> memref<1x1x2x80xi32, #tpu.memory_space<hbm>>
    %dma_wait3A_57 = tpu.memref_squeeze %dma_wait3A_56 : memref<1x1x2x80xi32, #tpu.memory_space<hbm>> -> memref<2x80xi32, #tpu.memory_space<hbm>>
    %dma_wait3A_58 = arith.constant 0 : i32
    %dma_wait3A_59 = arith.constant 0 : i32
    %dma_wait3A_60 = tpu.memref_slice %arg3[%add3A, %dma_wait3A_53, %dma_wait3A_58, %dma_wait3A_59] : memref<32x132x2x80xi32, #tpu.memory_space<hbm>> -> memref<1x1x2x80xi32, #tpu.memory_space<hbm>>
    %dma_wait3A_61 = tpu.memref_squeeze %dma_wait3A_60 : memref<1x1x2x80xi32, #tpu.memory_space<hbm>> -> memref<2x80xi32, #tpu.memory_space<hbm>>
    tpu.wait_dma2 semaphore(%arg16 : memref<!tpu.dma_semaphore, #tpu.memory_space<semaphore_mem>>) src(%dma_wait3A_61 : memref<2x80xi32, #tpu.memory_space<hbm>>) dst(%arg8 : memref<2x80xi32, #tpu.memory_space<vmem>>)
    %dma_start3A_62 = arith.constant 0 : i32
    %dma_start3A_63 = arith.constant 0 : i32
    %dma_start3A_64 = tpu.memref_slice %arg8[%dma_start3A_62, %dma_start3A_63] : memref<2x80xi32, #tpu.memory_space<vmem>> -> memref<1x80xi32, #tpu.memory_space<vmem>>
    %dma_start3A_65 = tpu.memref_squeeze %dma_start3A_64 : memref<1x80xi32, #tpu.memory_space<vmem>> -> memref<80xi32, #tpu.memory_space<vmem>>
    %dma_start3A_66 = arith.constant 0 : i32
    %dma_start3A_67 = arith.constant 0 : i32
    %dma_start3A_68 = tpu.memref_slice %arg2[%dma_start3A_66, %dma_start3A_67] : memref<10000x128xf32, #tpu.memory_space<hbm>> -> memref<10000x128xf32, #tpu.memory_space<hbm>>
    tpu.enqueue_indirect_dma source(%dma_start3A_68 : memref<10000x128xf32, #tpu.memory_space<hbm>>) target(%arg12 : memref<80x128xf32, #tpu.memory_space<vmem>>) offsets(%dma_start3A_65 : memref<80xi32, #tpu.memory_space<vmem>>) semaphore(%arg20 : memref<!tpu.dma_semaphore, #tpu.memory_space<semaphore_mem>>)
    %barrier3A = arith.constant 0 : index
    tpu.barrier barrier_id(%barrier3A)
    %scan3A = arith.constant 0 : i32
    %scan3A_69 = arith.constant 0 : i32
    %scan3A_70 = arith.constant 32 : i32
    %scan3A_71 = arith.addi %scan3A_69, %scan3A_70 : i32
    %scan3A_72 = arith.constant 1 : i32
    scf.for %scan3A_107 = %scan3A_69 to %scan3A_71 step %scan3A_72  : i32 {
      %mul3A_108 = arith.constant 4 : i32
      %mul3A_109 = arith.muli %scan3A_107, %mul3A_108 : i32
      %add3A_110 = arith.constant 0 : i32
      %add3A_111 = arith.addi %mul3A_109, %add3A_110 : i32
      %add3A_112 = arith.constant 2 : i32
      %add3A_113 = arith.addi %add3A_111, %add3A_112 : i32
      %dma_wait3A_114 = arith.constant 0 : i32
      %dma_wait3A_115 = arith.constant 0 : i32
      %dma_wait3A_116 = tpu.memref_slice %arg3[%add3A, %add3A_113, %dma_wait3A_114, %dma_wait3A_115] : memref<32x132x2x80xi32, #tpu.memory_space<hbm>> -> memref<1x1x2x80xi32, #tpu.memory_space<hbm>>
      %dma_wait3A_117 = tpu.memref_squeeze %dma_wait3A_116 : memref<1x1x2x80xi32, #tpu.memory_space<hbm>> -> memref<2x80xi32, #tpu.memory_space<hbm>>
      %dma_wait3A_118 = arith.constant 0 : i32
      %dma_wait3A_119 = arith.constant 0 : i32
      %dma_wait3A_120 = tpu.memref_slice %arg3[%add3A, %add3A_113, %dma_wait3A_118, %dma_wait3A_119] : memref<32x132x2x80xi32, #tpu.memory_space<hbm>> -> memref<1x1x2x80xi32, #tpu.memory_space<hbm>>
      %dma_wait3A_121 = tpu.memref_squeeze %dma_wait3A_120 : memref<1x1x2x80xi32, #tpu.memory_space<hbm>> -> memref<2x80xi32, #tpu.memory_space<hbm>>
      tpu.wait_dma2 semaphore(%arg17 : memref<!tpu.dma_semaphore, #tpu.memory_space<semaphore_mem>>) src(%dma_wait3A_121 : memref<2x80xi32, #tpu.memory_space<hbm>>) dst(%arg9 : memref<2x80xi32, #tpu.memory_space<vmem>>)
      %dma_start3A_122 = arith.constant 0 : i32
      %dma_start3A_123 = arith.constant 0 : i32
      %dma_start3A_124 = tpu.memref_slice %arg9[%dma_start3A_122, %dma_start3A_123] : memref<2x80xi32, #tpu.memory_space<vmem>> -> memref<1x80xi32, #tpu.memory_space<vmem>>
      %dma_start3A_125 = tpu.memref_squeeze %dma_start3A_124 : memref<1x80xi32, #tpu.memory_space<vmem>> -> memref<80xi32, #tpu.memory_space<vmem>>
      %dma_start3A_126 = arith.constant 0 : i32
      %dma_start3A_127 = arith.constant 0 : i32
      %dma_start3A_128 = tpu.memref_slice %arg2[%dma_start3A_126, %dma_start3A_127] : memref<10000x128xf32, #tpu.memory_space<hbm>> -> memref<10000x128xf32, #tpu.memory_space<hbm>>
      tpu.enqueue_indirect_dma source(%dma_start3A_128 : memref<10000x128xf32, #tpu.memory_space<hbm>>) target(%arg13 : memref<80x128xf32, #tpu.memory_space<vmem>>) offsets(%dma_start3A_125 : memref<80xi32, #tpu.memory_space<vmem>>) semaphore(%arg21 : memref<!tpu.dma_semaphore, #tpu.memory_space<semaphore_mem>>)
      %dma_wait3A_129 = arith.constant 0 : i32
      %dma_wait3A_130 = arith.constant 0 : i32
      %dma_wait3A_131 = tpu.memref_slice %arg7[%dma_wait3A_129, %dma_wait3A_130] : memref<2x80xi32, #tpu.memory_space<vmem>> -> memref<1x80xi32, #tpu.memory_space<vmem>>
      %dma_wait3A_132 = tpu.memref_squeeze %dma_wait3A_131 : memref<1x80xi32, #tpu.memory_space<vmem>> -> memref<80xi32, #tpu.memory_space<vmem>>
      %dma_wait3A_133 = arith.constant 0 : i32
      %dma_wait3A_134 = arith.constant 0 : i32
      %dma_wait3A_135 = tpu.memref_slice %arg2[%dma_wait3A_133, %dma_wait3A_134] : memref<10000x128xf32, #tpu.memory_space<hbm>> -> memref<10000x128xf32, #tpu.memory_space<hbm>>
      tpu.wait_indirect_dma semaphore(%arg19 : memref<!tpu.dma_semaphore, #tpu.memory_space<semaphore_mem>>) src(%dma_wait3A_135 : memref<10000x128xf32, #tpu.memory_space<hbm>>) dst(%arg11 : memref<80x128xf32, #tpu.memory_space<vmem>>)
      %run_scoped3A = arith.constant 1 : i32
      "tpu.region"() ({
        %run_scoped3A_257 = tpu.sem_alloc : memref<!tpu.dma_semaphore, #tpu.memory_space<semaphore_mem>>
        %dma_start3A_258 = arith.constant 0 : i32
        %dma_start3A_259 = tpu.memref_slice %arg7[%run_scoped3A, %dma_start3A_258] : memref<2x80xi32, #tpu.memory_space<vmem>> -> memref<1x80xi32, #tpu.memory_space<vmem>>
        %dma_start3A_260 = tpu.memref_squeeze %dma_start3A_259 : memref<1x80xi32, #tpu.memory_space<vmem>> -> memref<80xi32, #tpu.memory_space<vmem>>
        %dma_start3A_261 = arith.constant 0 : i32
        %dma_start3A_262 = arith.constant 0 : i32
        %dma_start3A_263 = tpu.memref_slice %arg6[%dma_start3A_261, %dma_start3A_262] : memref<10240x128xf32, #tpu.memory_space<vmem_shared>> -> memref<10240x128xf32, #tpu.memory_space<vmem_shared>>
        tpu.enqueue_indirect_dma source(%arg11 : memref<80x128xf32, #tpu.memory_space<vmem>>) target(%dma_start3A_263 : memref<10240x128xf32, #tpu.memory_space<vmem_shared>>) offsets(%dma_start3A_260 : memref<80xi32, #tpu.memory_space<vmem>>) semaphore(%run_scoped3A_257 : memref<!tpu.dma_semaphore, #tpu.memory_space<semaphore_mem>>) {add = true}
        %dma_wait3A_264 = arith.constant 0 : i32
        %dma_wait3A_265 = tpu.memref_slice %arg7[%run_scoped3A, %dma_wait3A_264] : memref<2x80xi32, #tpu.memory_space<vmem>> -> memref<1x80xi32, #tpu.memory_space<vmem>>
        %dma_wait3A_266 = tpu.memref_squeeze %dma_wait3A_265 : memref<1x80xi32, #tpu.memory_space<vmem>> -> memref<80xi32, #tpu.memory_space<vmem>>
        %dma_wait3A_267 = arith.constant 0 : i32
        %dma_wait3A_268 = arith.constant 0 : i32
        %dma_wait3A_269 = tpu.memref_slice %arg6[%dma_wait3A_267, %dma_wait3A_268] : memref<10240x128xf32, #tpu.memory_space<vmem_shared>> -> memref<10240x128xf32, #tpu.memory_space<vmem_shared>>
        tpu.wait_indirect_dma semaphore(%run_scoped3A_257 : memref<!tpu.dma_semaphore, #tpu.memory_space<semaphore_mem>>) src(%arg11 : memref<80x128xf32, #tpu.memory_space<vmem>>) dst(%dma_wait3A_269 : memref<10240x128xf32, #tpu.memory_space<vmem_shared>>)
        tpu.yield
      }) : () -> ()
      %add3A_136 = arith.constant 4 : i32
      %add3A_137 = arith.addi %add3A_111, %add3A_136 : i32
      %dma_start3A_138 = arith.constant 0 : i32
      %dma_start3A_139 = arith.constant 0 : i32
      %dma_start3A_140 = tpu.memref_slice %arg3[%add3A, %add3A_137, %dma_start3A_138, %dma_start3A_139] : memref<32x132x2x80xi32, #tpu.memory_space<hbm>> -> memref<1x1x2x80xi32, #tpu.memory_space<hbm>>
      %dma_start3A_141 = tpu.memref_squeeze %dma_start3A_140 : memref<1x1x2x80xi32, #tpu.memory_space<hbm>> -> memref<2x80xi32, #tpu.memory_space<hbm>>
      %dma_start3A_142 = arith.constant 0 : i32
      %dma_start3A_143 = arith.constant 0 : i32
      %dma_start3A_144 = tpu.memref_slice %arg3[%add3A, %add3A_137, %dma_start3A_142, %dma_start3A_143] : memref<32x132x2x80xi32, #tpu.memory_space<hbm>> -> memref<1x1x2x80xi32, #tpu.memory_space<hbm>>
      %dma_start3A_145 = tpu.memref_squeeze %dma_start3A_144 : memref<1x1x2x80xi32, #tpu.memory_space<hbm>> -> memref<2x80xi32, #tpu.memory_space<hbm>>
      tpu.enqueue_dma source(%dma_start3A_145 : memref<2x80xi32, #tpu.memory_space<hbm>>) target(%arg7 : memref<2x80xi32, #tpu.memory_space<vmem>>) target_semaphore(%arg15 : memref<!tpu.dma_semaphore, #tpu.memory_space<semaphore_mem>>)
      %add3A_146 = arith.constant 1 : i32
      %add3A_147 = arith.addi %mul3A_109, %add3A_146 : i32
      %add3A_148 = arith.constant 2 : i32
      %add3A_149 = arith.addi %add3A_147, %add3A_148 : i32
      %dma_wait3A_150 = arith.constant 0 : i32
      %dma_wait3A_151 = arith.constant 0 : i32
      %dma_wait3A_152 = tpu.memref_slice %arg3[%add3A, %add3A_149, %dma_wait3A_150, %dma_wait3A_151] : memref<32x132x2x80xi32, #tpu.memory_space<hbm>> -> memref<1x1x2x80xi32, #tpu.memory_space<hbm>>
      %dma_wait3A_153 = tpu.memref_squeeze %dma_wait3A_152 : memref<1x1x2x80xi32, #tpu.memory_space<hbm>> -> memref<2x80xi32, #tpu.memory_space<hbm>>
      %dma_wait3A_154 = arith.constant 0 : i32
      %dma_wait3A_155 = arith.constant 0 : i32
      %dma_wait3A_156 = tpu.memref_slice %arg3[%add3A, %add3A_149, %dma_wait3A_154, %dma_wait3A_155] : memref<32x132x2x80xi32, #tpu.memory_space<hbm>> -> memref<1x1x2x80xi32, #tpu.memory_space<hbm>>
      %dma_wait3A_157 = tpu.memref_squeeze %dma_wait3A_156 : memref<1x1x2x80xi32, #tpu.memory_space<hbm>> -> memref<2x80xi32, #tpu.memory_space<hbm>>
      tpu.wait_dma2 semaphore(%arg18 : memref<!tpu.dma_semaphore, #tpu.memory_space<semaphore_mem>>) src(%dma_wait3A_157 : memref<2x80xi32, #tpu.memory_space<hbm>>) dst(%arg10 : memref<2x80xi32, #tpu.memory_space<vmem>>)
      %dma_start3A_158 = arith.constant 0 : i32
      %dma_start3A_159 = arith.constant 0 : i32
      %dma_start3A_160 = tpu.memref_slice %arg10[%dma_start3A_158, %dma_start3A_159] : memref<2x80xi32, #tpu.memory_space<vmem>> -> memref<1x80xi32, #tpu.memory_space<vmem>>
      %dma_start3A_161 = tpu.memref_squeeze %dma_start3A_160 : memref<1x80xi32, #tpu.memory_space<vmem>> -> memref<80xi32, #tpu.memory_space<vmem>>
      %dma_start3A_162 = arith.constant 0 : i32
      %dma_start3A_163 = arith.constant 0 : i32
      %dma_start3A_164 = tpu.memref_slice %arg2[%dma_start3A_162, %dma_start3A_163] : memref<10000x128xf32, #tpu.memory_space<hbm>> -> memref<10000x128xf32, #tpu.memory_space<hbm>>
      tpu.enqueue_indirect_dma source(%dma_start3A_164 : memref<10000x128xf32, #tpu.memory_space<hbm>>) target(%arg14 : memref<80x128xf32, #tpu.memory_space<vmem>>) offsets(%dma_start3A_161 : memref<80xi32, #tpu.memory_space<vmem>>) semaphore(%arg22 : memref<!tpu.dma_semaphore, #tpu.memory_space<semaphore_mem>>)
      %dma_wait3A_165 = arith.constant 0 : i32
      %dma_wait3A_166 = arith.constant 0 : i32
      %dma_wait3A_167 = tpu.memref_slice %arg8[%dma_wait3A_165, %dma_wait3A_166] : memref<2x80xi32, #tpu.memory_space<vmem>> -> memref<1x80xi32, #tpu.memory_space<vmem>>
      %dma_wait3A_168 = tpu.memref_squeeze %dma_wait3A_167 : memref<1x80xi32, #tpu.memory_space<vmem>> -> memref<80xi32, #tpu.memory_space<vmem>>
      %dma_wait3A_169 = arith.constant 0 : i32
      %dma_wait3A_170 = arith.constant 0 : i32
      %dma_wait3A_171 = tpu.memref_slice %arg2[%dma_wait3A_169, %dma_wait3A_170] : memref<10000x128xf32, #tpu.memory_space<hbm>> -> memref<10000x128xf32, #tpu.memory_space<hbm>>
      tpu.wait_indirect_dma semaphore(%arg20 : memref<!tpu.dma_semaphore, #tpu.memory_space<semaphore_mem>>) src(%dma_wait3A_171 : memref<10000x128xf32, #tpu.memory_space<hbm>>) dst(%arg12 : memref<80x128xf32, #tpu.memory_space<vmem>>)
      %run_scoped3A_172 = arith.constant 1 : i32
      "tpu.region"() ({
        %run_scoped3A_257 = tpu.sem_alloc : memref<!tpu.dma_semaphore, #tpu.memory_space<semaphore_mem>>
        %dma_start3A_258 = arith.constant 0 : i32
        %dma_start3A_259 = tpu.memref_slice %arg8[%run_scoped3A_172, %dma_start3A_258] : memref<2x80xi32, #tpu.memory_space<vmem>> -> memref<1x80xi32, #tpu.memory_space<vmem>>
        %dma_start3A_260 = tpu.memref_squeeze %dma_start3A_259 : memref<1x80xi32, #tpu.memory_space<vmem>> -> memref<80xi32, #tpu.memory_space<vmem>>
        %dma_start3A_261 = arith.constant 0 : i32
        %dma_start3A_262 = arith.constant 0 : i32
        %dma_start3A_263 = tpu.memref_slice %arg6[%dma_start3A_261, %dma_start3A_262] : memref<10240x128xf32, #tpu.memory_space<vmem_shared>> -> memref<10240x128xf32, #tpu.memory_space<vmem_shared>>
        tpu.enqueue_indirect_dma source(%arg12 : memref<80x128xf32, #tpu.memory_space<vmem>>) target(%dma_start3A_263 : memref<10240x128xf32, #tpu.memory_space<vmem_shared>>) offsets(%dma_start3A_260 : memref<80xi32, #tpu.memory_space<vmem>>) semaphore(%run_scoped3A_257 : memref<!tpu.dma_semaphore, #tpu.memory_space<semaphore_mem>>) {add = true}
        %dma_wait3A_264 = arith.constant 0 : i32
        %dma_wait3A_265 = tpu.memref_slice %arg8[%run_scoped3A_172, %dma_wait3A_264] : memref<2x80xi32, #tpu.memory_space<vmem>> -> memref<1x80xi32, #tpu.memory_space<vmem>>
        %dma_wait3A_266 = tpu.memref_squeeze %dma_wait3A_265 : memref<1x80xi32, #tpu.memory_space<vmem>> -> memref<80xi32, #tpu.memory_space<vmem>>
        %dma_wait3A_267 = arith.constant 0 : i32
        %dma_wait3A_268 = arith.constant 0 : i32
        %dma_wait3A_269 = tpu.memref_slice %arg6[%dma_wait3A_267, %dma_wait3A_268] : memref<10240x128xf32, #tpu.memory_space<vmem_shared>> -> memref<10240x128xf32, #tpu.memory_space<vmem_shared>>
        tpu.wait_indirect_dma semaphore(%run_scoped3A_257 : memref<!tpu.dma_semaphore, #tpu.memory_space<semaphore_mem>>) src(%arg12 : memref<80x128xf32, #tpu.memory_space<vmem>>) dst(%dma_wait3A_269 : memref<10240x128xf32, #tpu.memory_space<vmem_shared>>)
        tpu.yield
      }) : () -> ()
      %add3A_173 = arith.constant 4 : i32
      %add3A_174 = arith.addi %add3A_147, %add3A_173 : i32
      %dma_start3A_175 = arith.constant 0 : i32
      %dma_start3A_176 = arith.constant 0 : i32
      %dma_start3A_177 = tpu.memref_slice %arg3[%add3A, %add3A_174, %dma_start3A_175, %dma_start3A_176] : memref<32x132x2x80xi32, #tpu.memory_space<hbm>> -> memref<1x1x2x80xi32, #tpu.memory_space<hbm>>
      %dma_start3A_178 = tpu.memref_squeeze %dma_start3A_177 : memref<1x1x2x80xi32, #tpu.memory_space<hbm>> -> memref<2x80xi32, #tpu.memory_space<hbm>>
      %dma_start3A_179 = arith.constant 0 : i32
      %dma_start3A_180 = arith.constant 0 : i32
      %dma_start3A_181 = tpu.memref_slice %arg3[%add3A, %add3A_174, %dma_start3A_179, %dma_start3A_180] : memref<32x132x2x80xi32, #tpu.memory_space<hbm>> -> memref<1x1x2x80xi32, #tpu.memory_space<hbm>>
      %dma_start3A_182 = tpu.memref_squeeze %dma_start3A_181 : memref<1x1x2x80xi32, #tpu.memory_space<hbm>> -> memref<2x80xi32, #tpu.memory_space<hbm>>
      tpu.enqueue_dma source(%dma_start3A_182 : memref<2x80xi32, #tpu.memory_space<hbm>>) target(%arg8 : memref<2x80xi32, #tpu.memory_space<vmem>>) target_semaphore(%arg16 : memref<!tpu.dma_semaphore, #tpu.memory_space<semaphore_mem>>)
      %add3A_183 = arith.constant 2 : i32
      %add3A_184 = arith.addi %mul3A_109, %add3A_183 : i32
      %add3A_185 = arith.constant 2 : i32
      %add3A_186 = arith.addi %add3A_184, %add3A_185 : i32
      %dma_wait3A_187 = arith.constant 0 : i32
      %dma_wait3A_188 = arith.constant 0 : i32
      %dma_wait3A_189 = tpu.memref_slice %arg3[%add3A, %add3A_186, %dma_wait3A_187, %dma_wait3A_188] : memref<32x132x2x80xi32, #tpu.memory_space<hbm>> -> memref<1x1x2x80xi32, #tpu.memory_space<hbm>>
      %dma_wait3A_190 = tpu.memref_squeeze %dma_wait3A_189 : memref<1x1x2x80xi32, #tpu.memory_space<hbm>> -> memref<2x80xi32, #tpu.memory_space<hbm>>
      %dma_wait3A_191 = arith.constant 0 : i32
      %dma_wait3A_192 = arith.constant 0 : i32
      %dma_wait3A_193 = tpu.memref_slice %arg3[%add3A, %add3A_186, %dma_wait3A_191, %dma_wait3A_192] : memref<32x132x2x80xi32, #tpu.memory_space<hbm>> -> memref<1x1x2x80xi32, #tpu.memory_space<hbm>>
      %dma_wait3A_194 = tpu.memref_squeeze %dma_wait3A_193 : memref<1x1x2x80xi32, #tpu.memory_space<hbm>> -> memref<2x80xi32, #tpu.memory_space<hbm>>
      tpu.wait_dma2 semaphore(%arg15 : memref<!tpu.dma_semaphore, #tpu.memory_space<semaphore_mem>>) src(%dma_wait3A_194 : memref<2x80xi32, #tpu.memory_space<hbm>>) dst(%arg7 : memref<2x80xi32, #tpu.memory_space<vmem>>)
      %dma_start3A_195 = arith.constant 0 : i32
      %dma_start3A_196 = arith.constant 0 : i32
      %dma_start3A_197 = tpu.memref_slice %arg7[%dma_start3A_195, %dma_start3A_196] : memref<2x80xi32, #tpu.memory_space<vmem>> -> memref<1x80xi32, #tpu.memory_space<vmem>>
      %dma_start3A_198 = tpu.memref_squeeze %dma_start3A_197 : memref<1x80xi32, #tpu.memory_space<vmem>> -> memref<80xi32, #tpu.memory_space<vmem>>
      %dma_start3A_199 = arith.constant 0 : i32
      %dma_start3A_200 = arith.constant 0 : i32
      %dma_start3A_201 = tpu.memref_slice %arg2[%dma_start3A_199, %dma_start3A_200] : memref<10000x128xf32, #tpu.memory_space<hbm>> -> memref<10000x128xf32, #tpu.memory_space<hbm>>
      tpu.enqueue_indirect_dma source(%dma_start3A_201 : memref<10000x128xf32, #tpu.memory_space<hbm>>) target(%arg11 : memref<80x128xf32, #tpu.memory_space<vmem>>) offsets(%dma_start3A_198 : memref<80xi32, #tpu.memory_space<vmem>>) semaphore(%arg19 : memref<!tpu.dma_semaphore, #tpu.memory_space<semaphore_mem>>)
      %dma_wait3A_202 = arith.constant 0 : i32
      %dma_wait3A_203 = arith.constant 0 : i32
      %dma_wait3A_204 = tpu.memref_slice %arg9[%dma_wait3A_202, %dma_wait3A_203] : memref<2x80xi32, #tpu.memory_space<vmem>> -> memref<1x80xi32, #tpu.memory_space<vmem>>
      %dma_wait3A_205 = tpu.memref_squeeze %dma_wait3A_204 : memref<1x80xi32, #tpu.memory_space<vmem>> -> memref<80xi32, #tpu.memory_space<vmem>>
      %dma_wait3A_206 = arith.constant 0 : i32
      %dma_wait3A_207 = arith.constant 0 : i32
      %dma_wait3A_208 = tpu.memref_slice %arg2[%dma_wait3A_206, %dma_wait3A_207] : memref<10000x128xf32, #tpu.memory_space<hbm>> -> memref<10000x128xf32, #tpu.memory_space<hbm>>
      tpu.wait_indirect_dma semaphore(%arg21 : memref<!tpu.dma_semaphore, #tpu.memory_space<semaphore_mem>>) src(%dma_wait3A_208 : memref<10000x128xf32, #tpu.memory_space<hbm>>) dst(%arg13 : memref<80x128xf32, #tpu.memory_space<vmem>>)
      %run_scoped3A_209 = arith.constant 1 : i32
      "tpu.region"() ({
        %run_scoped3A_257 = tpu.sem_alloc : memref<!tpu.dma_semaphore, #tpu.memory_space<semaphore_mem>>
        %dma_start3A_258 = arith.constant 0 : i32
        %dma_start3A_259 = tpu.memref_slice %arg9[%run_scoped3A_209, %dma_start3A_258] : memref<2x80xi32, #tpu.memory_space<vmem>> -> memref<1x80xi32, #tpu.memory_space<vmem>>
        %dma_start3A_260 = tpu.memref_squeeze %dma_start3A_259 : memref<1x80xi32, #tpu.memory_space<vmem>> -> memref<80xi32, #tpu.memory_space<vmem>>
        %dma_start3A_261 = arith.constant 0 : i32
        %dma_start3A_262 = arith.constant 0 : i32
        %dma_start3A_263 = tpu.memref_slice %arg6[%dma_start3A_261, %dma_start3A_262] : memref<10240x128xf32, #tpu.memory_space<vmem_shared>> -> memref<10240x128xf32, #tpu.memory_space<vmem_shared>>
        tpu.enqueue_indirect_dma source(%arg13 : memref<80x128xf32, #tpu.memory_space<vmem>>) target(%dma_start3A_263 : memref<10240x128xf32, #tpu.memory_space<vmem_shared>>) offsets(%dma_start3A_260 : memref<80xi32, #tpu.memory_space<vmem>>) semaphore(%run_scoped3A_257 : memref<!tpu.dma_semaphore, #tpu.memory_space<semaphore_mem>>) {add = true}
        %dma_wait3A_264 = arith.constant 0 : i32
        %dma_wait3A_265 = tpu.memref_slice %arg9[%run_scoped3A_209, %dma_wait3A_264] : memref<2x80xi32, #tpu.memory_space<vmem>> -> memref<1x80xi32, #tpu.memory_space<vmem>>
        %dma_wait3A_266 = tpu.memref_squeeze %dma_wait3A_265 : memref<1x80xi32, #tpu.memory_space<vmem>> -> memref<80xi32, #tpu.memory_space<vmem>>
        %dma_wait3A_267 = arith.constant 0 : i32
        %dma_wait3A_268 = arith.constant 0 : i32
        %dma_wait3A_269 = tpu.memref_slice %arg6[%dma_wait3A_267, %dma_wait3A_268] : memref<10240x128xf32, #tpu.memory_space<vmem_shared>> -> memref<10240x128xf32, #tpu.memory_space<vmem_shared>>
        tpu.wait_indirect_dma semaphore(%run_scoped3A_257 : memref<!tpu.dma_semaphore, #tpu.memory_space<semaphore_mem>>) src(%arg13 : memref<80x128xf32, #tpu.memory_space<vmem>>) dst(%dma_wait3A_269 : memref<10240x128xf32, #tpu.memory_space<vmem_shared>>)
        tpu.yield
      }) : () -> ()
      %add3A_210 = arith.constant 4 : i32
      %add3A_211 = arith.addi %add3A_184, %add3A_210 : i32
      %dma_start3A_212 = arith.constant 0 : i32
      %dma_start3A_213 = arith.constant 0 : i32
      %dma_start3A_214 = tpu.memref_slice %arg3[%add3A, %add3A_211, %dma_start3A_212, %dma_start3A_213] : memref<32x132x2x80xi32, #tpu.memory_space<hbm>> -> memref<1x1x2x80xi32, #tpu.memory_space<hbm>>
      %dma_start3A_215 = tpu.memref_squeeze %dma_start3A_214 : memref<1x1x2x80xi32, #tpu.memory_space<hbm>> -> memref<2x80xi32, #tpu.memory_space<hbm>>
      %dma_start3A_216 = arith.constant 0 : i32
      %dma_start3A_217 = arith.constant 0 : i32
      %dma_start3A_218 = tpu.memref_slice %arg3[%add3A, %add3A_211, %dma_start3A_216, %dma_start3A_217] : memref<32x132x2x80xi32, #tpu.memory_space<hbm>> -> memref<1x1x2x80xi32, #tpu.memory_space<hbm>>
      %dma_start3A_219 = tpu.memref_squeeze %dma_start3A_218 : memref<1x1x2x80xi32, #tpu.memory_space<hbm>> -> memref<2x80xi32, #tpu.memory_space<hbm>>
      tpu.enqueue_dma source(%dma_start3A_219 : memref<2x80xi32, #tpu.memory_space<hbm>>) target(%arg9 : memref<2x80xi32, #tpu.memory_space<vmem>>) target_semaphore(%arg17 : memref<!tpu.dma_semaphore, #tpu.memory_space<semaphore_mem>>)
      %add3A_220 = arith.constant 3 : i32
      %add3A_221 = arith.addi %mul3A_109, %add3A_220 : i32
      %add3A_222 = arith.constant 2 : i32
      %add3A_223 = arith.addi %add3A_221, %add3A_222 : i32
      %dma_wait3A_224 = arith.constant 0 : i32
      %dma_wait3A_225 = arith.constant 0 : i32
      %dma_wait3A_226 = tpu.memref_slice %arg3[%add3A, %add3A_223, %dma_wait3A_224, %dma_wait3A_225] : memref<32x132x2x80xi32, #tpu.memory_space<hbm>> -> memref<1x1x2x80xi32, #tpu.memory_space<hbm>>
      %dma_wait3A_227 = tpu.memref_squeeze %dma_wait3A_226 : memref<1x1x2x80xi32, #tpu.memory_space<hbm>> -> memref<2x80xi32, #tpu.memory_space<hbm>>
      %dma_wait3A_228 = arith.constant 0 : i32
      %dma_wait3A_229 = arith.constant 0 : i32
      %dma_wait3A_230 = tpu.memref_slice %arg3[%add3A, %add3A_223, %dma_wait3A_228, %dma_wait3A_229] : memref<32x132x2x80xi32, #tpu.memory_space<hbm>> -> memref<1x1x2x80xi32, #tpu.memory_space<hbm>>
      %dma_wait3A_231 = tpu.memref_squeeze %dma_wait3A_230 : memref<1x1x2x80xi32, #tpu.memory_space<hbm>> -> memref<2x80xi32, #tpu.memory_space<hbm>>
      tpu.wait_dma2 semaphore(%arg16 : memref<!tpu.dma_semaphore, #tpu.memory_space<semaphore_mem>>) src(%dma_wait3A_231 : memref<2x80xi32, #tpu.memory_space<hbm>>) dst(%arg8 : memref<2x80xi32, #tpu.memory_space<vmem>>)
      %dma_start3A_232 = arith.constant 0 : i32
      %dma_start3A_233 = arith.constant 0 : i32
      %dma_start3A_234 = tpu.memref_slice %arg8[%dma_start3A_232, %dma_start3A_233] : memref<2x80xi32, #tpu.memory_space<vmem>> -> memref<1x80xi32, #tpu.memory_space<vmem>>
      %dma_start3A_235 = tpu.memref_squeeze %dma_start3A_234 : memref<1x80xi32, #tpu.memory_space<vmem>> -> memref<80xi32, #tpu.memory_space<vmem>>
      %dma_start3A_236 = arith.constant 0 : i32
      %dma_start3A_237 = arith.constant 0 : i32
      %dma_start3A_238 = tpu.memref_slice %arg2[%dma_start3A_236, %dma_start3A_237] : memref<10000x128xf32, #tpu.memory_space<hbm>> -> memref<10000x128xf32, #tpu.memory_space<hbm>>
      tpu.enqueue_indirect_dma source(%dma_start3A_238 : memref<10000x128xf32, #tpu.memory_space<hbm>>) target(%arg12 : memref<80x128xf32, #tpu.memory_space<vmem>>) offsets(%dma_start3A_235 : memref<80xi32, #tpu.memory_space<vmem>>) semaphore(%arg20 : memref<!tpu.dma_semaphore, #tpu.memory_space<semaphore_mem>>)
      %dma_wait3A_239 = arith.constant 0 : i32
      %dma_wait3A_240 = arith.constant 0 : i32
      %dma_wait3A_241 = tpu.memref_slice %arg10[%dma_wait3A_239, %dma_wait3A_240] : memref<2x80xi32, #tpu.memory_space<vmem>> -> memref<1x80xi32, #tpu.memory_space<vmem>>
      %dma_wait3A_242 = tpu.memref_squeeze %dma_wait3A_241 : memref<1x80xi32, #tpu.memory_space<vmem>> -> memref<80xi32, #tpu.memory_space<vmem>>
      %dma_wait3A_243 = arith.constant 0 : i32
      %dma_wait3A_244 = arith.constant 0 : i32
      %dma_wait3A_245 = tpu.memref_slice %arg2[%dma_wait3A_243, %dma_wait3A_244] : memref<10000x128xf32, #tpu.memory_space<hbm>> -> memref<10000x128xf32, #tpu.memory_space<hbm>>
      tpu.wait_indirect_dma semaphore(%arg22 : memref<!tpu.dma_semaphore, #tpu.memory_space<semaphore_mem>>) src(%dma_wait3A_245 : memref<10000x128xf32, #tpu.memory_space<hbm>>) dst(%arg14 : memref<80x128xf32, #tpu.memory_space<vmem>>)
      %run_scoped3A_246 = arith.constant 1 : i32
      "tpu.region"() ({
        %run_scoped3A_257 = tpu.sem_alloc : memref<!tpu.dma_semaphore, #tpu.memory_space<semaphore_mem>>
        %dma_start3A_258 = arith.constant 0 : i32
        %dma_start3A_259 = tpu.memref_slice %arg10[%run_scoped3A_246, %dma_start3A_258] : memref<2x80xi32, #tpu.memory_space<vmem>> -> memref<1x80xi32, #tpu.memory_space<vmem>>
        %dma_start3A_260 = tpu.memref_squeeze %dma_start3A_259 : memref<1x80xi32, #tpu.memory_space<vmem>> -> memref<80xi32, #tpu.memory_space<vmem>>
        %dma_start3A_261 = arith.constant 0 : i32
        %dma_start3A_262 = arith.constant 0 : i32
        %dma_start3A_263 = tpu.memref_slice %arg6[%dma_start3A_261, %dma_start3A_262] : memref<10240x128xf32, #tpu.memory_space<vmem_shared>> -> memref<10240x128xf32, #tpu.memory_space<vmem_shared>>
        tpu.enqueue_indirect_dma source(%arg14 : memref<80x128xf32, #tpu.memory_space<vmem>>) target(%dma_start3A_263 : memref<10240x128xf32, #tpu.memory_space<vmem_shared>>) offsets(%dma_start3A_260 : memref<80xi32, #tpu.memory_space<vmem>>) semaphore(%run_scoped3A_257 : memref<!tpu.dma_semaphore, #tpu.memory_space<semaphore_mem>>) {add = true}
        %dma_wait3A_264 = arith.constant 0 : i32
        %dma_wait3A_265 = tpu.memref_slice %arg10[%run_scoped3A_246, %dma_wait3A_264] : memref<2x80xi32, #tpu.memory_space<vmem>> -> memref<1x80xi32, #tpu.memory_space<vmem>>
        %dma_wait3A_266 = tpu.memref_squeeze %dma_wait3A_265 : memref<1x80xi32, #tpu.memory_space<vmem>> -> memref<80xi32, #tpu.memory_space<vmem>>
        %dma_wait3A_267 = arith.constant 0 : i32
        %dma_wait3A_268 = arith.constant 0 : i32
        %dma_wait3A_269 = tpu.memref_slice %arg6[%dma_wait3A_267, %dma_wait3A_268] : memref<10240x128xf32, #tpu.memory_space<vmem_shared>> -> memref<10240x128xf32, #tpu.memory_space<vmem_shared>>
        tpu.wait_indirect_dma semaphore(%run_scoped3A_257 : memref<!tpu.dma_semaphore, #tpu.memory_space<semaphore_mem>>) src(%arg14 : memref<80x128xf32, #tpu.memory_space<vmem>>) dst(%dma_wait3A_269 : memref<10240x128xf32, #tpu.memory_space<vmem_shared>>)
        tpu.yield
      }) : () -> ()
      %add3A_247 = arith.constant 4 : i32
      %add3A_248 = arith.addi %add3A_221, %add3A_247 : i32
      %dma_start3A_249 = arith.constant 0 : i32
      %dma_start3A_250 = arith.constant 0 : i32
      %dma_start3A_251 = tpu.memref_slice %arg3[%add3A, %add3A_248, %dma_start3A_249, %dma_start3A_250] : memref<32x132x2x80xi32, #tpu.memory_space<hbm>> -> memref<1x1x2x80xi32, #tpu.memory_space<hbm>>
      %dma_start3A_252 = tpu.memref_squeeze %dma_start3A_251 : memref<1x1x2x80xi32, #tpu.memory_space<hbm>> -> memref<2x80xi32, #tpu.memory_space<hbm>>
      %dma_start3A_253 = arith.constant 0 : i32
      %dma_start3A_254 = arith.constant 0 : i32
      %dma_start3A_255 = tpu.memref_slice %arg3[%add3A, %add3A_248, %dma_start3A_253, %dma_start3A_254] : memref<32x132x2x80xi32, #tpu.memory_space<hbm>> -> memref<1x1x2x80xi32, #tpu.memory_space<hbm>>
      %dma_start3A_256 = tpu.memref_squeeze %dma_start3A_255 : memref<1x1x2x80xi32, #tpu.memory_space<hbm>> -> memref<2x80xi32, #tpu.memory_space<hbm>>
      tpu.enqueue_dma source(%dma_start3A_256 : memref<2x80xi32, #tpu.memory_space<hbm>>) target(%arg10 : memref<2x80xi32, #tpu.memory_space<vmem>>) target_semaphore(%arg18 : memref<!tpu.dma_semaphore, #tpu.memory_space<semaphore_mem>>)
    }
    %scan3A_73 = arith.constant 32 : i32
    %dma_wait3A_74 = arith.constant 0 : i32
    %dma_wait3A_75 = arith.constant 0 : i32
    %dma_wait3A_76 = tpu.memref_slice %arg7[%dma_wait3A_74, %dma_wait3A_75] : memref<2x80xi32, #tpu.memory_space<vmem>> -> memref<1x80xi32, #tpu.memory_space<vmem>>
    %dma_wait3A_77 = tpu.memref_squeeze %dma_wait3A_76 : memref<1x80xi32, #tpu.memory_space<vmem>> -> memref<80xi32, #tpu.memory_space<vmem>>
    %dma_wait3A_78 = arith.constant 0 : i32
    %dma_wait3A_79 = arith.constant 0 : i32
    %dma_wait3A_80 = tpu.memref_slice %arg2[%dma_wait3A_78, %dma_wait3A_79] : memref<10000x128xf32, #tpu.memory_space<hbm>> -> memref<10000x128xf32, #tpu.memory_space<hbm>>
    tpu.wait_indirect_dma semaphore(%arg19 : memref<!tpu.dma_semaphore, #tpu.memory_space<semaphore_mem>>) src(%dma_wait3A_80 : memref<10000x128xf32, #tpu.memory_space<hbm>>) dst(%arg11 : memref<80x128xf32, #tpu.memory_space<vmem>>)
    %dma_wait3A_81 = arith.constant 0 : i32
    %dma_wait3A_82 = arith.constant 0 : i32
    %dma_wait3A_83 = tpu.memref_slice %arg8[%dma_wait3A_81, %dma_wait3A_82] : memref<2x80xi32, #tpu.memory_space<vmem>> -> memref<1x80xi32, #tpu.memory_space<vmem>>
    %dma_wait3A_84 = tpu.memref_squeeze %dma_wait3A_83 : memref<1x80xi32, #tpu.memory_space<vmem>> -> memref<80xi32, #tpu.memory_space<vmem>>
    %dma_wait3A_85 = arith.constant 0 : i32
    %dma_wait3A_86 = arith.constant 0 : i32
    %dma_wait3A_87 = tpu.memref_slice %arg2[%dma_wait3A_85, %dma_wait3A_86] : memref<10000x128xf32, #tpu.memory_space<hbm>> -> memref<10000x128xf32, #tpu.memory_space<hbm>>
    tpu.wait_indirect_dma semaphore(%arg20 : memref<!tpu.dma_semaphore, #tpu.memory_space<semaphore_mem>>) src(%dma_wait3A_87 : memref<10000x128xf32, #tpu.memory_space<hbm>>) dst(%arg12 : memref<80x128xf32, #tpu.memory_space<vmem>>)
    %dma_wait3A_88 = arith.constant 2 : i32
    %dma_wait3A_89 = arith.constant 0 : i32
    %dma_wait3A_90 = arith.constant 0 : i32
    %dma_wait3A_91 = tpu.memref_slice %arg3[%add3A, %dma_wait3A_88, %dma_wait3A_89, %dma_wait3A_90] : memref<32x132x2x80xi32, #tpu.memory_space<hbm>> -> memref<1x1x2x80xi32, #tpu.memory_space<hbm>>
    %dma_wait3A_92 = tpu.memref_squeeze %dma_wait3A_91 : memref<1x1x2x80xi32, #tpu.memory_space<hbm>> -> memref<2x80xi32, #tpu.memory_space<hbm>>
    %dma_wait3A_93 = arith.constant 0 : i32
    %dma_wait3A_94 = arith.constant 0 : i32
    %dma_wait3A_95 = tpu.memref_slice %arg3[%add3A, %dma_wait3A_88, %dma_wait3A_93, %dma_wait3A_94] : memref<32x132x2x80xi32, #tpu.memory_space<hbm>> -> memref<1x1x2x80xi32, #tpu.memory_space<hbm>>
    %dma_wait3A_96 = tpu.memref_squeeze %dma_wait3A_95 : memref<1x1x2x80xi32, #tpu.memory_space<hbm>> -> memref<2x80xi32, #tpu.memory_space<hbm>>
    tpu.wait_dma2 semaphore(%arg17 : memref<!tpu.dma_semaphore, #tpu.memory_space<semaphore_mem>>) src(%dma_wait3A_96 : memref<2x80xi32, #tpu.memory_space<hbm>>) dst(%arg9 : memref<2x80xi32, #tpu.memory_space<vmem>>)
    %dma_wait3A_97 = arith.constant 3 : i32
    %dma_wait3A_98 = arith.constant 0 : i32
    %dma_wait3A_99 = arith.constant 0 : i32
    %dma_wait3A_100 = tpu.memref_slice %arg3[%add3A, %dma_wait3A_97, %dma_wait3A_98, %dma_wait3A_99] : memref<32x132x2x80xi32, #tpu.memory_space<hbm>> -> memref<1x1x2x80xi32, #tpu.memory_space<hbm>>
    %dma_wait3A_101 = tpu.memref_squeeze %dma_wait3A_100 : memref<1x1x2x80xi32, #tpu.memory_space<hbm>> -> memref<2x80xi32, #tpu.memory_space<hbm>>
    %dma_wait3A_102 = arith.constant 0 : i32
    %dma_wait3A_103 = arith.constant 0 : i32
    %dma_wait3A_104 = tpu.memref_slice %arg3[%add3A, %dma_wait3A_97, %dma_wait3A_102, %dma_wait3A_103] : memref<32x132x2x80xi32, #tpu.memory_space<hbm>> -> memref<1x1x2x80xi32, #tpu.memory_space<hbm>>
    %dma_wait3A_105 = tpu.memref_squeeze %dma_wait3A_104 : memref<1x1x2x80xi32, #tpu.memory_space<hbm>> -> memref<2x80xi32, #tpu.memory_space<hbm>>
    tpu.wait_dma2 semaphore(%arg18 : memref<!tpu.dma_semaphore, #tpu.memory_space<semaphore_mem>>) src(%dma_wait3A_105 : memref<2x80xi32, #tpu.memory_space<hbm>>) dst(%arg10 : memref<2x80xi32, #tpu.memory_space<vmem>>)
    %barrier3A_106 = arith.constant 0 : index
    tpu.barrier barrier_id(%barrier3A_106)
    "tpu.region"() ({
      %run_scoped3A = tpu.sem_alloc : memref<!tpu.dma_semaphore, #tpu.memory_space<semaphore_mem>>
      %dma_start3A_107 = arith.constant 0 : i32
      %dma_start3A_108 = tpu.memref_slice %arg5[%arg0, %mul3A_2, %dma_start3A_107] : memref<2x10240x128xf32, #tpu.memory_space<hbm>> -> memref<1x640x128xf32, #tpu.memory_space<hbm>>
      %dma_start3A_109 = tpu.memref_squeeze %dma_start3A_108 : memref<1x640x128xf32, #tpu.memory_space<hbm>> -> memref<640x128xf32, #tpu.memory_space<hbm>>
      %dma_start3A_110 = arith.constant 0 : i32
      %dma_start3A_111 = tpu.memref_slice %arg6[%mul3A_2, %dma_start3A_110] : memref<10240x128xf32, #tpu.memory_space<vmem_shared>> -> memref<640x128xf32, #tpu.memory_space<vmem_shared>>
      tpu.enqueue_dma source(%dma_start3A_111 : memref<640x128xf32, #tpu.memory_space<vmem_shared>>) target(%dma_start3A_109 : memref<640x128xf32, #tpu.memory_space<hbm>>) target_semaphore(%run_scoped3A : memref<!tpu.dma_semaphore, #tpu.memory_space<semaphore_mem>>)
      %dma_wait3A_112 = arith.constant 0 : i32
      %dma_wait3A_113 = tpu.memref_slice %arg5[%arg0, %mul3A_2, %dma_wait3A_112] : memref<2x10240x128xf32, #tpu.memory_space<hbm>> -> memref<1x640x128xf32, #tpu.memory_space<hbm>>
      %dma_wait3A_114 = tpu.memref_squeeze %dma_wait3A_113 : memref<1x640x128xf32, #tpu.memory_space<hbm>> -> memref<640x128xf32, #tpu.memory_space<hbm>>
      %dma_wait3A_115 = arith.constant 0 : i32
      %dma_wait3A_116 = tpu.memref_slice %arg6[%mul3A_2, %dma_wait3A_115] : memref<10240x128xf32, #tpu.memory_space<vmem_shared>> -> memref<640x128xf32, #tpu.memory_space<vmem_shared>>
      tpu.wait_dma2 semaphore(%run_scoped3A : memref<!tpu.dma_semaphore, #tpu.memory_space<semaphore_mem>>) src(%dma_wait3A_116 : memref<640x128xf32, #tpu.memory_space<vmem_shared>>) dst(%dma_wait3A_114 : memref<640x128xf32, #tpu.memory_space<hbm>>)
      tpu.yield
    }) : () -> ()
    return
  }
}

#map = affine_map<(d0, d1) -> (0, 0)>
#map1 = affine_map<(d0, d1) -> (0, 0, 0, 0)>
#map2 = affine_map<(d0, d1) -> (0, 0, 0)>
module attributes {stable_mosaic.version = 14 : i64} {
  func.func @_agg_kernel(%arg0: i32, %arg1: i32, %arg2: memref<10000x128xf32, #tpu.memory_space<hbm>>, %arg3: memref<32x132x2x80xi32, #tpu.memory_space<hbm>>, %arg4: memref<640x128xf32, #tpu.memory_space<hbm>>, %arg5: memref<2x10240x128xf32, #tpu.memory_space<hbm>>, %arg6: memref<10240x128xf32, #tpu.memory_space<vmem_shared>>, %arg7: memref<2x80xi32, #tpu.memory_space<vmem>>, %arg8: memref<2x80xi32, #tpu.memory_space<vmem>>, %arg9: memref<2x80xi32, #tpu.memory_space<vmem>>, %arg10: memref<2x80xi32, #tpu.memory_space<vmem>>, %arg11: memref<80x128xf32, #tpu.memory_space<vmem>>, %arg12: memref<80x128xf32, #tpu.memory_space<vmem>>, %arg13: memref<80x128xf32, #tpu.memory_space<vmem>>, %arg14: memref<80x128xf32, #tpu.memory_space<vmem>>, %arg15: memref<!tpu.dma_semaphore, #tpu.memory_space<semaphore_mem>>, %arg16: memref<!tpu.dma_semaphore, #tpu.memory_space<semaphore_mem>>, %arg17: memref<!tpu.dma_semaphore, #tpu.memory_space<semaphore_mem>>, %arg18: memref<!tpu.dma_semaphore, #tpu.memory_space<semaphore_mem>>, %arg19: memref<!tpu.dma_semaphore, #tpu.memory_space<semaphore_mem>>, %arg20: memref<!tpu.dma_semaphore, #tpu.memory_space<semaphore_mem>>, %arg21: memref<!tpu.dma_semaphore, #tpu.memory_space<semaphore_mem>>, %arg22: memref<!tpu.dma_semaphore, #tpu.memory_space<semaphore_mem>>) attributes {dimension_semantics = [#tpu.dimension_semantics<core_parallel>, #tpu.dimension_semantics<subcore_parallel>], iteration_bounds = array<i64: 2, 16>, scalar_prefetch = 0 : i64, scratch_operands = 17 : i64, tpu.core_type = #tpu.core_type<sc_vector_subcore>, window_params = [{transform_indices = #map}, {transform_indices = #map1}, {transform_indices = #map}, {transform_indices = #map2}]} {
    %mul3A = arith.constant 2 : i32
    %mul3A_0 = arith.muli %arg1, %mul3A : i32
    %add3A = arith.addi %mul3A_0, %arg0 : i32
    %mul3A_1 = arith.constant 640 : i32
    %mul3A_2 = arith.muli %arg1, %mul3A_1 : i32
    "tpu.region"() ({
      %run_scoped3A = tpu.sem_alloc : memref<!tpu.dma_semaphore, #tpu.memory_space<semaphore_mem>>
      %dma_start3A_107 = arith.constant 0 : i32
      %dma_start3A_108 = tpu.memref_slice %arg6[%mul3A_2, %dma_start3A_107] : memref<10240x128xf32, #tpu.memory_space<vmem_shared>> -> memref<640x128xf32, #tpu.memory_space<vmem_shared>>
      tpu.enqueue_dma source(%arg4 : memref<640x128xf32, #tpu.memory_space<hbm>>) target(%dma_start3A_108 : memref<640x128xf32, #tpu.memory_space<vmem_shared>>) target_semaphore(%run_scoped3A : memref<!tpu.dma_semaphore, #tpu.memory_space<semaphore_mem>>)
      %dma_wait3A_109 = arith.constant 0 : i32
      %dma_wait3A_110 = tpu.memref_slice %arg6[%mul3A_2, %dma_wait3A_109] : memref<10240x128xf32, #tpu.memory_space<vmem_shared>> -> memref<640x128xf32, #tpu.memory_space<vmem_shared>>
      tpu.wait_dma2 semaphore(%run_scoped3A : memref<!tpu.dma_semaphore, #tpu.memory_space<semaphore_mem>>) src(%arg4 : memref<640x128xf32, #tpu.memory_space<hbm>>) dst(%dma_wait3A_110 : memref<640x128xf32, #tpu.memory_space<vmem_shared>>)
      tpu.yield
    }) : () -> ()
    %dma_start3A = arith.constant 0 : i32
    %dma_start3A_3 = arith.constant 0 : i32
    %dma_start3A_4 = arith.constant 0 : i32
    %dma_start3A_5 = tpu.memref_slice %arg3[%add3A, %dma_start3A, %dma_start3A_3, %dma_start3A_4] : memref<32x132x2x80xi32, #tpu.memory_space<hbm>> -> memref<1x1x2x80xi32, #tpu.memory_space<hbm>>
    %dma_start3A_6 = tpu.memref_squeeze %dma_start3A_5 : memref<1x1x2x80xi32, #tpu.memory_space<hbm>> -> memref<2x80xi32, #tpu.memory_space<hbm>>
    %dma_start3A_7 = arith.constant 0 : i32
    %dma_start3A_8 = arith.constant 0 : i32
    %dma_start3A_9 = tpu.memref_slice %arg3[%add3A, %dma_start3A, %dma_start3A_7, %dma_start3A_8] : memref<32x132x2x80xi32, #tpu.memory_space<hbm>> -> memref<1x1x2x80xi32, #tpu.memory_space<hbm>>
    %dma_start3A_10 = tpu.memref_squeeze %dma_start3A_9 : memref<1x1x2x80xi32, #tpu.memory_space<hbm>> -> memref<2x80xi32, #tpu.memory_space<hbm>>
    tpu.enqueue_dma source(%dma_start3A_10 : memref<2x80xi32, #tpu.memory_space<hbm>>) target(%arg7 : memref<2x80xi32, #tpu.memory_space<vmem>>) target_semaphore(%arg15 : memref<!tpu.dma_semaphore, #tpu.memory_space<semaphore_mem>>)
    %dma_start3A_11 = arith.constant 1 : i32
    %dma_start3A_12 = arith.constant 0 : i32
    %dma_start3A_13 = arith.constant 0 : i32
    %dma_start3A_14 = tpu.memref_slice %arg3[%add3A, %dma_start3A_11, %dma_start3A_12, %dma_start3A_13] : memref<32x132x2x80xi32, #tpu.memory_space<hbm>> -> memref<1x1x2x80xi32, #tpu.memory_space<hbm>>
    %dma_start3A_15 = tpu.memref_squeeze %dma_start3A_14 : memref<1x1x2x80xi32, #tpu.memory_space<hbm>> -> memref<2x80xi32, #tpu.memory_space<hbm>>
    %dma_start3A_16 = arith.constant 0 : i32
    %dma_start3A_17 = arith.constant 0 : i32
    %dma_start3A_18 = tpu.memref_slice %arg3[%add3A, %dma_start3A_11, %dma_start3A_16, %dma_start3A_17] : memref<32x132x2x80xi32, #tpu.memory_space<hbm>> -> memref<1x1x2x80xi32, #tpu.memory_space<hbm>>
    %dma_start3A_19 = tpu.memref_squeeze %dma_start3A_18 : memref<1x1x2x80xi32, #tpu.memory_space<hbm>> -> memref<2x80xi32, #tpu.memory_space<hbm>>
    tpu.enqueue_dma source(%dma_start3A_19 : memref<2x80xi32, #tpu.memory_space<hbm>>) target(%arg8 : memref<2x80xi32, #tpu.memory_space<vmem>>) target_semaphore(%arg16 : memref<!tpu.dma_semaphore, #tpu.memory_space<semaphore_mem>>)
    %dma_start3A_20 = arith.constant 2 : i32
    %dma_start3A_21 = arith.constant 0 : i32
    %dma_start3A_22 = arith.constant 0 : i32
    %dma_start3A_23 = tpu.memref_slice %arg3[%add3A, %dma_start3A_20, %dma_start3A_21, %dma_start3A_22] : memref<32x132x2x80xi32, #tpu.memory_space<hbm>> -> memref<1x1x2x80xi32, #tpu.memory_space<hbm>>
    %dma_start3A_24 = tpu.memref_squeeze %dma_start3A_23 : memref<1x1x2x80xi32, #tpu.memory_space<hbm>> -> memref<2x80xi32, #tpu.memory_space<hbm>>
    %dma_start3A_25 = arith.constant 0 : i32
    %dma_start3A_26 = arith.constant 0 : i32
    %dma_start3A_27 = tpu.memref_slice %arg3[%add3A, %dma_start3A_20, %dma_start3A_25, %dma_start3A_26] : memref<32x132x2x80xi32, #tpu.memory_space<hbm>> -> memref<1x1x2x80xi32, #tpu.memory_space<hbm>>
    %dma_start3A_28 = tpu.memref_squeeze %dma_start3A_27 : memref<1x1x2x80xi32, #tpu.memory_space<hbm>> -> memref<2x80xi32, #tpu.memory_space<hbm>>
    tpu.enqueue_dma source(%dma_start3A_28 : memref<2x80xi32, #tpu.memory_space<hbm>>) target(%arg9 : memref<2x80xi32, #tpu.memory_space<vmem>>) target_semaphore(%arg17 : memref<!tpu.dma_semaphore, #tpu.memory_space<semaphore_mem>>)
    %dma_start3A_29 = arith.constant 3 : i32
    %dma_start3A_30 = arith.constant 0 : i32
    %dma_start3A_31 = arith.constant 0 : i32
    %dma_start3A_32 = tpu.memref_slice %arg3[%add3A, %dma_start3A_29, %dma_start3A_30, %dma_start3A_31] : memref<32x132x2x80xi32, #tpu.memory_space<hbm>> -> memref<1x1x2x80xi32, #tpu.memory_space<hbm>>
    %dma_start3A_33 = tpu.memref_squeeze %dma_start3A_32 : memref<1x1x2x80xi32, #tpu.memory_space<hbm>> -> memref<2x80xi32, #tpu.memory_space<hbm>>
    %dma_start3A_34 = arith.constant 0 : i32
    %dma_start3A_35 = arith.constant 0 : i32
    %dma_start3A_36 = tpu.memref_slice %arg3[%add3A, %dma_start3A_29, %dma_start3A_34, %dma_start3A_35] : memref<32x132x2x80xi32, #tpu.memory_space<hbm>> -> memref<1x1x2x80xi32, #tpu.memory_space<hbm>>
    %dma_start3A_37 = tpu.memref_squeeze %dma_start3A_36 : memref<1x1x2x80xi32, #tpu.memory_space<hbm>> -> memref<2x80xi32, #tpu.memory_space<hbm>>
    tpu.enqueue_dma source(%dma_start3A_37 : memref<2x80xi32, #tpu.memory_space<hbm>>) target(%arg10 : memref<2x80xi32, #tpu.memory_space<vmem>>) target_semaphore(%arg18 : memref<!tpu.dma_semaphore, #tpu.memory_space<semaphore_mem>>)
    %dma_wait3A = arith.constant 0 : i32
    %dma_wait3A_38 = arith.constant 0 : i32
    %dma_wait3A_39 = arith.constant 0 : i32
    %dma_wait3A_40 = tpu.memref_slice %arg3[%add3A, %dma_wait3A, %dma_wait3A_38, %dma_wait3A_39] : memref<32x132x2x80xi32, #tpu.memory_space<hbm>> -> memref<1x1x2x80xi32, #tpu.memory_space<hbm>>
    %dma_wait3A_41 = tpu.memref_squeeze %dma_wait3A_40 : memref<1x1x2x80xi32, #tpu.memory_space<hbm>> -> memref<2x80xi32, #tpu.memory_space<hbm>>
    %dma_wait3A_42 = arith.constant 0 : i32
    %dma_wait3A_43 = arith.constant 0 : i32
    %dma_wait3A_44 = tpu.memref_slice %arg3[%add3A, %dma_wait3A, %dma_wait3A_42, %dma_wait3A_43] : memref<32x132x2x80xi32, #tpu.memory_space<hbm>> -> memref<1x1x2x80xi32, #tpu.memory_space<hbm>>
    %dma_wait3A_45 = tpu.memref_squeeze %dma_wait3A_44 : memref<1x1x2x80xi32, #tpu.memory_space<hbm>> -> memref<2x80xi32, #tpu.memory_space<hbm>>
    tpu.wait_dma2 semaphore(%arg15 : memref<!tpu.dma_semaphore, #tpu.memory_space<semaphore_mem>>) src(%dma_wait3A_45 : memref<2x80xi32, #tpu.memory_space<hbm>>) dst(%arg7 : memref<2x80xi32, #tpu.memory_space<vmem>>)
    %dma_start3A_46 = arith.constant 0 : i32
    %dma_start3A_47 = arith.constant 0 : i32
    %dma_start3A_48 = tpu.memref_slice %arg7[%dma_start3A_46, %dma_start3A_47] : memref<2x80xi32, #tpu.memory_space<vmem>> -> memref<1x80xi32, #tpu.memory_space<vmem>>
    %dma_start3A_49 = tpu.memref_squeeze %dma_start3A_48 : memref<1x80xi32, #tpu.memory_space<vmem>> -> memref<80xi32, #tpu.memory_space<vmem>>
    %dma_start3A_50 = arith.constant 0 : i32
    %dma_start3A_51 = arith.constant 0 : i32
    %dma_start3A_52 = tpu.memref_slice %arg2[%dma_start3A_50, %dma_start3A_51] : memref<10000x128xf32, #tpu.memory_space<hbm>> -> memref<10000x128xf32, #tpu.memory_space<hbm>>
    tpu.enqueue_indirect_dma source(%dma_start3A_52 : memref<10000x128xf32, #tpu.memory_space<hbm>>) target(%arg11 : memref<80x128xf32, #tpu.memory_space<vmem>>) offsets(%dma_start3A_49 : memref<80xi32, #tpu.memory_space<vmem>>) semaphore(%arg19 : memref<!tpu.dma_semaphore, #tpu.memory_space<semaphore_mem>>)
    %dma_wait3A_53 = arith.constant 1 : i32
    %dma_wait3A_54 = arith.constant 0 : i32
    %dma_wait3A_55 = arith.constant 0 : i32
    %dma_wait3A_56 = tpu.memref_slice %arg3[%add3A, %dma_wait3A_53, %dma_wait3A_54, %dma_wait3A_55] : memref<32x132x2x80xi32, #tpu.memory_space<hbm>> -> memref<1x1x2x80xi32, #tpu.memory_space<hbm>>
    %dma_wait3A_57 = tpu.memref_squeeze %dma_wait3A_56 : memref<1x1x2x80xi32, #tpu.memory_space<hbm>> -> memref<2x80xi32, #tpu.memory_space<hbm>>
    %dma_wait3A_58 = arith.constant 0 : i32
    %dma_wait3A_59 = arith.constant 0 : i32
    %dma_wait3A_60 = tpu.memref_slice %arg3[%add3A, %dma_wait3A_53, %dma_wait3A_58, %dma_wait3A_59] : memref<32x132x2x80xi32, #tpu.memory_space<hbm>> -> memref<1x1x2x80xi32, #tpu.memory_space<hbm>>
    %dma_wait3A_61 = tpu.memref_squeeze %dma_wait3A_60 : memref<1x1x2x80xi32, #tpu.memory_space<hbm>> -> memref<2x80xi32, #tpu.memory_space<hbm>>
    tpu.wait_dma2 semaphore(%arg16 : memref<!tpu.dma_semaphore, #tpu.memory_space<semaphore_mem>>) src(%dma_wait3A_61 : memref<2x80xi32, #tpu.memory_space<hbm>>) dst(%arg8 : memref<2x80xi32, #tpu.memory_space<vmem>>)
    %dma_start3A_62 = arith.constant 0 : i32
    %dma_start3A_63 = arith.constant 0 : i32
    %dma_start3A_64 = tpu.memref_slice %arg8[%dma_start3A_62, %dma_start3A_63] : memref<2x80xi32, #tpu.memory_space<vmem>> -> memref<1x80xi32, #tpu.memory_space<vmem>>
    %dma_start3A_65 = tpu.memref_squeeze %dma_start3A_64 : memref<1x80xi32, #tpu.memory_space<vmem>> -> memref<80xi32, #tpu.memory_space<vmem>>
    %dma_start3A_66 = arith.constant 0 : i32
    %dma_start3A_67 = arith.constant 0 : i32
    %dma_start3A_68 = tpu.memref_slice %arg2[%dma_start3A_66, %dma_start3A_67] : memref<10000x128xf32, #tpu.memory_space<hbm>> -> memref<10000x128xf32, #tpu.memory_space<hbm>>
    tpu.enqueue_indirect_dma source(%dma_start3A_68 : memref<10000x128xf32, #tpu.memory_space<hbm>>) target(%arg12 : memref<80x128xf32, #tpu.memory_space<vmem>>) offsets(%dma_start3A_65 : memref<80xi32, #tpu.memory_space<vmem>>) semaphore(%arg20 : memref<!tpu.dma_semaphore, #tpu.memory_space<semaphore_mem>>)
    %barrier3A = arith.constant 0 : index
    tpu.barrier barrier_id(%barrier3A)
    %scan3A = arith.constant 0 : i32
    %scan3A_69 = arith.constant 0 : i32
    %scan3A_70 = arith.constant 32 : i32
    %scan3A_71 = arith.addi %scan3A_69, %scan3A_70 : i32
    %scan3A_72 = arith.constant 1 : i32
    scf.for %scan3A_107 = %scan3A_69 to %scan3A_71 step %scan3A_72  : i32 {
      %mul3A_108 = arith.constant 4 : i32
      %mul3A_109 = arith.muli %scan3A_107, %mul3A_108 : i32
      %add3A_110 = arith.constant 0 : i32
      %add3A_111 = arith.addi %mul3A_109, %add3A_110 : i32
      %add3A_112 = arith.constant 2 : i32
      %add3A_113 = arith.addi %add3A_111, %add3A_112 : i32
      %dma_wait3A_114 = arith.constant 0 : i32
      %dma_wait3A_115 = arith.constant 0 : i32
      %dma_wait3A_116 = tpu.memref_slice %arg3[%add3A, %add3A_113, %dma_wait3A_114, %dma_wait3A_115] : memref<32x132x2x80xi32, #tpu.memory_space<hbm>> -> memref<1x1x2x80xi32, #tpu.memory_space<hbm>>
      %dma_wait3A_117 = tpu.memref_squeeze %dma_wait3A_116 : memref<1x1x2x80xi32, #tpu.memory_space<hbm>> -> memref<2x80xi32, #tpu.memory_space<hbm>>
      %dma_wait3A_118 = arith.constant 0 : i32
      %dma_wait3A_119 = arith.constant 0 : i32
      %dma_wait3A_120 = tpu.memref_slice %arg3[%add3A, %add3A_113, %dma_wait3A_118, %dma_wait3A_119] : memref<32x132x2x80xi32, #tpu.memory_space<hbm>> -> memref<1x1x2x80xi32, #tpu.memory_space<hbm>>
      %dma_wait3A_121 = tpu.memref_squeeze %dma_wait3A_120 : memref<1x1x2x80xi32, #tpu.memory_space<hbm>> -> memref<2x80xi32, #tpu.memory_space<hbm>>
      tpu.wait_dma2 semaphore(%arg17 : memref<!tpu.dma_semaphore, #tpu.memory_space<semaphore_mem>>) src(%dma_wait3A_121 : memref<2x80xi32, #tpu.memory_space<hbm>>) dst(%arg9 : memref<2x80xi32, #tpu.memory_space<vmem>>)
      %dma_start3A_122 = arith.constant 0 : i32
      %dma_start3A_123 = arith.constant 0 : i32
      %dma_start3A_124 = tpu.memref_slice %arg9[%dma_start3A_122, %dma_start3A_123] : memref<2x80xi32, #tpu.memory_space<vmem>> -> memref<1x80xi32, #tpu.memory_space<vmem>>
      %dma_start3A_125 = tpu.memref_squeeze %dma_start3A_124 : memref<1x80xi32, #tpu.memory_space<vmem>> -> memref<80xi32, #tpu.memory_space<vmem>>
      %dma_start3A_126 = arith.constant 0 : i32
      %dma_start3A_127 = arith.constant 0 : i32
      %dma_start3A_128 = tpu.memref_slice %arg2[%dma_start3A_126, %dma_start3A_127] : memref<10000x128xf32, #tpu.memory_space<hbm>> -> memref<10000x128xf32, #tpu.memory_space<hbm>>
      tpu.enqueue_indirect_dma source(%dma_start3A_128 : memref<10000x128xf32, #tpu.memory_space<hbm>>) target(%arg13 : memref<80x128xf32, #tpu.memory_space<vmem>>) offsets(%dma_start3A_125 : memref<80xi32, #tpu.memory_space<vmem>>) semaphore(%arg21 : memref<!tpu.dma_semaphore, #tpu.memory_space<semaphore_mem>>)
      %dma_wait3A_129 = arith.constant 0 : i32
      %dma_wait3A_130 = arith.constant 0 : i32
      %dma_wait3A_131 = tpu.memref_slice %arg7[%dma_wait3A_129, %dma_wait3A_130] : memref<2x80xi32, #tpu.memory_space<vmem>> -> memref<1x80xi32, #tpu.memory_space<vmem>>
      %dma_wait3A_132 = tpu.memref_squeeze %dma_wait3A_131 : memref<1x80xi32, #tpu.memory_space<vmem>> -> memref<80xi32, #tpu.memory_space<vmem>>
      %dma_wait3A_133 = arith.constant 0 : i32
      %dma_wait3A_134 = arith.constant 0 : i32
      %dma_wait3A_135 = tpu.memref_slice %arg2[%dma_wait3A_133, %dma_wait3A_134] : memref<10000x128xf32, #tpu.memory_space<hbm>> -> memref<10000x128xf32, #tpu.memory_space<hbm>>
      tpu.wait_indirect_dma semaphore(%arg19 : memref<!tpu.dma_semaphore, #tpu.memory_space<semaphore_mem>>) src(%dma_wait3A_135 : memref<10000x128xf32, #tpu.memory_space<hbm>>) dst(%arg11 : memref<80x128xf32, #tpu.memory_space<vmem>>)
      %run_scoped3A = arith.constant 1 : i32
      "tpu.region"() ({
        %run_scoped3A_257 = tpu.sem_alloc : memref<!tpu.dma_semaphore, #tpu.memory_space<semaphore_mem>>
        %dma_start3A_258 = arith.constant 0 : i32
        %dma_start3A_259 = tpu.memref_slice %arg7[%run_scoped3A, %dma_start3A_258] : memref<2x80xi32, #tpu.memory_space<vmem>> -> memref<1x80xi32, #tpu.memory_space<vmem>>
        %dma_start3A_260 = tpu.memref_squeeze %dma_start3A_259 : memref<1x80xi32, #tpu.memory_space<vmem>> -> memref<80xi32, #tpu.memory_space<vmem>>
        %dma_start3A_261 = arith.constant 0 : i32
        %dma_start3A_262 = arith.constant 0 : i32
        %dma_start3A_263 = tpu.memref_slice %arg6[%dma_start3A_261, %dma_start3A_262] : memref<10240x128xf32, #tpu.memory_space<vmem_shared>> -> memref<10240x128xf32, #tpu.memory_space<vmem_shared>>
        tpu.enqueue_indirect_dma source(%arg11 : memref<80x128xf32, #tpu.memory_space<vmem>>) target(%dma_start3A_263 : memref<10240x128xf32, #tpu.memory_space<vmem_shared>>) offsets(%dma_start3A_260 : memref<80xi32, #tpu.memory_space<vmem>>) semaphore(%run_scoped3A_257 : memref<!tpu.dma_semaphore, #tpu.memory_space<semaphore_mem>>) {add = true}
        %dma_wait3A_264 = arith.constant 0 : i32
        %dma_wait3A_265 = tpu.memref_slice %arg7[%run_scoped3A, %dma_wait3A_264] : memref<2x80xi32, #tpu.memory_space<vmem>> -> memref<1x80xi32, #tpu.memory_space<vmem>>
        %dma_wait3A_266 = tpu.memref_squeeze %dma_wait3A_265 : memref<1x80xi32, #tpu.memory_space<vmem>> -> memref<80xi32, #tpu.memory_space<vmem>>
        %dma_wait3A_267 = arith.constant 0 : i32
        %dma_wait3A_268 = arith.constant 0 : i32
        %dma_wait3A_269 = tpu.memref_slice %arg6[%dma_wait3A_267, %dma_wait3A_268] : memref<10240x128xf32, #tpu.memory_space<vmem_shared>> -> memref<10240x128xf32, #tpu.memory_space<vmem_shared>>
        tpu.wait_indirect_dma semaphore(%run_scoped3A_257 : memref<!tpu.dma_semaphore, #tpu.memory_space<semaphore_mem>>) src(%arg11 : memref<80x128xf32, #tpu.memory_space<vmem>>) dst(%dma_wait3A_269 : memref<10240x128xf32, #tpu.memory_space<vmem_shared>>)
        tpu.yield
      }) : () -> ()
      %add3A_136 = arith.constant 4 : i32
      %add3A_137 = arith.addi %add3A_111, %add3A_136 : i32
      %dma_start3A_138 = arith.constant 0 : i32
      %dma_start3A_139 = arith.constant 0 : i32
      %dma_start3A_140 = tpu.memref_slice %arg3[%add3A, %add3A_137, %dma_start3A_138, %dma_start3A_139] : memref<32x132x2x80xi32, #tpu.memory_space<hbm>> -> memref<1x1x2x80xi32, #tpu.memory_space<hbm>>
      %dma_start3A_141 = tpu.memref_squeeze %dma_start3A_140 : memref<1x1x2x80xi32, #tpu.memory_space<hbm>> -> memref<2x80xi32, #tpu.memory_space<hbm>>
      %dma_start3A_142 = arith.constant 0 : i32
      %dma_start3A_143 = arith.constant 0 : i32
      %dma_start3A_144 = tpu.memref_slice %arg3[%add3A, %add3A_137, %dma_start3A_142, %dma_start3A_143] : memref<32x132x2x80xi32, #tpu.memory_space<hbm>> -> memref<1x1x2x80xi32, #tpu.memory_space<hbm>>
      %dma_start3A_145 = tpu.memref_squeeze %dma_start3A_144 : memref<1x1x2x80xi32, #tpu.memory_space<hbm>> -> memref<2x80xi32, #tpu.memory_space<hbm>>
      tpu.enqueue_dma source(%dma_start3A_145 : memref<2x80xi32, #tpu.memory_space<hbm>>) target(%arg7 : memref<2x80xi32, #tpu.memory_space<vmem>>) target_semaphore(%arg15 : memref<!tpu.dma_semaphore, #tpu.memory_space<semaphore_mem>>)
      %add3A_146 = arith.constant 1 : i32
      %add3A_147 = arith.addi %mul3A_109, %add3A_146 : i32
      %add3A_148 = arith.constant 2 : i32
      %add3A_149 = arith.addi %add3A_147, %add3A_148 : i32
      %dma_wait3A_150 = arith.constant 0 : i32
      %dma_wait3A_151 = arith.constant 0 : i32
      %dma_wait3A_152 = tpu.memref_slice %arg3[%add3A, %add3A_149, %dma_wait3A_150, %dma_wait3A_151] : memref<32x132x2x80xi32, #tpu.memory_space<hbm>> -> memref<1x1x2x80xi32, #tpu.memory_space<hbm>>
      %dma_wait3A_153 = tpu.memref_squeeze %dma_wait3A_152 : memref<1x1x2x80xi32, #tpu.memory_space<hbm>> -> memref<2x80xi32, #tpu.memory_space<hbm>>
      %dma_wait3A_154 = arith.constant 0 : i32
      %dma_wait3A_155 = arith.constant 0 : i32
      %dma_wait3A_156 = tpu.memref_slice %arg3[%add3A, %add3A_149, %dma_wait3A_154, %dma_wait3A_155] : memref<32x132x2x80xi32, #tpu.memory_space<hbm>> -> memref<1x1x2x80xi32, #tpu.memory_space<hbm>>
      %dma_wait3A_157 = tpu.memref_squeeze %dma_wait3A_156 : memref<1x1x2x80xi32, #tpu.memory_space<hbm>> -> memref<2x80xi32, #tpu.memory_space<hbm>>
      tpu.wait_dma2 semaphore(%arg18 : memref<!tpu.dma_semaphore, #tpu.memory_space<semaphore_mem>>) src(%dma_wait3A_157 : memref<2x80xi32, #tpu.memory_space<hbm>>) dst(%arg10 : memref<2x80xi32, #tpu.memory_space<vmem>>)
      %dma_start3A_158 = arith.constant 0 : i32
      %dma_start3A_159 = arith.constant 0 : i32
      %dma_start3A_160 = tpu.memref_slice %arg10[%dma_start3A_158, %dma_start3A_159] : memref<2x80xi32, #tpu.memory_space<vmem>> -> memref<1x80xi32, #tpu.memory_space<vmem>>
      %dma_start3A_161 = tpu.memref_squeeze %dma_start3A_160 : memref<1x80xi32, #tpu.memory_space<vmem>> -> memref<80xi32, #tpu.memory_space<vmem>>
      %dma_start3A_162 = arith.constant 0 : i32
      %dma_start3A_163 = arith.constant 0 : i32
      %dma_start3A_164 = tpu.memref_slice %arg2[%dma_start3A_162, %dma_start3A_163] : memref<10000x128xf32, #tpu.memory_space<hbm>> -> memref<10000x128xf32, #tpu.memory_space<hbm>>
      tpu.enqueue_indirect_dma source(%dma_start3A_164 : memref<10000x128xf32, #tpu.memory_space<hbm>>) target(%arg14 : memref<80x128xf32, #tpu.memory_space<vmem>>) offsets(%dma_start3A_161 : memref<80xi32, #tpu.memory_space<vmem>>) semaphore(%arg22 : memref<!tpu.dma_semaphore, #tpu.memory_space<semaphore_mem>>)
      %dma_wait3A_165 = arith.constant 0 : i32
      %dma_wait3A_166 = arith.constant 0 : i32
      %dma_wait3A_167 = tpu.memref_slice %arg8[%dma_wait3A_165, %dma_wait3A_166] : memref<2x80xi32, #tpu.memory_space<vmem>> -> memref<1x80xi32, #tpu.memory_space<vmem>>
      %dma_wait3A_168 = tpu.memref_squeeze %dma_wait3A_167 : memref<1x80xi32, #tpu.memory_space<vmem>> -> memref<80xi32, #tpu.memory_space<vmem>>
      %dma_wait3A_169 = arith.constant 0 : i32
      %dma_wait3A_170 = arith.constant 0 : i32
      %dma_wait3A_171 = tpu.memref_slice %arg2[%dma_wait3A_169, %dma_wait3A_170] : memref<10000x128xf32, #tpu.memory_space<hbm>> -> memref<10000x128xf32, #tpu.memory_space<hbm>>
      tpu.wait_indirect_dma semaphore(%arg20 : memref<!tpu.dma_semaphore, #tpu.memory_space<semaphore_mem>>) src(%dma_wait3A_171 : memref<10000x128xf32, #tpu.memory_space<hbm>>) dst(%arg12 : memref<80x128xf32, #tpu.memory_space<vmem>>)
      %run_scoped3A_172 = arith.constant 1 : i32
      "tpu.region"() ({
        %run_scoped3A_257 = tpu.sem_alloc : memref<!tpu.dma_semaphore, #tpu.memory_space<semaphore_mem>>
        %dma_start3A_258 = arith.constant 0 : i32
        %dma_start3A_259 = tpu.memref_slice %arg8[%run_scoped3A_172, %dma_start3A_258] : memref<2x80xi32, #tpu.memory_space<vmem>> -> memref<1x80xi32, #tpu.memory_space<vmem>>
        %dma_start3A_260 = tpu.memref_squeeze %dma_start3A_259 : memref<1x80xi32, #tpu.memory_space<vmem>> -> memref<80xi32, #tpu.memory_space<vmem>>
        %dma_start3A_261 = arith.constant 0 : i32
        %dma_start3A_262 = arith.constant 0 : i32
        %dma_start3A_263 = tpu.memref_slice %arg6[%dma_start3A_261, %dma_start3A_262] : memref<10240x128xf32, #tpu.memory_space<vmem_shared>> -> memref<10240x128xf32, #tpu.memory_space<vmem_shared>>
        tpu.enqueue_indirect_dma source(%arg12 : memref<80x128xf32, #tpu.memory_space<vmem>>) target(%dma_start3A_263 : memref<10240x128xf32, #tpu.memory_space<vmem_shared>>) offsets(%dma_start3A_260 : memref<80xi32, #tpu.memory_space<vmem>>) semaphore(%run_scoped3A_257 : memref<!tpu.dma_semaphore, #tpu.memory_space<semaphore_mem>>) {add = true}
        %dma_wait3A_264 = arith.constant 0 : i32
        %dma_wait3A_265 = tpu.memref_slice %arg8[%run_scoped3A_172, %dma_wait3A_264] : memref<2x80xi32, #tpu.memory_space<vmem>> -> memref<1x80xi32, #tpu.memory_space<vmem>>
        %dma_wait3A_266 = tpu.memref_squeeze %dma_wait3A_265 : memref<1x80xi32, #tpu.memory_space<vmem>> -> memref<80xi32, #tpu.memory_space<vmem>>
        %dma_wait3A_267 = arith.constant 0 : i32
        %dma_wait3A_268 = arith.constant 0 : i32
        %dma_wait3A_269 = tpu.memref_slice %arg6[%dma_wait3A_267, %dma_wait3A_268] : memref<10240x128xf32, #tpu.memory_space<vmem_shared>> -> memref<10240x128xf32, #tpu.memory_space<vmem_shared>>
        tpu.wait_indirect_dma semaphore(%run_scoped3A_257 : memref<!tpu.dma_semaphore, #tpu.memory_space<semaphore_mem>>) src(%arg12 : memref<80x128xf32, #tpu.memory_space<vmem>>) dst(%dma_wait3A_269 : memref<10240x128xf32, #tpu.memory_space<vmem_shared>>)
        tpu.yield
      }) : () -> ()
      %add3A_173 = arith.constant 4 : i32
      %add3A_174 = arith.addi %add3A_147, %add3A_173 : i32
      %dma_start3A_175 = arith.constant 0 : i32
      %dma_start3A_176 = arith.constant 0 : i32
      %dma_start3A_177 = tpu.memref_slice %arg3[%add3A, %add3A_174, %dma_start3A_175, %dma_start3A_176] : memref<32x132x2x80xi32, #tpu.memory_space<hbm>> -> memref<1x1x2x80xi32, #tpu.memory_space<hbm>>
      %dma_start3A_178 = tpu.memref_squeeze %dma_start3A_177 : memref<1x1x2x80xi32, #tpu.memory_space<hbm>> -> memref<2x80xi32, #tpu.memory_space<hbm>>
      %dma_start3A_179 = arith.constant 0 : i32
      %dma_start3A_180 = arith.constant 0 : i32
      %dma_start3A_181 = tpu.memref_slice %arg3[%add3A, %add3A_174, %dma_start3A_179, %dma_start3A_180] : memref<32x132x2x80xi32, #tpu.memory_space<hbm>> -> memref<1x1x2x80xi32, #tpu.memory_space<hbm>>
      %dma_start3A_182 = tpu.memref_squeeze %dma_start3A_181 : memref<1x1x2x80xi32, #tpu.memory_space<hbm>> -> memref<2x80xi32, #tpu.memory_space<hbm>>
      tpu.enqueue_dma source(%dma_start3A_182 : memref<2x80xi32, #tpu.memory_space<hbm>>) target(%arg8 : memref<2x80xi32, #tpu.memory_space<vmem>>) target_semaphore(%arg16 : memref<!tpu.dma_semaphore, #tpu.memory_space<semaphore_mem>>)
      %add3A_183 = arith.constant 2 : i32
      %add3A_184 = arith.addi %mul3A_109, %add3A_183 : i32
      %add3A_185 = arith.constant 2 : i32
      %add3A_186 = arith.addi %add3A_184, %add3A_185 : i32
      %dma_wait3A_187 = arith.constant 0 : i32
      %dma_wait3A_188 = arith.constant 0 : i32
      %dma_wait3A_189 = tpu.memref_slice %arg3[%add3A, %add3A_186, %dma_wait3A_187, %dma_wait3A_188] : memref<32x132x2x80xi32, #tpu.memory_space<hbm>> -> memref<1x1x2x80xi32, #tpu.memory_space<hbm>>
      %dma_wait3A_190 = tpu.memref_squeeze %dma_wait3A_189 : memref<1x1x2x80xi32, #tpu.memory_space<hbm>> -> memref<2x80xi32, #tpu.memory_space<hbm>>
      %dma_wait3A_191 = arith.constant 0 : i32
      %dma_wait3A_192 = arith.constant 0 : i32
      %dma_wait3A_193 = tpu.memref_slice %arg3[%add3A, %add3A_186, %dma_wait3A_191, %dma_wait3A_192] : memref<32x132x2x80xi32, #tpu.memory_space<hbm>> -> memref<1x1x2x80xi32, #tpu.memory_space<hbm>>
      %dma_wait3A_194 = tpu.memref_squeeze %dma_wait3A_193 : memref<1x1x2x80xi32, #tpu.memory_space<hbm>> -> memref<2x80xi32, #tpu.memory_space<hbm>>
      tpu.wait_dma2 semaphore(%arg15 : memref<!tpu.dma_semaphore, #tpu.memory_space<semaphore_mem>>) src(%dma_wait3A_194 : memref<2x80xi32, #tpu.memory_space<hbm>>) dst(%arg7 : memref<2x80xi32, #tpu.memory_space<vmem>>)
      %dma_start3A_195 = arith.constant 0 : i32
      %dma_start3A_196 = arith.constant 0 : i32
      %dma_start3A_197 = tpu.memref_slice %arg7[%dma_start3A_195, %dma_start3A_196] : memref<2x80xi32, #tpu.memory_space<vmem>> -> memref<1x80xi32, #tpu.memory_space<vmem>>
      %dma_start3A_198 = tpu.memref_squeeze %dma_start3A_197 : memref<1x80xi32, #tpu.memory_space<vmem>> -> memref<80xi32, #tpu.memory_space<vmem>>
      %dma_start3A_199 = arith.constant 0 : i32
      %dma_start3A_200 = arith.constant 0 : i32
      %dma_start3A_201 = tpu.memref_slice %arg2[%dma_start3A_199, %dma_start3A_200] : memref<10000x128xf32, #tpu.memory_space<hbm>> -> memref<10000x128xf32, #tpu.memory_space<hbm>>
      tpu.enqueue_indirect_dma source(%dma_start3A_201 : memref<10000x128xf32, #tpu.memory_space<hbm>>) target(%arg11 : memref<80x128xf32, #tpu.memory_space<vmem>>) offsets(%dma_start3A_198 : memref<80xi32, #tpu.memory_space<vmem>>) semaphore(%arg19 : memref<!tpu.dma_semaphore, #tpu.memory_space<semaphore_mem>>)
      %dma_wait3A_202 = arith.constant 0 : i32
      %dma_wait3A_203 = arith.constant 0 : i32
      %dma_wait3A_204 = tpu.memref_slice %arg9[%dma_wait3A_202, %dma_wait3A_203] : memref<2x80xi32, #tpu.memory_space<vmem>> -> memref<1x80xi32, #tpu.memory_space<vmem>>
      %dma_wait3A_205 = tpu.memref_squeeze %dma_wait3A_204 : memref<1x80xi32, #tpu.memory_space<vmem>> -> memref<80xi32, #tpu.memory_space<vmem>>
      %dma_wait3A_206 = arith.constant 0 : i32
      %dma_wait3A_207 = arith.constant 0 : i32
      %dma_wait3A_208 = tpu.memref_slice %arg2[%dma_wait3A_206, %dma_wait3A_207] : memref<10000x128xf32, #tpu.memory_space<hbm>> -> memref<10000x128xf32, #tpu.memory_space<hbm>>
      tpu.wait_indirect_dma semaphore(%arg21 : memref<!tpu.dma_semaphore, #tpu.memory_space<semaphore_mem>>) src(%dma_wait3A_208 : memref<10000x128xf32, #tpu.memory_space<hbm>>) dst(%arg13 : memref<80x128xf32, #tpu.memory_space<vmem>>)
      %run_scoped3A_209 = arith.constant 1 : i32
      "tpu.region"() ({
        %run_scoped3A_257 = tpu.sem_alloc : memref<!tpu.dma_semaphore, #tpu.memory_space<semaphore_mem>>
        %dma_start3A_258 = arith.constant 0 : i32
        %dma_start3A_259 = tpu.memref_slice %arg9[%run_scoped3A_209, %dma_start3A_258] : memref<2x80xi32, #tpu.memory_space<vmem>> -> memref<1x80xi32, #tpu.memory_space<vmem>>
        %dma_start3A_260 = tpu.memref_squeeze %dma_start3A_259 : memref<1x80xi32, #tpu.memory_space<vmem>> -> memref<80xi32, #tpu.memory_space<vmem>>
        %dma_start3A_261 = arith.constant 0 : i32
        %dma_start3A_262 = arith.constant 0 : i32
        %dma_start3A_263 = tpu.memref_slice %arg6[%dma_start3A_261, %dma_start3A_262] : memref<10240x128xf32, #tpu.memory_space<vmem_shared>> -> memref<10240x128xf32, #tpu.memory_space<vmem_shared>>
        tpu.enqueue_indirect_dma source(%arg13 : memref<80x128xf32, #tpu.memory_space<vmem>>) target(%dma_start3A_263 : memref<10240x128xf32, #tpu.memory_space<vmem_shared>>) offsets(%dma_start3A_260 : memref<80xi32, #tpu.memory_space<vmem>>) semaphore(%run_scoped3A_257 : memref<!tpu.dma_semaphore, #tpu.memory_space<semaphore_mem>>) {add = true}
        %dma_wait3A_264 = arith.constant 0 : i32
        %dma_wait3A_265 = tpu.memref_slice %arg9[%run_scoped3A_209, %dma_wait3A_264] : memref<2x80xi32, #tpu.memory_space<vmem>> -> memref<1x80xi32, #tpu.memory_space<vmem>>
        %dma_wait3A_266 = tpu.memref_squeeze %dma_wait3A_265 : memref<1x80xi32, #tpu.memory_space<vmem>> -> memref<80xi32, #tpu.memory_space<vmem>>
        %dma_wait3A_267 = arith.constant 0 : i32
        %dma_wait3A_268 = arith.constant 0 : i32
        %dma_wait3A_269 = tpu.memref_slice %arg6[%dma_wait3A_267, %dma_wait3A_268] : memref<10240x128xf32, #tpu.memory_space<vmem_shared>> -> memref<10240x128xf32, #tpu.memory_space<vmem_shared>>
        tpu.wait_indirect_dma semaphore(%run_scoped3A_257 : memref<!tpu.dma_semaphore, #tpu.memory_space<semaphore_mem>>) src(%arg13 : memref<80x128xf32, #tpu.memory_space<vmem>>) dst(%dma_wait3A_269 : memref<10240x128xf32, #tpu.memory_space<vmem_shared>>)
        tpu.yield
      }) : () -> ()
      %add3A_210 = arith.constant 4 : i32
      %add3A_211 = arith.addi %add3A_184, %add3A_210 : i32
      %dma_start3A_212 = arith.constant 0 : i32
      %dma_start3A_213 = arith.constant 0 : i32
      %dma_start3A_214 = tpu.memref_slice %arg3[%add3A, %add3A_211, %dma_start3A_212, %dma_start3A_213] : memref<32x132x2x80xi32, #tpu.memory_space<hbm>> -> memref<1x1x2x80xi32, #tpu.memory_space<hbm>>
      %dma_start3A_215 = tpu.memref_squeeze %dma_start3A_214 : memref<1x1x2x80xi32, #tpu.memory_space<hbm>> -> memref<2x80xi32, #tpu.memory_space<hbm>>
      %dma_start3A_216 = arith.constant 0 : i32
      %dma_start3A_217 = arith.constant 0 : i32
      %dma_start3A_218 = tpu.memref_slice %arg3[%add3A, %add3A_211, %dma_start3A_216, %dma_start3A_217] : memref<32x132x2x80xi32, #tpu.memory_space<hbm>> -> memref<1x1x2x80xi32, #tpu.memory_space<hbm>>
      %dma_start3A_219 = tpu.memref_squeeze %dma_start3A_218 : memref<1x1x2x80xi32, #tpu.memory_space<hbm>> -> memref<2x80xi32, #tpu.memory_space<hbm>>
      tpu.enqueue_dma source(%dma_start3A_219 : memref<2x80xi32, #tpu.memory_space<hbm>>) target(%arg9 : memref<2x80xi32, #tpu.memory_space<vmem>>) target_semaphore(%arg17 : memref<!tpu.dma_semaphore, #tpu.memory_space<semaphore_mem>>)
      %add3A_220 = arith.constant 3 : i32
      %add3A_221 = arith.addi %mul3A_109, %add3A_220 : i32
      %add3A_222 = arith.constant 2 : i32
      %add3A_223 = arith.addi %add3A_221, %add3A_222 : i32
      %dma_wait3A_224 = arith.constant 0 : i32
      %dma_wait3A_225 = arith.constant 0 : i32
      %dma_wait3A_226 = tpu.memref_slice %arg3[%add3A, %add3A_223, %dma_wait3A_224, %dma_wait3A_225] : memref<32x132x2x80xi32, #tpu.memory_space<hbm>> -> memref<1x1x2x80xi32, #tpu.memory_space<hbm>>
      %dma_wait3A_227 = tpu.memref_squeeze %dma_wait3A_226 : memref<1x1x2x80xi32, #tpu.memory_space<hbm>> -> memref<2x80xi32, #tpu.memory_space<hbm>>
      %dma_wait3A_228 = arith.constant 0 : i32
      %dma_wait3A_229 = arith.constant 0 : i32
      %dma_wait3A_230 = tpu.memref_slice %arg3[%add3A, %add3A_223, %dma_wait3A_228, %dma_wait3A_229] : memref<32x132x2x80xi32, #tpu.memory_space<hbm>> -> memref<1x1x2x80xi32, #tpu.memory_space<hbm>>
      %dma_wait3A_231 = tpu.memref_squeeze %dma_wait3A_230 : memref<1x1x2x80xi32, #tpu.memory_space<hbm>> -> memref<2x80xi32, #tpu.memory_space<hbm>>
      tpu.wait_dma2 semaphore(%arg16 : memref<!tpu.dma_semaphore, #tpu.memory_space<semaphore_mem>>) src(%dma_wait3A_231 : memref<2x80xi32, #tpu.memory_space<hbm>>) dst(%arg8 : memref<2x80xi32, #tpu.memory_space<vmem>>)
      %dma_start3A_232 = arith.constant 0 : i32
      %dma_start3A_233 = arith.constant 0 : i32
      %dma_start3A_234 = tpu.memref_slice %arg8[%dma_start3A_232, %dma_start3A_233] : memref<2x80xi32, #tpu.memory_space<vmem>> -> memref<1x80xi32, #tpu.memory_space<vmem>>
      %dma_start3A_235 = tpu.memref_squeeze %dma_start3A_234 : memref<1x80xi32, #tpu.memory_space<vmem>> -> memref<80xi32, #tpu.memory_space<vmem>>
      %dma_start3A_236 = arith.constant 0 : i32
      %dma_start3A_237 = arith.constant 0 : i32
      %dma_start3A_238 = tpu.memref_slice %arg2[%dma_start3A_236, %dma_start3A_237] : memref<10000x128xf32, #tpu.memory_space<hbm>> -> memref<10000x128xf32, #tpu.memory_space<hbm>>
      tpu.enqueue_indirect_dma source(%dma_start3A_238 : memref<10000x128xf32, #tpu.memory_space<hbm>>) target(%arg12 : memref<80x128xf32, #tpu.memory_space<vmem>>) offsets(%dma_start3A_235 : memref<80xi32, #tpu.memory_space<vmem>>) semaphore(%arg20 : memref<!tpu.dma_semaphore, #tpu.memory_space<semaphore_mem>>)
      %dma_wait3A_239 = arith.constant 0 : i32
      %dma_wait3A_240 = arith.constant 0 : i32
      %dma_wait3A_241 = tpu.memref_slice %arg10[%dma_wait3A_239, %dma_wait3A_240] : memref<2x80xi32, #tpu.memory_space<vmem>> -> memref<1x80xi32, #tpu.memory_space<vmem>>
      %dma_wait3A_242 = tpu.memref_squeeze %dma_wait3A_241 : memref<1x80xi32, #tpu.memory_space<vmem>> -> memref<80xi32, #tpu.memory_space<vmem>>
      %dma_wait3A_243 = arith.constant 0 : i32
      %dma_wait3A_244 = arith.constant 0 : i32
      %dma_wait3A_245 = tpu.memref_slice %arg2[%dma_wait3A_243, %dma_wait3A_244] : memref<10000x128xf32, #tpu.memory_space<hbm>> -> memref<10000x128xf32, #tpu.memory_space<hbm>>
      tpu.wait_indirect_dma semaphore(%arg22 : memref<!tpu.dma_semaphore, #tpu.memory_space<semaphore_mem>>) src(%dma_wait3A_245 : memref<10000x128xf32, #tpu.memory_space<hbm>>) dst(%arg14 : memref<80x128xf32, #tpu.memory_space<vmem>>)
      %run_scoped3A_246 = arith.constant 1 : i32
      "tpu.region"() ({
        %run_scoped3A_257 = tpu.sem_alloc : memref<!tpu.dma_semaphore, #tpu.memory_space<semaphore_mem>>
        %dma_start3A_258 = arith.constant 0 : i32
        %dma_start3A_259 = tpu.memref_slice %arg10[%run_scoped3A_246, %dma_start3A_258] : memref<2x80xi32, #tpu.memory_space<vmem>> -> memref<1x80xi32, #tpu.memory_space<vmem>>
        %dma_start3A_260 = tpu.memref_squeeze %dma_start3A_259 : memref<1x80xi32, #tpu.memory_space<vmem>> -> memref<80xi32, #tpu.memory_space<vmem>>
        %dma_start3A_261 = arith.constant 0 : i32
        %dma_start3A_262 = arith.constant 0 : i32
        %dma_start3A_263 = tpu.memref_slice %arg6[%dma_start3A_261, %dma_start3A_262] : memref<10240x128xf32, #tpu.memory_space<vmem_shared>> -> memref<10240x128xf32, #tpu.memory_space<vmem_shared>>
        tpu.enqueue_indirect_dma source(%arg14 : memref<80x128xf32, #tpu.memory_space<vmem>>) target(%dma_start3A_263 : memref<10240x128xf32, #tpu.memory_space<vmem_shared>>) offsets(%dma_start3A_260 : memref<80xi32, #tpu.memory_space<vmem>>) semaphore(%run_scoped3A_257 : memref<!tpu.dma_semaphore, #tpu.memory_space<semaphore_mem>>) {add = true}
        %dma_wait3A_264 = arith.constant 0 : i32
        %dma_wait3A_265 = tpu.memref_slice %arg10[%run_scoped3A_246, %dma_wait3A_264] : memref<2x80xi32, #tpu.memory_space<vmem>> -> memref<1x80xi32, #tpu.memory_space<vmem>>
        %dma_wait3A_266 = tpu.memref_squeeze %dma_wait3A_265 : memref<1x80xi32, #tpu.memory_space<vmem>> -> memref<80xi32, #tpu.memory_space<vmem>>
        %dma_wait3A_267 = arith.constant 0 : i32
        %dma_wait3A_268 = arith.constant 0 : i32
        %dma_wait3A_269 = tpu.memref_slice %arg6[%dma_wait3A_267, %dma_wait3A_268] : memref<10240x128xf32, #tpu.memory_space<vmem_shared>> -> memref<10240x128xf32, #tpu.memory_space<vmem_shared>>
        tpu.wait_indirect_dma semaphore(%run_scoped3A_257 : memref<!tpu.dma_semaphore, #tpu.memory_space<semaphore_mem>>) src(%arg14 : memref<80x128xf32, #tpu.memory_space<vmem>>) dst(%dma_wait3A_269 : memref<10240x128xf32, #tpu.memory_space<vmem_shared>>)
        tpu.yield
      }) : () -> ()
      %add3A_247 = arith.constant 4 : i32
      %add3A_248 = arith.addi %add3A_221, %add3A_247 : i32
      %dma_start3A_249 = arith.constant 0 : i32
      %dma_start3A_250 = arith.constant 0 : i32
      %dma_start3A_251 = tpu.memref_slice %arg3[%add3A, %add3A_248, %dma_start3A_249, %dma_start3A_250] : memref<32x132x2x80xi32, #tpu.memory_space<hbm>> -> memref<1x1x2x80xi32, #tpu.memory_space<hbm>>
      %dma_start3A_252 = tpu.memref_squeeze %dma_start3A_251 : memref<1x1x2x80xi32, #tpu.memory_space<hbm>> -> memref<2x80xi32, #tpu.memory_space<hbm>>
      %dma_start3A_253 = arith.constant 0 : i32
      %dma_start3A_254 = arith.constant 0 : i32
      %dma_start3A_255 = tpu.memref_slice %arg3[%add3A, %add3A_248, %dma_start3A_253, %dma_start3A_254] : memref<32x132x2x80xi32, #tpu.memory_space<hbm>> -> memref<1x1x2x80xi32, #tpu.memory_space<hbm>>
      %dma_start3A_256 = tpu.memref_squeeze %dma_start3A_255 : memref<1x1x2x80xi32, #tpu.memory_space<hbm>> -> memref<2x80xi32, #tpu.memory_space<hbm>>
      tpu.enqueue_dma source(%dma_start3A_256 : memref<2x80xi32, #tpu.memory_space<hbm>>) target(%arg10 : memref<2x80xi32, #tpu.memory_space<vmem>>) target_semaphore(%arg18 : memref<!tpu.dma_semaphore, #tpu.memory_space<semaphore_mem>>)
    }
    %scan3A_73 = arith.constant 32 : i32
    %dma_wait3A_74 = arith.constant 0 : i32
    %dma_wait3A_75 = arith.constant 0 : i32
    %dma_wait3A_76 = tpu.memref_slice %arg7[%dma_wait3A_74, %dma_wait3A_75] : memref<2x80xi32, #tpu.memory_space<vmem>> -> memref<1x80xi32, #tpu.memory_space<vmem>>
    %dma_wait3A_77 = tpu.memref_squeeze %dma_wait3A_76 : memref<1x80xi32, #tpu.memory_space<vmem>> -> memref<80xi32, #tpu.memory_space<vmem>>
    %dma_wait3A_78 = arith.constant 0 : i32
    %dma_wait3A_79 = arith.constant 0 : i32
    %dma_wait3A_80 = tpu.memref_slice %arg2[%dma_wait3A_78, %dma_wait3A_79] : memref<10000x128xf32, #tpu.memory_space<hbm>> -> memref<10000x128xf32, #tpu.memory_space<hbm>>
    tpu.wait_indirect_dma semaphore(%arg19 : memref<!tpu.dma_semaphore, #tpu.memory_space<semaphore_mem>>) src(%dma_wait3A_80 : memref<10000x128xf32, #tpu.memory_space<hbm>>) dst(%arg11 : memref<80x128xf32, #tpu.memory_space<vmem>>)
    %dma_wait3A_81 = arith.constant 0 : i32
    %dma_wait3A_82 = arith.constant 0 : i32
    %dma_wait3A_83 = tpu.memref_slice %arg8[%dma_wait3A_81, %dma_wait3A_82] : memref<2x80xi32, #tpu.memory_space<vmem>> -> memref<1x80xi32, #tpu.memory_space<vmem>>
    %dma_wait3A_84 = tpu.memref_squeeze %dma_wait3A_83 : memref<1x80xi32, #tpu.memory_space<vmem>> -> memref<80xi32, #tpu.memory_space<vmem>>
    %dma_wait3A_85 = arith.constant 0 : i32
    %dma_wait3A_86 = arith.constant 0 : i32
    %dma_wait3A_87 = tpu.memref_slice %arg2[%dma_wait3A_85, %dma_wait3A_86] : memref<10000x128xf32, #tpu.memory_space<hbm>> -> memref<10000x128xf32, #tpu.memory_space<hbm>>
    tpu.wait_indirect_dma semaphore(%arg20 : memref<!tpu.dma_semaphore, #tpu.memory_space<semaphore_mem>>) src(%dma_wait3A_87 : memref<10000x128xf32, #tpu.memory_space<hbm>>) dst(%arg12 : memref<80x128xf32, #tpu.memory_space<vmem>>)
    %dma_wait3A_88 = arith.constant 2 : i32
    %dma_wait3A_89 = arith.constant 0 : i32
    %dma_wait3A_90 = arith.constant 0 : i32
    %dma_wait3A_91 = tpu.memref_slice %arg3[%add3A, %dma_wait3A_88, %dma_wait3A_89, %dma_wait3A_90] : memref<32x132x2x80xi32, #tpu.memory_space<hbm>> -> memref<1x1x2x80xi32, #tpu.memory_space<hbm>>
    %dma_wait3A_92 = tpu.memref_squeeze %dma_wait3A_91 : memref<1x1x2x80xi32, #tpu.memory_space<hbm>> -> memref<2x80xi32, #tpu.memory_space<hbm>>
    %dma_wait3A_93 = arith.constant 0 : i32
    %dma_wait3A_94 = arith.constant 0 : i32
    %dma_wait3A_95 = tpu.memref_slice %arg3[%add3A, %dma_wait3A_88, %dma_wait3A_93, %dma_wait3A_94] : memref<32x132x2x80xi32, #tpu.memory_space<hbm>> -> memref<1x1x2x80xi32, #tpu.memory_space<hbm>>
    %dma_wait3A_96 = tpu.memref_squeeze %dma_wait3A_95 : memref<1x1x2x80xi32, #tpu.memory_space<hbm>> -> memref<2x80xi32, #tpu.memory_space<hbm>>
    tpu.wait_dma2 semaphore(%arg17 : memref<!tpu.dma_semaphore, #tpu.memory_space<semaphore_mem>>) src(%dma_wait3A_96 : memref<2x80xi32, #tpu.memory_space<hbm>>) dst(%arg9 : memref<2x80xi32, #tpu.memory_space<vmem>>)
    %dma_wait3A_97 = arith.constant 3 : i32
    %dma_wait3A_98 = arith.constant 0 : i32
    %dma_wait3A_99 = arith.constant 0 : i32
    %dma_wait3A_100 = tpu.memref_slice %arg3[%add3A, %dma_wait3A_97, %dma_wait3A_98, %dma_wait3A_99] : memref<32x132x2x80xi32, #tpu.memory_space<hbm>> -> memref<1x1x2x80xi32, #tpu.memory_space<hbm>>
    %dma_wait3A_101 = tpu.memref_squeeze %dma_wait3A_100 : memref<1x1x2x80xi32, #tpu.memory_space<hbm>> -> memref<2x80xi32, #tpu.memory_space<hbm>>
    %dma_wait3A_102 = arith.constant 0 : i32
    %dma_wait3A_103 = arith.constant 0 : i32
    %dma_wait3A_104 = tpu.memref_slice %arg3[%add3A, %dma_wait3A_97, %dma_wait3A_102, %dma_wait3A_103] : memref<32x132x2x80xi32, #tpu.memory_space<hbm>> -> memref<1x1x2x80xi32, #tpu.memory_space<hbm>>
    %dma_wait3A_105 = tpu.memref_squeeze %dma_wait3A_104 : memref<1x1x2x80xi32, #tpu.memory_space<hbm>> -> memref<2x80xi32, #tpu.memory_space<hbm>>
    tpu.wait_dma2 semaphore(%arg18 : memref<!tpu.dma_semaphore, #tpu.memory_space<semaphore_mem>>) src(%dma_wait3A_105 : memref<2x80xi32, #tpu.memory_space<hbm>>) dst(%arg10 : memref<2x80xi32, #tpu.memory_space<vmem>>)
    %barrier3A_106 = arith.constant 0 : index
    tpu.barrier barrier_id(%barrier3A_106)
    "tpu.region"() ({
      %run_scoped3A = tpu.sem_alloc : memref<!tpu.dma_semaphore, #tpu.memory_space<semaphore_mem>>
      %dma_start3A_107 = arith.constant 0 : i32
      %dma_start3A_108 = tpu.memref_slice %arg5[%arg0, %mul3A_2, %dma_start3A_107] : memref<2x10240x128xf32, #tpu.memory_space<hbm>> -> memref<1x640x128xf32, #tpu.memory_space<hbm>>
      %dma_start3A_109 = tpu.memref_squeeze %dma_start3A_108 : memref<1x640x128xf32, #tpu.memory_space<hbm>> -> memref<640x128xf32, #tpu.memory_space<hbm>>
      %dma_start3A_110 = arith.constant 0 : i32
      %dma_start3A_111 = tpu.memref_slice %arg6[%mul3A_2, %dma_start3A_110] : memref<10240x128xf32, #tpu.memory_space<vmem_shared>> -> memref<640x128xf32, #tpu.memory_space<vmem_shared>>
      tpu.enqueue_dma source(%dma_start3A_111 : memref<640x128xf32, #tpu.memory_space<vmem_shared>>) target(%dma_start3A_109 : memref<640x128xf32, #tpu.memory_space<hbm>>) target_semaphore(%run_scoped3A : memref<!tpu.dma_semaphore, #tpu.memory_space<semaphore_mem>>)
      %dma_wait3A_112 = arith.constant 0 : i32
      %dma_wait3A_113 = tpu.memref_slice %arg5[%arg0, %mul3A_2, %dma_wait3A_112] : memref<2x10240x128xf32, #tpu.memory_space<hbm>> -> memref<1x640x128xf32, #tpu.memory_space<hbm>>
      %dma_wait3A_114 = tpu.memref_squeeze %dma_wait3A_113 : memref<1x640x128xf32, #tpu.memory_space<hbm>> -> memref<640x128xf32, #tpu.memory_space<hbm>>
      %dma_wait3A_115 = arith.constant 0 : i32
      %dma_wait3A_116 = tpu.memref_slice %arg6[%mul3A_2, %dma_wait3A_115] : memref<10240x128xf32, #tpu.memory_space<vmem_shared>> -> memref<640x128xf32, #tpu.memory_space<vmem_shared>>
      tpu.wait_dma2 semaphore(%run_scoped3A : memref<!tpu.dma_semaphore, #tpu.memory_space<semaphore_mem>>) src(%dma_wait3A_116 : memref<640x128xf32, #tpu.memory_space<vmem_shared>>) dst(%dma_wait3A_114 : memref<640x128xf32, #tpu.memory_space<hbm>>)
      tpu.yield
    }) : () -> ()
    return
  }
}

module attributes {stable_mosaic.version = 14 : i64} {
  func.func @_tc_mm0_body(%arg0: i32, %arg1: memref<1000x128xf32, #tpu.memory_space<vmem>>, %arg2: memref<128x128xf32, #tpu.memory_space<vmem>>, %arg3: memref<1000x128xf32, #tpu.memory_space<vmem>>) attributes {dimension_semantics = [#tpu.dimension_semantics<arbitrary>], iteration_bounds = array<i64: 10>, scalar_prefetch = 0 : i64, scratch_operands = 0 : i64, tpu.core_type = #tpu.core_type<tc>, window_params = [{transform_indices = @transform_0, window_bounds = array<i64: 1000, 128>}, {pipeline_mode = #tpu.pipeline_mode<synchronous>, transform_indices = @transform_1, window_bounds = array<i64: 128, 128>}, {transform_indices = @transform_2, window_bounds = array<i64: 1000, 128>}]} {
    %get3A = arith.constant 0 : index
    %get3A_0 = arith.constant 0 : index
    %get3A_1 = vector.load %arg1[%get3A, %get3A_0] : memref<1000x128xf32, #tpu.memory_space<vmem>>, vector<1000x128xf32>
    %get3A_2 = arith.constant 0 : index
    %get3A_3 = arith.constant 0 : index
    %get3A_4 = vector.load %arg2[%get3A_2, %get3A_3] : memref<128x128xf32, #tpu.memory_space<vmem>>, vector<128x128xf32>
    %dot_general3A = arith.constant dense<0.000000e+00> : vector<1000x128xf32>
    %dot_general3A_5 = tpu.matmul %get3A_1, %get3A_4, %dot_general3A {dimension_numbers = #tpu.dot_dimension_numbers<[1], [0], [0], [1], [0, 0, 1, 1], [], []>, precision = #tpu.contract_precision<fp32>, transpose_lhs_hint = false} : vector<1000x128xf32>, vector<128x128xf32>, vector<1000x128xf32> -> vector<1000x128xf32>
    %swap3A = arith.constant 0 : index
    %swap3A_6 = arith.constant 0 : index
    %swap3A_7 = vector.load %arg3[%swap3A, %swap3A_6] : memref<1000x128xf32, #tpu.memory_space<vmem>>, vector<1000x128xf32>
    tpu.vector_store %arg3[%swap3A, %swap3A_6], %dot_general3A_5 {strides = array<i32>} : memref<1000x128xf32, #tpu.memory_space<vmem>>, vector<1000x128xf32>,
    return
  }
  func.func @transform_0(%arg0: i32) -> (i32, i32) {
    %c0_i32 = arith.constant 0 : i32
    %c0_i32_0 = arith.constant 0 : i32
    return %arg0, %c0_i32 : i32, i32
  }
  func.func @transform_1(%arg0: i32) -> (i32, i32) {
    %c0_i32 = arith.constant 0 : i32
    %c0_i32_0 = arith.constant 0 : i32
    %c0_i32_1 = arith.constant 0 : i32
    return %c0_i32, %c0_i32_0 : i32, i32
  }
  func.func @transform_2(%arg0: i32) -> (i32, i32) {
    %c0_i32 = arith.constant 0 : i32
    %c0_i32_0 = arith.constant 0 : i32
    return %arg0, %c0_i32 : i32, i32
  }
}

module attributes {stable_mosaic.version = 14 : i64} {
  func.func @_tc_scale_body(%arg0: i32, %arg1: memref<2x1000x128xf32, #tpu.memory_space<vmem>>, %arg2: memref<1000x128xf32, #tpu.memory_space<vmem>>, %arg3: memref<1000x128xf32, #tpu.memory_space<vmem>>, %arg4: memref<1000x1xf32, #tpu.memory_space<vmem>>) attributes {dimension_semantics = [#tpu.dimension_semantics<arbitrary>], iteration_bounds = array<i64: 10>, scalar_prefetch = 0 : i64, scratch_operands = 0 : i64, tpu.core_type = #tpu.core_type<tc>, window_params = [{transform_indices = @transform_0, window_bounds = array<i64: 2, 1000, 128>}, {transform_indices = @transform_1, window_bounds = array<i64: 1000, 128>}, {transform_indices = @transform_2, window_bounds = array<i64: 1000, 128>}, {transform_indices = @transform_3, window_bounds = array<i64: 1000, 1>}]} {
    %get3A = arith.constant 0 : index
    %get3A_0 = arith.constant 0 : index
    %get3A_1 = arith.constant 0 : index
    %get3A_2 = vector.load %arg1[%get3A, %get3A_0, %get3A_1] : memref<2x1000x128xf32, #tpu.memory_space<vmem>>, vector<2x1000x128xf32>
    %slice3A = vector.extract_strided_slice %get3A_2 {offsets = [0, 0, 0], sizes = [1, 1000, 1], strides = [1, 1, 1]} : vector<2x1000x128xf32> to vector<1x1000x1xf32>
    %squeeze3A = vector.shape_cast %slice3A : vector<1x1000x1xf32> to vector<1000x1xf32>
    %slice3A_3 = vector.extract_strided_slice %get3A_2 {offsets = [1, 0, 0], sizes = [1, 1000, 1], strides = [1, 1, 1]} : vector<2x1000x128xf32> to vector<1x1000x1xf32>
    %squeeze3A_4 = vector.shape_cast %slice3A_3 : vector<1x1000x1xf32> to vector<1000x1xf32>
    %add3A = arith.addf %squeeze3A, %squeeze3A_4 : vector<1000x1xf32>
    %add3A_5 = arith.constant 1.000000e+00 : f32
    %add3A_6 = vector.broadcast %add3A_5 : f32 to vector<1000x1xf32>
    %add3A_7 = arith.addf %add3A, %add3A_6 : vector<1000x1xf32>
    %rsqrt3A = math.rsqrt %add3A_7 : vector<1000x1xf32>
    %swap3A = arith.constant 0 : index
    %swap3A_8 = arith.constant 0 : index
    %swap3A_9 = vector.load %arg4[%swap3A, %swap3A_8] : memref<1000x1xf32, #tpu.memory_space<vmem>>, vector<1000x1xf32>
    tpu.vector_store %arg4[%swap3A, %swap3A_8], %rsqrt3A {strides = array<i32>} : memref<1000x1xf32, #tpu.memory_space<vmem>>, vector<1000x1xf32>,
    %get3A_10 = arith.constant 0 : index
    %get3A_11 = arith.constant 0 : index
    %get3A_12 = vector.load %arg2[%get3A_10, %get3A_11] : memref<1000x128xf32, #tpu.memory_space<vmem>>, vector<1000x128xf32>
    %mul3A = vector.broadcast %rsqrt3A : vector<1000x1xf32> to vector<1000x128xf32>
    %mul3A_13 = arith.mulf %get3A_12, %mul3A : vector<1000x128xf32>
    %swap3A_14 = arith.constant 0 : index
    %swap3A_15 = arith.constant 0 : index
    %swap3A_16 = vector.load %arg3[%swap3A_14, %swap3A_15] : memref<1000x128xf32, #tpu.memory_space<vmem>>, vector<1000x128xf32>
    tpu.vector_store %arg3[%swap3A_14, %swap3A_15], %mul3A_13 {strides = array<i32>} : memref<1000x128xf32, #tpu.memory_space<vmem>>, vector<1000x128xf32>,
    return
  }
  func.func @transform_0(%arg0: i32) -> (i32, i32, i32) {
    %c0_i32 = arith.constant 0 : i32
    %c0_i32_0 = arith.constant 0 : i32
    %c0_i32_1 = arith.constant 0 : i32
    return %c0_i32, %arg0, %c0_i32_0 : i32, i32, i32
  }
  func.func @transform_1(%arg0: i32) -> (i32, i32) {
    %c0_i32 = arith.constant 0 : i32
    %c0_i32_0 = arith.constant 0 : i32
    return %arg0, %c0_i32 : i32, i32
  }
  func.func @transform_2(%arg0: i32) -> (i32, i32) {
    %c0_i32 = arith.constant 0 : i32
    %c0_i32_0 = arith.constant 0 : i32
    return %arg0, %c0_i32 : i32, i32
  }
  func.func @transform_3(%arg0: i32) -> (i32, i32) {
    %c0_i32 = arith.constant 0 : i32
    %c0_i32_0 = arith.constant 0 : i32
    return %arg0, %c0_i32 : i32, i32
  }
}

module attributes {stable_mosaic.version = 14 : i64} {
  func.func @_tc_mid_body(%arg0: i32, %arg1: memref<2x1000x128xf32, #tpu.memory_space<vmem>>, %arg2: memref<1000x128xf32, #tpu.memory_space<vmem>>, %arg3: memref<1000x1xf32, #tpu.memory_space<vmem>>, %arg4: memref<1x128xf32, #tpu.memory_space<vmem>>, %arg5: memref<128x128xf32, #tpu.memory_space<vmem>>, %arg6: memref<1000x128xf32, #tpu.memory_space<vmem>>) attributes {dimension_semantics = [#tpu.dimension_semantics<arbitrary>], iteration_bounds = array<i64: 10>, scalar_prefetch = 0 : i64, scratch_operands = 0 : i64, tpu.core_type = #tpu.core_type<tc>, window_params = [{transform_indices = @transform_0, window_bounds = array<i64: 2, 1000, 128>}, {transform_indices = @transform_1, window_bounds = array<i64: 1000, 128>}, {transform_indices = @transform_2, window_bounds = array<i64: 1000, 1>}, {pipeline_mode = #tpu.pipeline_mode<synchronous>, transform_indices = @transform_3, window_bounds = array<i64: 1, 128>}, {pipeline_mode = #tpu.pipeline_mode<synchronous>, transform_indices = @transform_4, window_bounds = array<i64: 128, 128>}, {transform_indices = @transform_5, window_bounds = array<i64: 1000, 128>}]} {
    %get3A = arith.constant 0 : index
    %get3A_0 = arith.constant 0 : index
    %get3A_1 = arith.constant 0 : index
    %get3A_2 = vector.load %arg1[%get3A, %get3A_0, %get3A_1] : memref<2x1000x128xf32, #tpu.memory_space<vmem>>, vector<2x1000x128xf32>
    %get3A_3 = arith.constant 0 : index
    %get3A_4 = arith.constant 0 : index
    %get3A_5 = vector.load %arg3[%get3A_3, %get3A_4] : memref<1000x1xf32, #tpu.memory_space<vmem>>, vector<1000x1xf32>
    %slice3A = vector.extract_strided_slice %get3A_2 {offsets = [0, 0, 0], sizes = [1, 1000, 128], strides = [1, 1, 1]} : vector<2x1000x128xf32> to vector<1x1000x128xf32>
    %squeeze3A = vector.shape_cast %slice3A : vector<1x1000x128xf32> to vector<1000x128xf32>
    %slice3A_6 = vector.extract_strided_slice %get3A_2 {offsets = [1, 0, 0], sizes = [1, 1000, 128], strides = [1, 1, 1]} : vector<2x1000x128xf32> to vector<1x1000x128xf32>
    %squeeze3A_7 = vector.shape_cast %slice3A_6 : vector<1x1000x128xf32> to vector<1000x128xf32>
    %add3A = arith.addf %squeeze3A, %squeeze3A_7 : vector<1000x128xf32>
    %get3A_8 = arith.constant 0 : index
    %get3A_9 = arith.constant 0 : index
    %get3A_10 = vector.load %arg2[%get3A_8, %get3A_9] : memref<1000x128xf32, #tpu.memory_space<vmem>>, vector<1000x128xf32>
    %add3A_11 = arith.addf %add3A, %get3A_10 : vector<1000x128xf32>
    %mul3A = vector.broadcast %get3A_5 : vector<1000x1xf32> to vector<1000x128xf32>
    %mul3A_12 = arith.mulf %add3A_11, %mul3A : vector<1000x128xf32>
    %get3A_13 = arith.constant 0 : index
    %get3A_14 = arith.constant 0 : index
    %get3A_15 = vector.load %arg4[%get3A_13, %get3A_14] : memref<1x128xf32, #tpu.memory_space<vmem>>, vector<1x128xf32>
    %add3A_16 = vector.broadcast %get3A_15 : vector<1x128xf32> to vector<1000x128xf32>
    %add3A_17 = arith.addf %mul3A_12, %add3A_16 : vector<1000x128xf32>
    %max3A = arith.constant 0.000000e+00 : f32
    %max3A_18 = vector.broadcast %max3A : f32 to vector<1000x128xf32>
    %max3A_19 = arith.maximumf %add3A_17, %max3A_18 : vector<1000x128xf32>
    %mul3A_20 = vector.broadcast %get3A_5 : vector<1000x1xf32> to vector<1000x128xf32>
    %mul3A_21 = arith.mulf %max3A_19, %mul3A_20 : vector<1000x128xf32>
    %get3A_22 = arith.constant 0 : index
    %get3A_23 = arith.constant 0 : index
    %get3A_24 = vector.load %arg5[%get3A_22, %get3A_23] : memref<128x128xf32, #tpu.memory_space<vmem>>, vector<128x128xf32>
    %dot_general3A = arith.constant dense<0.000000e+00> : vector<1000x128xf32>
    %dot_general3A_25 = tpu.matmul %mul3A_21, %get3A_24, %dot_general3A {dimension_numbers = #tpu.dot_dimension_numbers<[1], [0], [0], [1], [0, 0, 1, 1], [], []>, precision = #tpu.contract_precision<fp32>, transpose_lhs_hint = false} : vector<1000x128xf32>, vector<128x128xf32>, vector<1000x128xf32> -> vector<1000x128xf32>
    %swap3A = arith.constant 0 : index
    %swap3A_26 = arith.constant 0 : index
    %swap3A_27 = vector.load %arg6[%swap3A, %swap3A_26] : memref<1000x128xf32, #tpu.memory_space<vmem>>, vector<1000x128xf32>
    tpu.vector_store %arg6[%swap3A, %swap3A_26], %dot_general3A_25 {strides = array<i32>} : memref<1000x128xf32, #tpu.memory_space<vmem>>, vector<1000x128xf32>,
    return
  }
  func.func @transform_0(%arg0: i32) -> (i32, i32, i32) {
    %c0_i32 = arith.constant 0 : i32
    %c0_i32_0 = arith.constant 0 : i32
    %c0_i32_1 = arith.constant 0 : i32
    return %c0_i32, %arg0, %c0_i32_0 : i32, i32, i32
  }
  func.func @transform_1(%arg0: i32) -> (i32, i32) {
    %c0_i32 = arith.constant 0 : i32
    %c0_i32_0 = arith.constant 0 : i32
    return %arg0, %c0_i32 : i32, i32
  }
  func.func @transform_2(%arg0: i32) -> (i32, i32) {
    %c0_i32 = arith.constant 0 : i32
    %c0_i32_0 = arith.constant 0 : i32
    return %arg0, %c0_i32 : i32, i32
  }
  func.func @transform_3(%arg0: i32) -> (i32, i32) {
    %c0_i32 = arith.constant 0 : i32
    %c0_i32_0 = arith.constant 0 : i32
    %c0_i32_1 = arith.constant 0 : i32
    return %c0_i32, %c0_i32_0 : i32, i32
  }
  func.func @transform_4(%arg0: i32) -> (i32, i32) {
    %c0_i32 = arith.constant 0 : i32
    %c0_i32_0 = arith.constant 0 : i32
    %c0_i32_1 = arith.constant 0 : i32
    return %c0_i32, %c0_i32_0 : i32, i32
  }
  func.func @transform_5(%arg0: i32) -> (i32, i32) {
    %c0_i32 = arith.constant 0 : i32
    %c0_i32_0 = arith.constant 0 : i32
    return %arg0, %c0_i32 : i32, i32
  }
}

module attributes {stable_mosaic.version = 14 : i64} {
  func.func @_tc_last_body(%arg0: i32, %arg1: memref<2x1000x128xf32, #tpu.memory_space<vmem>>, %arg2: memref<1000x128xf32, #tpu.memory_space<vmem>>, %arg3: memref<1000x1xf32, #tpu.memory_space<vmem>>, %arg4: memref<1x128xf32, #tpu.memory_space<vmem>>, %arg5: memref<1000x128xf32, #tpu.memory_space<vmem>>) attributes {dimension_semantics = [#tpu.dimension_semantics<arbitrary>], iteration_bounds = array<i64: 10>, scalar_prefetch = 0 : i64, scratch_operands = 0 : i64, tpu.core_type = #tpu.core_type<tc>, window_params = [{transform_indices = @transform_0, window_bounds = array<i64: 2, 1000, 128>}, {transform_indices = @transform_1, window_bounds = array<i64: 1000, 128>}, {transform_indices = @transform_2, window_bounds = array<i64: 1000, 1>}, {pipeline_mode = #tpu.pipeline_mode<synchronous>, transform_indices = @transform_3, window_bounds = array<i64: 1, 128>}, {transform_indices = @transform_4, window_bounds = array<i64: 1000, 128>}]} {
    %get3A = arith.constant 0 : index
    %get3A_0 = arith.constant 0 : index
    %get3A_1 = arith.constant 0 : index
    %get3A_2 = vector.load %arg1[%get3A, %get3A_0, %get3A_1] : memref<2x1000x128xf32, #tpu.memory_space<vmem>>, vector<2x1000x128xf32>
    %slice3A = vector.extract_strided_slice %get3A_2 {offsets = [0, 0, 0], sizes = [1, 1000, 128], strides = [1, 1, 1]} : vector<2x1000x128xf32> to vector<1x1000x128xf32>
    %squeeze3A = vector.shape_cast %slice3A : vector<1x1000x128xf32> to vector<1000x128xf32>
    %slice3A_3 = vector.extract_strided_slice %get3A_2 {offsets = [1, 0, 0], sizes = [1, 1000, 128], strides = [1, 1, 1]} : vector<2x1000x128xf32> to vector<1x1000x128xf32>
    %squeeze3A_4 = vector.shape_cast %slice3A_3 : vector<1x1000x128xf32> to vector<1000x128xf32>
    %add3A = arith.addf %squeeze3A, %squeeze3A_4 : vector<1000x128xf32>
    %get3A_5 = arith.constant 0 : index
    %get3A_6 = arith.constant 0 : index
    %get3A_7 = vector.load %arg2[%get3A_5, %get3A_6] : memref<1000x128xf32, #tpu.memory_space<vmem>>, vector<1000x128xf32>
    %add3A_8 = arith.addf %add3A, %get3A_7 : vector<1000x128xf32>
    %get3A_9 = arith.constant 0 : index
    %get3A_10 = arith.constant 0 : index
    %get3A_11 = vector.load %arg3[%get3A_9, %get3A_10] : memref<1000x1xf32, #tpu.memory_space<vmem>>, vector<1000x1xf32>
    %mul3A = vector.broadcast %get3A_11 : vector<1000x1xf32> to vector<1000x128xf32>
    %mul3A_12 = arith.mulf %add3A_8, %mul3A : vector<1000x128xf32>
    %get3A_13 = arith.constant 0 : index
    %get3A_14 = arith.constant 0 : index
    %get3A_15 = vector.load %arg4[%get3A_13, %get3A_14] : memref<1x128xf32, #tpu.memory_space<vmem>>, vector<1x128xf32>
    %add3A_16 = vector.broadcast %get3A_15 : vector<1x128xf32> to vector<1000x128xf32>
    %add3A_17 = arith.addf %mul3A_12, %add3A_16 : vector<1000x128xf32>
    %swap3A = arith.constant 0 : index
    %swap3A_18 = arith.constant 0 : index
    %swap3A_19 = vector.load %arg5[%swap3A, %swap3A_18] : memref<1000x128xf32, #tpu.memory_space<vmem>>, vector<1000x128xf32>
    tpu.vector_store %arg5[%swap3A, %swap3A_18], %add3A_17 {strides = array<i32>} : memref<1000x128xf32, #tpu.memory_space<vmem>>, vector<1000x128xf32>,
    return
  }
  func.func @transform_0(%arg0: i32) -> (i32, i32, i32) {
    %c0_i32 = arith.constant 0 : i32
    %c0_i32_0 = arith.constant 0 : i32
    %c0_i32_1 = arith.constant 0 : i32
    return %c0_i32, %arg0, %c0_i32_0 : i32, i32, i32
  }
  func.func @transform_1(%arg0: i32) -> (i32, i32) {
    %c0_i32 = arith.constant 0 : i32
    %c0_i32_0 = arith.constant 0 : i32
    return %arg0, %c0_i32 : i32, i32
  }
  func.func @transform_2(%arg0: i32) -> (i32, i32) {
    %c0_i32 = arith.constant 0 : i32
    %c0_i32_0 = arith.constant 0 : i32
    return %arg0, %c0_i32 : i32, i32
  }
  func.func @transform_3(%arg0: i32) -> (i32, i32) {
    %c0_i32 = arith.constant 0 : i32
    %c0_i32_0 = arith.constant 0 : i32
    %c0_i32_1 = arith.constant 0 : i32
    return %c0_i32, %c0_i32_0 : i32, i32
  }
  func.func @transform_4(%arg0: i32) -> (i32, i32) {
    %c0_i32 = arith.constant 0 : i32
    %c0_i32_0 = arith.constant 0 : i32
    return %arg0, %c0_i32 : i32, i32
  }
}

</mosaic_0001>

<sc_bundles>
// kernel: kernel.15.cloned.1.call-start
scs
__scs_entry_jumppad:
0x0: {  	(pc) =	sbr.rel $0x88, $3  }
0x1: {  	(tag) =	ssettag $0x0;
	lr =	simm.s32 $0x1  }
0x2: {  	[smem:$0x3F95] =	sst lr;
	_ =	strace $0xD0000000  }
0x3: {  	_ = 	snop  }
0x4: {  	_ = 	snop  }
0x5: {  	_ = 	snop  }
0x6: {  	_ = 	snop  }
0x7: {  	_ = 	snop  }
__scs_overlays_trampoline_lowered:
0x8: {  	[smem:$0x3FA4] =	sst s0  }
0x9: {  	[smem:$0x3FA5] =	sst s1  }
0xa: {  	[smem:$0x3FA6] =	sst s2  }
0xb: {  	[smem:$0x3FA7] =	sst s3  }
0xc: {  	[smem:$0x3FA8] =	sst s4  }
0xd: {  	[smem:$0x3FA9] =	sst s5  }
0xe: {  	[smem:$0x3FAA] =	sst s6  }
0xf: {  	[smem:$0x3FAB] =	sst s7  }
0x10: {  	[smem:$0x3FAC] =	sst s8  }
0x11: {  	[smem:$0x3FAD] =	sst s9;
	s0 =	simm.s32 @!p0 $0x0  }
0x12: {  	s1 =	sld [smem:$0x3F93];
	s0 =	simm.s32 @p0 $0x1  }
0x13: {  	[smem:$0x3FAE] =	sst s0;
	s0 =	simm.s32 @!p1 $0x0  }
0x14: {  	s2 =	sld [smem:$0x3F92];
	s0 =	simm.s32 @p1 $0x1  }
0x15: {  	[smem:$0x3FAF] =	sst s0;
	s0 =	simm.s32 @!p2 $0x0  }
0x16: {  	s3 =	sld [smem:$0x3FDB];
	s0 =	simm.s32 @p2 $0x1  }
0x17: {  	s4 =	simm.s32 $0x1BF5;
	[smem:$0x3FB1] =	sst s0  }
0x18: {  	s0 =	sld [smem:$0x3F94];
	_ =	swait.ge [sflag:s4], $0x0  }
0x19: {  	s7 =	sld [smem:$0x3F95]  }
0x1a: {  	s8 =	sadd.s32 $0xFFFFE003, lr  }
0x1b: {  	s9 =	sadd.s32 $0xFFFFFEF7, lr;
	s5 =	simm.s32 $0xFFFFFFFF;
	p2 =	slt.u32 s8, $0xFFFFF086  }
0x1c: {  	p1 =	slt.u32 s9, $0xF7A;
	s5 =	simm.s32 @!p2 $0x0  }
0x1d: {  	s5 =	simm.s32 @p1 $0x1;
	p0 =	seq.s32 s7, s2  }
0x1e: {  	s7 =	smul.u32 @!p0 $0xF7A, s2;
	p2 =	seq.s32 @!p0 s5, $0x0  }
0x1f: {  	s9 =	smul.u32 $0xF7A, s1;
	s8 =	simm.s32 @!p0 $0x1BF5;
	p2 =	por !p2, p0  }
0x20: {  	[sflag:s8] =	ssyncset.s32 @!p0 $0xFFFFF086;
	s6 =	sadd.s32 @!p0 s3, s7;
	s7 =	simm.s32 @!p0 $0x108  }
0x21: {  	s3 =	sadd.s32 s3, s9;
	s6 =	sadd.s32 @!p0 $0x88, s6;
	s7 =	simm.s32 @p2 $0x1082  }
0x22: {  	[simem:s7], [sflag:s8] =	dma.local @!p0 [hbm:s6], $0xF7A  }
0x23: {  	s9 =	sor.u32 $0xD0000000, s2;
	s6 =	simm.s32 $0x108;
	_ =	swait.ge @!p0 [sflag:s8], $0x0  }
0x24: {  	s3 =	sadd.s32 $0x88, s3;
	s6 =	simm.s32 @!p1 $0x1082;
	[sflag:s4] =	ssyncset.s32 $0xFFFFF086  }
0x25: {  	[simem:s6], [sflag:s4] =	dma.local [hbm:s3], $0xF7A  }
0x26: {  	[smem:$0x3F95] =	sst s1;
	(tag) =	ssettag s2;
	_ =	strace s9  }
0x27: {  	s1 =	sld [smem:$0x3FA5]  }
0x28: {  	s2 =	sld [smem:$0x3FA6]  }
0x29: {  	s4 =	sld [smem:$0x3FA8]  }
0x2a: {  	p0 =	seq.s32 s5, $0x0;
	s5 =	sld [smem:$0x3FA9]  }
0x2b: {  	s6 =	sld [smem:$0x3FAA]  }
0x2c: {  	s7 =	sld [smem:$0x3FAB]  }
0x2d: {  	s3 =	simm.s32 $0x108;
	s8 =	sld [smem:$0x3FAC]  }
0x2e: {  	s3 =	simm.s32 @!p0 $0x1082;
	s9 =	sld [smem:$0x3FAD]  }
0x2f: {  	lr =	sadd.s32 s0, s3;
	s0 =	sld [smem:$0x3FA4]  }
0x30: {  	s3 =	sld [smem:$0x3FA7]  }
0x31: {  	[smem:$0x3FB0] =	sst s10  }
0x32: {  	s10 =	sld [smem:$0x3FAE];
	_ =	sdelay $0x3  }
0x33: {  	p0 =	seq.s32 s10, $0x1;
	s10 =	sld [smem:$0x3FB0];
	_ =	sdelay $0x3  }
0x34: {  	[smem:$0x3FB0] =	sst s10  }
0x35: {  	s10 =	sld [smem:$0x3FAF];
	_ =	sdelay $0x3  }
0x36: {  	p1 =	seq.s32 s10, $0x1;
	s10 =	sld [smem:$0x3FB0];
	_ =	sdelay $0x3  }
0x37: {  	[smem:$0x3FB0] =	sst s10  }
0x38: {  	s10 =	sld [smem:$0x3FB1]  }
0x39: {  	_ = 	snop;
	(pc) =	sbr.ind lr, $3  }
0x3a: {  	_ = 	snop  }
0x3b: {  	_ = 	snop  }
0x3c: {  	p2 =	seq.s32 s10, $0x1;
	s10 =	sld [smem:$0x3FB0]  }
0x3d: {  	_ =	shalt  }
0x3e: {  	_ =	shalt  }
0x3f: {  	_ =	shalt  }
0x40: {  	_ =	shalt  }
0x41: {  	_ =	shalt  }
0x42: {  	_ =	shalt  }
0x43: {  	_ =	shalt  }
0x44: {  	_ =	shalt  }
0x45: {  	_ =	shalt  }
0x46: {  	_ =	shalt  }
0x47: {  	_ =	shalt  }
0x48: {  	_ =	shalt  }
0x49: {  	_ =	shalt  }
0x4a: {  	_ =	shalt  }
0x4b: {  	_ =	shalt  }
0x4c: {  	_ =	shalt  }
0x4d: {  	_ =	shalt  }
0x4e: {  	_ =	shalt  }
0x4f: {  	_ =	shalt  }
0x50: {  	_ =	shalt  }
0x51: {  	_ =	shalt  }
0x52: {  	_ =	shalt  }
0x53: {  	_ =	shalt  }
0x54: {  	_ =	shalt  }
0x55: {  	_ =	shalt  }
0x56: {  	_ =	shalt  }
0x57: {  	_ =	shalt  }
0x58: {  	_ =	shalt  }
0x59: {  	_ =	shalt  }
0x5a: {  	_ =	shalt  }
0x5b: {  	_ =	shalt  }
0x5c: {  	_ =	shalt  }
0x5d: {  	_ =	shalt  }
0x5e: {  	_ =	shalt  }
0x5f: {  	_ =	shalt  }
0x60: {  	_ =	shalt  }
0x61: {  	_ =	shalt  }
0x62: {  	_ =	shalt  }
0x63: {  	_ =	shalt  }
0x64: {  	_ =	shalt  }
0x65: {  	_ =	shalt  }
0x66: {  	_ =	shalt  }
0x67: {  	_ =	shalt  }
0x68: {  	_ =	shalt  }
0x69: {  	_ =	shalt  }
0x6a: {  	_ =	shalt  }
0x6b: {  	_ =	shalt  }
0x6c: {  	_ =	shalt  }
0x6d: {  	_ =	shalt  }
0x6e: {  	_ =	shalt  }
0x6f: {  	_ =	shalt  }
0x70: {  	_ =	shalt  }
0x71: {  	_ =	shalt  }
0x72: {  	_ =	shalt  }
0x73: {  	_ =	shalt  }
0x74: {  	_ =	shalt  }
0x75: {  	_ =	shalt  }
0x76: {  	_ =	shalt  }
0x77: {  	_ =	shalt  }
0x78: {  	_ =	shalt  }
0x79: {  	_ =	shalt  }
0x7a: {  	_ =	shalt  }
0x7b: {  	_ =	shalt  }
0x7c: {  	_ =	shalt  }
0x7d: {  	_ =	shalt  }
0x7e: {  	_ =	shalt  }
0x7f: {  	_ =	shalt  }
0x80: {  	_ =	shalt  }
0x81: {  	_ =	shalt  }
0x82: {  	_ =	shalt  }
0x83: {  	_ =	shalt  }
0x84: {  	_ =	shalt  }
0x85: {  	_ =	shalt  }
0x86: {  	_ =	shalt  }
0x87: {  	_ =	shalt  }
.Lfunc_end0:
.L_simem_size_0:
called_computation_lowered:
.L_overlay_start_0:
0x88: {  	s2 =	sld [smem:$0x3FD9]  }
0x89: {  	s3 =	sld [smem:$0x3FFE];
	_ =	sdelay $0x1  }
0x8a: {  	s1 =	srdreg.scid  }
0x8b: {  	s0 =	sand.u32 $0x1, s1  }
0x8c: {  	s17 =	sshll.u32 s0, $0xA;
	s2 =	sadd.s32 s3, s2  }
0x8d: {  	s2 =	sadd.s32 s2, s17  }
0x8e: {  	[smem:$0x3FBC] =	sst s2  }
0x8f: {  	_ = 	snop  }
0x90: {  	s2 =	sld [smem:$0x3FD0];
	(tm) =	ssettm $0x1  }
0x91: {  	s18 =	sld [smem:$0x3FFB];
	_ =	sdelay $0x3  }
0x92: {  	_ =	strace s18  }
0x93: {  	s3 =	sld [smem:$0x3FFC];
	_ =	sdelay $0x3  }
0x94: {  	_ =	strace s3  }
0x95: {  	s3 =	sld [smem:$0x3FFD];
	_ =	sdelay $0x3  }
0x96: {  	_ =	strace s3  }
0x97: {  	_ =	strace $0x8FFFFFFF  }
0x98: {  	s19 =	sld [smem:$0x3FDB];
	_ =	sdelay $0x1  }
0x99: {  	s4 =	simm.s32 $_scs_section_size  }
0x9a: {  	s5 =	simm.s32 $_size__tile_overlayer_lowered;
	s6 =	simm.s32 $_tile_overlayer_lowered  }
0x9b: {  	s22 =	simm.s32 $0x1BFF;
	s21 =	sshll.u32 s6, $0x1;
	s3 =	sadd.s32 s4, s19  }
0x9c: {  	s7 =	simm.s32 $0x0;
	s20 =	sshll.u32 s5, $0x1;
	s5 =	sadd.s32 s21, s3  }
0x9d: {  	[timem:s7], [sflag:s22] =	dma.local [hbm:s5], s20  }
0x9e: {  	_ =	swait.ge [sflag:s22], s20  }
0x9f: {  	s4 =	ssub.s32 $0x0, s20;
	[sflag:s22] =	ssyncset.done $0x0  }
0xa0: {  	[sflag:s22] =	ssyncadd.s32 s4;
	_ =	sdelay $0x1  }
0xa1: {  	s23 =	simm.s32 $0x1B8B  }
0xa2: {  	_ =	swait.ge [sflag:s23], $0x1  }
0xa3: {  	[sflag:s23] =	ssyncset.done $0x0  }
0xa4: {  	s25 =	simm.s32 $0x1B8E;
	s24 =	sld [smem:$0x3FFE];
	[sflag:s23] =	ssyncadd.s32 $0xFFFFFFFF  }
0xa5: {  	s26 =	simm.s32 $execute0_lowered;
	[smem:$0x3FD2] =	sst s25  }
0xa6: {  	s5 =	sshll.u32 s26, $0x1;
	_ =	strace $0x80000046;
	[dreg:$0x1] =	wrdreg $0xFFFFFFFF  }
0xa7: {  	s28 =	simm.s32 $_size_execute0_lowered;
	s3 =	sadd.s32 s3, s5;
	[dreg:$0x0] =	wrdreg $0x0  }
0xa8: {  	s5 =	sshll.u32 s28, $0x1;
	[dreg:$0x2] =	wrdreg s3  }
0xa9: {  	[dreg:$0x3] =	wrdreg s5  }
0xaa: {  	[dreg:$0x4] =	wrdreg $0xC0  }
0xab: {  	_ =	task [dreg:s7], $0x5FFFF  }
0xac: {  	[dreg:$0x1] =	wrdreg $0xFFFFFFFF  }
0xad: {  	[dreg:$0x0] =	wrdreg $0x60  }
0xae: {  	[dreg:$0x2] =	wrdreg s2  }
0xaf: {  	[dreg:$0x3] =	wrdreg s24  }
0xb0: {  	[dreg:$0x4] =	wrdreg $0x0  }
0xb1: {  	[dreg:$0x5] =	wrdreg $0x9  }
0xb2: {  	_ =	task.clear_ibuf [dreg:s7], $0x6FFFF;
	_ =	strace $0x90000046  }
0xb3: {  	s29 =	simm.s32 $0x9;
	_ =	strace $0x80000048  }
0xb4: {  	_ =	swait.ge [sflag:s29], $0x1  }
0xb5: {  	[sflag:s29] =	ssyncadd.s32 $0xFFFFFFFF  }
0xb6: {  	_ =	strace $0x90000048  }
0xb7: {  	_ =	sfence  }
0xb8: {  	s30 =	sld [smem:$0x0];
	_ =	sdelay $0x2  }
0xb9: {  	s31 =	sshll.u32 s1, $0xD;
	s1 =	sshrl.u32 s1, $0x2  }
0xba: {  	s3 =	sand.u32 $0x4000, s31;
	s1 =	sadd.s32 s1, s30  }
0xbb: {  	s0 =	sor.u32 s3, s0;
	s1 =	sshll.u32 s1, $0x11  }
0xbc: {  	s0 =	sor.u32 s1, s0  }
0xbd: {  	s0 =	sadd.s32 $0x8F2B, s0  }
0xbe: {  	[sflag:s0] =	ssyncadd.remote.s32 $0x1  }
0xbf: {  	_ =	sfence.sel $0xFFFF  }
0xc0: {  	[dreg:$0x0] =	wrdreg $0xFFFFFFFF;
	(pc) =	sbr.abs _section_cstart, $3  }
0xc1: {  	[dreg:$0x1] =	wrdreg $0xFFFFFFFF  }
0xc2: {  	_ =	task.clear_ibuf [dreg:s7], $0x2FFFF;
	_ =	strace $0x9FFFFFFF  }
0xc3: {  	(tm) =	ssettm $0x7FFFFFFF  }
tec
execute0_lowered:
.L_overlay_start_1:
0x0: {  	(tag) =	ssettag $0x1  }
0x1: {  	s9 =	rddreg [dreg:$0x0]  }
0x2: {  	s6 =	rddreg [dreg:$0x1]  }
0x3: {  	s1 =	rddreg [dreg:$0x2];
	s2 =	srdreg.scid  }
0x4: {  	s0 =	rddreg [dreg:$0x3];
	s5 =	sand.u32 $0x1, s2  }
0x5: {  	s2 =	stileid.u32;
	s7 =	smul.u32 $0x140000, s5  }
0x6: {  	s3 =	simm.s32 $0x0;
	s14 =	simm.s32 $0x50;
	s8 =	smul.u32 $0x14000, s2  }
0x7: {  	s15 =	simm.s32 $0x0;
	[smem:$0x7FF] =	sst s3;
	s10 =	smul.u32 $0x50000, s2  }
0x8: {  	s4 =	sadd.s32 $0x4A00, s6;
	_ =	strace $0x80000047;
	s11 =	smul.u32 $0x5000, s2  }
0x9: {  	s26 =	ssub.s32 $0x2, s5;
	s13 =	smul.u32 $0x2800, s5;
	s5 =	sadd.s32 $0x5000, s6  }
0xa: {  	s29 =	sshll.u32 s2, $0x6;
	s12 =	sshrl.u32 s26, $0x1;
	s7 =	sadd.s32 s8, s7  }
0xb: {  	s8 =	ssub.s32 s26, s12;
	s28 =	sshrl.u32 s10, $0x2;
	s11 =	sadd.s32 s13, s11  }
0xc: {  	s12 =	simm.s32 $0x14080;
	s13 =	simm.s32 $0x14000;
	s7 =	sshrl.u32 s7, $0x3  }
0xd: {  	s30 =	sadd.s32 s28, s1;
	s31 =	sshrl.u32 s11, $0x3;
	s8 =	smax.u32 s8, $0x1  }
0xe: {  	s11 =	simm.s32 $0x1;
	s7 =	sadd.s32 s7, s6;
	s6 =	sor.u32 $0x1C01, s29  }
0xf: {  	s9 =	sadd.s32 s31, s9;
	s10 =	sshrl.u32 s30, $0x3;
	s7 =	sadd.s32 $0x7800, s7  }
.LBB2_1:
0x10: {  	[spmem:s10], [sflag:s6] =	dma.local [hbm:s5], $0x2800  }
0x11: {  	_ =	swait.ge [sflag:s11], $0x2800  }
0x12: {  	[sflag:s11] =	ssyncset.done $0x0  }
0x13: {  	[sflag:s11] =	ssyncadd.s32 $0xFFFFD800  }
0x14: {  	[tilespmem:s12], [sflag:$0x1] =	stream.linear.gather [hbm4b:s4+s3], $0x2800, $0x38;
	[tilespmem:$0x16880] =	vst v63  }
0x15: {  	_ =	swait.ge [sflag:s11], $0x2800  }
0x16: {  	[sflag:s11] =	ssyncset.done $0x0  }
0x17: {  	[sflag:s11] =	ssyncadd.s32 $0xFFFFD800  }
0x18: {  	s16 =	sadd.s32 $0x0, s9;
	[bflag:$0x0] =	sbarrier.arrive $0xFFFF  }
0x19: {  	[tilespmem:s13], [sflag:$0x1] =	stream.linear.gather [hbm4b:s16+s3], $0x50, $0x38;
	[tilespmem:$0x16880] =	vst v63  }
0x1a: {  	_ =	swait.ge [sflag:s11], $0x50  }
0x1b: {  	[sflag:s11] =	ssyncset.done $0x0  }
0x1c: {  	[sflag:s11] =	ssyncadd.s32 $0xFFFFFFB0  }
0x1d: {  	[spmem:s1] =	stream.indirect.scatter.add.f32 [tilespmem:s12], [sflag:$0x1], $0x80, s13, s14, $0xb8;
	[tilespmem:$0x16880] =	vst v63  }
0x1e: {  	_ =	swait.ge [sflag:s11], $0x2800  }
0x1f: {  	s17 =	simm.s32 $0x14;
	s16 =	simm.s32 $0xA;
	[sflag:s11] =	ssyncset.done $0x0  }
.LBB2_2:
0x20: {  	s18 =	sadd.s32 s16, s9  }
0x21: {  	[sflag:s11] =	ssyncadd.s32 $0xFFFFD800;
	s16 =	smov.u32 s17;
	s19 =	sadd.s32 $0xA, s17  }
0x22: {  	[tilespmem:s13], [sflag:$0x1] =	stream.linear.gather [hbm4b:s18+s3], $0x50, $0x38;
	[tilespmem:$0x16880] =	vst v63  }
0x23: {  	p0 =	sne.s32 s17, $0x4F6;
	_ =	swait.ge [sflag:s11], $0x50  }
.Ltmp0:
0x24: {  	[sflag:s11] =	ssyncset.done $0x0;
	(pc) =	sbr.rel @p0 .LBB2_2-.Ltmp0, $4  }
0x25: {  	[sflag:s11] =	ssyncadd.s32 $0xFFFFFFB0  }
0x26: {  	[spmem:s1] =	stream.indirect.scatter.add.f32 [tilespmem:s12], [sflag:$0x1], $0x80, s13, s14, $0xb8;
	[tilespmem:$0x16880] =	vst v63  }
0x27: {  	_ =	swait.ge [sflag:s11], $0x2800  }
0x28: {  	s17 =	smov.u32 s19;
	[sflag:s11] =	ssyncset.done $0x0  }
0x29: {  	s16 =	sadd.s32 s16, s9;
	[sflag:s11] =	ssyncadd.s32 $0xFFFFD800  }
0x2a: {  	[tilespmem:s13], [sflag:$0x1] =	stream.linear.gather [hbm4b:s16+s3], $0x50, $0x38;
	[tilespmem:$0x16880] =	vst v63  }
0x2b: {  	_ =	swait.ge [sflag:s11], $0x50  }
0x2c: {  	[sflag:s11] =	ssyncset.done $0x0  }
0x2d: {  	[sflag:s11] =	ssyncadd.s32 $0xFFFFFFB0  }
0x2e: {  	[spmem:s1] =	stream.indirect.scatter.add.f32 [tilespmem:s12], [sflag:$0x1], $0x80, s13, s14, $0xb8;
	[tilespmem:$0x16880] =	vst v63  }
0x2f: {  	_ =	swait.ge [sflag:s11], $0x2800  }
0x30: {  	s15 =	sadd.s32 $0x1, s15;
	[sflag:s11] =	ssyncset.done $0x0  }
0x31: {  	p0 =	sne.s32 s15, s8;
	[sflag:s11] =	ssyncadd.s32 $0xFFFFD800  }
.Ltmp1:
0x32: {  	[bflag:$0x0] =	sbarrier.arrive $0xFFFF;
	(pc) =	sbr.rel @p0 .LBB2_1-.Ltmp1, $4  }
0x33: {  	[hbm:s7], [sflag:s6] =	dma.local [spmem:s10], $0x2800  }
0x34: {  	_ =	swait.ge [sflag:s11], $0x2800  }
0x35: {  	[sflag:s11] =	ssyncset.done $0x0  }
0x36: {  	[sflag:s11] =	ssyncadd.s32 $0xFFFFD800  }
0x37: {  	_ =	sfence.sel $0x180000  }
0x38: {  	[bflag:$0x0] =	sbarrier.arrive $0xFFFF  }
0x39: {  	p0 =	sne.s32 s2, $0x0;
	_ =	strace $0x90000047  }
0x3a: {  	s0 =	sadd.s32 @!p0 $0x100000, s0;
	[bflag:$0x2] =	sbarrier.arrive $0xFFFF  }
0x3b: {  	[sflag:s0] =	ssyncadd.tile.s32 @!p0 $0x1;
	_ =	shalt  }
.Lfunc_end2:
_tile_overlayer_lowered:
.L_overlay_start_2:
0x3c: {  	(tag) =	ssettag $0x2  }
0x3d: {  	s0 =	rddreg [dreg:$0x0];
	s2 =	stileid.u32  }
0x3e: {  	s1 =	rddreg [dreg:$0x1];
	p0 =	sne.s32 s2, $0x0  }
0x3f: {  	s3 =	rddreg [dreg:$0x2];
	[bflag:$0x3] =	sbarrier.arrive $0xFFFF;
	s2 =	simm.s32 @!p0 $0x1C01  }
0x40: {  	[timem:s3], [sflag:s2] =	dma.local @!p0 [hbm:s0], s1  }
0x41: {  	s0 =	simm.s32 @!p0 $0x1  }
0x42: {  	_ =	swait.ge @!p0 [sflag:s0], s1  }
0x43: {  	s1 =	ssub.s32 @!p0 $0x0, s1;
	[sflag:s0] =	ssyncset.done @!p0 $0x0  }
0x44: {  	[sflag:s0] =	ssyncadd.s32 @!p0 s1  }
0x45: {  	[bflag:$0x3] =	sbarrier.arrive $0xFFFF  }
0x46: {  	_ =	shalt  }

// kernel: kernel.18.cloned.1.call-start
scs
__scs_entry_jumppad:
0x0: {  	(pc) =	sbr.rel $0x88, $3  }
0x1: {  	(tag) =	ssettag $0x0;
	lr =	simm.s32 $0x1  }
0x2: {  	[smem:$0x3F95] =	sst lr;
	_ =	strace $0xD0000000  }
0x3: {  	_ = 	snop  }
0x4: {  	_ = 	snop  }
0x5: {  	_ = 	snop  }
0x6: {  	_ = 	snop  }
0x7: {  	_ = 	snop  }
__scs_overlays_trampoline_lowered:
0x8: {  	[smem:$0x3FA4] =	sst s0  }
0x9: {  	[smem:$0x3FA5] =	sst s1  }
0xa: {  	[smem:$0x3FA6] =	sst s2  }
0xb: {  	[smem:$0x3FA7] =	sst s3  }
0xc: {  	[smem:$0x3FA8] =	sst s4  }
0xd: {  	[smem:$0x3FA9] =	sst s5  }
0xe: {  	[smem:$0x3FAA] =	sst s6  }
0xf: {  	[smem:$0x3FAB] =	sst s7  }
0x10: {  	[smem:$0x3FAC] =	sst s8  }
0x11: {  	[smem:$0x3FAD] =	sst s9;
	s0 =	simm.s32 @!p0 $0x0  }
0x12: {  	s1 =	sld [smem:$0x3F93];
	s0 =	simm.s32 @p0 $0x1  }
0x13: {  	[smem:$0x3FAE] =	sst s0;
	s0 =	simm.s32 @!p1 $0x0  }
0x14: {  	s2 =	sld [smem:$0x3F92];
	s0 =	simm.s32 @p1 $0x1  }
0x15: {  	[smem:$0x3FAF] =	sst s0;
	s0 =	simm.s32 @!p2 $0x0  }
0x16: {  	s3 =	sld [smem:$0x3FDB];
	s0 =	simm.s32 @p2 $0x1  }
0x17: {  	s4 =	simm.s32 $0x1BF5;
	[smem:$0x3FB1] =	sst s0  }
0x18: {  	s0 =	sld [smem:$0x3F94];
	_ =	swait.ge [sflag:s4], $0x0  }
0x19: {  	s7 =	sld [smem:$0x3F95]  }
0x1a: {  	s8 =	sadd.s32 $0xFFFFE003, lr  }
0x1b: {  	s9 =	sadd.s32 $0xFFFFFEF7, lr;
	s5 =	simm.s32 $0xFFFFFFFF;
	p2 =	slt.u32 s8, $0xFFFFF086  }
0x1c: {  	p1 =	slt.u32 s9, $0xF7A;
	s5 =	simm.s32 @!p2 $0x0  }
0x1d: {  	s5 =	simm.s32 @p1 $0x1;
	p0 =	seq.s32 s7, s2  }
0x1e: {  	s7 =	smul.u32 @!p0 $0xF7A, s2;
	p2 =	seq.s32 @!p0 s5, $0x0  }
0x1f: {  	s9 =	smul.u32 $0xF7A, s1;
	s8 =	simm.s32 @!p0 $0x1BF5;
	p2 =	por !p2, p0  }
0x20: {  	[sflag:s8] =	ssyncset.s32 @!p0 $0xFFFFF086;
	s6 =	sadd.s32 @!p0 s3, s7;
	s7 =	simm.s32 @!p0 $0x108  }
0x21: {  	s3 =	sadd.s32 s3, s9;
	s6 =	sadd.s32 @!p0 $0x88, s6;
	s7 =	simm.s32 @p2 $0x1082  }
0x22: {  	[simem:s7], [sflag:s8] =	dma.local @!p0 [hbm:s6], $0xF7A  }
0x23: {  	s9 =	sor.u32 $0xD0000000, s2;
	s6 =	simm.s32 $0x108;
	_ =	swait.ge @!p0 [sflag:s8], $0x0  }
0x24: {  	s3 =	sadd.s32 $0x88, s3;
	s6 =	simm.s32 @!p1 $0x1082;
	[sflag:s4] =	ssyncset.s32 $0xFFFFF086  }
0x25: {  	[simem:s6], [sflag:s4] =	dma.local [hbm:s3], $0xF7A  }
0x26: {  	[smem:$0x3F95] =	sst s1;
	(tag) =	ssettag s2;
	_ =	strace s9  }
0x27: {  	s1 =	sld [smem:$0x3FA5]  }
0x28: {  	s2 =	sld [smem:$0x3FA6]  }
0x29: {  	s4 =	sld [smem:$0x3FA8]  }
0x2a: {  	p0 =	seq.s32 s5, $0x0;
	s5 =	sld [smem:$0x3FA9]  }
0x2b: {  	s6 =	sld [smem:$0x3FAA]  }
0x2c: {  	s7 =	sld [smem:$0x3FAB]  }
0x2d: {  	s3 =	simm.s32 $0x108;
	s8 =	sld [smem:$0x3FAC]  }
0x2e: {  	s3 =	simm.s32 @!p0 $0x1082;
	s9 =	sld [smem:$0x3FAD]  }
0x2f: {  	lr =	sadd.s32 s0, s3;
	s0 =	sld [smem:$0x3FA4]  }
0x30: {  	s3 =	sld [smem:$0x3FA7]  }
0x31: {  	[smem:$0x3FB0] =	sst s10  }
0x32: {  	s10 =	sld [smem:$0x3FAE];
	_ =	sdelay $0x3  }
0x33: {  	p0 =	seq.s32 s10, $0x1;
	s10 =	sld [smem:$0x3FB0];
	_ =	sdelay $0x3  }
0x34: {  	[smem:$0x3FB0] =	sst s10  }
0x35: {  	s10 =	sld [smem:$0x3FAF];
	_ =	sdelay $0x3  }
0x36: {  	p1 =	seq.s32 s10, $0x1;
	s10 =	sld [smem:$0x3FB0];
	_ =	sdelay $0x3  }
0x37: {  	[smem:$0x3FB0] =	sst s10  }
0x38: {  	s10 =	sld [smem:$0x3FB1]  }
0x39: {  	_ = 	snop;
	(pc) =	sbr.ind lr, $3  }
0x3a: {  	_ = 	snop  }
0x3b: {  	_ = 	snop  }
0x3c: {  	p2 =	seq.s32 s10, $0x1;
	s10 =	sld [smem:$0x3FB0]  }
0x3d: {  	_ =	shalt  }
0x3e: {  	_ =	shalt  }
0x3f: {  	_ =	shalt  }
0x40: {  	_ =	shalt  }
0x41: {  	_ =	shalt  }
0x42: {  	_ =	shalt  }
0x43: {  	_ =	shalt  }
0x44: {  	_ =	shalt  }
0x45: {  	_ =	shalt  }
0x46: {  	_ =	shalt  }
0x47: {  	_ =	shalt  }
0x48: {  	_ =	shalt  }
0x49: {  	_ =	shalt  }
0x4a: {  	_ =	shalt  }
0x4b: {  	_ =	shalt  }
0x4c: {  	_ =	shalt  }
0x4d: {  	_ =	shalt  }
0x4e: {  	_ =	shalt  }
0x4f: {  	_ =	shalt  }
0x50: {  	_ =	shalt  }
0x51: {  	_ =	shalt  }
0x52: {  	_ =	shalt  }
0x53: {  	_ =	shalt  }
0x54: {  	_ =	shalt  }
0x55: {  	_ =	shalt  }
0x56: {  	_ =	shalt  }
0x57: {  	_ =	shalt  }
0x58: {  	_ =	shalt  }
0x59: {  	_ =	shalt  }
0x5a: {  	_ =	shalt  }
0x5b: {  	_ =	shalt  }
0x5c: {  	_ =	shalt  }
0x5d: {  	_ =	shalt  }
0x5e: {  	_ =	shalt  }
0x5f: {  	_ =	shalt  }
0x60: {  	_ =	shalt  }
0x61: {  	_ =	shalt  }
0x62: {  	_ =	shalt  }
0x63: {  	_ =	shalt  }
0x64: {  	_ =	shalt  }
0x65: {  	_ =	shalt  }
0x66: {  	_ =	shalt  }
0x67: {  	_ =	shalt  }
0x68: {  	_ =	shalt  }
0x69: {  	_ =	shalt  }
0x6a: {  	_ =	shalt  }
0x6b: {  	_ =	shalt  }
0x6c: {  	_ =	shalt  }
0x6d: {  	_ =	shalt  }
0x6e: {  	_ =	shalt  }
0x6f: {  	_ =	shalt  }
0x70: {  	_ =	shalt  }
0x71: {  	_ =	shalt  }
0x72: {  	_ =	shalt  }
0x73: {  	_ =	shalt  }
0x74: {  	_ =	shalt  }
0x75: {  	_ =	shalt  }
0x76: {  	_ =	shalt  }
0x77: {  	_ =	shalt  }
0x78: {  	_ =	shalt  }
0x79: {  	_ =	shalt  }
0x7a: {  	_ =	shalt  }
0x7b: {  	_ =	shalt  }
0x7c: {  	_ =	shalt  }
0x7d: {  	_ =	shalt  }
0x7e: {  	_ =	shalt  }
0x7f: {  	_ =	shalt  }
0x80: {  	_ =	shalt  }
0x81: {  	_ =	shalt  }
0x82: {  	_ =	shalt  }
0x83: {  	_ =	shalt  }
0x84: {  	_ =	shalt  }
0x85: {  	_ =	shalt  }
0x86: {  	_ =	shalt  }
0x87: {  	_ =	shalt  }
.Lfunc_end0:
.L_simem_size_0:
called_computation.1_lowered:
.L_overlay_start_0:
0x88: {  	s2 =	sld [smem:$0x3FD9]  }
0x89: {  	s3 =	sld [smem:$0x3FFE];
	_ =	sdelay $0x1  }
0x8a: {  	s1 =	srdreg.scid  }
0x8b: {  	s0 =	sand.u32 $0x1, s1  }
0x8c: {  	s17 =	sshll.u32 s0, $0xA;
	s2 =	sadd.s32 s3, s2  }
0x8d: {  	s2 =	sadd.s32 s2, s17  }
0x8e: {  	[smem:$0x3FBC] =	sst s2  }
0x8f: {  	_ = 	snop  }
0x90: {  	s2 =	sld [smem:$0x3FD0];
	(tm) =	ssettm $0x1  }
0x91: {  	s18 =	sld [smem:$0x3FFB];
	_ =	sdelay $0x3  }
0x92: {  	_ =	strace s18  }
0x93: {  	s3 =	sld [smem:$0x3FFC];
	_ =	sdelay $0x3  }
0x94: {  	_ =	strace s3  }
0x95: {  	s3 =	sld [smem:$0x3FFD];
	_ =	sdelay $0x3  }
0x96: {  	_ =	strace s3  }
0x97: {  	_ =	strace $0x8FFFFFFF  }
0x98: {  	s19 =	sld [smem:$0x3FDB];
	_ =	sdelay $0x1  }
0x99: {  	s4 =	simm.s32 $_scs_section_size  }
0x9a: {  	s5 =	simm.s32 $_size__tile_overlayer_lowered;
	s6 =	simm.s32 $_tile_overlayer_lowered  }
0x9b: {  	s22 =	simm.s32 $0x1BFF;
	s21 =	sshll.u32 s6, $0x1;
	s3 =	sadd.s32 s4, s19  }
0x9c: {  	s7 =	simm.s32 $0x0;
	s20 =	sshll.u32 s5, $0x1;
	s5 =	sadd.s32 s21, s3  }
0x9d: {  	[timem:s7], [sflag:s22] =	dma.local [hbm:s5], s20  }
0x9e: {  	_ =	swait.ge [sflag:s22], s20  }
0x9f: {  	s4 =	ssub.s32 $0x0, s20;
	[sflag:s22] =	ssyncset.done $0x0  }
0xa0: {  	[sflag:s22] =	ssyncadd.s32 s4;
	_ =	sdelay $0x1  }
0xa1: {  	s23 =	simm.s32 $0x1B8B  }
0xa2: {  	_ =	swait.ge [sflag:s23], $0x1  }
0xa3: {  	[sflag:s23] =	ssyncset.done $0x0  }
0xa4: {  	s25 =	simm.s32 $0x1B8E;
	s24 =	sld [smem:$0x3FFE];
	[sflag:s23] =	ssyncadd.s32 $0xFFFFFFFF  }
0xa5: {  	s26 =	simm.s32 $execute0_lowered;
	[smem:$0x3FD2] =	sst s25  }
0xa6: {  	s5 =	sshll.u32 s26, $0x1;
	_ =	strace $0x80000049;
	[dreg:$0x1] =	wrdreg $0xFFFFFFFF  }
0xa7: {  	s28 =	simm.s32 $_size_execute0_lowered;
	s3 =	sadd.s32 s3, s5;
	[dreg:$0x0] =	wrdreg $0x0  }
0xa8: {  	s5 =	sshll.u32 s28, $0x1;
	[dreg:$0x2] =	wrdreg s3  }
0xa9: {  	[dreg:$0x3] =	wrdreg s5  }
0xaa: {  	[dreg:$0x4] =	wrdreg $0xC0  }
0xab: {  	_ =	task [dreg:s7], $0x5FFFF  }
0xac: {  	[dreg:$0x1] =	wrdreg $0xFFFFFFFF  }
0xad: {  	[dreg:$0x0] =	wrdreg $0x60  }
0xae: {  	[dreg:$0x2] =	wrdreg s2  }
0xaf: {  	[dreg:$0x3] =	wrdreg s24  }
0xb0: {  	[dreg:$0x4] =	wrdreg $0x0  }
0xb1: {  	[dreg:$0x5] =	wrdreg $0x9  }
0xb2: {  	_ =	task.clear_ibuf [dreg:s7], $0x6FFFF;
	_ =	strace $0x90000049  }
0xb3: {  	s29 =	simm.s32 $0x9;
	_ =	strace $0x8000004B  }
0xb4: {  	_ =	swait.ge [sflag:s29], $0x1  }
0xb5: {  	[sflag:s29] =	ssyncadd.s32 $0xFFFFFFFF  }
0xb6: {  	_ =	strace $0x9000004B  }
0xb7: {  	_ =	sfence  }
0xb8: {  	s30 =	sld [smem:$0x0];
	_ =	sdelay $0x2  }
0xb9: {  	s31 =	sshll.u32 s1, $0xD;
	s1 =	sshrl.u32 s1, $0x2  }
0xba: {  	s3 =	sand.u32 $0x4000, s31;
	s1 =	sadd.s32 s1, s30  }
0xbb: {  	s0 =	sor.u32 s3, s0;
	s1 =	sshll.u32 s1, $0x11  }
0xbc: {  	s0 =	sor.u32 s1, s0  }
0xbd: {  	s0 =	sadd.s32 $0x8F2B, s0  }
0xbe: {  	[sflag:s0] =	ssyncadd.remote.s32 $0x1  }
0xbf: {  	_ =	sfence.sel $0xFFFF  }
0xc0: {  	[dreg:$0x0] =	wrdreg $0xFFFFFFFF;
	(pc) =	sbr.abs _section_cstart, $3  }
0xc1: {  	[dreg:$0x1] =	wrdreg $0xFFFFFFFF  }
0xc2: {  	_ =	task.clear_ibuf [dreg:s7], $0x2FFFF;
	_ =	strace $0x9FFFFFFF  }
0xc3: {  	(tm) =	ssettm $0x7FFFFFFF  }
tec
execute0_lowered:
.L_overlay_start_1:
0x0: {  	(tag) =	ssettag $0x1  }
0x1: {  	s1 =	rddreg [dreg:$0x0]  }
0x2: {  	s0 =	rddreg [dreg:$0x1]  }
0x3: {  	s2 =	rddreg [dreg:$0x2]  }
0x4: {  	s4 =	simm.s32 $0x0;
	s3 =	srdreg.scid;
	s11 =	stileid.u32  }
0x5: {  	s28 =	simm.s32 $0x19400;
	s29 =	simm.s32 $0x5;
	s30 =	simm.s32 $0x4  }
0x6: {  	s31 =	simm.s32 $0x1BC00;
	[smem:$0x7FF] =	sst s4;
	s7 =	smul.u32 $0x14000, s11  }
0x7: {  	s3 =	sand.u32 $0x1, s3;
	s5 =	sadd.s32 $0x57800, s0;
	s26 =	smul.u32 $0x50000, s11  }
0x8: {  	s8 =	sadd.s32 $0x5000, s0;
	s24 =	sshll.u32 s11, $0x1;
	s10 =	smul.u32 $0x10800, s11  }
0x9: {  	s14 =	sshll.u32 s11, $0x6;
	s6 =	smul.u32 $0x140000, s3;
	_ =	strace $0x8000004A  }
0xa: {  	[dreg:$0xa] =	wrdreg s8;
	s25 =	sor.u32 s3, s24;
	s9 =	ssub.s32 $0x2, s3  }
0xb: {  	s3 =	smul.u32 $0x8400, s3;
	s24 =	simm.s32 $0x14080;
	s12 =	sshrl.u32 s9, $0x1  }
0xc: {  	s8 =	sshrl.u32 s26, $0x2;
	[dreg:$0x7] =	wrdreg s24;
	s24 =	simm.s32 $0x2  }
0xd: {  	s26 =	simm.s32 $0x14280;
	s6 =	sadd.s32 s7, s6;
	s7 =	smul.u32 $0x8400, s25  }
0xe: {  	s13 =	sadd.s32 s8, s2;
	s3 =	sadd.s32 s3, s10;
	s25 =	simm.s32 $0x14180  }
0xf: {  	[dreg:$0x9] =	wrdreg s26;
	s26 =	simm.s32 $0x3;
	s6 =	sshrl.u32 s6, $0x3  }
0x10: {  	s19 =	sadd.s32 $0x700, s3;
	s20 =	sadd.s32 $0x600, s3;
	[dreg:$0x8] =	wrdreg s25  }
0x11: {  	s25 =	simm.s32 $0x16C00;
	s0 =	sadd.s32 s6, s0;
	s6 =	ssub.s32 s9, s12  }
0x12: {  	s15 =	sshrl.u32 s7, $0x3;
	s7 =	sor.u32 $0x1C09, s14;
	s10 =	sshrl.u32 s19, $0x3  }
0x13: {  	s11 =	sshrl.u32 s20, $0x3;
	s12 =	sadd.s32 $0x500, s3;
	s14 =	sadd.s32 $0x400, s3  }
0x14: {  	s19 =	simm.s32 $0x14200;
	s20 =	simm.s32 $0x14300;
	s16 =	sadd.s32 s5, s15  }
0x15: {  	s3 =	simm.s32 $0x7;
	s10 =	sadd.s32 s10, s5;
	[dreg:$0xb] =	wrdreg s16  }
0x16: {  	s9 =	simm.s32 $0x14380;
	s0 =	sadd.s32 $0x7800, s0;
	[dreg:$0x4] =	wrdreg s10  }
0x17: {  	s21 =	sadd.s32 s11, s5;
	s22 =	sshrl.u32 s12, $0x3;
	[dreg:$0xf] =	wrdreg s0  }
0x18: {  	s6 =	smax.u32 s6, $0x1;
	s15 =	sshrl.u32 s13, $0x3;
	[dreg:$0x5] =	wrdreg s21  }
0x19: {  	s17 =	sadd.s32 $0x20, s16;
	s18 =	sadd.s32 $0x40, s16;
	[dreg:$0x10] =	wrdreg s6  }
0x1a: {  	s8 =	sadd.s32 $0x60, s16;
	s23 =	sadd.s32 s22, s5;
	[dreg:$0xc] =	wrdreg s17  }
0x1b: {  	s16 =	simm.s32 $0x9;
	s21 =	simm.s32 $0x1;
	[dreg:$0xd] =	wrdreg s18  }
0x1c: {  	s22 =	simm.s32 $0x50;
	s0 =	simm.s32 $0x6;
	[dreg:$0xe] =	wrdreg s8  }
0x1d: {  	s6 =	simm.s32 $0x8;
	s10 =	simm.s32 $0x0;
	[dreg:$0x6] =	wrdreg s23  }
0x1e: {  	s17 =	simm.s32 $0x14000;
	s18 =	simm.s32 $0x14100;
	s23 =	simm.s32 $0x14400  }
.LBB2_1:
0x1f: {  	s8 =	rddreg [dreg:$0xa]  }
0x20: {  	[spmem:s15], [sflag:s7] =	dma.local [hbm:s8], $0x2800  }
0x21: {  	_ =	swait.ge [sflag:s16], $0x2800  }
0x22: {  	[sflag:s16] =	ssyncset.done $0x0  }
0x23: {  	s11 =	rddreg [dreg:$0xb];
	[sflag:s16] =	ssyncadd.s32 $0xFFFFD800  }
0x24: {  	[tilespmem:s17], [sflag:$0x1] =	stream.linear.gather [hbm4b:s11+s4], $0x100, $0x38;
	[tilespmem:$0x1E400] =	vst v63  }
0x25: {  	s12 =	rddreg [dreg:$0xc]  }
0x26: {  	[tilespmem:s18], [sflag:$0x2] =	stream.linear.gather [hbm4b:s12+s4], $0x100, $0x38;
	[tilespmem:$0x1E400] =	vst v63  }
0x27: {  	s13 =	rddreg [dreg:$0xd]  }
0x28: {  	[tilespmem:s19], [sflag:$0x3] =	stream.linear.gather [hbm4b:s13+s4], $0x100, $0x38;
	[tilespmem:$0x1E400] =	vst v63  }
0x29: {  	s11 =	rddreg [dreg:$0xe]  }
0x2a: {  	[tilespmem:s20], [sflag:$0x4] =	stream.linear.gather [hbm4b:s11+s4], $0x100, $0x38;
	[tilespmem:$0x1E400] =	vst v63  }
0x2b: {  	_ =	swait.ge [sflag:s21], $0x100  }
0x2c: {  	[sflag:s21] =	ssyncset.done $0x0  }
0x2d: {  	[sflag:s21] =	ssyncadd.s32 $0xFFFFFF00  }
0x2e: {  	[tilespmem:s23], [sflag:$0x5] =	stream.indirect.gather [hbm4b:s1+s22], $0x80, s17, s22, $0xb8;
	[tilespmem:$0x1E400] =	vst v63  }
0x2f: {  	_ =	swait.ge [sflag:s24], $0x100  }
0x30: {  	[sflag:s24] =	ssyncset.done $0x0  }
0x31: {  	[sflag:s24] =	ssyncadd.s32 $0xFFFFFF00  }
0x32: {  	[tilespmem:s25], [sflag:$0x6] =	stream.indirect.gather [hbm4b:s1+s22], $0x80, s18, s22, $0xb8;
	[tilespmem:$0x1E400] =	vst v63  }
0x33: {  	[bflag:$0x0] =	sbarrier.arrive $0xFFFF  }
0x34: {  	_ =	swait.ge [sflag:s26], $0x100  }
0x35: {  	[sflag:s26] =	ssyncset.done $0x0  }
0x36: {  	[sflag:s26] =	ssyncadd.s32 $0xFFFFFF00  }
0x37: {  	[tilespmem:s28], [sflag:$0x7] =	stream.indirect.gather [hbm4b:s1+s22], $0x80, s19, s22, $0xb8;
	[tilespmem:$0x1E400] =	vst v63  }
0x38: {  	_ =	swait.ge [sflag:s29], $0x2800  }
0x39: {  	[sflag:s29] =	ssyncset.done $0x0  }
0x3a: {  	s11 =	rddreg [dreg:$0x7];
	[sflag:s29] =	ssyncadd.s32 $0xFFFFD800  }
0x3b: {  	[spmem:s2] =	stream.indirect.scatter.add.f32 [tilespmem:s23], [sflag:$0x9], $0x80, s11, s22, $0xb8;
	[tilespmem:$0x1E400] =	vst v63  }
0x3c: {  	_ =	swait.ge [sflag:s16], $0x2800  }
0x3d: {  	s12 =	sshrl.u32 s14, $0x3;
	[sflag:s16] =	ssyncset.done $0x0  }
0x3e: {  	s11 =	sadd.s32 s5, s12;
	[sflag:s16] =	ssyncadd.s32 $0xFFFFD800  }
0x3f: {  	[tilespmem:s17], [sflag:$0x1] =	stream.linear.gather [hbm4b:s11+s4], $0x100, $0x38;
	[tilespmem:$0x1E400] =	vst v63  }
0x40: {  	_ =	swait.ge [sflag:s30], $0x100  }
0x41: {  	[sflag:s30] =	ssyncset.done $0x0  }
0x42: {  	[sflag:s30] =	ssyncadd.s32 $0xFFFFFF00  }
0x43: {  	[tilespmem:s31], [sflag:$0x8] =	stream.indirect.gather [hbm4b:s1+s22], $0x80, s20, s22, $0xb8;
	[tilespmem:$0x1E400] =	vst v63  }
0x44: {  	_ =	swait.ge [sflag:s0], $0x2800  }
0x45: {  	[sflag:s0] =	ssyncset.done $0x0  }
0x46: {  	s13 =	rddreg [dreg:$0x8];
	[sflag:s0] =	ssyncadd.s32 $0xFFFFD800  }
0x47: {  	[spmem:s2] =	stream.indirect.scatter.add.f32 [tilespmem:s25], [sflag:$0x9], $0x80, s13, s22, $0xb8;
	[tilespmem:$0x1E400] =	vst v63  }
0x48: {  	_ =	swait.ge [sflag:s16], $0x2800  }
0x49: {  	s8 =	rddreg [dreg:$0x6];
	[sflag:s16] =	ssyncset.done $0x0  }
0x4a: {  	[sflag:s16] =	ssyncadd.s32 $0xFFFFD800;
	s11 =	sadd.s32 $0x0, s8  }
0x4b: {  	[tilespmem:s18], [sflag:$0x2] =	stream.linear.gather [hbm4b:s11+s4], $0x100, $0x38;
	[tilespmem:$0x1E400] =	vst v63  }
0x4c: {  	_ =	swait.ge [sflag:s21], $0x100  }
0x4d: {  	[sflag:s21] =	ssyncset.done $0x0  }
0x4e: {  	[sflag:s21] =	ssyncadd.s32 $0xFFFFFF00  }
0x4f: {  	[tilespmem:s23], [sflag:$0x5] =	stream.indirect.gather [hbm4b:s1+s22], $0x80, s17, s22, $0xb8;
	[tilespmem:$0x1E400] =	vst v63  }
0x50: {  	_ =	swait.ge [sflag:s3], $0x2800  }
0x51: {  	[sflag:s3] =	ssyncset.done $0x0  }
0x52: {  	s12 =	rddreg [dreg:$0x9];
	[sflag:s3] =	ssyncadd.s32 $0xFFFFD800  }
0x53: {  	[spmem:s2] =	stream.indirect.scatter.add.f32 [tilespmem:s28], [sflag:$0x9], $0x80, s12, s22, $0xb8;
	[tilespmem:$0x1E400] =	vst v63  }
0x54: {  	_ =	swait.ge [sflag:s16], $0x2800  }
0x55: {  	s13 =	rddreg [dreg:$0x5];
	[sflag:s16] =	ssyncset.done $0x0  }
0x56: {  	[sflag:s16] =	ssyncadd.s32 $0xFFFFD800;
	s11 =	sadd.s32 $0x0, s13  }
0x57: {  	[tilespmem:s19], [sflag:$0x3] =	stream.linear.gather [hbm4b:s11+s4], $0x100, $0x38;
	[tilespmem:$0x1E400] =	vst v63  }
0x58: {  	_ =	swait.ge [sflag:s24], $0x100  }
0x59: {  	[sflag:s24] =	ssyncset.done $0x0  }
0x5a: {  	[sflag:s24] =	ssyncadd.s32 $0xFFFFFF00  }
0x5b: {  	[tilespmem:s25], [sflag:$0x6] =	stream.indirect.gather [hbm4b:s1+s22], $0x80, s18, s22, $0xb8;
	[tilespmem:$0x1E400] =	vst v63  }
0x5c: {  	_ =	swait.ge [sflag:s6], $0x2800  }
0x5d: {  	[sflag:s6] =	ssyncset.done $0x0  }
0x5e: {  	[sflag:s6] =	ssyncadd.s32 $0xFFFFD800  }
0x5f: {  	[spmem:s2] =	stream.indirect.scatter.add.f32 [tilespmem:s31], [sflag:$0x9], $0x80, s9, s22, $0xb8;
	[tilespmem:$0x1E400] =	vst v63  }
0x60: {  	_ =	swait.ge [sflag:s16], $0x2800  }
0x61: {  	s11 =	simm.s32 $0x80;
	s12 =	rddreg [dreg:$0x4];
	[sflag:s16] =	ssyncset.done $0x0  }
0x62: {  	[sflag:s16] =	ssyncadd.s32 $0xFFFFD800;
	s13 =	sadd.s32 $0x0, s12;
	s12 =	sadd.s32 $0x400, s14  }
.LBB2_2:
0x63: {  	[tilespmem:s20], [sflag:$0x4] =	stream.linear.gather [hbm4b:s13+s4], $0x100, $0x38;
	[tilespmem:$0x1E400] =	vst v63  }
0x64: {  	_ =	swait.ge [sflag:s26], $0x100  }
0x65: {  	[sflag:s26] =	ssyncset.done $0x0  }
0x66: {  	[sflag:s26] =	ssyncadd.s32 $0xFFFFFF00  }
0x67: {  	[tilespmem:s28], [sflag:$0x7] =	stream.indirect.gather [hbm4b:s1+s22], $0x80, s19, s22, $0xb8;
	[tilespmem:$0x1E400] =	vst v63  }
0x68: {  	_ =	swait.ge [sflag:s29], $0x2800  }
0x69: {  	[sflag:s29] =	ssyncset.done $0x0  }
0x6a: {  	s8 =	rddreg [dreg:$0x7];
	[sflag:s29] =	ssyncadd.s32 $0xFFFFD800  }
0x6b: {  	[spmem:s2] =	stream.indirect.scatter.add.f32 [tilespmem:s23], [sflag:$0x9], $0x80, s8, s22, $0xb8;
	[tilespmem:$0x1E400] =	vst v63  }
0x6c: {  	_ =	swait.ge [sflag:s16], $0x2800  }
0x6d: {  	s8 =	sshrl.u32 s12, $0x3;
	[sflag:s16] =	ssyncset.done $0x0  }
0x6e: {  	s8 =	sadd.s32 s5, s8;
	[sflag:s16] =	ssyncadd.s32 $0xFFFFD800  }
0x6f: {  	[tilespmem:s17], [sflag:$0x1] =	stream.linear.gather [hbm4b:s8+s4], $0x100, $0x38;
	[tilespmem:$0x1E400] =	vst v63  }
0x70: {  	_ =	swait.ge [sflag:s30], $0x100  }
0x71: {  	[sflag:s30] =	ssyncset.done $0x0  }
0x72: {  	[sflag:s30] =	ssyncadd.s32 $0xFFFFFF00  }
0x73: {  	[tilespmem:s31], [sflag:$0x8] =	stream.indirect.gather [hbm4b:s1+s22], $0x80, s20, s22, $0xb8;
	[tilespmem:$0x1E400] =	vst v63  }
0x74: {  	_ =	swait.ge [sflag:s0], $0x2800  }
0x75: {  	[sflag:s0] =	ssyncset.done $0x0  }
0x76: {  	s8 =	rddreg [dreg:$0x8];
	[sflag:s0] =	ssyncadd.s32 $0xFFFFD800  }
0x77: {  	[spmem:s2] =	stream.indirect.scatter.add.f32 [tilespmem:s25], [sflag:$0x9], $0x80, s8, s22, $0xb8;
	[tilespmem:$0x1E400] =	vst v63  }
0x78: {  	_ =	swait.ge [sflag:s16], $0x2800  }
0x79: {  	s13 =	smov.u32 s11;
	s8 =	rddreg [dreg:$0x6];
	[sflag:s16] =	ssyncset.done $0x0  }
0x7a: {  	[sflag:s16] =	ssyncadd.s32 $0xFFFFD800;
	s8 =	sadd.s32 s13, s8  }
0x7b: {  	[tilespmem:s18], [sflag:$0x2] =	stream.linear.gather [hbm4b:s8+s4], $0x100, $0x38;
	[tilespmem:$0x1E400] =	vst v63  }
0x7c: {  	_ =	swait.ge [sflag:s21], $0x100  }
0x7d: {  	[sflag:s21] =	ssyncset.done $0x0  }
0x7e: {  	[sflag:s21] =	ssyncadd.s32 $0xFFFFFF00  }
0x7f: {  	[tilespmem:s23], [sflag:$0x5] =	stream.indirect.gather [hbm4b:s1+s22], $0x80, s17, s22, $0xb8;
	[tilespmem:$0x1E400] =	vst v63  }
0x80: {  	_ =	swait.ge [sflag:s3], $0x2800  }
0x81: {  	[sflag:s3] =	ssyncset.done $0x0  }
0x82: {  	s8 =	rddreg [dreg:$0x9];
	[sflag:s3] =	ssyncadd.s32 $0xFFFFD800  }
0x83: {  	[spmem:s2] =	stream.indirect.scatter.add.f32 [tilespmem:s28], [sflag:$0x9], $0x80, s8, s22, $0xb8;
	[tilespmem:$0x1E400] =	vst v63  }
0x84: {  	_ =	swait.ge [sflag:s16], $0x2800  }
0x85: {  	s8 =	rddreg [dreg:$0x5];
	[sflag:s16] =	ssyncset.done $0x0  }
0x86: {  	[sflag:s16] =	ssyncadd.s32 $0xFFFFD800;
	s8 =	sadd.s32 s13, s8  }
0x87: {  	[tilespmem:s19], [sflag:$0x3] =	stream.linear.gather [hbm4b:s8+s4], $0x100, $0x38;
	[tilespmem:$0x1E400] =	vst v63  }
0x88: {  	_ =	swait.ge [sflag:s24], $0x100  }
0x89: {  	[sflag:s24] =	ssyncset.done $0x0  }
0x8a: {  	[sflag:s24] =	ssyncadd.s32 $0xFFFFFF00  }
0x8b: {  	[tilespmem:s25], [sflag:$0x6] =	stream.indirect.gather [hbm4b:s1+s22], $0x80, s18, s22, $0xb8;
	[tilespmem:$0x1E400] =	vst v63  }
0x8c: {  	_ =	swait.ge [sflag:s6], $0x2800  }
0x8d: {  	p0 =	sne.s32 s11, $0xF80;
	[sflag:s6] =	ssyncset.done $0x0  }
.Ltmp0:
0x8e: {  	[sflag:s6] =	ssyncadd.s32 $0xFFFFD800;
	(pc) =	sbr.rel @p0 .LBB2_2-.Ltmp0, $4  }
0x8f: {  	[spmem:s2] =	stream.indirect.scatter.add.f32 [tilespmem:s31], [sflag:$0x9], $0x80, s9, s22, $0xb8;
	[tilespmem:$0x1E400] =	vst v63  }
0x90: {  	_ =	swait.ge [sflag:s16], $0x2800  }
0x91: {  	s11 =	sadd.s32 $0x80, s11;
	[sflag:s16] =	ssyncset.done $0x0;
	s8 =	rddreg [dreg:$0x4]  }
0x92: {  	s12 =	sadd.s32 $0x400, s12;
	[sflag:s16] =	ssyncadd.s32 $0xFFFFD800;
	s13 =	sadd.s32 s13, s8  }
0x93: {  	[tilespmem:s20], [sflag:$0x4] =	stream.linear.gather [hbm4b:s13+s4], $0x100, $0x38;
	[tilespmem:$0x1E400] =	vst v63  }
0x94: {  	_ =	swait.ge [sflag:s29], $0x2800  }
0x95: {  	[sflag:s29] =	ssyncset.done $0x0  }
0x96: {  	[sflag:s29] =	ssyncadd.s32 $0xFFFFD800  }
0x97: {  	_ =	swait.ge [sflag:s0], $0x2800  }
0x98: {  	[sflag:s0] =	ssyncset.done $0x0  }
0x99: {  	[sflag:s0] =	ssyncadd.s32 $0xFFFFD800  }
0x9a: {  	_ =	swait.ge [sflag:s26], $0x100  }
0x9b: {  	[sflag:s26] =	ssyncset.done $0x0  }
0x9c: {  	[sflag:s26] =	ssyncadd.s32 $0xFFFFFF00  }
0x9d: {  	_ =	swait.ge [sflag:s30], $0x100  }
0x9e: {  	[sflag:s30] =	ssyncset.done $0x0  }
0x9f: {  	[sflag:s30] =	ssyncadd.s32 $0xFFFFFF00  }
0xa0: {  	[bflag:$0x0] =	sbarrier.arrive $0xFFFF  }
0xa1: {  	s8 =	rddreg [dreg:$0xf]  }
0xa2: {  	[hbm:s8], [sflag:s7] =	dma.local [spmem:s15], $0x2800  }
0xa3: {  	_ =	swait.ge [sflag:s16], $0x2800  }
0xa4: {  	s10 =	sadd.s32 $0x1, s10;
	s13 =	rddreg [dreg:$0x10]  }
0xa5: {  	p0 =	sne.s32 s10, s13  }
.Ltmp1:
0xa6: {  	_ = 	snop;
	(pc) =	sbr.rel @p0 .LBB2_1-.Ltmp1, $3  }
0xa7: {  	_ =	sdelay $0x1  }
0xa8: {  	[sflag:s16] =	ssyncset.done $0x0  }
0xa9: {  	[sflag:s16] =	ssyncadd.s32 $0xFFFFD800  }
0xaa: {  	_ =	sfence.sel $0x180000  }
0xab: {  	[bflag:$0x0] =	sbarrier.arrive $0xFFFF  }
0xac: {  	_ =	strace $0x9000004A  }
0xad: {  	s0 =	stileid.u32;
	[bflag:$0x2] =	sbarrier.arrive $0xFFFF  }
0xae: {  	p0 =	sne.s32 s0, $0x0;
	s0 =	rddreg [dreg:$0x3]  }
0xaf: {  	s0 =	sadd.s32 @!p0 $0x100000, s0  }
0xb0: {  	[sflag:s0] =	ssyncadd.tile.s32 @!p0 $0x1;
	_ =	shalt  }
.Lfunc_end2:
_tile_overlayer_lowered:
.L_overlay_start_2:
0xb1: {  	(tag) =	ssettag $0x2  }
0xb2: {  	s0 =	rddreg [dreg:$0x0];
	s2 =	stileid.u32  }
0xb3: {  	s1 =	rddreg [dreg:$0x1];
	p0 =	sne.s32 s2, $0x0  }
0xb4: {  	s3 =	rddreg [dreg:$0x2];
	[bflag:$0x3] =	sbarrier.arrive $0xFFFF;
	s2 =	simm.s32 @!p0 $0x1C09  }
0xb5: {  	[timem:s3], [sflag:s2] =	dma.local @!p0 [hbm:s0], s1  }
0xb6: {  	s0 =	simm.s32 @!p0 $0x9  }
0xb7: {  	_ =	swait.ge @!p0 [sflag:s0], s1  }
0xb8: {  	s1 =	ssub.s32 @!p0 $0x0, s1;
	[sflag:s0] =	ssyncset.done @!p0 $0x0  }
0xb9: {  	[sflag:s0] =	ssyncadd.s32 @!p0 s1  }
0xba: {  	[bflag:$0x3] =	sbarrier.arrive $0xFFFF  }
0xbb: {  	_ =	shalt  }

// kernel: kernel.21.cloned.1.call-start
scs
__scs_entry_jumppad:
0x0: {  	(pc) =	sbr.rel $0x88, $3  }
0x1: {  	(tag) =	ssettag $0x0;
	lr =	simm.s32 $0x1  }
0x2: {  	[smem:$0x3F95] =	sst lr;
	_ =	strace $0xD0000000  }
0x3: {  	_ = 	snop  }
0x4: {  	_ = 	snop  }
0x5: {  	_ = 	snop  }
0x6: {  	_ = 	snop  }
0x7: {  	_ = 	snop  }
__scs_overlays_trampoline_lowered:
0x8: {  	[smem:$0x3FA4] =	sst s0  }
0x9: {  	[smem:$0x3FA5] =	sst s1  }
0xa: {  	[smem:$0x3FA6] =	sst s2  }
0xb: {  	[smem:$0x3FA7] =	sst s3  }
0xc: {  	[smem:$0x3FA8] =	sst s4  }
0xd: {  	[smem:$0x3FA9] =	sst s5  }
0xe: {  	[smem:$0x3FAA] =	sst s6  }
0xf: {  	[smem:$0x3FAB] =	sst s7  }
0x10: {  	[smem:$0x3FAC] =	sst s8  }
0x11: {  	[smem:$0x3FAD] =	sst s9;
	s0 =	simm.s32 @!p0 $0x0  }
0x12: {  	s1 =	sld [smem:$0x3F93];
	s0 =	simm.s32 @p0 $0x1  }
0x13: {  	[smem:$0x3FAE] =	sst s0;
	s0 =	simm.s32 @!p1 $0x0  }
0x14: {  	s2 =	sld [smem:$0x3F92];
	s0 =	simm.s32 @p1 $0x1  }
0x15: {  	[smem:$0x3FAF] =	sst s0;
	s0 =	simm.s32 @!p2 $0x0  }
0x16: {  	s3 =	sld [smem:$0x3FDB];
	s0 =	simm.s32 @p2 $0x1  }
0x17: {  	s4 =	simm.s32 $0x1BF5;
	[smem:$0x3FB1] =	sst s0  }
0x18: {  	s0 =	sld [smem:$0x3F94];
	_ =	swait.ge [sflag:s4], $0x0  }
0x19: {  	s7 =	sld [smem:$0x3F95]  }
0x1a: {  	s8 =	sadd.s32 $0xFFFFE003, lr  }
0x1b: {  	s9 =	sadd.s32 $0xFFFFFEF7, lr;
	s5 =	simm.s32 $0xFFFFFFFF;
	p2 =	slt.u32 s8, $0xFFFFF086  }
0x1c: {  	p1 =	slt.u32 s9, $0xF7A;
	s5 =	simm.s32 @!p2 $0x0  }
0x1d: {  	s5 =	simm.s32 @p1 $0x1;
	p0 =	seq.s32 s7, s2  }
0x1e: {  	s7 =	smul.u32 @!p0 $0xF7A, s2;
	p2 =	seq.s32 @!p0 s5, $0x0  }
0x1f: {  	s9 =	smul.u32 $0xF7A, s1;
	s8 =	simm.s32 @!p0 $0x1BF5;
	p2 =	por !p2, p0  }
0x20: {  	[sflag:s8] =	ssyncset.s32 @!p0 $0xFFFFF086;
	s6 =	sadd.s32 @!p0 s3, s7;
	s7 =	simm.s32 @!p0 $0x108  }
0x21: {  	s3 =	sadd.s32 s3, s9;
	s6 =	sadd.s32 @!p0 $0x88, s6;
	s7 =	simm.s32 @p2 $0x1082  }
0x22: {  	[simem:s7], [sflag:s8] =	dma.local @!p0 [hbm:s6], $0xF7A  }
0x23: {  	s9 =	sor.u32 $0xD0000000, s2;
	s6 =	simm.s32 $0x108;
	_ =	swait.ge @!p0 [sflag:s8], $0x0  }
0x24: {  	s3 =	sadd.s32 $0x88, s3;
	s6 =	simm.s32 @!p1 $0x1082;
	[sflag:s4] =	ssyncset.s32 $0xFFFFF086  }
0x25: {  	[simem:s6], [sflag:s4] =	dma.local [hbm:s3], $0xF7A  }
0x26: {  	[smem:$0x3F95] =	sst s1;
	(tag) =	ssettag s2;
	_ =	strace s9  }
0x27: {  	s1 =	sld [smem:$0x3FA5]  }
0x28: {  	s2 =	sld [smem:$0x3FA6]  }
0x29: {  	s4 =	sld [smem:$0x3FA8]  }
0x2a: {  	p0 =	seq.s32 s5, $0x0;
	s5 =	sld [smem:$0x3FA9]  }
0x2b: {  	s6 =	sld [smem:$0x3FAA]  }
0x2c: {  	s7 =	sld [smem:$0x3FAB]  }
0x2d: {  	s3 =	simm.s32 $0x108;
	s8 =	sld [smem:$0x3FAC]  }
0x2e: {  	s3 =	simm.s32 @!p0 $0x1082;
	s9 =	sld [smem:$0x3FAD]  }
0x2f: {  	lr =	sadd.s32 s0, s3;
	s0 =	sld [smem:$0x3FA4]  }
0x30: {  	s3 =	sld [smem:$0x3FA7]  }
0x31: {  	[smem:$0x3FB0] =	sst s10  }
0x32: {  	s10 =	sld [smem:$0x3FAE];
	_ =	sdelay $0x3  }
0x33: {  	p0 =	seq.s32 s10, $0x1;
	s10 =	sld [smem:$0x3FB0];
	_ =	sdelay $0x3  }
0x34: {  	[smem:$0x3FB0] =	sst s10  }
0x35: {  	s10 =	sld [smem:$0x3FAF];
	_ =	sdelay $0x3  }
0x36: {  	p1 =	seq.s32 s10, $0x1;
	s10 =	sld [smem:$0x3FB0];
	_ =	sdelay $0x3  }
0x37: {  	[smem:$0x3FB0] =	sst s10  }
0x38: {  	s10 =	sld [smem:$0x3FB1]  }
0x39: {  	_ = 	snop;
	(pc) =	sbr.ind lr, $3  }
0x3a: {  	_ = 	snop  }
0x3b: {  	_ = 	snop  }
0x3c: {  	p2 =	seq.s32 s10, $0x1;
	s10 =	sld [smem:$0x3FB0]  }
0x3d: {  	_ =	shalt  }
0x3e: {  	_ =	shalt  }
0x3f: {  	_ =	shalt  }
0x40: {  	_ =	shalt  }
0x41: {  	_ =	shalt  }
0x42: {  	_ =	shalt  }
0x43: {  	_ =	shalt  }
0x44: {  	_ =	shalt  }
0x45: {  	_ =	shalt  }
0x46: {  	_ =	shalt  }
0x47: {  	_ =	shalt  }
0x48: {  	_ =	shalt  }
0x49: {  	_ =	shalt  }
0x4a: {  	_ =	shalt  }
0x4b: {  	_ =	shalt  }
0x4c: {  	_ =	shalt  }
0x4d: {  	_ =	shalt  }
0x4e: {  	_ =	shalt  }
0x4f: {  	_ =	shalt  }
0x50: {  	_ =	shalt  }
0x51: {  	_ =	shalt  }
0x52: {  	_ =	shalt  }
0x53: {  	_ =	shalt  }
0x54: {  	_ =	shalt  }
0x55: {  	_ =	shalt  }
0x56: {  	_ =	shalt  }
0x57: {  	_ =	shalt  }
0x58: {  	_ =	shalt  }
0x59: {  	_ =	shalt  }
0x5a: {  	_ =	shalt  }
0x5b: {  	_ =	shalt  }
0x5c: {  	_ =	shalt  }
0x5d: {  	_ =	shalt  }
0x5e: {  	_ =	shalt  }
0x5f: {  	_ =	shalt  }
0x60: {  	_ =	shalt  }
0x61: {  	_ =	shalt  }
0x62: {  	_ =	shalt  }
0x63: {  	_ =	shalt  }
0x64: {  	_ =	shalt  }
0x65: {  	_ =	shalt  }
0x66: {  	_ =	shalt  }
0x67: {  	_ =	shalt  }
0x68: {  	_ =	shalt  }
0x69: {  	_ =	shalt  }
0x6a: {  	_ =	shalt  }
0x6b: {  	_ =	shalt  }
0x6c: {  	_ =	shalt  }
0x6d: {  	_ =	shalt  }
0x6e: {  	_ =	shalt  }
0x6f: {  	_ =	shalt  }
0x70: {  	_ =	shalt  }
0x71: {  	_ =	shalt  }
0x72: {  	_ =	shalt  }
0x73: {  	_ =	shalt  }
0x74: {  	_ =	shalt  }
0x75: {  	_ =	shalt  }
0x76: {  	_ =	shalt  }
0x77: {  	_ =	shalt  }
0x78: {  	_ =	shalt  }
0x79: {  	_ =	shalt  }
0x7a: {  	_ =	shalt  }
0x7b: {  	_ =	shalt  }
0x7c: {  	_ =	shalt  }
0x7d: {  	_ =	shalt  }
0x7e: {  	_ =	shalt  }
0x7f: {  	_ =	shalt  }
0x80: {  	_ =	shalt  }
0x81: {  	_ =	shalt  }
0x82: {  	_ =	shalt  }
0x83: {  	_ =	shalt  }
0x84: {  	_ =	shalt  }
0x85: {  	_ =	shalt  }
0x86: {  	_ =	shalt  }
0x87: {  	_ =	shalt  }
.Lfunc_end0:
.L_simem_size_0:
called_computation.2_lowered:
.L_overlay_start_0:
0x88: {  	s2 =	sld [smem:$0x3FD9]  }
0x89: {  	s3 =	sld [smem:$0x3FFE];
	_ =	sdelay $0x1  }
0x8a: {  	s1 =	srdreg.scid  }
0x8b: {  	s0 =	sand.u32 $0x1, s1  }
0x8c: {  	s17 =	sshll.u32 s0, $0xA;
	s2 =	sadd.s32 s3, s2  }
0x8d: {  	s2 =	sadd.s32 s2, s17  }
0x8e: {  	[smem:$0x3FBC] =	sst s2  }
0x8f: {  	_ = 	snop  }
0x90: {  	s2 =	sld [smem:$0x3FD0];
	(tm) =	ssettm $0x1  }
0x91: {  	s18 =	sld [smem:$0x3FFB];
	_ =	sdelay $0x3  }
0x92: {  	_ =	strace s18  }
0x93: {  	s3 =	sld [smem:$0x3FFC];
	_ =	sdelay $0x3  }
0x94: {  	_ =	strace s3  }
0x95: {  	s3 =	sld [smem:$0x3FFD];
	_ =	sdelay $0x3  }
0x96: {  	_ =	strace s3  }
0x97: {  	_ =	strace $0x8FFFFFFF  }
0x98: {  	s19 =	sld [smem:$0x3FDB];
	_ =	sdelay $0x1  }
0x99: {  	s4 =	simm.s32 $_scs_section_size  }
0x9a: {  	s5 =	simm.s32 $_size__tile_overlayer_lowered;
	s6 =	simm.s32 $_tile_overlayer_lowered  }
0x9b: {  	s22 =	simm.s32 $0x1BFF;
	s21 =	sshll.u32 s6, $0x1;
	s3 =	sadd.s32 s4, s19  }
0x9c: {  	s7 =	simm.s32 $0x0;
	s20 =	sshll.u32 s5, $0x1;
	s5 =	sadd.s32 s21, s3  }
0x9d: {  	[timem:s7], [sflag:s22] =	dma.local [hbm:s5], s20  }
0x9e: {  	_ =	swait.ge [sflag:s22], s20  }
0x9f: {  	s4 =	ssub.s32 $0x0, s20;
	[sflag:s22] =	ssyncset.done $0x0  }
0xa0: {  	[sflag:s22] =	ssyncadd.s32 s4;
	_ =	sdelay $0x1  }
0xa1: {  	s23 =	simm.s32 $0x1B8B  }
0xa2: {  	_ =	swait.ge [sflag:s23], $0x1  }
0xa3: {  	[sflag:s23] =	ssyncset.done $0x0  }
0xa4: {  	s25 =	simm.s32 $0x1B8E;
	s24 =	sld [smem:$0x3FFE];
	[sflag:s23] =	ssyncadd.s32 $0xFFFFFFFF  }
0xa5: {  	s26 =	simm.s32 $execute0_lowered;
	[smem:$0x3FD2] =	sst s25  }
0xa6: {  	s5 =	sshll.u32 s26, $0x1;
	_ =	strace $0x8000004C;
	[dreg:$0x1] =	wrdreg $0xFFFFFFFF  }
0xa7: {  	s28 =	simm.s32 $_size_execute0_lowered;
	s3 =	sadd.s32 s3, s5;
	[dreg:$0x0] =	wrdreg $0x0  }
0xa8: {  	s5 =	sshll.u32 s28, $0x1;
	[dreg:$0x2] =	wrdreg s3  }
0xa9: {  	[dreg:$0x3] =	wrdreg s5  }
0xaa: {  	[dreg:$0x4] =	wrdreg $0xC0  }
0xab: {  	_ =	task [dreg:s7], $0x5FFFF  }
0xac: {  	[dreg:$0x1] =	wrdreg $0xFFFFFFFF  }
0xad: {  	[dreg:$0x0] =	wrdreg $0x60  }
0xae: {  	[dreg:$0x2] =	wrdreg s2  }
0xaf: {  	[dreg:$0x3] =	wrdreg s24  }
0xb0: {  	[dreg:$0x4] =	wrdreg $0x0  }
0xb1: {  	[dreg:$0x5] =	wrdreg $0x9  }
0xb2: {  	_ =	task.clear_ibuf [dreg:s7], $0x6FFFF;
	_ =	strace $0x9000004C  }
0xb3: {  	s29 =	simm.s32 $0x9;
	_ =	strace $0x8000004E  }
0xb4: {  	_ =	swait.ge [sflag:s29], $0x1  }
0xb5: {  	[sflag:s29] =	ssyncadd.s32 $0xFFFFFFFF  }
0xb6: {  	_ =	strace $0x9000004E  }
0xb7: {  	_ =	sfence  }
0xb8: {  	s30 =	sld [smem:$0x0];
	_ =	sdelay $0x2  }
0xb9: {  	s31 =	sshll.u32 s1, $0xD;
	s1 =	sshrl.u32 s1, $0x2  }
0xba: {  	s3 =	sand.u32 $0x4000, s31;
	s1 =	sadd.s32 s1, s30  }
0xbb: {  	s0 =	sor.u32 s3, s0;
	s1 =	sshll.u32 s1, $0x11  }
0xbc: {  	s0 =	sor.u32 s1, s0  }
0xbd: {  	s0 =	sadd.s32 $0x8F2B, s0  }
0xbe: {  	[sflag:s0] =	ssyncadd.remote.s32 $0x1  }
0xbf: {  	_ =	sfence.sel $0xFFFF  }
0xc0: {  	[dreg:$0x0] =	wrdreg $0xFFFFFFFF;
	(pc) =	sbr.abs _section_cstart, $3  }
0xc1: {  	[dreg:$0x1] =	wrdreg $0xFFFFFFFF  }
0xc2: {  	_ =	task.clear_ibuf [dreg:s7], $0x2FFFF;
	_ =	strace $0x9FFFFFFF  }
0xc3: {  	(tm) =	ssettm $0x7FFFFFFF  }
tec
execute0_lowered:
.L_overlay_start_1:
0x0: {  	(tag) =	ssettag $0x1  }
0x1: {  	s1 =	rddreg [dreg:$0x0]  }
0x2: {  	s0 =	rddreg [dreg:$0x1]  }
0x3: {  	s2 =	rddreg [dreg:$0x2]  }
0x4: {  	s4 =	simm.s32 $0x0;
	s3 =	srdreg.scid;
	s11 =	stileid.u32  }
0x5: {  	s28 =	simm.s32 $0x19400;
	s29 =	simm.s32 $0x5;
	s30 =	simm.s32 $0x4  }
0x6: {  	s31 =	simm.s32 $0x1BC00;
	[smem:$0x7FF] =	sst s4;
	s7 =	smul.u32 $0x14000, s11  }
0x7: {  	s3 =	sand.u32 $0x1, s3;
	s5 =	sadd.s32 $0x57800, s0;
	s26 =	smul.u32 $0x50000, s11  }
0x8: {  	s8 =	sadd.s32 $0x5000, s0;
	s24 =	sshll.u32 s11, $0x1;
	s10 =	smul.u32 $0x10800, s11  }
0x9: {  	s14 =	sshll.u32 s11, $0x6;
	s6 =	smul.u32 $0x140000, s3;
	_ =	strace $0x8000004D  }
0xa: {  	[dreg:$0xa] =	wrdreg s8;
	s25 =	sor.u32 s3, s24;
	s9 =	ssub.s32 $0x2, s3  }
0xb: {  	s3 =	smul.u32 $0x8400, s3;
	s24 =	simm.s32 $0x14080;
	s12 =	sshrl.u32 s9, $0x1  }
0xc: {  	s8 =	sshrl.u32 s26, $0x2;
	[dreg:$0x7] =	wrdreg s24;
	s24 =	simm.s32 $0x2  }
0xd: {  	s26 =	simm.s32 $0x14280;
	s6 =	sadd.s32 s7, s6;
	s7 =	smul.u32 $0x8400, s25  }
0xe: {  	s13 =	sadd.s32 s8, s2;
	s3 =	sadd.s32 s3, s10;
	s25 =	simm.s32 $0x14180  }
0xf: {  	[dreg:$0x9] =	wrdreg s26;
	s26 =	simm.s32 $0x3;
	s6 =	sshrl.u32 s6, $0x3  }
0x10: {  	s19 =	sadd.s32 $0x700, s3;
	s20 =	sadd.s32 $0x600, s3;
	[dreg:$0x8] =	wrdreg s25  }
0x11: {  	s25 =	simm.s32 $0x16C00;
	s0 =	sadd.s32 s6, s0;
	s6 =	ssub.s32 s9, s12  }
0x12: {  	s15 =	sshrl.u32 s7, $0x3;
	s7 =	sor.u32 $0x1C09, s14;
	s10 =	sshrl.u32 s19, $0x3  }
0x13: {  	s11 =	sshrl.u32 s20, $0x3;
	s12 =	sadd.s32 $0x500, s3;
	s14 =	sadd.s32 $0x400, s3  }
0x14: {  	s19 =	simm.s32 $0x14200;
	s20 =	simm.s32 $0x14300;
	s16 =	sadd.s32 s5, s15  }
0x15: {  	s3 =	simm.s32 $0x7;
	s10 =	sadd.s32 s10, s5;
	[dreg:$0xb] =	wrdreg s16  }
0x16: {  	s9 =	simm.s32 $0x14380;
	s0 =	sadd.s32 $0x7800, s0;
	[dreg:$0x4] =	wrdreg s10  }
0x17: {  	s21 =	sadd.s32 s11, s5;
	s22 =	sshrl.u32 s12, $0x3;
	[dreg:$0xf] =	wrdreg s0  }
0x18: {  	s6 =	smax.u32 s6, $0x1;
	s15 =	sshrl.u32 s13, $0x3;
	[dreg:$0x5] =	wrdreg s21  }
0x19: {  	s17 =	sadd.s32 $0x20, s16;
	s18 =	sadd.s32 $0x40, s16;
	[dreg:$0x10] =	wrdreg s6  }
0x1a: {  	s8 =	sadd.s32 $0x60, s16;
	s23 =	sadd.s32 s22, s5;
	[dreg:$0xc] =	wrdreg s17  }
0x1b: {  	s16 =	simm.s32 $0x9;
	s21 =	simm.s32 $0x1;
	[dreg:$0xd] =	wrdreg s18  }
0x1c: {  	s22 =	simm.s32 $0x50;
	s0 =	simm.s32 $0x6;
	[dreg:$0xe] =	wrdreg s8  }
0x1d: {  	s6 =	simm.s32 $0x8;
	s10 =	simm.s32 $0x0;
	[dreg:$0x6] =	wrdreg s23  }
0x1e: {  	s17 =	simm.s32 $0x14000;
	s18 =	simm.s32 $0x14100;
	s23 =	simm.s32 $0x14400  }
.LBB2_1:
0x1f: {  	s8 =	rddreg [dreg:$0xa]  }
0x20: {  	[spmem:s15], [sflag:s7] =	dma.local [hbm:s8], $0x2800  }
0x21: {  	_ =	swait.ge [sflag:s16], $0x2800  }
0x22: {  	[sflag:s16] =	ssyncset.done $0x0  }
0x23: {  	s11 =	rddreg [dreg:$0xb];
	[sflag:s16] =	ssyncadd.s32 $0xFFFFD800  }
0x24: {  	[tilespmem:s17], [sflag:$0x1] =	stream.linear.gather [hbm4b:s11+s4], $0x100, $0x38;
	[tilespmem:$0x1E400] =	vst v63  }
0x25: {  	s12 =	rddreg [dreg:$0xc]  }
0x26: {  	[tilespmem:s18], [sflag:$0x2] =	stream.linear.gather [hbm4b:s12+s4], $0x100, $0x38;
	[tilespmem:$0x1E400] =	vst v63  }
0x27: {  	s13 =	rddreg [dreg:$0xd]  }
0x28: {  	[tilespmem:s19], [sflag:$0x3] =	stream.linear.gather [hbm4b:s13+s4], $0x100, $0x38;
	[tilespmem:$0x1E400] =	vst v63  }
0x29: {  	s11 =	rddreg [dreg:$0xe]  }
0x2a: {  	[tilespmem:s20], [sflag:$0x4] =	stream.linear.gather [hbm4b:s11+s4], $0x100, $0x38;
	[tilespmem:$0x1E400] =	vst v63  }
0x2b: {  	_ =	swait.ge [sflag:s21], $0x100  }
0x2c: {  	[sflag:s21] =	ssyncset.done $0x0  }
0x2d: {  	[sflag:s21] =	ssyncadd.s32 $0xFFFFFF00  }
0x2e: {  	[tilespmem:s23], [sflag:$0x5] =	stream.indirect.gather [hbm4b:s1+s22], $0x80, s17, s22, $0xb8;
	[tilespmem:$0x1E400] =	vst v63  }
0x2f: {  	_ =	swait.ge [sflag:s24], $0x100  }
0x30: {  	[sflag:s24] =	ssyncset.done $0x0  }
0x31: {  	[sflag:s24] =	ssyncadd.s32 $0xFFFFFF00  }
0x32: {  	[tilespmem:s25], [sflag:$0x6] =	stream.indirect.gather [hbm4b:s1+s22], $0x80, s18, s22, $0xb8;
	[tilespmem:$0x1E400] =	vst v63  }
0x33: {  	[bflag:$0x0] =	sbarrier.arrive $0xFFFF  }
0x34: {  	_ =	swait.ge [sflag:s26], $0x100  }
0x35: {  	[sflag:s26] =	ssyncset.done $0x0  }
0x36: {  	[sflag:s26] =	ssyncadd.s32 $0xFFFFFF00  }
0x37: {  	[tilespmem:s28], [sflag:$0x7] =	stream.indirect.gather [hbm4b:s1+s22], $0x80, s19, s22, $0xb8;
	[tilespmem:$0x1E400] =	vst v63  }
0x38: {  	_ =	swait.ge [sflag:s29], $0x2800  }
0x39: {  	[sflag:s29] =	ssyncset.done $0x0  }
0x3a: {  	s11 =	rddreg [dreg:$0x7];
	[sflag:s29] =	ssyncadd.s32 $0xFFFFD800  }
0x3b: {  	[spmem:s2] =	stream.indirect.scatter.add.f32 [tilespmem:s23], [sflag:$0x9], $0x80, s11, s22, $0xb8;
	[tilespmem:$0x1E400] =	vst v63  }
0x3c: {  	_ =	swait.ge [sflag:s16], $0x2800  }
0x3d: {  	s12 =	sshrl.u32 s14, $0x3;
	[sflag:s16] =	ssyncset.done $0x0  }
0x3e: {  	s11 =	sadd.s32 s5, s12;
	[sflag:s16] =	ssyncadd.s32 $0xFFFFD800  }
0x3f: {  	[tilespmem:s17], [sflag:$0x1] =	stream.linear.gather [hbm4b:s11+s4], $0x100, $0x38;
	[tilespmem:$0x1E400] =	vst v63  }
0x40: {  	_ =	swait.ge [sflag:s30], $0x100  }
0x41: {  	[sflag:s30] =	ssyncset.done $0x0  }
0x42: {  	[sflag:s30] =	ssyncadd.s32 $0xFFFFFF00  }
0x43: {  	[tilespmem:s31], [sflag:$0x8] =	stream.indirect.gather [hbm4b:s1+s22], $0x80, s20, s22, $0xb8;
	[tilespmem:$0x1E400] =	vst v63  }
0x44: {  	_ =	swait.ge [sflag:s0], $0x2800  }
0x45: {  	[sflag:s0] =	ssyncset.done $0x0  }
0x46: {  	s13 =	rddreg [dreg:$0x8];
	[sflag:s0] =	ssyncadd.s32 $0xFFFFD800  }
0x47: {  	[spmem:s2] =	stream.indirect.scatter.add.f32 [tilespmem:s25], [sflag:$0x9], $0x80, s13, s22, $0xb8;
	[tilespmem:$0x1E400] =	vst v63  }
0x48: {  	_ =	swait.ge [sflag:s16], $0x2800  }
0x49: {  	s8 =	rddreg [dreg:$0x6];
	[sflag:s16] =	ssyncset.done $0x0  }
0x4a: {  	[sflag:s16] =	ssyncadd.s32 $0xFFFFD800;
	s11 =	sadd.s32 $0x0, s8  }
0x4b: {  	[tilespmem:s18], [sflag:$0x2] =	stream.linear.gather [hbm4b:s11+s4], $0x100, $0x38;
	[tilespmem:$0x1E400] =	vst v63  }
0x4c: {  	_ =	swait.ge [sflag:s21], $0x100  }
0x4d: {  	[sflag:s21] =	ssyncset.done $0x0  }
0x4e: {  	[sflag:s21] =	ssyncadd.s32 $0xFFFFFF00  }
0x4f: {  	[tilespmem:s23], [sflag:$0x5] =	stream.indirect.gather [hbm4b:s1+s22], $0x80, s17, s22, $0xb8;
	[tilespmem:$0x1E400] =	vst v63  }
0x50: {  	_ =	swait.ge [sflag:s3], $0x2800  }
0x51: {  	[sflag:s3] =	ssyncset.done $0x0  }
0x52: {  	s12 =	rddreg [dreg:$0x9];
	[sflag:s3] =	ssyncadd.s32 $0xFFFFD800  }
0x53: {  	[spmem:s2] =	stream.indirect.scatter.add.f32 [tilespmem:s28], [sflag:$0x9], $0x80, s12, s22, $0xb8;
	[tilespmem:$0x1E400] =	vst v63  }
0x54: {  	_ =	swait.ge [sflag:s16], $0x2800  }
0x55: {  	s13 =	rddreg [dreg:$0x5];
	[sflag:s16] =	ssyncset.done $0x0  }
0x56: {  	[sflag:s16] =	ssyncadd.s32 $0xFFFFD800;
	s11 =	sadd.s32 $0x0, s13  }
0x57: {  	[tilespmem:s19], [sflag:$0x3] =	stream.linear.gather [hbm4b:s11+s4], $0x100, $0x38;
	[tilespmem:$0x1E400] =	vst v63  }
0x58: {  	_ =	swait.ge [sflag:s24], $0x100  }
0x59: {  	[sflag:s24] =	ssyncset.done $0x0  }
0x5a: {  	[sflag:s24] =	ssyncadd.s32 $0xFFFFFF00  }
0x5b: {  	[tilespmem:s25], [sflag:$0x6] =	stream.indirect.gather [hbm4b:s1+s22], $0x80, s18, s22, $0xb8;
	[tilespmem:$0x1E400] =	vst v63  }
0x5c: {  	_ =	swait.ge [sflag:s6], $0x2800  }
0x5d: {  	[sflag:s6] =	ssyncset.done $0x0  }
0x5e: {  	[sflag:s6] =	ssyncadd.s32 $0xFFFFD800  }
0x5f: {  	[spmem:s2] =	stream.indirect.scatter.add.f32 [tilespmem:s31], [sflag:$0x9], $0x80, s9, s22, $0xb8;
	[tilespmem:$0x1E400] =	vst v63  }
0x60: {  	_ =	swait.ge [sflag:s16], $0x2800  }
0x61: {  	s11 =	simm.s32 $0x80;
	s12 =	rddreg [dreg:$0x4];
	[sflag:s16] =	ssyncset.done $0x0  }
0x62: {  	[sflag:s16] =	ssyncadd.s32 $0xFFFFD800;
	s13 =	sadd.s32 $0x0, s12;
	s12 =	sadd.s32 $0x400, s14  }
.LBB2_2:
0x63: {  	[tilespmem:s20], [sflag:$0x4] =	stream.linear.gather [hbm4b:s13+s4], $0x100, $0x38;
	[tilespmem:$0x1E400] =	vst v63  }
0x64: {  	_ =	swait.ge [sflag:s26], $0x100  }
0x65: {  	[sflag:s26] =	ssyncset.done $0x0  }
0x66: {  	[sflag:s26] =	ssyncadd.s32 $0xFFFFFF00  }
0x67: {  	[tilespmem:s28], [sflag:$0x7] =	stream.indirect.gather [hbm4b:s1+s22], $0x80, s19, s22, $0xb8;
	[tilespmem:$0x1E400] =	vst v63  }
0x68: {  	_ =	swait.ge [sflag:s29], $0x2800  }
0x69: {  	[sflag:s29] =	ssyncset.done $0x0  }
0x6a: {  	s8 =	rddreg [dreg:$0x7];
	[sflag:s29] =	ssyncadd.s32 $0xFFFFD800  }
0x6b: {  	[spmem:s2] =	stream.indirect.scatter.add.f32 [tilespmem:s23], [sflag:$0x9], $0x80, s8, s22, $0xb8;
	[tilespmem:$0x1E400] =	vst v63  }
0x6c: {  	_ =	swait.ge [sflag:s16], $0x2800  }
0x6d: {  	s8 =	sshrl.u32 s12, $0x3;
	[sflag:s16] =	ssyncset.done $0x0  }
0x6e: {  	s8 =	sadd.s32 s5, s8;
	[sflag:s16] =	ssyncadd.s32 $0xFFFFD800  }
0x6f: {  	[tilespmem:s17], [sflag:$0x1] =	stream.linear.gather [hbm4b:s8+s4], $0x100, $0x38;
	[tilespmem:$0x1E400] =	vst v63  }
0x70: {  	_ =	swait.ge [sflag:s30], $0x100  }
0x71: {  	[sflag:s30] =	ssyncset.done $0x0  }
0x72: {  	[sflag:s30] =	ssyncadd.s32 $0xFFFFFF00  }
0x73: {  	[tilespmem:s31], [sflag:$0x8] =	stream.indirect.gather [hbm4b:s1+s22], $0x80, s20, s22, $0xb8;
	[tilespmem:$0x1E400] =	vst v63  }
0x74: {  	_ =	swait.ge [sflag:s0], $0x2800  }
0x75: {  	[sflag:s0] =	ssyncset.done $0x0  }
0x76: {  	s8 =	rddreg [dreg:$0x8];
	[sflag:s0] =	ssyncadd.s32 $0xFFFFD800  }
0x77: {  	[spmem:s2] =	stream.indirect.scatter.add.f32 [tilespmem:s25], [sflag:$0x9], $0x80, s8, s22, $0xb8;
	[tilespmem:$0x1E400] =	vst v63  }
0x78: {  	_ =	swait.ge [sflag:s16], $0x2800  }
0x79: {  	s13 =	smov.u32 s11;
	s8 =	rddreg [dreg:$0x6];
	[sflag:s16] =	ssyncset.done $0x0  }
0x7a: {  	[sflag:s16] =	ssyncadd.s32 $0xFFFFD800;
	s8 =	sadd.s32 s13, s8  }
0x7b: {  	[tilespmem:s18], [sflag:$0x2] =	stream.linear.gather [hbm4b:s8+s4], $0x100, $0x38;
	[tilespmem:$0x1E400] =	vst v63  }
0x7c: {  	_ =	swait.ge [sflag:s21], $0x100  }
0x7d: {  	[sflag:s21] =	ssyncset.done $0x0  }
0x7e: {  	[sflag:s21] =	ssyncadd.s32 $0xFFFFFF00  }
0x7f: {  	[tilespmem:s23], [sflag:$0x5] =	stream.indirect.gather [hbm4b:s1+s22], $0x80, s17, s22, $0xb8;
	[tilespmem:$0x1E400] =	vst v63  }
0x80: {  	_ =	swait.ge [sflag:s3], $0x2800  }
0x81: {  	[sflag:s3] =	ssyncset.done $0x0  }
0x82: {  	s8 =	rddreg [dreg:$0x9];
	[sflag:s3] =	ssyncadd.s32 $0xFFFFD800  }
0x83: {  	[spmem:s2] =	stream.indirect.scatter.add.f32 [tilespmem:s28], [sflag:$0x9], $0x80, s8, s22, $0xb8;
	[tilespmem:$0x1E400] =	vst v63  }
0x84: {  	_ =	swait.ge [sflag:s16], $0x2800  }
0x85: {  	s8 =	rddreg [dreg:$0x5];
	[sflag:s16] =	ssyncset.done $0x0  }
0x86: {  	[sflag:s16] =	ssyncadd.s32 $0xFFFFD800;
	s8 =	sadd.s32 s13, s8  }
0x87: {  	[tilespmem:s19], [sflag:$0x3] =	stream.linear.gather [hbm4b:s8+s4], $0x100, $0x38;
	[tilespmem:$0x1E400] =	vst v63  }
0x88: {  	_ =	swait.ge [sflag:s24], $0x100  }
0x89: {  	[sflag:s24] =	ssyncset.done $0x0  }
0x8a: {  	[sflag:s24] =	ssyncadd.s32 $0xFFFFFF00  }
0x8b: {  	[tilespmem:s25], [sflag:$0x6] =	stream.indirect.gather [hbm4b:s1+s22], $0x80, s18, s22, $0xb8;
	[tilespmem:$0x1E400] =	vst v63  }
0x8c: {  	_ =	swait.ge [sflag:s6], $0x2800  }
0x8d: {  	p0 =	sne.s32 s11, $0xF80;
	[sflag:s6] =	ssyncset.done $0x0  }
.Ltmp0:
0x8e: {  	[sflag:s6] =	ssyncadd.s32 $0xFFFFD800;
	(pc) =	sbr.rel @p0 .LBB2_2-.Ltmp0, $4  }
0x8f: {  	[spmem:s2] =	stream.indirect.scatter.add.f32 [tilespmem:s31], [sflag:$0x9], $0x80, s9, s22, $0xb8;
	[tilespmem:$0x1E400] =	vst v63  }
0x90: {  	_ =	swait.ge [sflag:s16], $0x2800  }
0x91: {  	s11 =	sadd.s32 $0x80, s11;
	[sflag:s16] =	ssyncset.done $0x0;
	s8 =	rddreg [dreg:$0x4]  }
0x92: {  	s12 =	sadd.s32 $0x400, s12;
	[sflag:s16] =	ssyncadd.s32 $0xFFFFD800;
	s13 =	sadd.s32 s13, s8  }
0x93: {  	[tilespmem:s20], [sflag:$0x4] =	stream.linear.gather [hbm4b:s13+s4], $0x100, $0x38;
	[tilespmem:$0x1E400] =	vst v63  }
0x94: {  	_ =	swait.ge [sflag:s29], $0x2800  }
0x95: {  	[sflag:s29] =	ssyncset.done $0x0  }
0x96: {  	[sflag:s29] =	ssyncadd.s32 $0xFFFFD800  }
0x97: {  	_ =	swait.ge [sflag:s0], $0x2800  }
0x98: {  	[sflag:s0] =	ssyncset.done $0x0  }
0x99: {  	[sflag:s0] =	ssyncadd.s32 $0xFFFFD800  }
0x9a: {  	_ =	swait.ge [sflag:s26], $0x100  }
0x9b: {  	[sflag:s26] =	ssyncset.done $0x0  }
0x9c: {  	[sflag:s26] =	ssyncadd.s32 $0xFFFFFF00  }
0x9d: {  	_ =	swait.ge [sflag:s30], $0x100  }
0x9e: {  	[sflag:s30] =	ssyncset.done $0x0  }
0x9f: {  	[sflag:s30] =	ssyncadd.s32 $0xFFFFFF00  }
0xa0: {  	[bflag:$0x0] =	sbarrier.arrive $0xFFFF  }
0xa1: {  	s8 =	rddreg [dreg:$0xf]  }
0xa2: {  	[hbm:s8], [sflag:s7] =	dma.local [spmem:s15], $0x2800  }
0xa3: {  	_ =	swait.ge [sflag:s16], $0x2800  }
0xa4: {  	s10 =	sadd.s32 $0x1, s10;
	s13 =	rddreg [dreg:$0x10]  }
0xa5: {  	p0 =	sne.s32 s10, s13  }
.Ltmp1:
0xa6: {  	_ = 	snop;
	(pc) =	sbr.rel @p0 .LBB2_1-.Ltmp1, $3  }
0xa7: {  	_ =	sdelay $0x1  }
0xa8: {  	[sflag:s16] =	ssyncset.done $0x0  }
0xa9: {  	[sflag:s16] =	ssyncadd.s32 $0xFFFFD800  }
0xaa: {  	_ =	sfence.sel $0x180000  }
0xab: {  	[bflag:$0x0] =	sbarrier.arrive $0xFFFF  }
0xac: {  	_ =	strace $0x9000004D  }
0xad: {  	s0 =	stileid.u32;
	[bflag:$0x2] =	sbarrier.arrive $0xFFFF  }
0xae: {  	p0 =	sne.s32 s0, $0x0;
	s0 =	rddreg [dreg:$0x3]  }
0xaf: {  	s0 =	sadd.s32 @!p0 $0x100000, s0  }
0xb0: {  	[sflag:s0] =	ssyncadd.tile.s32 @!p0 $0x1;
	_ =	shalt  }
.Lfunc_end2:
_tile_overlayer_lowered:
.L_overlay_start_2:
0xb1: {  	(tag) =	ssettag $0x2  }
0xb2: {  	s0 =	rddreg [dreg:$0x0];
	s2 =	stileid.u32  }
0xb3: {  	s1 =	rddreg [dreg:$0x1];
	p0 =	sne.s32 s2, $0x0  }
0xb4: {  	s3 =	rddreg [dreg:$0x2];
	[bflag:$0x3] =	sbarrier.arrive $0xFFFF;
	s2 =	simm.s32 @!p0 $0x1C09  }
0xb5: {  	[timem:s3], [sflag:s2] =	dma.local @!p0 [hbm:s0], s1  }
0xb6: {  	s0 =	simm.s32 @!p0 $0x9  }
0xb7: {  	_ =	swait.ge @!p0 [sflag:s0], s1  }
0xb8: {  	s1 =	ssub.s32 @!p0 $0x0, s1;
	[sflag:s0] =	ssyncset.done @!p0 $0x0  }
0xb9: {  	[sflag:s0] =	ssyncadd.s32 @!p0 s1  }
0xba: {  	[bflag:$0x3] =	sbarrier.arrive $0xFFFF  }
0xbb: {  	_ =	shalt  }

// kernel: kernel.24.cloned.1.call-start
scs
__scs_entry_jumppad:
0x0: {  	(pc) =	sbr.rel $0x88, $3  }
0x1: {  	(tag) =	ssettag $0x0;
	lr =	simm.s32 $0x1  }
0x2: {  	[smem:$0x3F95] =	sst lr;
	_ =	strace $0xD0000000  }
0x3: {  	_ = 	snop  }
0x4: {  	_ = 	snop  }
0x5: {  	_ = 	snop  }
0x6: {  	_ = 	snop  }
0x7: {  	_ = 	snop  }
__scs_overlays_trampoline_lowered:
0x8: {  	[smem:$0x3FA4] =	sst s0  }
0x9: {  	[smem:$0x3FA5] =	sst s1  }
0xa: {  	[smem:$0x3FA6] =	sst s2  }
0xb: {  	[smem:$0x3FA7] =	sst s3  }
0xc: {  	[smem:$0x3FA8] =	sst s4  }
0xd: {  	[smem:$0x3FA9] =	sst s5  }
0xe: {  	[smem:$0x3FAA] =	sst s6  }
0xf: {  	[smem:$0x3FAB] =	sst s7  }
0x10: {  	[smem:$0x3FAC] =	sst s8  }
0x11: {  	[smem:$0x3FAD] =	sst s9;
	s0 =	simm.s32 @!p0 $0x0  }
0x12: {  	s1 =	sld [smem:$0x3F93];
	s0 =	simm.s32 @p0 $0x1  }
0x13: {  	[smem:$0x3FAE] =	sst s0;
	s0 =	simm.s32 @!p1 $0x0  }
0x14: {  	s2 =	sld [smem:$0x3F92];
	s0 =	simm.s32 @p1 $0x1  }
0x15: {  	[smem:$0x3FAF] =	sst s0;
	s0 =	simm.s32 @!p2 $0x0  }
0x16: {  	s3 =	sld [smem:$0x3FDB];
	s0 =	simm.s32 @p2 $0x1  }
0x17: {  	s4 =	simm.s32 $0x1BF5;
	[smem:$0x3FB1] =	sst s0  }
0x18: {  	s0 =	sld [smem:$0x3F94];
	_ =	swait.ge [sflag:s4], $0x0  }
0x19: {  	s7 =	sld [smem:$0x3F95]  }
0x1a: {  	s8 =	sadd.s32 $0xFFFFE003, lr  }
0x1b: {  	s9 =	sadd.s32 $0xFFFFFEF7, lr;
	s5 =	simm.s32 $0xFFFFFFFF;
	p2 =	slt.u32 s8, $0xFFFFF086  }
0x1c: {  	p1 =	slt.u32 s9, $0xF7A;
	s5 =	simm.s32 @!p2 $0x0  }
0x1d: {  	s5 =	simm.s32 @p1 $0x1;
	p0 =	seq.s32 s7, s2  }
0x1e: {  	s7 =	smul.u32 @!p0 $0xF7A, s2;
	p2 =	seq.s32 @!p0 s5, $0x0  }
0x1f: {  	s9 =	smul.u32 $0xF7A, s1;
	s8 =	simm.s32 @!p0 $0x1BF5;
	p2 =	por !p2, p0  }
0x20: {  	[sflag:s8] =	ssyncset.s32 @!p0 $0xFFFFF086;
	s6 =	sadd.s32 @!p0 s3, s7;
	s7 =	simm.s32 @!p0 $0x108  }
0x21: {  	s3 =	sadd.s32 s3, s9;
	s6 =	sadd.s32 @!p0 $0x88, s6;
	s7 =	simm.s32 @p2 $0x1082  }
0x22: {  	[simem:s7], [sflag:s8] =	dma.local @!p0 [hbm:s6], $0xF7A  }
0x23: {  	s9 =	sor.u32 $0xD0000000, s2;
	s6 =	simm.s32 $0x108;
	_ =	swait.ge @!p0 [sflag:s8], $0x0  }
0x24: {  	s3 =	sadd.s32 $0x88, s3;
	s6 =	simm.s32 @!p1 $0x1082;
	[sflag:s4] =	ssyncset.s32 $0xFFFFF086  }
0x25: {  	[simem:s6], [sflag:s4] =	dma.local [hbm:s3], $0xF7A  }
0x26: {  	[smem:$0x3F95] =	sst s1;
	(tag) =	ssettag s2;
	_ =	strace s9  }
0x27: {  	s1 =	sld [smem:$0x3FA5]  }
0x28: {  	s2 =	sld [smem:$0x3FA6]  }
0x29: {  	s4 =	sld [smem:$0x3FA8]  }
0x2a: {  	p0 =	seq.s32 s5, $0x0;
	s5 =	sld [smem:$0x3FA9]  }
0x2b: {  	s6 =	sld [smem:$0x3FAA]  }
0x2c: {  	s7 =	sld [smem:$0x3FAB]  }
0x2d: {  	s3 =	simm.s32 $0x108;
	s8 =	sld [smem:$0x3FAC]  }
0x2e: {  	s3 =	simm.s32 @!p0 $0x1082;
	s9 =	sld [smem:$0x3FAD]  }
0x2f: {  	lr =	sadd.s32 s0, s3;
	s0 =	sld [smem:$0x3FA4]  }
0x30: {  	s3 =	sld [smem:$0x3FA7]  }
0x31: {  	[smem:$0x3FB0] =	sst s10  }
0x32: {  	s10 =	sld [smem:$0x3FAE];
	_ =	sdelay $0x3  }
0x33: {  	p0 =	seq.s32 s10, $0x1;
	s10 =	sld [smem:$0x3FB0];
	_ =	sdelay $0x3  }
0x34: {  	[smem:$0x3FB0] =	sst s10  }
0x35: {  	s10 =	sld [smem:$0x3FAF];
	_ =	sdelay $0x3  }
0x36: {  	p1 =	seq.s32 s10, $0x1;
	s10 =	sld [smem:$0x3FB0];
	_ =	sdelay $0x3  }
0x37: {  	[smem:$0x3FB0] =	sst s10  }
0x38: {  	s10 =	sld [smem:$0x3FB1]  }
0x39: {  	_ = 	snop;
	(pc) =	sbr.ind lr, $3  }
0x3a: {  	_ = 	snop  }
0x3b: {  	_ = 	snop  }
0x3c: {  	p2 =	seq.s32 s10, $0x1;
	s10 =	sld [smem:$0x3FB0]  }
0x3d: {  	_ =	shalt  }
0x3e: {  	_ =	shalt  }
0x3f: {  	_ =	shalt  }
0x40: {  	_ =	shalt  }
0x41: {  	_ =	shalt  }
0x42: {  	_ =	shalt  }
0x43: {  	_ =	shalt  }
0x44: {  	_ =	shalt  }
0x45: {  	_ =	shalt  }
0x46: {  	_ =	shalt  }
0x47: {  	_ =	shalt  }
0x48: {  	_ =	shalt  }
0x49: {  	_ =	shalt  }
0x4a: {  	_ =	shalt  }
0x4b: {  	_ =	shalt  }
0x4c: {  	_ =	shalt  }
0x4d: {  	_ =	shalt  }
0x4e: {  	_ =	shalt  }
0x4f: {  	_ =	shalt  }
0x50: {  	_ =	shalt  }
0x51: {  	_ =	shalt  }
0x52: {  	_ =	shalt  }
0x53: {  	_ =	shalt  }
0x54: {  	_ =	shalt  }
0x55: {  	_ =	shalt  }
0x56: {  	_ =	shalt  }
0x57: {  	_ =	shalt  }
0x58: {  	_ =	shalt  }
0x59: {  	_ =	shalt  }
0x5a: {  	_ =	shalt  }
0x5b: {  	_ =	shalt  }
0x5c: {  	_ =	shalt  }
0x5d: {  	_ =	shalt  }
0x5e: {  	_ =	shalt  }
0x5f: {  	_ =	shalt  }
0x60: {  	_ =	shalt  }
0x61: {  	_ =	shalt  }
0x62: {  	_ =	shalt  }
0x63: {  	_ =	shalt  }
0x64: {  	_ =	shalt  }
0x65: {  	_ =	shalt  }
0x66: {  	_ =	shalt  }
0x67: {  	_ =	shalt  }
0x68: {  	_ =	shalt  }
0x69: {  	_ =	shalt  }
0x6a: {  	_ =	shalt  }
0x6b: {  	_ =	shalt  }
0x6c: {  	_ =	shalt  }
0x6d: {  	_ =	shalt  }
0x6e: {  	_ =	shalt  }
0x6f: {  	_ =	shalt  }
0x70: {  	_ =	shalt  }
0x71: {  	_ =	shalt  }
0x72: {  	_ =	shalt  }
0x73: {  	_ =	shalt  }
0x74: {  	_ =	shalt  }
0x75: {  	_ =	shalt  }
0x76: {  	_ =	shalt  }
0x77: {  	_ =	shalt  }
0x78: {  	_ =	shalt  }
0x79: {  	_ =	shalt  }
0x7a: {  	_ =	shalt  }
0x7b: {  	_ =	shalt  }
0x7c: {  	_ =	shalt  }
0x7d: {  	_ =	shalt  }
0x7e: {  	_ =	shalt  }
0x7f: {  	_ =	shalt  }
0x80: {  	_ =	shalt  }
0x81: {  	_ =	shalt  }
0x82: {  	_ =	shalt  }
0x83: {  	_ =	shalt  }
0x84: {  	_ =	shalt  }
0x85: {  	_ =	shalt  }
0x86: {  	_ =	shalt  }
0x87: {  	_ =	shalt  }
.Lfunc_end0:
.L_simem_size_0:
called_computation.3_lowered:
.L_overlay_start_0:
0x88: {  	s2 =	sld [smem:$0x3FD9]  }
0x89: {  	s3 =	sld [smem:$0x3FFE];
	_ =	sdelay $0x1  }
0x8a: {  	s1 =	srdreg.scid  }
0x8b: {  	s0 =	sand.u32 $0x1, s1  }
0x8c: {  	s17 =	sshll.u32 s0, $0xA;
	s2 =	sadd.s32 s3, s2  }
0x8d: {  	s2 =	sadd.s32 s2, s17  }
0x8e: {  	[smem:$0x3FBC] =	sst s2  }
0x8f: {  	_ = 	snop  }
0x90: {  	s2 =	sld [smem:$0x3FD0];
	(tm) =	ssettm $0x1  }
0x91: {  	s18 =	sld [smem:$0x3FFB];
	_ =	sdelay $0x3  }
0x92: {  	_ =	strace s18  }
0x93: {  	s3 =	sld [smem:$0x3FFC];
	_ =	sdelay $0x3  }
0x94: {  	_ =	strace s3  }
0x95: {  	s3 =	sld [smem:$0x3FFD];
	_ =	sdelay $0x3  }
0x96: {  	_ =	strace s3  }
0x97: {  	_ =	strace $0x8FFFFFFF  }
0x98: {  	s19 =	sld [smem:$0x3FDB];
	_ =	sdelay $0x1  }
0x99: {  	s4 =	simm.s32 $_scs_section_size  }
0x9a: {  	s5 =	simm.s32 $_size__tile_overlayer_lowered;
	s6 =	simm.s32 $_tile_overlayer_lowered  }
0x9b: {  	s22 =	simm.s32 $0x1BFF;
	s21 =	sshll.u32 s6, $0x1;
	s3 =	sadd.s32 s4, s19  }
0x9c: {  	s7 =	simm.s32 $0x0;
	s20 =	sshll.u32 s5, $0x1;
	s5 =	sadd.s32 s21, s3  }
0x9d: {  	[timem:s7], [sflag:s22] =	dma.local [hbm:s5], s20  }
0x9e: {  	_ =	swait.ge [sflag:s22], s20  }
0x9f: {  	s4 =	ssub.s32 $0x0, s20;
	[sflag:s22] =	ssyncset.done $0x0  }
0xa0: {  	[sflag:s22] =	ssyncadd.s32 s4;
	_ =	sdelay $0x1  }
0xa1: {  	s23 =	simm.s32 $0x1B8B  }
0xa2: {  	_ =	swait.ge [sflag:s23], $0x1  }
0xa3: {  	[sflag:s23] =	ssyncset.done $0x0  }
0xa4: {  	s25 =	simm.s32 $0x1B8E;
	s24 =	sld [smem:$0x3FFE];
	[sflag:s23] =	ssyncadd.s32 $0xFFFFFFFF  }
0xa5: {  	s26 =	simm.s32 $execute0_lowered;
	[smem:$0x3FD2] =	sst s25  }
0xa6: {  	s5 =	sshll.u32 s26, $0x1;
	_ =	strace $0x8000004F;
	[dreg:$0x1] =	wrdreg $0xFFFFFFFF  }
0xa7: {  	s28 =	simm.s32 $_size_execute0_lowered;
	s3 =	sadd.s32 s3, s5;
	[dreg:$0x0] =	wrdreg $0x0  }
0xa8: {  	s5 =	sshll.u32 s28, $0x1;
	[dreg:$0x2] =	wrdreg s3  }
0xa9: {  	[dreg:$0x3] =	wrdreg s5  }
0xaa: {  	[dreg:$0x4] =	wrdreg $0xC0  }
0xab: {  	_ =	task [dreg:s7], $0x5FFFF  }
0xac: {  	[dreg:$0x1] =	wrdreg $0xFFFFFFFF  }
0xad: {  	[dreg:$0x0] =	wrdreg $0x60  }
0xae: {  	[dreg:$0x2] =	wrdreg s2  }
0xaf: {  	[dreg:$0x3] =	wrdreg s24  }
0xb0: {  	[dreg:$0x4] =	wrdreg $0x0  }
0xb1: {  	[dreg:$0x5] =	wrdreg $0x9  }
0xb2: {  	_ =	task.clear_ibuf [dreg:s7], $0x6FFFF;
	_ =	strace $0x9000004F  }
0xb3: {  	s29 =	simm.s32 $0x9;
	_ =	strace $0x80000051  }
0xb4: {  	_ =	swait.ge [sflag:s29], $0x1  }
0xb5: {  	[sflag:s29] =	ssyncadd.s32 $0xFFFFFFFF  }
0xb6: {  	_ =	strace $0x90000051  }
0xb7: {  	_ =	sfence  }
0xb8: {  	s30 =	sld [smem:$0x0];
	_ =	sdelay $0x2  }
0xb9: {  	s31 =	sshll.u32 s1, $0xD;
	s1 =	sshrl.u32 s1, $0x2  }
0xba: {  	s3 =	sand.u32 $0x4000, s31;
	s1 =	sadd.s32 s1, s30  }
0xbb: {  	s0 =	sor.u32 s3, s0;
	s1 =	sshll.u32 s1, $0x11  }
0xbc: {  	s0 =	sor.u32 s1, s0  }
0xbd: {  	s0 =	sadd.s32 $0x8F2B, s0  }
0xbe: {  	[sflag:s0] =	ssyncadd.remote.s32 $0x1  }
0xbf: {  	_ =	sfence.sel $0xFFFF  }
0xc0: {  	[dreg:$0x0] =	wrdreg $0xFFFFFFFF;
	(pc) =	sbr.abs _section_cstart, $3  }
0xc1: {  	[dreg:$0x1] =	wrdreg $0xFFFFFFFF  }
0xc2: {  	_ =	task.clear_ibuf [dreg:s7], $0x2FFFF;
	_ =	strace $0x9FFFFFFF  }
0xc3: {  	(tm) =	ssettm $0x7FFFFFFF  }
tec
execute0_lowered:
.L_overlay_start_1:
0x0: {  	(tag) =	ssettag $0x1  }
0x1: {  	s1 =	rddreg [dreg:$0x0]  }
0x2: {  	s0 =	rddreg [dreg:$0x1]  }
0x3: {  	s2 =	rddreg [dreg:$0x2]  }
0x4: {  	s4 =	simm.s32 $0x0;
	s3 =	srdreg.scid;
	s11 =	stileid.u32  }
0x5: {  	s28 =	simm.s32 $0x19400;
	s29 =	simm.s32 $0x5;
	s30 =	simm.s32 $0x4  }
0x6: {  	s31 =	simm.s32 $0x1BC00;
	[smem:$0x7FF] =	sst s4;
	s7 =	smul.u32 $0x14000, s11  }
0x7: {  	s3 =	sand.u32 $0x1, s3;
	s5 =	sadd.s32 $0x57800, s0;
	s26 =	smul.u32 $0x50000, s11  }
0x8: {  	s8 =	sadd.s32 $0x5000, s0;
	s24 =	sshll.u32 s11, $0x1;
	s10 =	smul.u32 $0x10800, s11  }
0x9: {  	s14 =	sshll.u32 s11, $0x6;
	s6 =	smul.u32 $0x140000, s3;
	_ =	strace $0x80000050  }
0xa: {  	[dreg:$0xa] =	wrdreg s8;
	s25 =	sor.u32 s3, s24;
	s9 =	ssub.s32 $0x2, s3  }
0xb: {  	s3 =	smul.u32 $0x8400, s3;
	s24 =	simm.s32 $0x14080;
	s12 =	sshrl.u32 s9, $0x1  }
0xc: {  	s8 =	sshrl.u32 s26, $0x2;
	[dreg:$0x7] =	wrdreg s24;
	s24 =	simm.s32 $0x2  }
0xd: {  	s26 =	simm.s32 $0x14280;
	s6 =	sadd.s32 s7, s6;
	s7 =	smul.u32 $0x8400, s25  }
0xe: {  	s13 =	sadd.s32 s8, s2;
	s3 =	sadd.s32 s3, s10;
	s25 =	simm.s32 $0x14180  }
0xf: {  	[dreg:$0x9] =	wrdreg s26;
	s26 =	simm.s32 $0x3;
	s6 =	sshrl.u32 s6, $0x3  }
0x10: {  	s19 =	sadd.s32 $0x700, s3;
	s20 =	sadd.s32 $0x600, s3;
	[dreg:$0x8] =	wrdreg s25  }
0x11: {  	s25 =	simm.s32 $0x16C00;
	s0 =	sadd.s32 s6, s0;
	s6 =	ssub.s32 s9, s12  }
0x12: {  	s15 =	sshrl.u32 s7, $0x3;
	s7 =	sor.u32 $0x1C09, s14;
	s10 =	sshrl.u32 s19, $0x3  }
0x13: {  	s11 =	sshrl.u32 s20, $0x3;
	s12 =	sadd.s32 $0x500, s3;
	s14 =	sadd.s32 $0x400, s3  }
0x14: {  	s19 =	simm.s32 $0x14200;
	s20 =	simm.s32 $0x14300;
	s16 =	sadd.s32 s5, s15  }
0x15: {  	s3 =	simm.s32 $0x7;
	s10 =	sadd.s32 s10, s5;
	[dreg:$0xb] =	wrdreg s16  }
0x16: {  	s9 =	simm.s32 $0x14380;
	s0 =	sadd.s32 $0x7800, s0;
	[dreg:$0x4] =	wrdreg s10  }
0x17: {  	s21 =	sadd.s32 s11, s5;
	s22 =	sshrl.u32 s12, $0x3;
	[dreg:$0xf] =	wrdreg s0  }
0x18: {  	s6 =	smax.u32 s6, $0x1;
	s15 =	sshrl.u32 s13, $0x3;
	[dreg:$0x5] =	wrdreg s21  }
0x19: {  	s17 =	sadd.s32 $0x20, s16;
	s18 =	sadd.s32 $0x40, s16;
	[dreg:$0x10] =	wrdreg s6  }
0x1a: {  	s8 =	sadd.s32 $0x60, s16;
	s23 =	sadd.s32 s22, s5;
	[dreg:$0xc] =	wrdreg s17  }
0x1b: {  	s16 =	simm.s32 $0x9;
	s21 =	simm.s32 $0x1;
	[dreg:$0xd] =	wrdreg s18  }
0x1c: {  	s22 =	simm.s32 $0x50;
	s0 =	simm.s32 $0x6;
	[dreg:$0xe] =	wrdreg s8  }
0x1d: {  	s6 =	simm.s32 $0x8;
	s10 =	simm.s32 $0x0;
	[dreg:$0x6] =	wrdreg s23  }
0x1e: {  	s17 =	simm.s32 $0x14000;
	s18 =	simm.s32 $0x14100;
	s23 =	simm.s32 $0x14400  }
.LBB2_1:
0x1f: {  	s8 =	rddreg [dreg:$0xa]  }
0x20: {  	[spmem:s15], [sflag:s7] =	dma.local [hbm:s8], $0x2800  }
0x21: {  	_ =	swait.ge [sflag:s16], $0x2800  }
0x22: {  	[sflag:s16] =	ssyncset.done $0x0  }
0x23: {  	s11 =	rddreg [dreg:$0xb];
	[sflag:s16] =	ssyncadd.s32 $0xFFFFD800  }
0x24: {  	[tilespmem:s17], [sflag:$0x1] =	stream.linear.gather [hbm4b:s11+s4], $0x100, $0x38;
	[tilespmem:$0x1E400] =	vst v63  }
0x25: {  	s12 =	rddreg [dreg:$0xc]  }
0x26: {  	[tilespmem:s18], [sflag:$0x2] =	stream.linear.gather [hbm4b:s12+s4], $0x100, $0x38;
	[tilespmem:$0x1E400] =	vst v63  }
0x27: {  	s13 =	rddreg [dreg:$0xd]  }
0x28: {  	[tilespmem:s19], [sflag:$0x3] =	stream.linear.gather [hbm4b:s13+s4], $0x100, $0x38;
	[tilespmem:$0x1E400] =	vst v63  }
0x29: {  	s11 =	rddreg [dreg:$0xe]  }
0x2a: {  	[tilespmem:s20], [sflag:$0x4] =	stream.linear.gather [hbm4b:s11+s4], $0x100, $0x38;
	[tilespmem:$0x1E400] =	vst v63  }
0x2b: {  	_ =	swait.ge [sflag:s21], $0x100  }
0x2c: {  	[sflag:s21] =	ssyncset.done $0x0  }
0x2d: {  	[sflag:s21] =	ssyncadd.s32 $0xFFFFFF00  }
0x2e: {  	[tilespmem:s23], [sflag:$0x5] =	stream.indirect.gather [hbm4b:s1+s22], $0x80, s17, s22, $0xb8;
	[tilespmem:$0x1E400] =	vst v63  }
0x2f: {  	_ =	swait.ge [sflag:s24], $0x100  }
0x30: {  	[sflag:s24] =	ssyncset.done $0x0  }
0x31: {  	[sflag:s24] =	ssyncadd.s32 $0xFFFFFF00  }
0x32: {  	[tilespmem:s25], [sflag:$0x6] =	stream.indirect.gather [hbm4b:s1+s22], $0x80, s18, s22, $0xb8;
	[tilespmem:$0x1E400] =	vst v63  }
0x33: {  	[bflag:$0x0] =	sbarrier.arrive $0xFFFF  }
0x34: {  	_ =	swait.ge [sflag:s26], $0x100  }
0x35: {  	[sflag:s26] =	ssyncset.done $0x0  }
0x36: {  	[sflag:s26] =	ssyncadd.s32 $0xFFFFFF00  }
0x37: {  	[tilespmem:s28], [sflag:$0x7] =	stream.indirect.gather [hbm4b:s1+s22], $0x80, s19, s22, $0xb8;
	[tilespmem:$0x1E400] =	vst v63  }
0x38: {  	_ =	swait.ge [sflag:s29], $0x2800  }
0x39: {  	[sflag:s29] =	ssyncset.done $0x0  }
0x3a: {  	s11 =	rddreg [dreg:$0x7];
	[sflag:s29] =	ssyncadd.s32 $0xFFFFD800  }
0x3b: {  	[spmem:s2] =	stream.indirect.scatter.add.f32 [tilespmem:s23], [sflag:$0x9], $0x80, s11, s22, $0xb8;
	[tilespmem:$0x1E400] =	vst v63  }
0x3c: {  	_ =	swait.ge [sflag:s16], $0x2800  }
0x3d: {  	s12 =	sshrl.u32 s14, $0x3;
	[sflag:s16] =	ssyncset.done $0x0  }
0x3e: {  	s11 =	sadd.s32 s5, s12;
	[sflag:s16] =	ssyncadd.s32 $0xFFFFD800  }
0x3f: {  	[tilespmem:s17], [sflag:$0x1] =	stream.linear.gather [hbm4b:s11+s4], $0x100, $0x38;
	[tilespmem:$0x1E400] =	vst v63  }
0x40: {  	_ =	swait.ge [sflag:s30], $0x100  }
0x41: {  	[sflag:s30] =	ssyncset.done $0x0  }
0x42: {  	[sflag:s30] =	ssyncadd.s32 $0xFFFFFF00  }
0x43: {  	[tilespmem:s31], [sflag:$0x8] =	stream.indirect.gather [hbm4b:s1+s22], $0x80, s20, s22, $0xb8;
	[tilespmem:$0x1E400] =	vst v63  }
0x44: {  	_ =	swait.ge [sflag:s0], $0x2800  }
0x45: {  	[sflag:s0] =	ssyncset.done $0x0  }
0x46: {  	s13 =	rddreg [dreg:$0x8];
	[sflag:s0] =	ssyncadd.s32 $0xFFFFD800  }
0x47: {  	[spmem:s2] =	stream.indirect.scatter.add.f32 [tilespmem:s25], [sflag:$0x9], $0x80, s13, s22, $0xb8;
	[tilespmem:$0x1E400] =	vst v63  }
0x48: {  	_ =	swait.ge [sflag:s16], $0x2800  }
0x49: {  	s8 =	rddreg [dreg:$0x6];
	[sflag:s16] =	ssyncset.done $0x0  }
0x4a: {  	[sflag:s16] =	ssyncadd.s32 $0xFFFFD800;
	s11 =	sadd.s32 $0x0, s8  }
0x4b: {  	[tilespmem:s18], [sflag:$0x2] =	stream.linear.gather [hbm4b:s11+s4], $0x100, $0x38;
	[tilespmem:$0x1E400] =	vst v63  }
0x4c: {  	_ =	swait.ge [sflag:s21], $0x100  }
0x4d: {  	[sflag:s21] =	ssyncset.done $0x0  }
0x4e: {  	[sflag:s21] =	ssyncadd.s32 $0xFFFFFF00  }
0x4f: {  	[tilespmem:s23], [sflag:$0x5] =	stream.indirect.gather [hbm4b:s1+s22], $0x80, s17, s22, $0xb8;
	[tilespmem:$0x1E400] =	vst v63  }
0x50: {  	_ =	swait.ge [sflag:s3], $0x2800  }
0x51: {  	[sflag:s3] =	ssyncset.done $0x0  }
0x52: {  	s12 =	rddreg [dreg:$0x9];
	[sflag:s3] =	ssyncadd.s32 $0xFFFFD800  }
0x53: {  	[spmem:s2] =	stream.indirect.scatter.add.f32 [tilespmem:s28], [sflag:$0x9], $0x80, s12, s22, $0xb8;
	[tilespmem:$0x1E400] =	vst v63  }
0x54: {  	_ =	swait.ge [sflag:s16], $0x2800  }
0x55: {  	s13 =	rddreg [dreg:$0x5];
	[sflag:s16] =	ssyncset.done $0x0  }
0x56: {  	[sflag:s16] =	ssyncadd.s32 $0xFFFFD800;
	s11 =	sadd.s32 $0x0, s13  }
0x57: {  	[tilespmem:s19], [sflag:$0x3] =	stream.linear.gather [hbm4b:s11+s4], $0x100, $0x38;
	[tilespmem:$0x1E400] =	vst v63  }
0x58: {  	_ =	swait.ge [sflag:s24], $0x100  }
0x59: {  	[sflag:s24] =	ssyncset.done $0x0  }
0x5a: {  	[sflag:s24] =	ssyncadd.s32 $0xFFFFFF00  }
0x5b: {  	[tilespmem:s25], [sflag:$0x6] =	stream.indirect.gather [hbm4b:s1+s22], $0x80, s18, s22, $0xb8;
	[tilespmem:$0x1E400] =	vst v63  }
0x5c: {  	_ =	swait.ge [sflag:s6], $0x2800  }
0x5d: {  	[sflag:s6] =	ssyncset.done $0x0  }
0x5e: {  	[sflag:s6] =	ssyncadd.s32 $0xFFFFD800  }
0x5f: {  	[spmem:s2] =	stream.indirect.scatter.add.f32 [tilespmem:s31], [sflag:$0x9], $0x80, s9, s22, $0xb8;
	[tilespmem:$0x1E400] =	vst v63  }
0x60: {  	_ =	swait.ge [sflag:s16], $0x2800  }
0x61: {  	s11 =	simm.s32 $0x80;
	s12 =	rddreg [dreg:$0x4];
	[sflag:s16] =	ssyncset.done $0x0  }
0x62: {  	[sflag:s16] =	ssyncadd.s32 $0xFFFFD800;
	s13 =	sadd.s32 $0x0, s12;
	s12 =	sadd.s32 $0x400, s14  }
.LBB2_2:
0x63: {  	[tilespmem:s20], [sflag:$0x4] =	stream.linear.gather [hbm4b:s13+s4], $0x100, $0x38;
	[tilespmem:$0x1E400] =	vst v63  }
0x64: {  	_ =	swait.ge [sflag:s26], $0x100  }
0x65: {  	[sflag:s26] =	ssyncset.done $0x0  }
0x66: {  	[sflag:s26] =	ssyncadd.s32 $0xFFFFFF00  }
0x67: {  	[tilespmem:s28], [sflag:$0x7] =	stream.indirect.gather [hbm4b:s1+s22], $0x80, s19, s22, $0xb8;
	[tilespmem:$0x1E400] =	vst v63  }
0x68: {  	_ =	swait.ge [sflag:s29], $0x2800  }
0x69: {  	[sflag:s29] =	ssyncset.done $0x0  }
0x6a: {  	s8 =	rddreg [dreg:$0x7];
	[sflag:s29] =	ssyncadd.s32 $0xFFFFD800  }
0x6b: {  	[spmem:s2] =	stream.indirect.scatter.add.f32 [tilespmem:s23], [sflag:$0x9], $0x80, s8, s22, $0xb8;
	[tilespmem:$0x1E400] =	vst v63  }
0x6c: {  	_ =	swait.ge [sflag:s16], $0x2800  }
0x6d: {  	s8 =	sshrl.u32 s12, $0x3;
	[sflag:s16] =	ssyncset.done $0x0  }
0x6e: {  	s8 =	sadd.s32 s5, s8;
	[sflag:s16] =	ssyncadd.s32 $0xFFFFD800  }
0x6f: {  	[tilespmem:s17], [sflag:$0x1] =	stream.linear.gather [hbm4b:s8+s4], $0x100, $0x38;
	[tilespmem:$0x1E400] =	vst v63  }
0x70: {  	_ =	swait.ge [sflag:s30], $0x100  }
0x71: {  	[sflag:s30] =	ssyncset.done $0x0  }
0x72: {  	[sflag:s30] =	ssyncadd.s32 $0xFFFFFF00  }
0x73: {  	[tilespmem:s31], [sflag:$0x8] =	stream.indirect.gather [hbm4b:s1+s22], $0x80, s20, s22, $0xb8;
	[tilespmem:$0x1E400] =	vst v63  }
0x74: {  	_ =	swait.ge [sflag:s0], $0x2800  }
0x75: {  	[sflag:s0] =	ssyncset.done $0x0  }
0x76: {  	s8 =	rddreg [dreg:$0x8];
	[sflag:s0] =	ssyncadd.s32 $0xFFFFD800  }
0x77: {  	[spmem:s2] =	stream.indirect.scatter.add.f32 [tilespmem:s25], [sflag:$0x9], $0x80, s8, s22, $0xb8;
	[tilespmem:$0x1E400] =	vst v63  }
0x78: {  	_ =	swait.ge [sflag:s16], $0x2800  }
0x79: {  	s13 =	smov.u32 s11;
	s8 =	rddreg [dreg:$0x6];
	[sflag:s16] =	ssyncset.done $0x0  }
0x7a: {  	[sflag:s16] =	ssyncadd.s32 $0xFFFFD800;
	s8 =	sadd.s32 s13, s8  }
0x7b: {  	[tilespmem:s18], [sflag:$0x2] =	stream.linear.gather [hbm4b:s8+s4], $0x100, $0x38;
	[tilespmem:$0x1E400] =	vst v63  }
0x7c: {  	_ =	swait.ge [sflag:s21], $0x100  }
0x7d: {  	[sflag:s21] =	ssyncset.done $0x0  }
0x7e: {  	[sflag:s21] =	ssyncadd.s32 $0xFFFFFF00  }
0x7f: {  	[tilespmem:s23], [sflag:$0x5] =	stream.indirect.gather [hbm4b:s1+s22], $0x80, s17, s22, $0xb8;
	[tilespmem:$0x1E400] =	vst v63  }
0x80: {  	_ =	swait.ge [sflag:s3], $0x2800  }
0x81: {  	[sflag:s3] =	ssyncset.done $0x0  }
0x82: {  	s8 =	rddreg [dreg:$0x9];
	[sflag:s3] =	ssyncadd.s32 $0xFFFFD800  }
0x83: {  	[spmem:s2] =	stream.indirect.scatter.add.f32 [tilespmem:s28], [sflag:$0x9], $0x80, s8, s22, $0xb8;
	[tilespmem:$0x1E400] =	vst v63  }
0x84: {  	_ =	swait.ge [sflag:s16], $0x2800  }
0x85: {  	s8 =	rddreg [dreg:$0x5];
	[sflag:s16] =	ssyncset.done $0x0  }
0x86: {  	[sflag:s16] =	ssyncadd.s32 $0xFFFFD800;
	s8 =	sadd.s32 s13, s8  }
0x87: {  	[tilespmem:s19], [sflag:$0x3] =	stream.linear.gather [hbm4b:s8+s4], $0x100, $0x38;
	[tilespmem:$0x1E400] =	vst v63  }
0x88: {  	_ =	swait.ge [sflag:s24], $0x100  }
0x89: {  	[sflag:s24] =	ssyncset.done $0x0  }
0x8a: {  	[sflag:s24] =	ssyncadd.s32 $0xFFFFFF00  }
0x8b: {  	[tilespmem:s25], [sflag:$0x6] =	stream.indirect.gather [hbm4b:s1+s22], $0x80, s18, s22, $0xb8;
	[tilespmem:$0x1E400] =	vst v63  }
0x8c: {  	_ =	swait.ge [sflag:s6], $0x2800  }
0x8d: {  	p0 =	sne.s32 s11, $0xF80;
	[sflag:s6] =	ssyncset.done $0x0  }
.Ltmp0:
0x8e: {  	[sflag:s6] =	ssyncadd.s32 $0xFFFFD800;
	(pc) =	sbr.rel @p0 .LBB2_2-.Ltmp0, $4  }
0x8f: {  	[spmem:s2] =	stream.indirect.scatter.add.f32 [tilespmem:s31], [sflag:$0x9], $0x80, s9, s22, $0xb8;
	[tilespmem:$0x1E400] =	vst v63  }
0x90: {  	_ =	swait.ge [sflag:s16], $0x2800  }
0x91: {  	s11 =	sadd.s32 $0x80, s11;
	[sflag:s16] =	ssyncset.done $0x0;
	s8 =	rddreg [dreg:$0x4]  }
0x92: {  	s12 =	sadd.s32 $0x400, s12;
	[sflag:s16] =	ssyncadd.s32 $0xFFFFD800;
	s13 =	sadd.s32 s13, s8  }
0x93: {  	[tilespmem:s20], [sflag:$0x4] =	stream.linear.gather [hbm4b:s13+s4], $0x100, $0x38;
	[tilespmem:$0x1E400] =	vst v63  }
0x94: {  	_ =	swait.ge [sflag:s29], $0x2800  }
0x95: {  	[sflag:s29] =	ssyncset.done $0x0  }
0x96: {  	[sflag:s29] =	ssyncadd.s32 $0xFFFFD800  }
0x97: {  	_ =	swait.ge [sflag:s0], $0x2800  }
0x98: {  	[sflag:s0] =	ssyncset.done $0x0  }
0x99: {  	[sflag:s0] =	ssyncadd.s32 $0xFFFFD800  }
0x9a: {  	_ =	swait.ge [sflag:s26], $0x100  }
0x9b: {  	[sflag:s26] =	ssyncset.done $0x0  }
0x9c: {  	[sflag:s26] =	ssyncadd.s32 $0xFFFFFF00  }
0x9d: {  	_ =	swait.ge [sflag:s30], $0x100  }
0x9e: {  	[sflag:s30] =	ssyncset.done $0x0  }
0x9f: {  	[sflag:s30] =	ssyncadd.s32 $0xFFFFFF00  }
0xa0: {  	[bflag:$0x0] =	sbarrier.arrive $0xFFFF  }
0xa1: {  	s8 =	rddreg [dreg:$0xf]  }
0xa2: {  	[hbm:s8], [sflag:s7] =	dma.local [spmem:s15], $0x2800  }
0xa3: {  	_ =	swait.ge [sflag:s16], $0x2800  }
0xa4: {  	s10 =	sadd.s32 $0x1, s10;
	s13 =	rddreg [dreg:$0x10]  }
0xa5: {  	p0 =	sne.s32 s10, s13  }
.Ltmp1:
0xa6: {  	_ = 	snop;
	(pc) =	sbr.rel @p0 .LBB2_1-.Ltmp1, $3  }
0xa7: {  	_ =	sdelay $0x1  }
0xa8: {  	[sflag:s16] =	ssyncset.done $0x0  }
0xa9: {  	[sflag:s16] =	ssyncadd.s32 $0xFFFFD800  }
0xaa: {  	_ =	sfence.sel $0x180000  }
0xab: {  	[bflag:$0x0] =	sbarrier.arrive $0xFFFF  }
0xac: {  	_ =	strace $0x90000050  }
0xad: {  	s0 =	stileid.u32;
	[bflag:$0x2] =	sbarrier.arrive $0xFFFF  }
0xae: {  	p0 =	sne.s32 s0, $0x0;
	s0 =	rddreg [dreg:$0x3]  }
0xaf: {  	s0 =	sadd.s32 @!p0 $0x100000, s0  }
0xb0: {  	[sflag:s0] =	ssyncadd.tile.s32 @!p0 $0x1;
	_ =	shalt  }
.Lfunc_end2:
_tile_overlayer_lowered:
.L_overlay_start_2:
0xb1: {  	(tag) =	ssettag $0x2  }
0xb2: {  	s0 =	rddreg [dreg:$0x0];
	s2 =	stileid.u32  }
0xb3: {  	s1 =	rddreg [dreg:$0x1];
	p0 =	sne.s32 s2, $0x0  }
0xb4: {  	s3 =	rddreg [dreg:$0x2];
	[bflag:$0x3] =	sbarrier.arrive $0xFFFF;
	s2 =	simm.s32 @!p0 $0x1C09  }
0xb5: {  	[timem:s3], [sflag:s2] =	dma.local @!p0 [hbm:s0], s1  }
0xb6: {  	s0 =	simm.s32 @!p0 $0x9  }
0xb7: {  	_ =	swait.ge @!p0 [sflag:s0], s1  }
0xb8: {  	s1 =	ssub.s32 @!p0 $0x0, s1;
	[sflag:s0] =	ssyncset.done @!p0 $0x0  }
0xb9: {  	[sflag:s0] =	ssyncadd.s32 @!p0 s1  }
0xba: {  	[bflag:$0x3] =	sbarrier.arrive $0xFFFF  }
0xbb: {  	_ =	shalt  }

// kernel: kernel.27.cloned.1.call-start
scs
__scs_entry_jumppad:
0x0: {  	(pc) =	sbr.rel $0x88, $3  }
0x1: {  	(tag) =	ssettag $0x0;
	lr =	simm.s32 $0x1  }
0x2: {  	[smem:$0x3F95] =	sst lr;
	_ =	strace $0xD0000000  }
0x3: {  	_ = 	snop  }
0x4: {  	_ = 	snop  }
0x5: {  	_ = 	snop  }
0x6: {  	_ = 	snop  }
0x7: {  	_ = 	snop  }
__scs_overlays_trampoline_lowered:
0x8: {  	[smem:$0x3FA4] =	sst s0  }
0x9: {  	[smem:$0x3FA5] =	sst s1  }
0xa: {  	[smem:$0x3FA6] =	sst s2  }
0xb: {  	[smem:$0x3FA7] =	sst s3  }
0xc: {  	[smem:$0x3FA8] =	sst s4  }
0xd: {  	[smem:$0x3FA9] =	sst s5  }
0xe: {  	[smem:$0x3FAA] =	sst s6  }
0xf: {  	[smem:$0x3FAB] =	sst s7  }
0x10: {  	[smem:$0x3FAC] =	sst s8  }
0x11: {  	[smem:$0x3FAD] =	sst s9;
	s0 =	simm.s32 @!p0 $0x0  }
0x12: {  	s1 =	sld [smem:$0x3F93];
	s0 =	simm.s32 @p0 $0x1  }
0x13: {  	[smem:$0x3FAE] =	sst s0;
	s0 =	simm.s32 @!p1 $0x0  }
0x14: {  	s2 =	sld [smem:$0x3F92];
	s0 =	simm.s32 @p1 $0x1  }
0x15: {  	[smem:$0x3FAF] =	sst s0;
	s0 =	simm.s32 @!p2 $0x0  }
0x16: {  	s3 =	sld [smem:$0x3FDB];
	s0 =	simm.s32 @p2 $0x1  }
0x17: {  	s4 =	simm.s32 $0x1BF5;
	[smem:$0x3FB1] =	sst s0  }
0x18: {  	s0 =	sld [smem:$0x3F94];
	_ =	swait.ge [sflag:s4], $0x0  }
0x19: {  	s7 =	sld [smem:$0x3F95]  }
0x1a: {  	s8 =	sadd.s32 $0xFFFFE003, lr  }
0x1b: {  	s9 =	sadd.s32 $0xFFFFFEF7, lr;
	s5 =	simm.s32 $0xFFFFFFFF;
	p2 =	slt.u32 s8, $0xFFFFF086  }
0x1c: {  	p1 =	slt.u32 s9, $0xF7A;
	s5 =	simm.s32 @!p2 $0x0  }
0x1d: {  	s5 =	simm.s32 @p1 $0x1;
	p0 =	seq.s32 s7, s2  }
0x1e: {  	s7 =	smul.u32 @!p0 $0xF7A, s2;
	p2 =	seq.s32 @!p0 s5, $0x0  }
0x1f: {  	s9 =	smul.u32 $0xF7A, s1;
	s8 =	simm.s32 @!p0 $0x1BF5;
	p2 =	por !p2, p0  }
0x20: {  	[sflag:s8] =	ssyncset.s32 @!p0 $0xFFFFF086;
	s6 =	sadd.s32 @!p0 s3, s7;
	s7 =	simm.s32 @!p0 $0x108  }
0x21: {  	s3 =	sadd.s32 s3, s9;
	s6 =	sadd.s32 @!p0 $0x88, s6;
	s7 =	simm.s32 @p2 $0x1082  }
0x22: {  	[simem:s7], [sflag:s8] =	dma.local @!p0 [hbm:s6], $0xF7A  }
0x23: {  	s9 =	sor.u32 $0xD0000000, s2;
	s6 =	simm.s32 $0x108;
	_ =	swait.ge @!p0 [sflag:s8], $0x0  }
0x24: {  	s3 =	sadd.s32 $0x88, s3;
	s6 =	simm.s32 @!p1 $0x1082;
	[sflag:s4] =	ssyncset.s32 $0xFFFFF086  }
0x25: {  	[simem:s6], [sflag:s4] =	dma.local [hbm:s3], $0xF7A  }
0x26: {  	[smem:$0x3F95] =	sst s1;
	(tag) =	ssettag s2;
	_ =	strace s9  }
0x27: {  	s1 =	sld [smem:$0x3FA5]  }
0x28: {  	s2 =	sld [smem:$0x3FA6]  }
0x29: {  	s4 =	sld [smem:$0x3FA8]  }
0x2a: {  	p0 =	seq.s32 s5, $0x0;
	s5 =	sld [smem:$0x3FA9]  }
0x2b: {  	s6 =	sld [smem:$0x3FAA]  }
0x2c: {  	s7 =	sld [smem:$0x3FAB]  }
0x2d: {  	s3 =	simm.s32 $0x108;
	s8 =	sld [smem:$0x3FAC]  }
0x2e: {  	s3 =	simm.s32 @!p0 $0x1082;
	s9 =	sld [smem:$0x3FAD]  }
0x2f: {  	lr =	sadd.s32 s0, s3;
	s0 =	sld [smem:$0x3FA4]  }
0x30: {  	s3 =	sld [smem:$0x3FA7]  }
0x31: {  	[smem:$0x3FB0] =	sst s10  }
0x32: {  	s10 =	sld [smem:$0x3FAE];
	_ =	sdelay $0x3  }
0x33: {  	p0 =	seq.s32 s10, $0x1;
	s10 =	sld [smem:$0x3FB0];
	_ =	sdelay $0x3  }
0x34: {  	[smem:$0x3FB0] =	sst s10  }
0x35: {  	s10 =	sld [smem:$0x3FAF];
	_ =	sdelay $0x3  }
0x36: {  	p1 =	seq.s32 s10, $0x1;
	s10 =	sld [smem:$0x3FB0];
	_ =	sdelay $0x3  }
0x37: {  	[smem:$0x3FB0] =	sst s10  }
0x38: {  	s10 =	sld [smem:$0x3FB1]  }
0x39: {  	_ = 	snop;
	(pc) =	sbr.ind lr, $3  }
0x3a: {  	_ = 	snop  }
0x3b: {  	_ = 	snop  }
0x3c: {  	p2 =	seq.s32 s10, $0x1;
	s10 =	sld [smem:$0x3FB0]  }
0x3d: {  	_ =	shalt  }
0x3e: {  	_ =	shalt  }
0x3f: {  	_ =	shalt  }
0x40: {  	_ =	shalt  }
0x41: {  	_ =	shalt  }
0x42: {  	_ =	shalt  }
0x43: {  	_ =	shalt  }
0x44: {  	_ =	shalt  }
0x45: {  	_ =	shalt  }
0x46: {  	_ =	shalt  }
0x47: {  	_ =	shalt  }
0x48: {  	_ =	shalt  }
0x49: {  	_ =	shalt  }
0x4a: {  	_ =	shalt  }
0x4b: {  	_ =	shalt  }
0x4c: {  	_ =	shalt  }
0x4d: {  	_ =	shalt  }
0x4e: {  	_ =	shalt  }
0x4f: {  	_ =	shalt  }
0x50: {  	_ =	shalt  }
0x51: {  	_ =	shalt  }
0x52: {  	_ =	shalt  }
0x53: {  	_ =	shalt  }
0x54: {  	_ =	shalt  }
0x55: {  	_ =	shalt  }
0x56: {  	_ =	shalt  }
0x57: {  	_ =	shalt  }
0x58: {  	_ =	shalt  }
0x59: {  	_ =	shalt  }
0x5a: {  	_ =	shalt  }
0x5b: {  	_ =	shalt  }
0x5c: {  	_ =	shalt  }
0x5d: {  	_ =	shalt  }
0x5e: {  	_ =	shalt  }
0x5f: {  	_ =	shalt  }
0x60: {  	_ =	shalt  }
0x61: {  	_ =	shalt  }
0x62: {  	_ =	shalt  }
0x63: {  	_ =	shalt  }
0x64: {  	_ =	shalt  }
0x65: {  	_ =	shalt  }
0x66: {  	_ =	shalt  }
0x67: {  	_ =	shalt  }
0x68: {  	_ =	shalt  }
0x69: {  	_ =	shalt  }
0x6a: {  	_ =	shalt  }
0x6b: {  	_ =	shalt  }
0x6c: {  	_ =	shalt  }
0x6d: {  	_ =	shalt  }
0x6e: {  	_ =	shalt  }
0x6f: {  	_ =	shalt  }
0x70: {  	_ =	shalt  }
0x71: {  	_ =	shalt  }
0x72: {  	_ =	shalt  }
0x73: {  	_ =	shalt  }
0x74: {  	_ =	shalt  }
0x75: {  	_ =	shalt  }
0x76: {  	_ =	shalt  }
0x77: {  	_ =	shalt  }
0x78: {  	_ =	shalt  }
0x79: {  	_ =	shalt  }
0x7a: {  	_ =	shalt  }
0x7b: {  	_ =	shalt  }
0x7c: {  	_ =	shalt  }
0x7d: {  	_ =	shalt  }
0x7e: {  	_ =	shalt  }
0x7f: {  	_ =	shalt  }
0x80: {  	_ =	shalt  }
0x81: {  	_ =	shalt  }
0x82: {  	_ =	shalt  }
0x83: {  	_ =	shalt  }
0x84: {  	_ =	shalt  }
0x85: {  	_ =	shalt  }
0x86: {  	_ =	shalt  }
0x87: {  	_ =	shalt  }
.Lfunc_end0:
.L_simem_size_0:
called_computation.4_lowered:
.L_overlay_start_0:
0x88: {  	s2 =	sld [smem:$0x3FD9]  }
0x89: {  	s3 =	sld [smem:$0x3FFE];
	_ =	sdelay $0x1  }
0x8a: {  	s1 =	srdreg.scid  }
0x8b: {  	s0 =	sand.u32 $0x1, s1  }
0x8c: {  	s17 =	sshll.u32 s0, $0xA;
	s2 =	sadd.s32 s3, s2  }
0x8d: {  	s2 =	sadd.s32 s2, s17  }
0x8e: {  	[smem:$0x3FBC] =	sst s2  }
0x8f: {  	_ = 	snop  }
0x90: {  	s2 =	sld [smem:$0x3FD0];
	(tm) =	ssettm $0x1  }
0x91: {  	s18 =	sld [smem:$0x3FFB];
	_ =	sdelay $0x3  }
0x92: {  	_ =	strace s18  }
0x93: {  	s3 =	sld [smem:$0x3FFC];
	_ =	sdelay $0x3  }
0x94: {  	_ =	strace s3  }
0x95: {  	s3 =	sld [smem:$0x3FFD];
	_ =	sdelay $0x3  }
0x96: {  	_ =	strace s3  }
0x97: {  	_ =	strace $0x8FFFFFFF  }
0x98: {  	s19 =	sld [smem:$0x3FDB];
	_ =	sdelay $0x1  }
0x99: {  	s4 =	simm.s32 $_scs_section_size  }
0x9a: {  	s5 =	simm.s32 $_size__tile_overlayer_lowered;
	s6 =	simm.s32 $_tile_overlayer_lowered  }
0x9b: {  	s22 =	simm.s32 $0x1BFF;
	s21 =	sshll.u32 s6, $0x1;
	s3 =	sadd.s32 s4, s19  }
0x9c: {  	s7 =	simm.s32 $0x0;
	s20 =	sshll.u32 s5, $0x1;
	s5 =	sadd.s32 s21, s3  }
0x9d: {  	[timem:s7], [sflag:s22] =	dma.local [hbm:s5], s20  }
0x9e: {  	_ =	swait.ge [sflag:s22], s20  }
0x9f: {  	s4 =	ssub.s32 $0x0, s20;
	[sflag:s22] =	ssyncset.done $0x0  }
0xa0: {  	[sflag:s22] =	ssyncadd.s32 s4;
	_ =	sdelay $0x1  }
0xa1: {  	s23 =	simm.s32 $0x1B8B  }
0xa2: {  	_ =	swait.ge [sflag:s23], $0x1  }
0xa3: {  	[sflag:s23] =	ssyncset.done $0x0  }
0xa4: {  	s25 =	simm.s32 $0x1B8E;
	s24 =	sld [smem:$0x3FFE];
	[sflag:s23] =	ssyncadd.s32 $0xFFFFFFFF  }
0xa5: {  	s26 =	simm.s32 $execute0_lowered;
	[smem:$0x3FD2] =	sst s25  }
0xa6: {  	s5 =	sshll.u32 s26, $0x1;
	_ =	strace $0x80000052;
	[dreg:$0x1] =	wrdreg $0xFFFFFFFF  }
0xa7: {  	s28 =	simm.s32 $_size_execute0_lowered;
	s3 =	sadd.s32 s3, s5;
	[dreg:$0x0] =	wrdreg $0x0  }
0xa8: {  	s5 =	sshll.u32 s28, $0x1;
	[dreg:$0x2] =	wrdreg s3  }
0xa9: {  	[dreg:$0x3] =	wrdreg s5  }
0xaa: {  	[dreg:$0x4] =	wrdreg $0xC0  }
0xab: {  	_ =	task [dreg:s7], $0x5FFFF  }
0xac: {  	[dreg:$0x1] =	wrdreg $0xFFFFFFFF  }
0xad: {  	[dreg:$0x0] =	wrdreg $0x60  }
0xae: {  	[dreg:$0x2] =	wrdreg s2  }
0xaf: {  	[dreg:$0x3] =	wrdreg s24  }
0xb0: {  	[dreg:$0x4] =	wrdreg $0x0  }
0xb1: {  	[dreg:$0x5] =	wrdreg $0x9  }
0xb2: {  	_ =	task.clear_ibuf [dreg:s7], $0x6FFFF;
	_ =	strace $0x90000052  }
0xb3: {  	s29 =	simm.s32 $0x9;
	_ =	strace $0x80000054  }
0xb4: {  	_ =	swait.ge [sflag:s29], $0x1  }
0xb5: {  	[sflag:s29] =	ssyncadd.s32 $0xFFFFFFFF  }
0xb6: {  	_ =	strace $0x90000054  }
0xb7: {  	_ =	sfence  }
0xb8: {  	s30 =	sld [smem:$0x0];
	_ =	sdelay $0x2  }
0xb9: {  	s31 =	sshll.u32 s1, $0xD;
	s1 =	sshrl.u32 s1, $0x2  }
0xba: {  	s3 =	sand.u32 $0x4000, s31;
	s1 =	sadd.s32 s1, s30  }
0xbb: {  	s0 =	sor.u32 s3, s0;
	s1 =	sshll.u32 s1, $0x11  }
0xbc: {  	s0 =	sor.u32 s1, s0  }
0xbd: {  	s0 =	sadd.s32 $0x8F2B, s0  }
0xbe: {  	[sflag:s0] =	ssyncadd.remote.s32 $0x1  }
0xbf: {  	_ =	sfence.sel $0xFFFF  }
0xc0: {  	[dreg:$0x0] =	wrdreg $0xFFFFFFFF;
	(pc) =	sbr.abs _section_cstart, $3  }
0xc1: {  	[dreg:$0x1] =	wrdreg $0xFFFFFFFF  }
0xc2: {  	_ =	task.clear_ibuf [dreg:s7], $0x2FFFF;
	_ =	strace $0x9FFFFFFF  }
0xc3: {  	(tm) =	ssettm $0x7FFFFFFF  }
tec
execute0_lowered:
.L_overlay_start_1:
0x0: {  	(tag) =	ssettag $0x1  }
0x1: {  	s1 =	rddreg [dreg:$0x0]  }
0x2: {  	s0 =	rddreg [dreg:$0x1]  }
0x3: {  	s2 =	rddreg [dreg:$0x2]  }
0x4: {  	s4 =	simm.s32 $0x0;
	s3 =	srdreg.scid;
	s11 =	stileid.u32  }
0x5: {  	s28 =	simm.s32 $0x19400;
	s29 =	simm.s32 $0x5;
	s30 =	simm.s32 $0x4  }
0x6: {  	s31 =	simm.s32 $0x1BC00;
	[smem:$0x7FF] =	sst s4;
	s7 =	smul.u32 $0x14000, s11  }
0x7: {  	s3 =	sand.u32 $0x1, s3;
	s5 =	sadd.s32 $0x57800, s0;
	s26 =	smul.u32 $0x50000, s11  }
0x8: {  	s8 =	sadd.s32 $0x5000, s0;
	s24 =	sshll.u32 s11, $0x1;
	s10 =	smul.u32 $0x10800, s11  }
0x9: {  	s14 =	sshll.u32 s11, $0x6;
	s6 =	smul.u32 $0x140000, s3;
	_ =	strace $0x80000053  }
0xa: {  	[dreg:$0xa] =	wrdreg s8;
	s25 =	sor.u32 s3, s24;
	s9 =	ssub.s32 $0x2, s3  }
0xb: {  	s3 =	smul.u32 $0x8400, s3;
	s24 =	simm.s32 $0x14080;
	s12 =	sshrl.u32 s9, $0x1  }
0xc: {  	s8 =	sshrl.u32 s26, $0x2;
	[dreg:$0x7] =	wrdreg s24;
	s24 =	simm.s32 $0x2  }
0xd: {  	s26 =	simm.s32 $0x14280;
	s6 =	sadd.s32 s7, s6;
	s7 =	smul.u32 $0x8400, s25  }
0xe: {  	s13 =	sadd.s32 s8, s2;
	s3 =	sadd.s32 s3, s10;
	s25 =	simm.s32 $0x14180  }
0xf: {  	[dreg:$0x9] =	wrdreg s26;
	s26 =	simm.s32 $0x3;
	s6 =	sshrl.u32 s6, $0x3  }
0x10: {  	s19 =	sadd.s32 $0x700, s3;
	s20 =	sadd.s32 $0x600, s3;
	[dreg:$0x8] =	wrdreg s25  }
0x11: {  	s25 =	simm.s32 $0x16C00;
	s0 =	sadd.s32 s6, s0;
	s6 =	ssub.s32 s9, s12  }
0x12: {  	s15 =	sshrl.u32 s7, $0x3;
	s7 =	sor.u32 $0x1C09, s14;
	s10 =	sshrl.u32 s19, $0x3  }
0x13: {  	s11 =	sshrl.u32 s20, $0x3;
	s12 =	sadd.s32 $0x500, s3;
	s14 =	sadd.s32 $0x400, s3  }
0x14: {  	s19 =	simm.s32 $0x14200;
	s20 =	simm.s32 $0x14300;
	s16 =	sadd.s32 s5, s15  }
0x15: {  	s3 =	simm.s32 $0x7;
	s10 =	sadd.s32 s10, s5;
	[dreg:$0xb] =	wrdreg s16  }
0x16: {  	s9 =	simm.s32 $0x14380;
	s0 =	sadd.s32 $0x7800, s0;
	[dreg:$0x4] =	wrdreg s10  }
0x17: {  	s21 =	sadd.s32 s11, s5;
	s22 =	sshrl.u32 s12, $0x3;
	[dreg:$0xf] =	wrdreg s0  }
0x18: {  	s6 =	smax.u32 s6, $0x1;
	s15 =	sshrl.u32 s13, $0x3;
	[dreg:$0x5] =	wrdreg s21  }
0x19: {  	s17 =	sadd.s32 $0x20, s16;
	s18 =	sadd.s32 $0x40, s16;
	[dreg:$0x10] =	wrdreg s6  }
0x1a: {  	s8 =	sadd.s32 $0x60, s16;
	s23 =	sadd.s32 s22, s5;
	[dreg:$0xc] =	wrdreg s17  }
0x1b: {  	s16 =	simm.s32 $0x9;
	s21 =	simm.s32 $0x1;
	[dreg:$0xd] =	wrdreg s18  }
0x1c: {  	s22 =	simm.s32 $0x50;
	s0 =	simm.s32 $0x6;
	[dreg:$0xe] =	wrdreg s8  }
0x1d: {  	s6 =	simm.s32 $0x8;
	s10 =	simm.s32 $0x0;
	[dreg:$0x6] =	wrdreg s23  }
0x1e: {  	s17 =	simm.s32 $0x14000;
	s18 =	simm.s32 $0x14100;
	s23 =	simm.s32 $0x14400  }
.LBB2_1:
0x1f: {  	s8 =	rddreg [dreg:$0xa]  }
0x20: {  	[spmem:s15], [sflag:s7] =	dma.local [hbm:s8], $0x2800  }
0x21: {  	_ =	swait.ge [sflag:s16], $0x2800  }
0x22: {  	[sflag:s16] =	ssyncset.done $0x0  }
0x23: {  	s11 =	rddreg [dreg:$0xb];
	[sflag:s16] =	ssyncadd.s32 $0xFFFFD800  }
0x24: {  	[tilespmem:s17], [sflag:$0x1] =	stream.linear.gather [hbm4b:s11+s4], $0x100, $0x38;
	[tilespmem:$0x1E400] =	vst v63  }
0x25: {  	s12 =	rddreg [dreg:$0xc]  }
0x26: {  	[tilespmem:s18], [sflag:$0x2] =	stream.linear.gather [hbm4b:s12+s4], $0x100, $0x38;
	[tilespmem:$0x1E400] =	vst v63  }
0x27: {  	s13 =	rddreg [dreg:$0xd]  }
0x28: {  	[tilespmem:s19], [sflag:$0x3] =	stream.linear.gather [hbm4b:s13+s4], $0x100, $0x38;
	[tilespmem:$0x1E400] =	vst v63  }
0x29: {  	s11 =	rddreg [dreg:$0xe]  }
0x2a: {  	[tilespmem:s20], [sflag:$0x4] =	stream.linear.gather [hbm4b:s11+s4], $0x100, $0x38;
	[tilespmem:$0x1E400] =	vst v63  }
0x2b: {  	_ =	swait.ge [sflag:s21], $0x100  }
0x2c: {  	[sflag:s21] =	ssyncset.done $0x0  }
0x2d: {  	[sflag:s21] =	ssyncadd.s32 $0xFFFFFF00  }
0x2e: {  	[tilespmem:s23], [sflag:$0x5] =	stream.indirect.gather [hbm4b:s1+s22], $0x80, s17, s22, $0xb8;
	[tilespmem:$0x1E400] =	vst v63  }
0x2f: {  	_ =	swait.ge [sflag:s24], $0x100  }
0x30: {  	[sflag:s24] =	ssyncset.done $0x0  }
0x31: {  	[sflag:s24] =	ssyncadd.s32 $0xFFFFFF00  }
0x32: {  	[tilespmem:s25], [sflag:$0x6] =	stream.indirect.gather [hbm4b:s1+s22], $0x80, s18, s22, $0xb8;
	[tilespmem:$0x1E400] =	vst v63  }
0x33: {  	[bflag:$0x0] =	sbarrier.arrive $0xFFFF  }
0x34: {  	_ =	swait.ge [sflag:s26], $0x100  }
0x35: {  	[sflag:s26] =	ssyncset.done $0x0  }
0x36: {  	[sflag:s26] =	ssyncadd.s32 $0xFFFFFF00  }
0x37: {  	[tilespmem:s28], [sflag:$0x7] =	stream.indirect.gather [hbm4b:s1+s22], $0x80, s19, s22, $0xb8;
	[tilespmem:$0x1E400] =	vst v63  }
0x38: {  	_ =	swait.ge [sflag:s29], $0x2800  }
0x39: {  	[sflag:s29] =	ssyncset.done $0x0  }
0x3a: {  	s11 =	rddreg [dreg:$0x7];
	[sflag:s29] =	ssyncadd.s32 $0xFFFFD800  }
0x3b: {  	[spmem:s2] =	stream.indirect.scatter.add.f32 [tilespmem:s23], [sflag:$0x9], $0x80, s11, s22, $0xb8;
	[tilespmem:$0x1E400] =	vst v63  }
0x3c: {  	_ =	swait.ge [sflag:s16], $0x2800  }
0x3d: {  	s12 =	sshrl.u32 s14, $0x3;
	[sflag:s16] =	ssyncset.done $0x0  }
0x3e: {  	s11 =	sadd.s32 s5, s12;
	[sflag:s16] =	ssyncadd.s32 $0xFFFFD800  }
0x3f: {  	[tilespmem:s17], [sflag:$0x1] =	stream.linear.gather [hbm4b:s11+s4], $0x100, $0x38;
	[tilespmem:$0x1E400] =	vst v63  }
0x40: {  	_ =	swait.ge [sflag:s30], $0x100  }
0x41: {  	[sflag:s30] =	ssyncset.done $0x0  }
0x42: {  	[sflag:s30] =	ssyncadd.s32 $0xFFFFFF00  }
0x43: {  	[tilespmem:s31], [sflag:$0x8] =	stream.indirect.gather [hbm4b:s1+s22], $0x80, s20, s22, $0xb8;
	[tilespmem:$0x1E400] =	vst v63  }
0x44: {  	_ =	swait.ge [sflag:s0], $0x2800  }
0x45: {  	[sflag:s0] =	ssyncset.done $0x0  }
0x46: {  	s13 =	rddreg [dreg:$0x8];
	[sflag:s0] =	ssyncadd.s32 $0xFFFFD800  }
0x47: {  	[spmem:s2] =	stream.indirect.scatter.add.f32 [tilespmem:s25], [sflag:$0x9], $0x80, s13, s22, $0xb8;
	[tilespmem:$0x1E400] =	vst v63  }
0x48: {  	_ =	swait.ge [sflag:s16], $0x2800  }
0x49: {  	s8 =	rddreg [dreg:$0x6];
	[sflag:s16] =	ssyncset.done $0x0  }
0x4a: {  	[sflag:s16] =	ssyncadd.s32 $0xFFFFD800;
	s11 =	sadd.s32 $0x0, s8  }
0x4b: {  	[tilespmem:s18], [sflag:$0x2] =	stream.linear.gather [hbm4b:s11+s4], $0x100, $0x38;
	[tilespmem:$0x1E400] =	vst v63  }
0x4c: {  	_ =	swait.ge [sflag:s21], $0x100  }
0x4d: {  	[sflag:s21] =	ssyncset.done $0x0  }
0x4e: {  	[sflag:s21] =	ssyncadd.s32 $0xFFFFFF00  }
0x4f: {  	[tilespmem:s23], [sflag:$0x5] =	stream.indirect.gather [hbm4b:s1+s22], $0x80, s17, s22, $0xb8;
	[tilespmem:$0x1E400] =	vst v63  }
0x50: {  	_ =	swait.ge [sflag:s3], $0x2800  }
0x51: {  	[sflag:s3] =	ssyncset.done $0x0  }
0x52: {  	s12 =	rddreg [dreg:$0x9];
	[sflag:s3] =	ssyncadd.s32 $0xFFFFD800  }
0x53: {  	[spmem:s2] =	stream.indirect.scatter.add.f32 [tilespmem:s28], [sflag:$0x9], $0x80, s12, s22, $0xb8;
	[tilespmem:$0x1E400] =	vst v63  }
0x54: {  	_ =	swait.ge [sflag:s16], $0x2800  }
0x55: {  	s13 =	rddreg [dreg:$0x5];
	[sflag:s16] =	ssyncset.done $0x0  }
0x56: {  	[sflag:s16] =	ssyncadd.s32 $0xFFFFD800;
	s11 =	sadd.s32 $0x0, s13  }
0x57: {  	[tilespmem:s19], [sflag:$0x3] =	stream.linear.gather [hbm4b:s11+s4], $0x100, $0x38;
	[tilespmem:$0x1E400] =	vst v63  }
0x58: {  	_ =	swait.ge [sflag:s24], $0x100  }
0x59: {  	[sflag:s24] =	ssyncset.done $0x0  }
0x5a: {  	[sflag:s24] =	ssyncadd.s32 $0xFFFFFF00  }
0x5b: {  	[tilespmem:s25], [sflag:$0x6] =	stream.indirect.gather [hbm4b:s1+s22], $0x80, s18, s22, $0xb8;
	[tilespmem:$0x1E400] =	vst v63  }
0x5c: {  	_ =	swait.ge [sflag:s6], $0x2800  }
0x5d: {  	[sflag:s6] =	ssyncset.done $0x0  }
0x5e: {  	[sflag:s6] =	ssyncadd.s32 $0xFFFFD800  }
0x5f: {  	[spmem:s2] =	stream.indirect.scatter.add.f32 [tilespmem:s31], [sflag:$0x9], $0x80, s9, s22, $0xb8;
	[tilespmem:$0x1E400] =	vst v63  }
0x60: {  	_ =	swait.ge [sflag:s16], $0x2800  }
0x61: {  	s11 =	simm.s32 $0x80;
	s12 =	rddreg [dreg:$0x4];
	[sflag:s16] =	ssyncset.done $0x0  }
0x62: {  	[sflag:s16] =	ssyncadd.s32 $0xFFFFD800;
	s13 =	sadd.s32 $0x0, s12;
	s12 =	sadd.s32 $0x400, s14  }
.LBB2_2:
0x63: {  	[tilespmem:s20], [sflag:$0x4] =	stream.linear.gather [hbm4b:s13+s4], $0x100, $0x38;
	[tilespmem:$0x1E400] =	vst v63  }
0x64: {  	_ =	swait.ge [sflag:s26], $0x100  }
0x65: {  	[sflag:s26] =	ssyncset.done $0x0  }
0x66: {  	[sflag:s26] =	ssyncadd.s32 $0xFFFFFF00  }
0x67: {  	[tilespmem:s28], [sflag:$0x7] =	stream.indirect.gather [hbm4b:s1+s22], $0x80, s19, s22, $0xb8;
	[tilespmem:$0x1E400] =	vst v63  }
0x68: {  	_ =	swait.ge [sflag:s29], $0x2800  }
0x69: {  	[sflag:s29] =	ssyncset.done $0x0  }
0x6a: {  	s8 =	rddreg [dreg:$0x7];
	[sflag:s29] =	ssyncadd.s32 $0xFFFFD800  }
0x6b: {  	[spmem:s2] =	stream.indirect.scatter.add.f32 [tilespmem:s23], [sflag:$0x9], $0x80, s8, s22, $0xb8;
	[tilespmem:$0x1E400] =	vst v63  }
0x6c: {  	_ =	swait.ge [sflag:s16], $0x2800  }
0x6d: {  	s8 =	sshrl.u32 s12, $0x3;
	[sflag:s16] =	ssyncset.done $0x0  }
0x6e: {  	s8 =	sadd.s32 s5, s8;
	[sflag:s16] =	ssyncadd.s32 $0xFFFFD800  }
0x6f: {  	[tilespmem:s17], [sflag:$0x1] =	stream.linear.gather [hbm4b:s8+s4], $0x100, $0x38;
	[tilespmem:$0x1E400] =	vst v63  }
0x70: {  	_ =	swait.ge [sflag:s30], $0x100  }
0x71: {  	[sflag:s30] =	ssyncset.done $0x0  }
0x72: {  	[sflag:s30] =	ssyncadd.s32 $0xFFFFFF00  }
0x73: {  	[tilespmem:s31], [sflag:$0x8] =	stream.indirect.gather [hbm4b:s1+s22], $0x80, s20, s22, $0xb8;
	[tilespmem:$0x1E400] =	vst v63  }
0x74: {  	_ =	swait.ge [sflag:s0], $0x2800  }
0x75: {  	[sflag:s0] =	ssyncset.done $0x0  }
0x76: {  	s8 =	rddreg [dreg:$0x8];
	[sflag:s0] =	ssyncadd.s32 $0xFFFFD800  }
0x77: {  	[spmem:s2] =	stream.indirect.scatter.add.f32 [tilespmem:s25], [sflag:$0x9], $0x80, s8, s22, $0xb8;
	[tilespmem:$0x1E400] =	vst v63  }
0x78: {  	_ =	swait.ge [sflag:s16], $0x2800  }
0x79: {  	s13 =	smov.u32 s11;
	s8 =	rddreg [dreg:$0x6];
	[sflag:s16] =	ssyncset.done $0x0  }
0x7a: {  	[sflag:s16] =	ssyncadd.s32 $0xFFFFD800;
	s8 =	sadd.s32 s13, s8  }
0x7b: {  	[tilespmem:s18], [sflag:$0x2] =	stream.linear.gather [hbm4b:s8+s4], $0x100, $0x38;
	[tilespmem:$0x1E400] =	vst v63  }
0x7c: {  	_ =	swait.ge [sflag:s21], $0x100  }
0x7d: {  	[sflag:s21] =	ssyncset.done $0x0  }
0x7e: {  	[sflag:s21] =	ssyncadd.s32 $0xFFFFFF00  }
0x7f: {  	[tilespmem:s23], [sflag:$0x5] =	stream.indirect.gather [hbm4b:s1+s22], $0x80, s17, s22, $0xb8;
	[tilespmem:$0x1E400] =	vst v63  }
0x80: {  	_ =	swait.ge [sflag:s3], $0x2800  }
0x81: {  	[sflag:s3] =	ssyncset.done $0x0  }
0x82: {  	s8 =	rddreg [dreg:$0x9];
	[sflag:s3] =	ssyncadd.s32 $0xFFFFD800  }
0x83: {  	[spmem:s2] =	stream.indirect.scatter.add.f32 [tilespmem:s28], [sflag:$0x9], $0x80, s8, s22, $0xb8;
	[tilespmem:$0x1E400] =	vst v63  }
0x84: {  	_ =	swait.ge [sflag:s16], $0x2800  }
0x85: {  	s8 =	rddreg [dreg:$0x5];
	[sflag:s16] =	ssyncset.done $0x0  }
0x86: {  	[sflag:s16] =	ssyncadd.s32 $0xFFFFD800;
	s8 =	sadd.s32 s13, s8  }
0x87: {  	[tilespmem:s19], [sflag:$0x3] =	stream.linear.gather [hbm4b:s8+s4], $0x100, $0x38;
	[tilespmem:$0x1E400] =	vst v63  }
0x88: {  	_ =	swait.ge [sflag:s24], $0x100  }
0x89: {  	[sflag:s24] =	ssyncset.done $0x0  }
0x8a: {  	[sflag:s24] =	ssyncadd.s32 $0xFFFFFF00  }
0x8b: {  	[tilespmem:s25], [sflag:$0x6] =	stream.indirect.gather [hbm4b:s1+s22], $0x80, s18, s22, $0xb8;
	[tilespmem:$0x1E400] =	vst v63  }
0x8c: {  	_ =	swait.ge [sflag:s6], $0x2800  }
0x8d: {  	p0 =	sne.s32 s11, $0xF80;
	[sflag:s6] =	ssyncset.done $0x0  }
.Ltmp0:
0x8e: {  	[sflag:s6] =	ssyncadd.s32 $0xFFFFD800;
	(pc) =	sbr.rel @p0 .LBB2_2-.Ltmp0, $4  }
0x8f: {  	[spmem:s2] =	stream.indirect.scatter.add.f32 [tilespmem:s31], [sflag:$0x9], $0x80, s9, s22, $0xb8;
	[tilespmem:$0x1E400] =	vst v63  }
0x90: {  	_ =	swait.ge [sflag:s16], $0x2800  }
0x91: {  	s11 =	sadd.s32 $0x80, s11;
	[sflag:s16] =	ssyncset.done $0x0;
	s8 =	rddreg [dreg:$0x4]  }
0x92: {  	s12 =	sadd.s32 $0x400, s12;
	[sflag:s16] =	ssyncadd.s32 $0xFFFFD800;
	s13 =	sadd.s32 s13, s8  }
0x93: {  	[tilespmem:s20], [sflag:$0x4] =	stream.linear.gather [hbm4b:s13+s4], $0x100, $0x38;
	[tilespmem:$0x1E400] =	vst v63  }
0x94: {  	_ =	swait.ge [sflag:s29], $0x2800  }
0x95: {  	[sflag:s29] =	ssyncset.done $0x0  }
0x96: {  	[sflag:s29] =	ssyncadd.s32 $0xFFFFD800  }
0x97: {  	_ =	swait.ge [sflag:s0], $0x2800  }
0x98: {  	[sflag:s0] =	ssyncset.done $0x0  }
0x99: {  	[sflag:s0] =	ssyncadd.s32 $0xFFFFD800  }
0x9a: {  	_ =	swait.ge [sflag:s26], $0x100  }
0x9b: {  	[sflag:s26] =	ssyncset.done $0x0  }
0x9c: {  	[sflag:s26] =	ssyncadd.s32 $0xFFFFFF00  }
0x9d: {  	_ =	swait.ge [sflag:s30], $0x100  }
0x9e: {  	[sflag:s30] =	ssyncset.done $0x0  }
0x9f: {  	[sflag:s30] =	ssyncadd.s32 $0xFFFFFF00  }
0xa0: {  	[bflag:$0x0] =	sbarrier.arrive $0xFFFF  }
0xa1: {  	s8 =	rddreg [dreg:$0xf]  }
0xa2: {  	[hbm:s8], [sflag:s7] =	dma.local [spmem:s15], $0x2800  }
0xa3: {  	_ =	swait.ge [sflag:s16], $0x2800  }
0xa4: {  	s10 =	sadd.s32 $0x1, s10;
	s13 =	rddreg [dreg:$0x10]  }
0xa5: {  	p0 =	sne.s32 s10, s13  }
.Ltmp1:
0xa6: {  	_ = 	snop;
	(pc) =	sbr.rel @p0 .LBB2_1-.Ltmp1, $3  }
0xa7: {  	_ =	sdelay $0x1  }
0xa8: {  	[sflag:s16] =	ssyncset.done $0x0  }
0xa9: {  	[sflag:s16] =	ssyncadd.s32 $0xFFFFD800  }
0xaa: {  	_ =	sfence.sel $0x180000  }
0xab: {  	[bflag:$0x0] =	sbarrier.arrive $0xFFFF  }
0xac: {  	_ =	strace $0x90000053  }
0xad: {  	s0 =	stileid.u32;
	[bflag:$0x2] =	sbarrier.arrive $0xFFFF  }
0xae: {  	p0 =	sne.s32 s0, $0x0;
	s0 =	rddreg [dreg:$0x3]  }
0xaf: {  	s0 =	sadd.s32 @!p0 $0x100000, s0  }
0xb0: {  	[sflag:s0] =	ssyncadd.tile.s32 @!p0 $0x1;
	_ =	shalt  }
.Lfunc_end2:
_tile_overlayer_lowered:
.L_overlay_start_2:
0xb1: {  	(tag) =	ssettag $0x2  }
0xb2: {  	s0 =	rddreg [dreg:$0x0];
	s2 =	stileid.u32  }
0xb3: {  	s1 =	rddreg [dreg:$0x1];
	p0 =	sne.s32 s2, $0x0  }
0xb4: {  	s3 =	rddreg [dreg:$0x2];
	[bflag:$0x3] =	sbarrier.arrive $0xFFFF;
	s2 =	simm.s32 @!p0 $0x1C09  }
0xb5: {  	[timem:s3], [sflag:s2] =	dma.local @!p0 [hbm:s0], s1  }
0xb6: {  	s0 =	simm.s32 @!p0 $0x9  }
0xb7: {  	_ =	swait.ge @!p0 [sflag:s0], s1  }
0xb8: {  	s1 =	ssub.s32 @!p0 $0x0, s1;
	[sflag:s0] =	ssyncset.done @!p0 $0x0  }
0xb9: {  	[sflag:s0] =	ssyncadd.s32 @!p0 s1  }
0xba: {  	[bflag:$0x3] =	sbarrier.arrive $0xFFFF  }
0xbb: {  	_ =	shalt  }

// kernel: kernel.30.cloned.1.call-start
scs
__scs_entry_jumppad:
0x0: {  	(pc) =	sbr.rel $0x88, $3  }
0x1: {  	(tag) =	ssettag $0x0;
	lr =	simm.s32 $0x1  }
0x2: {  	[smem:$0x3F95] =	sst lr;
	_ =	strace $0xD0000000  }
0x3: {  	_ = 	snop  }
0x4: {  	_ = 	snop  }
0x5: {  	_ = 	snop  }
0x6: {  	_ = 	snop  }
0x7: {  	_ = 	snop  }
__scs_overlays_trampoline_lowered:
0x8: {  	[smem:$0x3FA4] =	sst s0  }
0x9: {  	[smem:$0x3FA5] =	sst s1  }
0xa: {  	[smem:$0x3FA6] =	sst s2  }
0xb: {  	[smem:$0x3FA7] =	sst s3  }
0xc: {  	[smem:$0x3FA8] =	sst s4  }
0xd: {  	[smem:$0x3FA9] =	sst s5  }
0xe: {  	[smem:$0x3FAA] =	sst s6  }
0xf: {  	[smem:$0x3FAB] =	sst s7  }
0x10: {  	[smem:$0x3FAC] =	sst s8  }
0x11: {  	[smem:$0x3FAD] =	sst s9;
	s0 =	simm.s32 @!p0 $0x0  }
0x12: {  	s1 =	sld [smem:$0x3F93];
	s0 =	simm.s32 @p0 $0x1  }
0x13: {  	[smem:$0x3FAE] =	sst s0;
	s0 =	simm.s32 @!p1 $0x0  }
0x14: {  	s2 =	sld [smem:$0x3F92];
	s0 =	simm.s32 @p1 $0x1  }
0x15: {  	[smem:$0x3FAF] =	sst s0;
	s0 =	simm.s32 @!p2 $0x0  }
0x16: {  	s3 =	sld [smem:$0x3FDB];
	s0 =	simm.s32 @p2 $0x1  }
0x17: {  	s4 =	simm.s32 $0x1BF5;
	[smem:$0x3FB1] =	sst s0  }
0x18: {  	s0 =	sld [smem:$0x3F94];
	_ =	swait.ge [sflag:s4], $0x0  }
0x19: {  	s7 =	sld [smem:$0x3F95]  }
0x1a: {  	s8 =	sadd.s32 $0xFFFFE003, lr  }
0x1b: {  	s9 =	sadd.s32 $0xFFFFFEF7, lr;
	s5 =	simm.s32 $0xFFFFFFFF;
	p2 =	slt.u32 s8, $0xFFFFF086  }
0x1c: {  	p1 =	slt.u32 s9, $0xF7A;
	s5 =	simm.s32 @!p2 $0x0  }
0x1d: {  	s5 =	simm.s32 @p1 $0x1;
	p0 =	seq.s32 s7, s2  }
0x1e: {  	s7 =	smul.u32 @!p0 $0xF7A, s2;
	p2 =	seq.s32 @!p0 s5, $0x0  }
0x1f: {  	s9 =	smul.u32 $0xF7A, s1;
	s8 =	simm.s32 @!p0 $0x1BF5;
	p2 =	por !p2, p0  }
0x20: {  	[sflag:s8] =	ssyncset.s32 @!p0 $0xFFFFF086;
	s6 =	sadd.s32 @!p0 s3, s7;
	s7 =	simm.s32 @!p0 $0x108  }
0x21: {  	s3 =	sadd.s32 s3, s9;
	s6 =	sadd.s32 @!p0 $0x88, s6;
	s7 =	simm.s32 @p2 $0x1082  }
0x22: {  	[simem:s7], [sflag:s8] =	dma.local @!p0 [hbm:s6], $0xF7A  }
0x23: {  	s9 =	sor.u32 $0xD0000000, s2;
	s6 =	simm.s32 $0x108;
	_ =	swait.ge @!p0 [sflag:s8], $0x0  }
0x24: {  	s3 =	sadd.s32 $0x88, s3;
	s6 =	simm.s32 @!p1 $0x1082;
	[sflag:s4] =	ssyncset.s32 $0xFFFFF086  }
0x25: {  	[simem:s6], [sflag:s4] =	dma.local [hbm:s3], $0xF7A  }
0x26: {  	[smem:$0x3F95] =	sst s1;
	(tag) =	ssettag s2;
	_ =	strace s9  }
0x27: {  	s1 =	sld [smem:$0x3FA5]  }
0x28: {  	s2 =	sld [smem:$0x3FA6]  }
0x29: {  	s4 =	sld [smem:$0x3FA8]  }
0x2a: {  	p0 =	seq.s32 s5, $0x0;
	s5 =	sld [smem:$0x3FA9]  }
0x2b: {  	s6 =	sld [smem:$0x3FAA]  }
0x2c: {  	s7 =	sld [smem:$0x3FAB]  }
0x2d: {  	s3 =	simm.s32 $0x108;
	s8 =	sld [smem:$0x3FAC]  }
0x2e: {  	s3 =	simm.s32 @!p0 $0x1082;
	s9 =	sld [smem:$0x3FAD]  }
0x2f: {  	lr =	sadd.s32 s0, s3;
	s0 =	sld [smem:$0x3FA4]  }
0x30: {  	s3 =	sld [smem:$0x3FA7]  }
0x31: {  	[smem:$0x3FB0] =	sst s10  }
0x32: {  	s10 =	sld [smem:$0x3FAE];
	_ =	sdelay $0x3  }
0x33: {  	p0 =	seq.s32 s10, $0x1;
	s10 =	sld [smem:$0x3FB0];
	_ =	sdelay $0x3  }
0x34: {  	[smem:$0x3FB0] =	sst s10  }
0x35: {  	s10 =	sld [smem:$0x3FAF];
	_ =	sdelay $0x3  }
0x36: {  	p1 =	seq.s32 s10, $0x1;
	s10 =	sld [smem:$0x3FB0];
	_ =	sdelay $0x3  }
0x37: {  	[smem:$0x3FB0] =	sst s10  }
0x38: {  	s10 =	sld [smem:$0x3FB1]  }
0x39: {  	_ = 	snop;
	(pc) =	sbr.ind lr, $3  }
0x3a: {  	_ = 	snop  }
0x3b: {  	_ = 	snop  }
0x3c: {  	p2 =	seq.s32 s10, $0x1;
	s10 =	sld [smem:$0x3FB0]  }
0x3d: {  	_ =	shalt  }
0x3e: {  	_ =	shalt  }
0x3f: {  	_ =	shalt  }
0x40: {  	_ =	shalt  }
0x41: {  	_ =	shalt  }
0x42: {  	_ =	shalt  }
0x43: {  	_ =	shalt  }
0x44: {  	_ =	shalt  }
0x45: {  	_ =	shalt  }
0x46: {  	_ =	shalt  }
0x47: {  	_ =	shalt  }
0x48: {  	_ =	shalt  }
0x49: {  	_ =	shalt  }
0x4a: {  	_ =	shalt  }
0x4b: {  	_ =	shalt  }
0x4c: {  	_ =	shalt  }
0x4d: {  	_ =	shalt  }
0x4e: {  	_ =	shalt  }
0x4f: {  	_ =	shalt  }
0x50: {  	_ =	shalt  }
0x51: {  	_ =	shalt  }
0x52: {  	_ =	shalt  }
0x53: {  	_ =	shalt  }
0x54: {  	_ =	shalt  }
0x55: {  	_ =	shalt  }
0x56: {  	_ =	shalt  }
0x57: {  	_ =	shalt  }
0x58: {  	_ =	shalt  }
0x59: {  	_ =	shalt  }
0x5a: {  	_ =	shalt  }
0x5b: {  	_ =	shalt  }
0x5c: {  	_ =	shalt  }
0x5d: {  	_ =	shalt  }
0x5e: {  	_ =	shalt  }
0x5f: {  	_ =	shalt  }
0x60: {  	_ =	shalt  }
0x61: {  	_ =	shalt  }
0x62: {  	_ =	shalt  }
0x63: {  	_ =	shalt  }
0x64: {  	_ =	shalt  }
0x65: {  	_ =	shalt  }
0x66: {  	_ =	shalt  }
0x67: {  	_ =	shalt  }
0x68: {  	_ =	shalt  }
0x69: {  	_ =	shalt  }
0x6a: {  	_ =	shalt  }
0x6b: {  	_ =	shalt  }
0x6c: {  	_ =	shalt  }
0x6d: {  	_ =	shalt  }
0x6e: {  	_ =	shalt  }
0x6f: {  	_ =	shalt  }
0x70: {  	_ =	shalt  }
0x71: {  	_ =	shalt  }
0x72: {  	_ =	shalt  }
0x73: {  	_ =	shalt  }
0x74: {  	_ =	shalt  }
0x75: {  	_ =	shalt  }
0x76: {  	_ =	shalt  }
0x77: {  	_ =	shalt  }
0x78: {  	_ =	shalt  }
0x79: {  	_ =	shalt  }
0x7a: {  	_ =	shalt  }
0x7b: {  	_ =	shalt  }
0x7c: {  	_ =	shalt  }
0x7d: {  	_ =	shalt  }
0x7e: {  	_ =	shalt  }
0x7f: {  	_ =	shalt  }
0x80: {  	_ =	shalt  }
0x81: {  	_ =	shalt  }
0x82: {  	_ =	shalt  }
0x83: {  	_ =	shalt  }
0x84: {  	_ =	shalt  }
0x85: {  	_ =	shalt  }
0x86: {  	_ =	shalt  }
0x87: {  	_ =	shalt  }
.Lfunc_end0:
.L_simem_size_0:
called_computation.5_lowered:
.L_overlay_start_0:
0x88: {  	s2 =	sld [smem:$0x3FD9]  }
0x89: {  	s3 =	sld [smem:$0x3FFE];
	_ =	sdelay $0x1  }
0x8a: {  	s1 =	srdreg.scid  }
0x8b: {  	s0 =	sand.u32 $0x1, s1  }
0x8c: {  	s17 =	sshll.u32 s0, $0xA;
	s2 =	sadd.s32 s3, s2  }
0x8d: {  	s2 =	sadd.s32 s2, s17  }
0x8e: {  	[smem:$0x3FBC] =	sst s2  }
0x8f: {  	_ = 	snop  }
0x90: {  	s2 =	sld [smem:$0x3FD0];
	(tm) =	ssettm $0x1  }
0x91: {  	s18 =	sld [smem:$0x3FFB];
	_ =	sdelay $0x3  }
0x92: {  	_ =	strace s18  }
0x93: {  	s3 =	sld [smem:$0x3FFC];
	_ =	sdelay $0x3  }
0x94: {  	_ =	strace s3  }
0x95: {  	s3 =	sld [smem:$0x3FFD];
	_ =	sdelay $0x3  }
0x96: {  	_ =	strace s3  }
0x97: {  	_ =	strace $0x8FFFFFFF  }
0x98: {  	s19 =	sld [smem:$0x3FDB];
	_ =	sdelay $0x1  }
0x99: {  	s4 =	simm.s32 $_scs_section_size  }
0x9a: {  	s5 =	simm.s32 $_size__tile_overlayer_lowered;
	s6 =	simm.s32 $_tile_overlayer_lowered  }
0x9b: {  	s22 =	simm.s32 $0x1BFF;
	s21 =	sshll.u32 s6, $0x1;
	s3 =	sadd.s32 s4, s19  }
0x9c: {  	s7 =	simm.s32 $0x0;
	s20 =	sshll.u32 s5, $0x1;
	s5 =	sadd.s32 s21, s3  }
0x9d: {  	[timem:s7], [sflag:s22] =	dma.local [hbm:s5], s20  }
0x9e: {  	_ =	swait.ge [sflag:s22], s20  }
0x9f: {  	s4 =	ssub.s32 $0x0, s20;
	[sflag:s22] =	ssyncset.done $0x0  }
0xa0: {  	[sflag:s22] =	ssyncadd.s32 s4;
	_ =	sdelay $0x1  }
0xa1: {  	s23 =	simm.s32 $0x1B8B  }
0xa2: {  	_ =	swait.ge [sflag:s23], $0x1  }
0xa3: {  	[sflag:s23] =	ssyncset.done $0x0  }
0xa4: {  	s25 =	simm.s32 $0x1B8E;
	s24 =	sld [smem:$0x3FFE];
	[sflag:s23] =	ssyncadd.s32 $0xFFFFFFFF  }
0xa5: {  	s26 =	simm.s32 $execute0_lowered;
	[smem:$0x3FD2] =	sst s25  }
0xa6: {  	s5 =	sshll.u32 s26, $0x1;
	_ =	strace $0x80000055;
	[dreg:$0x1] =	wrdreg $0xFFFFFFFF  }
0xa7: {  	s28 =	simm.s32 $_size_execute0_lowered;
	s3 =	sadd.s32 s3, s5;
	[dreg:$0x0] =	wrdreg $0x0  }
0xa8: {  	s5 =	sshll.u32 s28, $0x1;
	[dreg:$0x2] =	wrdreg s3  }
0xa9: {  	[dreg:$0x3] =	wrdreg s5  }
0xaa: {  	[dreg:$0x4] =	wrdreg $0xC0  }
0xab: {  	_ =	task [dreg:s7], $0x5FFFF  }
0xac: {  	[dreg:$0x1] =	wrdreg $0xFFFFFFFF  }
0xad: {  	[dreg:$0x0] =	wrdreg $0x60  }
0xae: {  	[dreg:$0x2] =	wrdreg s2  }
0xaf: {  	[dreg:$0x3] =	wrdreg s24  }
0xb0: {  	[dreg:$0x4] =	wrdreg $0x0  }
0xb1: {  	[dreg:$0x5] =	wrdreg $0x9  }
0xb2: {  	_ =	task.clear_ibuf [dreg:s7], $0x6FFFF;
	_ =	strace $0x90000055  }
0xb3: {  	s29 =	simm.s32 $0x9;
	_ =	strace $0x80000057  }
0xb4: {  	_ =	swait.ge [sflag:s29], $0x1  }
0xb5: {  	[sflag:s29] =	ssyncadd.s32 $0xFFFFFFFF  }
0xb6: {  	_ =	strace $0x90000057  }
0xb7: {  	_ =	sfence  }
0xb8: {  	s30 =	sld [smem:$0x0];
	_ =	sdelay $0x2  }
0xb9: {  	s31 =	sshll.u32 s1, $0xD;
	s1 =	sshrl.u32 s1, $0x2  }
0xba: {  	s3 =	sand.u32 $0x4000, s31;
	s1 =	sadd.s32 s1, s30  }
0xbb: {  	s0 =	sor.u32 s3, s0;
	s1 =	sshll.u32 s1, $0x11  }
0xbc: {  	s0 =	sor.u32 s1, s0  }
0xbd: {  	s0 =	sadd.s32 $0x8F2B, s0  }
0xbe: {  	[sflag:s0] =	ssyncadd.remote.s32 $0x1  }
0xbf: {  	_ =	sfence.sel $0xFFFF  }
0xc0: {  	[dreg:$0x0] =	wrdreg $0xFFFFFFFF;
	(pc) =	sbr.abs _section_cstart, $3  }
0xc1: {  	[dreg:$0x1] =	wrdreg $0xFFFFFFFF  }
0xc2: {  	_ =	task.clear_ibuf [dreg:s7], $0x2FFFF;
	_ =	strace $0x9FFFFFFF  }
0xc3: {  	(tm) =	ssettm $0x7FFFFFFF  }
tec
execute0_lowered:
.L_overlay_start_1:
0x0: {  	(tag) =	ssettag $0x1  }
0x1: {  	s1 =	rddreg [dreg:$0x0]  }
0x2: {  	s0 =	rddreg [dreg:$0x1]  }
0x3: {  	s2 =	rddreg [dreg:$0x2]  }
0x4: {  	s4 =	simm.s32 $0x0;
	s3 =	srdreg.scid;
	s11 =	stileid.u32  }
0x5: {  	s28 =	simm.s32 $0x19400;
	s29 =	simm.s32 $0x5;
	s30 =	simm.s32 $0x4  }
0x6: {  	s31 =	simm.s32 $0x1BC00;
	[smem:$0x7FF] =	sst s4;
	s7 =	smul.u32 $0x14000, s11  }
0x7: {  	s3 =	sand.u32 $0x1, s3;
	s5 =	sadd.s32 $0x57800, s0;
	s26 =	smul.u32 $0x50000, s11  }
0x8: {  	s8 =	sadd.s32 $0x5000, s0;
	s24 =	sshll.u32 s11, $0x1;
	s10 =	smul.u32 $0x10800, s11  }
0x9: {  	s14 =	sshll.u32 s11, $0x6;
	s6 =	smul.u32 $0x140000, s3;
	_ =	strace $0x80000056  }
0xa: {  	[dreg:$0xa] =	wrdreg s8;
	s25 =	sor.u32 s3, s24;
	s9 =	ssub.s32 $0x2, s3  }
0xb: {  	s3 =	smul.u32 $0x8400, s3;
	s24 =	simm.s32 $0x14080;
	s12 =	sshrl.u32 s9, $0x1  }
0xc: {  	s8 =	sshrl.u32 s26, $0x2;
	[dreg:$0x7] =	wrdreg s24;
	s24 =	simm.s32 $0x2  }
0xd: {  	s26 =	simm.s32 $0x14280;
	s6 =	sadd.s32 s7, s6;
	s7 =	smul.u32 $0x8400, s25  }
0xe: {  	s13 =	sadd.s32 s8, s2;
	s3 =	sadd.s32 s3, s10;
	s25 =	simm.s32 $0x14180  }
0xf: {  	[dreg:$0x9] =	wrdreg s26;
	s26 =	simm.s32 $0x3;
	s6 =	sshrl.u32 s6, $0x3  }
0x10: {  	s19 =	sadd.s32 $0x700, s3;
	s20 =	sadd.s32 $0x600, s3;
	[dreg:$0x8] =	wrdreg s25  }
0x11: {  	s25 =	simm.s32 $0x16C00;
	s0 =	sadd.s32 s6, s0;
	s6 =	ssub.s32 s9, s12  }
0x12: {  	s15 =	sshrl.u32 s7, $0x3;
	s7 =	sor.u32 $0x1C09, s14;
	s10 =	sshrl.u32 s19, $0x3  }
0x13: {  	s11 =	sshrl.u32 s20, $0x3;
	s12 =	sadd.s32 $0x500, s3;
	s14 =	sadd.s32 $0x400, s3  }
0x14: {  	s19 =	simm.s32 $0x14200;
	s20 =	simm.s32 $0x14300;
	s16 =	sadd.s32 s5, s15  }
0x15: {  	s3 =	simm.s32 $0x7;
	s10 =	sadd.s32 s10, s5;
	[dreg:$0xb] =	wrdreg s16  }
0x16: {  	s9 =	simm.s32 $0x14380;
	s0 =	sadd.s32 $0x7800, s0;
	[dreg:$0x4] =	wrdreg s10  }
0x17: {  	s21 =	sadd.s32 s11, s5;
	s22 =	sshrl.u32 s12, $0x3;
	[dreg:$0xf] =	wrdreg s0  }
0x18: {  	s6 =	smax.u32 s6, $0x1;
	s15 =	sshrl.u32 s13, $0x3;
	[dreg:$0x5] =	wrdreg s21  }
0x19: {  	s17 =	sadd.s32 $0x20, s16;
	s18 =	sadd.s32 $0x40, s16;
	[dreg:$0x10] =	wrdreg s6  }
0x1a: {  	s8 =	sadd.s32 $0x60, s16;
	s23 =	sadd.s32 s22, s5;
	[dreg:$0xc] =	wrdreg s17  }
0x1b: {  	s16 =	simm.s32 $0x9;
	s21 =	simm.s32 $0x1;
	[dreg:$0xd] =	wrdreg s18  }
0x1c: {  	s22 =	simm.s32 $0x50;
	s0 =	simm.s32 $0x6;
	[dreg:$0xe] =	wrdreg s8  }
0x1d: {  	s6 =	simm.s32 $0x8;
	s10 =	simm.s32 $0x0;
	[dreg:$0x6] =	wrdreg s23  }
0x1e: {  	s17 =	simm.s32 $0x14000;
	s18 =	simm.s32 $0x14100;
	s23 =	simm.s32 $0x14400  }
.LBB2_1:
0x1f: {  	s8 =	rddreg [dreg:$0xa]  }
0x20: {  	[spmem:s15], [sflag:s7] =	dma.local [hbm:s8], $0x2800  }
0x21: {  	_ =	swait.ge [sflag:s16], $0x2800  }
0x22: {  	[sflag:s16] =	ssyncset.done $0x0  }
0x23: {  	s11 =	rddreg [dreg:$0xb];
	[sflag:s16] =	ssyncadd.s32 $0xFFFFD800  }
0x24: {  	[tilespmem:s17], [sflag:$0x1] =	stream.linear.gather [hbm4b:s11+s4], $0x100, $0x38;
	[tilespmem:$0x1E400] =	vst v63  }
0x25: {  	s12 =	rddreg [dreg:$0xc]  }
0x26: {  	[tilespmem:s18], [sflag:$0x2] =	stream.linear.gather [hbm4b:s12+s4], $0x100, $0x38;
	[tilespmem:$0x1E400] =	vst v63  }
0x27: {  	s13 =	rddreg [dreg:$0xd]  }
0x28: {  	[tilespmem:s19], [sflag:$0x3] =	stream.linear.gather [hbm4b:s13+s4], $0x100, $0x38;
	[tilespmem:$0x1E400] =	vst v63  }
0x29: {  	s11 =	rddreg [dreg:$0xe]  }
0x2a: {  	[tilespmem:s20], [sflag:$0x4] =	stream.linear.gather [hbm4b:s11+s4], $0x100, $0x38;
	[tilespmem:$0x1E400] =	vst v63  }
0x2b: {  	_ =	swait.ge [sflag:s21], $0x100  }
0x2c: {  	[sflag:s21] =	ssyncset.done $0x0  }
0x2d: {  	[sflag:s21] =	ssyncadd.s32 $0xFFFFFF00  }
0x2e: {  	[tilespmem:s23], [sflag:$0x5] =	stream.indirect.gather [hbm4b:s1+s22], $0x80, s17, s22, $0xb8;
	[tilespmem:$0x1E400] =	vst v63  }
0x2f: {  	_ =	swait.ge [sflag:s24], $0x100  }
0x30: {  	[sflag:s24] =	ssyncset.done $0x0  }
0x31: {  	[sflag:s24] =	ssyncadd.s32 $0xFFFFFF00  }
0x32: {  	[tilespmem:s25], [sflag:$0x6] =	stream.indirect.gather [hbm4b:s1+s22], $0x80, s18, s22, $0xb8;
	[tilespmem:$0x1E400] =	vst v63  }
0x33: {  	[bflag:$0x0] =	sbarrier.arrive $0xFFFF  }
0x34: {  	_ =	swait.ge [sflag:s26], $0x100  }
0x35: {  	[sflag:s26] =	ssyncset.done $0x0  }
0x36: {  	[sflag:s26] =	ssyncadd.s32 $0xFFFFFF00  }
0x37: {  	[tilespmem:s28], [sflag:$0x7] =	stream.indirect.gather [hbm4b:s1+s22], $0x80, s19, s22, $0xb8;
	[tilespmem:$0x1E400] =	vst v63  }
0x38: {  	_ =	swait.ge [sflag:s29], $0x2800  }
0x39: {  	[sflag:s29] =	ssyncset.done $0x0  }
0x3a: {  	s11 =	rddreg [dreg:$0x7];
	[sflag:s29] =	ssyncadd.s32 $0xFFFFD800  }
0x3b: {  	[spmem:s2] =	stream.indirect.scatter.add.f32 [tilespmem:s23], [sflag:$0x9], $0x80, s11, s22, $0xb8;
	[tilespmem:$0x1E400] =	vst v63  }
0x3c: {  	_ =	swait.ge [sflag:s16], $0x2800  }
0x3d: {  	s12 =	sshrl.u32 s14, $0x3;
	[sflag:s16] =	ssyncset.done $0x0  }
0x3e: {  	s11 =	sadd.s32 s5, s12;
	[sflag:s16] =	ssyncadd.s32 $0xFFFFD800  }
0x3f: {  	[tilespmem:s17], [sflag:$0x1] =	stream.linear.gather [hbm4b:s11+s4], $0x100, $0x38;
	[tilespmem:$0x1E400] =	vst v63  }
0x40: {  	_ =	swait.ge [sflag:s30], $0x100  }
0x41: {  	[sflag:s30] =	ssyncset.done $0x0  }
0x42: {  	[sflag:s30] =	ssyncadd.s32 $0xFFFFFF00  }
0x43: {  	[tilespmem:s31], [sflag:$0x8] =	stream.indirect.gather [hbm4b:s1+s22], $0x80, s20, s22, $0xb8;
	[tilespmem:$0x1E400] =	vst v63  }
0x44: {  	_ =	swait.ge [sflag:s0], $0x2800  }
0x45: {  	[sflag:s0] =	ssyncset.done $0x0  }
0x46: {  	s13 =	rddreg [dreg:$0x8];
	[sflag:s0] =	ssyncadd.s32 $0xFFFFD800  }
0x47: {  	[spmem:s2] =	stream.indirect.scatter.add.f32 [tilespmem:s25], [sflag:$0x9], $0x80, s13, s22, $0xb8;
	[tilespmem:$0x1E400] =	vst v63  }
0x48: {  	_ =	swait.ge [sflag:s16], $0x2800  }
0x49: {  	s8 =	rddreg [dreg:$0x6];
	[sflag:s16] =	ssyncset.done $0x0  }
0x4a: {  	[sflag:s16] =	ssyncadd.s32 $0xFFFFD800;
	s11 =	sadd.s32 $0x0, s8  }
0x4b: {  	[tilespmem:s18], [sflag:$0x2] =	stream.linear.gather [hbm4b:s11+s4], $0x100, $0x38;
	[tilespmem:$0x1E400] =	vst v63  }
0x4c: {  	_ =	swait.ge [sflag:s21], $0x100  }
0x4d: {  	[sflag:s21] =	ssyncset.done $0x0  }
0x4e: {  	[sflag:s21] =	ssyncadd.s32 $0xFFFFFF00  }
0x4f: {  	[tilespmem:s23], [sflag:$0x5] =	stream.indirect.gather [hbm4b:s1+s22], $0x80, s17, s22, $0xb8;
	[tilespmem:$0x1E400] =	vst v63  }
0x50: {  	_ =	swait.ge [sflag:s3], $0x2800  }
0x51: {  	[sflag:s3] =	ssyncset.done $0x0  }
0x52: {  	s12 =	rddreg [dreg:$0x9];
	[sflag:s3] =	ssyncadd.s32 $0xFFFFD800  }
0x53: {  	[spmem:s2] =	stream.indirect.scatter.add.f32 [tilespmem:s28], [sflag:$0x9], $0x80, s12, s22, $0xb8;
	[tilespmem:$0x1E400] =	vst v63  }
0x54: {  	_ =	swait.ge [sflag:s16], $0x2800  }
0x55: {  	s13 =	rddreg [dreg:$0x5];
	[sflag:s16] =	ssyncset.done $0x0  }
0x56: {  	[sflag:s16] =	ssyncadd.s32 $0xFFFFD800;
	s11 =	sadd.s32 $0x0, s13  }
0x57: {  	[tilespmem:s19], [sflag:$0x3] =	stream.linear.gather [hbm4b:s11+s4], $0x100, $0x38;
	[tilespmem:$0x1E400] =	vst v63  }
0x58: {  	_ =	swait.ge [sflag:s24], $0x100  }
0x59: {  	[sflag:s24] =	ssyncset.done $0x0  }
0x5a: {  	[sflag:s24] =	ssyncadd.s32 $0xFFFFFF00  }
0x5b: {  	[tilespmem:s25], [sflag:$0x6] =	stream.indirect.gather [hbm4b:s1+s22], $0x80, s18, s22, $0xb8;
	[tilespmem:$0x1E400] =	vst v63  }
0x5c: {  	_ =	swait.ge [sflag:s6], $0x2800  }
0x5d: {  	[sflag:s6] =	ssyncset.done $0x0  }
0x5e: {  	[sflag:s6] =	ssyncadd.s32 $0xFFFFD800  }
0x5f: {  	[spmem:s2] =	stream.indirect.scatter.add.f32 [tilespmem:s31], [sflag:$0x9], $0x80, s9, s22, $0xb8;
	[tilespmem:$0x1E400] =	vst v63  }
0x60: {  	_ =	swait.ge [sflag:s16], $0x2800  }
0x61: {  	s11 =	simm.s32 $0x80;
	s12 =	rddreg [dreg:$0x4];
	[sflag:s16] =	ssyncset.done $0x0  }
0x62: {  	[sflag:s16] =	ssyncadd.s32 $0xFFFFD800;
	s13 =	sadd.s32 $0x0, s12;
	s12 =	sadd.s32 $0x400, s14  }
.LBB2_2:
0x63: {  	[tilespmem:s20], [sflag:$0x4] =	stream.linear.gather [hbm4b:s13+s4], $0x100, $0x38;
	[tilespmem:$0x1E400] =	vst v63  }
0x64: {  	_ =	swait.ge [sflag:s26], $0x100  }
0x65: {  	[sflag:s26] =	ssyncset.done $0x0  }
0x66: {  	[sflag:s26] =	ssyncadd.s32 $0xFFFFFF00  }
0x67: {  	[tilespmem:s28], [sflag:$0x7] =	stream.indirect.gather [hbm4b:s1+s22], $0x80, s19, s22, $0xb8;
	[tilespmem:$0x1E400] =	vst v63  }
0x68: {  	_ =	swait.ge [sflag:s29], $0x2800  }
0x69: {  	[sflag:s29] =	ssyncset.done $0x0  }
0x6a: {  	s8 =	rddreg [dreg:$0x7];
	[sflag:s29] =	ssyncadd.s32 $0xFFFFD800  }
0x6b: {  	[spmem:s2] =	stream.indirect.scatter.add.f32 [tilespmem:s23], [sflag:$0x9], $0x80, s8, s22, $0xb8;
	[tilespmem:$0x1E400] =	vst v63  }
0x6c: {  	_ =	swait.ge [sflag:s16], $0x2800  }
0x6d: {  	s8 =	sshrl.u32 s12, $0x3;
	[sflag:s16] =	ssyncset.done $0x0  }
0x6e: {  	s8 =	sadd.s32 s5, s8;
	[sflag:s16] =	ssyncadd.s32 $0xFFFFD800  }
0x6f: {  	[tilespmem:s17], [sflag:$0x1] =	stream.linear.gather [hbm4b:s8+s4], $0x100, $0x38;
	[tilespmem:$0x1E400] =	vst v63  }
0x70: {  	_ =	swait.ge [sflag:s30], $0x100  }
0x71: {  	[sflag:s30] =	ssyncset.done $0x0  }
0x72: {  	[sflag:s30] =	ssyncadd.s32 $0xFFFFFF00  }
0x73: {  	[tilespmem:s31], [sflag:$0x8] =	stream.indirect.gather [hbm4b:s1+s22], $0x80, s20, s22, $0xb8;
	[tilespmem:$0x1E400] =	vst v63  }
0x74: {  	_ =	swait.ge [sflag:s0], $0x2800  }
0x75: {  	[sflag:s0] =	ssyncset.done $0x0  }
0x76: {  	s8 =	rddreg [dreg:$0x8];
	[sflag:s0] =	ssyncadd.s32 $0xFFFFD800  }
0x77: {  	[spmem:s2] =	stream.indirect.scatter.add.f32 [tilespmem:s25], [sflag:$0x9], $0x80, s8, s22, $0xb8;
	[tilespmem:$0x1E400] =	vst v63  }
0x78: {  	_ =	swait.ge [sflag:s16], $0x2800  }
0x79: {  	s13 =	smov.u32 s11;
	s8 =	rddreg [dreg:$0x6];
	[sflag:s16] =	ssyncset.done $0x0  }
0x7a: {  	[sflag:s16] =	ssyncadd.s32 $0xFFFFD800;
	s8 =	sadd.s32 s13, s8  }
0x7b: {  	[tilespmem:s18], [sflag:$0x2] =	stream.linear.gather [hbm4b:s8+s4], $0x100, $0x38;
	[tilespmem:$0x1E400] =	vst v63  }
0x7c: {  	_ =	swait.ge [sflag:s21], $0x100  }
0x7d: {  	[sflag:s21] =	ssyncset.done $0x0  }
0x7e: {  	[sflag:s21] =	ssyncadd.s32 $0xFFFFFF00  }
0x7f: {  	[tilespmem:s23], [sflag:$0x5] =	stream.indirect.gather [hbm4b:s1+s22], $0x80, s17, s22, $0xb8;
	[tilespmem:$0x1E400] =	vst v63  }
0x80: {  	_ =	swait.ge [sflag:s3], $0x2800  }
0x81: {  	[sflag:s3] =	ssyncset.done $0x0  }
0x82: {  	s8 =	rddreg [dreg:$0x9];
	[sflag:s3] =	ssyncadd.s32 $0xFFFFD800  }
0x83: {  	[spmem:s2] =	stream.indirect.scatter.add.f32 [tilespmem:s28], [sflag:$0x9], $0x80, s8, s22, $0xb8;
	[tilespmem:$0x1E400] =	vst v63  }
0x84: {  	_ =	swait.ge [sflag:s16], $0x2800  }
0x85: {  	s8 =	rddreg [dreg:$0x5];
	[sflag:s16] =	ssyncset.done $0x0  }
0x86: {  	[sflag:s16] =	ssyncadd.s32 $0xFFFFD800;
	s8 =	sadd.s32 s13, s8  }
0x87: {  	[tilespmem:s19], [sflag:$0x3] =	stream.linear.gather [hbm4b:s8+s4], $0x100, $0x38;
	[tilespmem:$0x1E400] =	vst v63  }
0x88: {  	_ =	swait.ge [sflag:s24], $0x100  }
0x89: {  	[sflag:s24] =	ssyncset.done $0x0  }
0x8a: {  	[sflag:s24] =	ssyncadd.s32 $0xFFFFFF00  }
0x8b: {  	[tilespmem:s25], [sflag:$0x6] =	stream.indirect.gather [hbm4b:s1+s22], $0x80, s18, s22, $0xb8;
	[tilespmem:$0x1E400] =	vst v63  }
0x8c: {  	_ =	swait.ge [sflag:s6], $0x2800  }
0x8d: {  	p0 =	sne.s32 s11, $0xF80;
	[sflag:s6] =	ssyncset.done $0x0  }
.Ltmp0:
0x8e: {  	[sflag:s6] =	ssyncadd.s32 $0xFFFFD800;
	(pc) =	sbr.rel @p0 .LBB2_2-.Ltmp0, $4  }
0x8f: {  	[spmem:s2] =	stream.indirect.scatter.add.f32 [tilespmem:s31], [sflag:$0x9], $0x80, s9, s22, $0xb8;
	[tilespmem:$0x1E400] =	vst v63  }
0x90: {  	_ =	swait.ge [sflag:s16], $0x2800  }
0x91: {  	s11 =	sadd.s32 $0x80, s11;
	[sflag:s16] =	ssyncset.done $0x0;
	s8 =	rddreg [dreg:$0x4]  }
0x92: {  	s12 =	sadd.s32 $0x400, s12;
	[sflag:s16] =	ssyncadd.s32 $0xFFFFD800;
	s13 =	sadd.s32 s13, s8  }
0x93: {  	[tilespmem:s20], [sflag:$0x4] =	stream.linear.gather [hbm4b:s13+s4], $0x100, $0x38;
	[tilespmem:$0x1E400] =	vst v63  }
0x94: {  	_ =	swait.ge [sflag:s29], $0x2800  }
0x95: {  	[sflag:s29] =	ssyncset.done $0x0  }
0x96: {  	[sflag:s29] =	ssyncadd.s32 $0xFFFFD800  }
0x97: {  	_ =	swait.ge [sflag:s0], $0x2800  }
0x98: {  	[sflag:s0] =	ssyncset.done $0x0  }
0x99: {  	[sflag:s0] =	ssyncadd.s32 $0xFFFFD800  }
0x9a: {  	_ =	swait.ge [sflag:s26], $0x100  }
0x9b: {  	[sflag:s26] =	ssyncset.done $0x0  }
0x9c: {  	[sflag:s26] =	ssyncadd.s32 $0xFFFFFF00  }
0x9d: {  	_ =	swait.ge [sflag:s30], $0x100  }
0x9e: {  	[sflag:s30] =	ssyncset.done $0x0  }
0x9f: {  	[sflag:s30] =	ssyncadd.s32 $0xFFFFFF00  }
0xa0: {  	[bflag:$0x0] =	sbarrier.arrive $0xFFFF  }
0xa1: {  	s8 =	rddreg [dreg:$0xf]  }
0xa2: {  	[hbm:s8], [sflag:s7] =	dma.local [spmem:s15], $0x2800  }
0xa3: {  	_ =	swait.ge [sflag:s16], $0x2800  }
0xa4: {  	s10 =	sadd.s32 $0x1, s10;
	s13 =	rddreg [dreg:$0x10]  }
0xa5: {  	p0 =	sne.s32 s10, s13  }
.Ltmp1:
0xa6: {  	_ = 	snop;
	(pc) =	sbr.rel @p0 .LBB2_1-.Ltmp1, $3  }
0xa7: {  	_ =	sdelay $0x1  }
0xa8: {  	[sflag:s16] =	ssyncset.done $0x0  }
0xa9: {  	[sflag:s16] =	ssyncadd.s32 $0xFFFFD800  }
0xaa: {  	_ =	sfence.sel $0x180000  }
0xab: {  	[bflag:$0x0] =	sbarrier.arrive $0xFFFF  }
0xac: {  	_ =	strace $0x90000056  }
0xad: {  	s0 =	stileid.u32;
	[bflag:$0x2] =	sbarrier.arrive $0xFFFF  }
0xae: {  	p0 =	sne.s32 s0, $0x0;
	s0 =	rddreg [dreg:$0x3]  }
0xaf: {  	s0 =	sadd.s32 @!p0 $0x100000, s0  }
0xb0: {  	[sflag:s0] =	ssyncadd.tile.s32 @!p0 $0x1;
	_ =	shalt  }
.Lfunc_end2:
_tile_overlayer_lowered:
.L_overlay_start_2:
0xb1: {  	(tag) =	ssettag $0x2  }
0xb2: {  	s0 =	rddreg [dreg:$0x0];
	s2 =	stileid.u32  }
0xb3: {  	s1 =	rddreg [dreg:$0x1];
	p0 =	sne.s32 s2, $0x0  }
0xb4: {  	s3 =	rddreg [dreg:$0x2];
	[bflag:$0x3] =	sbarrier.arrive $0xFFFF;
	s2 =	simm.s32 @!p0 $0x1C09  }
0xb5: {  	[timem:s3], [sflag:s2] =	dma.local @!p0 [hbm:s0], s1  }
0xb6: {  	s0 =	simm.s32 @!p0 $0x9  }
0xb7: {  	_ =	swait.ge @!p0 [sflag:s0], s1  }
0xb8: {  	s1 =	ssub.s32 @!p0 $0x0, s1;
	[sflag:s0] =	ssyncset.done @!p0 $0x0  }
0xb9: {  	[sflag:s0] =	ssyncadd.s32 @!p0 s1  }
0xba: {  	[bflag:$0x3] =	sbarrier.arrive $0xFFFF  }
0xbb: {  	_ =	shalt  }

</sc_bundles>
